<compile_context>
chip_gen: v7x
topology: tpu7x:2x2x1
jax: 0.10.2.dev20260603
libtpu: 0.0.44.dev20260713+nightly
codegen_flags: <defaults>
</compile_context>

<pallas_src>
import jax
import jax.numpy as jnp
from jax import lax
from jax.experimental import pallas as pl
from jax.experimental.pallas import tpu as pltpu
from jax.experimental.pallas import tpu_sc as plsc

B = 16384
L = 21
S = 20
D = 32
HIDDEN = 256
NP = 1000000
WIDE = 128

RBLK = 32768
RB_LOG = 15
QB = RBLK // 4
QB_LOG = RB_LOG - 2
NGRID = (NP + RBLK - 1) // RBLK
NLINES = NGRID * QB

NC, NS = 2, 16
NW = NC * NS
BPW = B // NW
CH = 16
NCH = BPW // CH


def _repack_body(tt_ref, out_ref):
    qs = []
    for q in range(4):
        blk = tt_ref[:, pl.ds(q * QB, QB)]
        qs.append(jnp.transpose(blk, (1, 0)))
    out_ref[...] = jnp.concatenate(qs, axis=1)


def _repack(tableT):
    return pl.pallas_call(
        _repack_body,
        grid=(NGRID,),
        in_specs=[pl.BlockSpec((D, RBLK), lambda i: (0, i))],
        out_specs=pl.BlockSpec((QB, WIDE), lambda i: (i, 0)),
        out_shape=jax.ShapeDtypeStruct((NLINES, WIDE), jnp.float32),
    )(tableT)


def _gather_sum_body(lineup_hbm, table_hbm, out_hbm, lin_v, idx0_v, idx1_v,
                     rv0_v, rv1_v, rows0_v, rows1_v, outc_v, sem0, sem1):
    wid = lax.axis_index("s") * NC + lax.axis_index("c")
    base = wid * BPW

    pltpu.sync_copy(lineup_hbm.at[pl.ds(base * L, BPW * L)], lin_v)

    lane = lax.iota(jnp.int32, 16)
    lane21 = lane * L
    idx_b = [idx0_v, idx1_v]
    rv_b = [rv0_v, rv1_v]
    rows_b = [rows0_v, rows1_v]
    sem_b = [sem0, sem1]

    def stage_chunk(c, buf):
        for j in range(S):
            p = plsc.load_gather(lin_v, [lane21 + (c * (CH * L) + j)])
            line = lax.bitwise_or(
                lax.shift_left(lax.shift_right_logical(p, RB_LOG), QB_LOG),
                lax.bitwise_and(p, QB - 1),
            )
            off = lax.shift_left(
                lax.bitwise_and(lax.shift_right_logical(p, QB_LOG), 3), 5)
            idx_b[buf][j // 4, pl.ds((j % 4) * 16, 16)] = line
            rv_b[buf][j, :] = off
        for j4 in range(S // 4):
            pltpu.async_copy(
                table_hbm.at[idx_b[buf].at[j4]],
                rows_b[buf].at[pl.ds(j4 * 4 * CH, 4 * CH)],
                sem_b[buf],
            )

    def drain_extract(c, buf):
        pltpu.make_async_copy(
            table_hbm.at[pl.ds(0, S * CH)], rows_b[buf], sem_b[buf]
        ).wait()
        zero16 = jnp.zeros((16,), jnp.int32)
        fvecs = [(lane + (j * CH)) * WIDE + rv_b[buf][j, :] for j in range(S)]

        def dim_body(d, carry):
            acc = jnp.zeros((16,), jnp.float32)
            for j in range(S):
                acc = acc + plsc.load_gather(rows_b[buf], [zero16, fvecs[j] + d])
            plsc.store_scatter(outc_v, [lane, zero16 + d], acc)
            return carry

        lax.fori_loop(0, D, dim_body, 0)
        pltpu.sync_copy(outc_v, out_hbm.at[pl.ds(base + c * CH, CH)])

    stage_chunk(0, 0)

    def pair_body(g, carry):
        c0 = g * 2
        stage_chunk(c0 + 1, 1)
        drain_extract(c0, 0)

        @pl.when(g < (NCH // 2) - 1)
        def _():
            stage_chunk(c0 + 2, 0)

        drain_extract(c0 + 1, 1)
        return carry

    lax.fori_loop(0, NCH // 2, pair_body, 0)


def _gather_sum(lineup_flat, table_lines):
    mesh = plsc.VectorSubcoreMesh(
        core_axis_name="c", subcore_axis_name="s", num_cores=NC, num_subcores=NS
    )
    return pl.kernel(
        _gather_sum_body,
        out_type=jax.ShapeDtypeStruct((B, D), jnp.float32),
        mesh=mesh,
        scratch_types=[
            pltpu.VMEM((BPW * L,), jnp.int32),
            pltpu.VMEM((S // 4, 64), jnp.int32),
            pltpu.VMEM((S // 4, 64), jnp.int32),
            pltpu.VMEM((S, 16), jnp.int32),
            pltpu.VMEM((S, 16), jnp.int32),
            pltpu.VMEM((S * CH, WIDE), jnp.float32),
            pltpu.VMEM((S * CH, WIDE), jnp.float32),
            pltpu.VMEM((CH, D), jnp.float32),
            pltpu.SemaphoreType.DMA,
            pltpu.SemaphoreType.DMA,
        ],
        compiler_params=pltpu.CompilerParams(needs_layout_passes=False),
    )(lineup_flat, table_lines)


def _mlp_body(x_ref, lineup_ref, w1t_ref, b1_ref, w2_ref, b2_ref, o_ref):
    x = x_ref[...]
    flag = lineup_ref[:, S:].astype(jnp.float32)
    x33 = jnp.concatenate([x, flag], axis=1)
    h = jnp.dot(x33, w1t_ref[...], preferred_element_type=jnp.float32)
    h = jnp.maximum(h + b1_ref[...], 0.0)
    o = jnp.dot(h, w2_ref[...], preferred_element_type=jnp.float32)
    o_ref[...] = o + b2_ref[0, 0]


def _mlp(summed, lineup, w1t, b1_2d, w2t, b2_2d):
    BT = 2048
    grid = (B // BT,)
    return pl.pallas_call(
        _mlp_body,
        grid=grid,
        in_specs=[
            pl.BlockSpec((BT, D), lambda i: (i, 0)),
            pl.BlockSpec((BT, L), lambda i: (i, 0)),
            pl.BlockSpec((D + 1, HIDDEN), lambda i: (0, 0)),
            pl.BlockSpec((1, HIDDEN), lambda i: (0, 0)),
            pl.BlockSpec((HIDDEN, 1), lambda i: (0, 0)),
            pl.BlockSpec((1, 1), lambda i: (0, 0)),
        ],
        out_specs=pl.BlockSpec((BT, 1), lambda i: (i, 0)),
        out_shape=jax.ShapeDtypeStruct((B, 1), jnp.float32),
    )(summed, lineup, w1t, b1_2d, w2t, b2_2d)


def kernel(lineup, table, W1, b1, W2, b2):
    table_lines = _repack(table.T)
    summed = _gather_sum(lineup.reshape(-1), table_lines)
    return _mlp(summed, lineup, W1.T, b1.reshape(1, HIDDEN), W2.T,
                b2.reshape(1, 1))

# --- scband reference (transcript-rebuilt; emitter-appended) ---
"""Pipeline reference for scband-net-44023414784109 (READ-ONLY COPY).

The authoritative reference and input builder live on the scoring server;
editing this copy changes nothing except your own understanding.
"""

import jax, jax.numpy as jnp
import numpy as np

NUM_PLAYERS = 1000000
EMBED_DIM = 32
HIDDEN = 256
OUT = 1
BATCH = 16384
L = 21  # 20 player slots + 1 home/away flag column


def setup_inputs(seed: int = 0) -> dict:
    key = jax.random.key(seed)
    k1, k2, k3, k4, k5 = jax.random.split(key, 5)
    lineup = jax.random.randint(k1, (BATCH, L), 0, NUM_PLAYERS, dtype=jnp.int32)
    table = jax.random.normal(k2, (NUM_PLAYERS, EMBED_DIM), dtype=jnp.float32) * 0.02
    table = table.at[0].set(0.0)  # padding_idx=0 row is zero
    W1 = jax.random.normal(k3, (HIDDEN, EMBED_DIM + 1), dtype=jnp.float32) * 0.05
    b1 = jnp.zeros((HIDDEN,), dtype=jnp.float32)
    W2 = jax.random.normal(k4, (OUT, HIDDEN), dtype=jnp.float32) * 0.05
    b2 = jnp.zeros((OUT,), dtype=jnp.float32)
    return {"lineup": lineup, "table": table, "W1": W1, "b1": b1, "W2": W2, "b2": b2}


def reference(lineup, table, W1, b1, W2, b2):
    # embedded_lineup = self.embeddings(lineup[:, :-1])
    emb = jnp.take(table, lineup[:, :-1], axis=0)          # [B, L-1, D] gather
    # home_away_info = lineup[:, -1].float().unsqueeze(-1)
    flag = lineup[:, -1].astype(jnp.float32)[:, None]       # [B, 1]
    # embedded_lineup = embedded_lineup.sum(dim=1)
    summed = emb.sum(axis=1)                                 # [B, D]
    combined = jnp.concatenate([summed, flag], axis=-1)      # [B, D+1]
    h = jax.nn.relu(combined @ W1.T + b1)
    return h @ W2.T + b2

if __name__ == "__main__":
    import jax
    _d = setup_inputs()
    print(jax.jit(kernel)(*tuple(_d.values())))

</pallas_src>

<mosaic_0001>
#map = affine_map<(d0, d1) -> (0)>
#map1 = affine_map<(d0, d1) -> (0, 0)>
module attributes {stable_mosaic.version = 14 : i64} {
  func.func @_gather_sum_body(%arg0: i32, %arg1: i32, %arg2: memref<344064xi32, #tpu.memory_space<hbm>>, %arg3: memref<253952x128xf32, #tpu.memory_space<hbm>>, %arg4: memref<16384x32xf32, #tpu.memory_space<hbm>>, %arg5: memref<10752xi32, #tpu.memory_space<vmem>>, %arg6: memref<5x64xi32, #tpu.memory_space<vmem>>, %arg7: memref<5x64xi32, #tpu.memory_space<vmem>>, %arg8: memref<20x16xi32, #tpu.memory_space<vmem>>, %arg9: memref<20x16xi32, #tpu.memory_space<vmem>>, %arg10: memref<320x128xf32, #tpu.memory_space<vmem>>, %arg11: memref<320x128xf32, #tpu.memory_space<vmem>>, %arg12: memref<16x32xf32, #tpu.memory_space<vmem>>, %arg13: memref<!tpu.dma_semaphore, #tpu.memory_space<semaphore_mem>>, %arg14: memref<!tpu.dma_semaphore, #tpu.memory_space<semaphore_mem>>) attributes {dimension_semantics = [#tpu.dimension_semantics<core_parallel>, #tpu.dimension_semantics<subcore_parallel>], iteration_bounds = array<i64: 2, 16>, scalar_prefetch = 0 : i64, scratch_operands = 10 : i64, tpu.core_type = #tpu.core_type<sc_vector_subcore>, window_params = [{transform_indices = #map}, {transform_indices = #map1}, {transform_indices = #map1}]} {
    %mul3A = arith.constant 2 : i32
    %mul3A_0 = arith.muli %arg1, %mul3A : i32
    %add3A = arith.addi %mul3A_0, %arg0 : i32
    %mul3A_1 = arith.constant 512 : i32
    %mul3A_2 = arith.muli %add3A, %mul3A_1 : i32
    %mul3A_3 = arith.constant 21 : i32
    %mul3A_4 = arith.muli %mul3A_2, %mul3A_3 : i32
    "tpu.region"() ({
      %run_scoped3A = tpu.sem_alloc : memref<!tpu.dma_semaphore, #tpu.memory_space<semaphore_mem>>
      %dma_start3A_676 = tpu.memref_slice %arg2[%mul3A_4] : memref<344064xi32, #tpu.memory_space<hbm>> -> memref<10752xi32, #tpu.memory_space<hbm>>
      %dma_start3A_677 = tpu.memref_slice %arg2[%mul3A_4] : memref<344064xi32, #tpu.memory_space<hbm>> -> memref<10752xi32, #tpu.memory_space<hbm>>
      tpu.enqueue_dma source(%dma_start3A_677 : memref<10752xi32, #tpu.memory_space<hbm>>) target(%arg5 : memref<10752xi32, #tpu.memory_space<vmem>>) target_semaphore(%run_scoped3A : memref<!tpu.dma_semaphore, #tpu.memory_space<semaphore_mem>>)
      %dma_wait3A = tpu.memref_slice %arg2[%mul3A_4] : memref<344064xi32, #tpu.memory_space<hbm>> -> memref<10752xi32, #tpu.memory_space<hbm>>
      %dma_wait3A_678 = tpu.memref_slice %arg2[%mul3A_4] : memref<344064xi32, #tpu.memory_space<hbm>> -> memref<10752xi32, #tpu.memory_space<hbm>>
      tpu.wait_dma2 semaphore(%run_scoped3A : memref<!tpu.dma_semaphore, #tpu.memory_space<semaphore_mem>>) src(%dma_wait3A_678 : memref<10752xi32, #tpu.memory_space<hbm>>) dst(%arg5 : memref<10752xi32, #tpu.memory_space<vmem>>)
      tpu.yield
    }) : () -> ()
    %iota3A = tpu.iota {dimensions = array<i32: 0>} : vector<16xi32>
    %mul3A_5 = arith.constant 21 : i32
    %mul3A_6 = vector.broadcast %mul3A_5 : i32 to vector<16xi32>
    %mul3A_7 = arith.muli %iota3A, %mul3A_6 : vector<16xi32>
    %add3A_8 = arith.constant 0 : i32
    %add3A_9 = vector.broadcast %add3A_8 : i32 to vector<16xi32>
    %add3A_10 = arith.addi %mul3A_7, %add3A_9 : vector<16xi32>
    %gather3A = tpu.vector_load_idx %arg5[%add3A_10] : memref<10752xi32, #tpu.memory_space<vmem>>[vector<16xi32>], vector<16xi32>,
    %shift_right_logical3A = arith.constant 15 : i32
    %shift_right_logical3A_11 = vector.broadcast %shift_right_logical3A : i32 to vector<16xi32>
    %shift_right_logical3A_12 = arith.shrui %gather3A, %shift_right_logical3A_11 : vector<16xi32>
    %shift_left3A = arith.constant 13 : i32
    %shift_left3A_13 = vector.broadcast %shift_left3A : i32 to vector<16xi32>
    %shift_left3A_14 = arith.shli %shift_right_logical3A_12, %shift_left3A_13 : vector<16xi32>
    %and3A = arith.constant 8191 : i32
    %and3A_15 = vector.broadcast %and3A : i32 to vector<16xi32>
    %and3A_16 = arith.andi %gather3A, %and3A_15 : vector<16xi32>
    %or3A = arith.ori %shift_left3A_14, %and3A_16 : vector<16xi32>
    %shift_right_logical3A_17 = arith.constant 13 : i32
    %shift_right_logical3A_18 = vector.broadcast %shift_right_logical3A_17 : i32 to vector<16xi32>
    %shift_right_logical3A_19 = arith.shrui %gather3A, %shift_right_logical3A_18 : vector<16xi32>
    %and3A_20 = arith.constant 3 : i32
    %and3A_21 = vector.broadcast %and3A_20 : i32 to vector<16xi32>
    %and3A_22 = arith.andi %shift_right_logical3A_19, %and3A_21 : vector<16xi32>
    %shift_left3A_23 = arith.constant 5 : i32
    %shift_left3A_24 = vector.broadcast %shift_left3A_23 : i32 to vector<16xi32>
    %shift_left3A_25 = arith.shli %and3A_22, %shift_left3A_24 : vector<16xi32>
    %swap3A = arith.constant 0 : i32
    %swap3A_26 = arith.index_cast %swap3A : i32 to index
    %swap3A_27 = arith.constant 0 : index
    %swap3A_28 = tpu.vector_load %arg6[%swap3A_26, %swap3A_27] {strides = array<i32>} : memref<5x64xi32, #tpu.memory_space<vmem>>, vector<16xi32>,
    tpu.vector_store %arg6[%swap3A_26, %swap3A_27], %or3A {strides = array<i32>} : memref<5x64xi32, #tpu.memory_space<vmem>>, vector<16xi32>,
    %swap3A_29 = arith.constant 0 : i32
    %swap3A_30 = arith.index_cast %swap3A_29 : i32 to index
    %swap3A_31 = arith.constant 0 : index
    %swap3A_32 = tpu.vector_load %arg8[%swap3A_30, %swap3A_31] {strides = array<i32>} : memref<20x16xi32, #tpu.memory_space<vmem>>, vector<16xi32>,
    tpu.vector_store %arg8[%swap3A_30, %swap3A_31], %shift_left3A_25 {strides = array<i32>} : memref<20x16xi32, #tpu.memory_space<vmem>>, vector<16xi32>,
    %add3A_33 = arith.constant 1 : i32
    %add3A_34 = vector.broadcast %add3A_33 : i32 to vector<16xi32>
    %add3A_35 = arith.addi %mul3A_7, %add3A_34 : vector<16xi32>
    %gather3A_36 = tpu.vector_load_idx %arg5[%add3A_35] : memref<10752xi32, #tpu.memory_space<vmem>>[vector<16xi32>], vector<16xi32>,
    %shift_right_logical3A_37 = arith.constant 15 : i32
    %shift_right_logical3A_38 = vector.broadcast %shift_right_logical3A_37 : i32 to vector<16xi32>
    %shift_right_logical3A_39 = arith.shrui %gather3A_36, %shift_right_logical3A_38 : vector<16xi32>
    %shift_left3A_40 = arith.constant 13 : i32
    %shift_left3A_41 = vector.broadcast %shift_left3A_40 : i32 to vector<16xi32>
    %shift_left3A_42 = arith.shli %shift_right_logical3A_39, %shift_left3A_41 : vector<16xi32>
    %and3A_43 = arith.constant 8191 : i32
    %and3A_44 = vector.broadcast %and3A_43 : i32 to vector<16xi32>
    %and3A_45 = arith.andi %gather3A_36, %and3A_44 : vector<16xi32>
    %or3A_46 = arith.ori %shift_left3A_42, %and3A_45 : vector<16xi32>
    %shift_right_logical3A_47 = arith.constant 13 : i32
    %shift_right_logical3A_48 = vector.broadcast %shift_right_logical3A_47 : i32 to vector<16xi32>
    %shift_right_logical3A_49 = arith.shrui %gather3A_36, %shift_right_logical3A_48 : vector<16xi32>
    %and3A_50 = arith.constant 3 : i32
    %and3A_51 = vector.broadcast %and3A_50 : i32 to vector<16xi32>
    %and3A_52 = arith.andi %shift_right_logical3A_49, %and3A_51 : vector<16xi32>
    %shift_left3A_53 = arith.constant 5 : i32
    %shift_left3A_54 = vector.broadcast %shift_left3A_53 : i32 to vector<16xi32>
    %shift_left3A_55 = arith.shli %and3A_52, %shift_left3A_54 : vector<16xi32>
    %swap3A_56 = arith.constant 0 : i32
    %swap3A_57 = arith.index_cast %swap3A_56 : i32 to index
    %swap3A_58 = arith.constant 16 : index
    %swap3A_59 = tpu.vector_load %arg6[%swap3A_57, %swap3A_58] {strides = array<i32>} : memref<5x64xi32, #tpu.memory_space<vmem>>, vector<16xi32>,
    tpu.vector_store %arg6[%swap3A_57, %swap3A_58], %or3A_46 {strides = array<i32>} : memref<5x64xi32, #tpu.memory_space<vmem>>, vector<16xi32>,
    %swap3A_60 = arith.constant 1 : i32
    %swap3A_61 = arith.index_cast %swap3A_60 : i32 to index
    %swap3A_62 = arith.constant 0 : index
    %swap3A_63 = tpu.vector_load %arg8[%swap3A_61, %swap3A_62] {strides = array<i32>} : memref<20x16xi32, #tpu.memory_space<vmem>>, vector<16xi32>,
    tpu.vector_store %arg8[%swap3A_61, %swap3A_62], %shift_left3A_55 {strides = array<i32>} : memref<20x16xi32, #tpu.memory_space<vmem>>, vector<16xi32>,
    %add3A_64 = arith.constant 2 : i32
    %add3A_65 = vector.broadcast %add3A_64 : i32 to vector<16xi32>
    %add3A_66 = arith.addi %mul3A_7, %add3A_65 : vector<16xi32>
    %gather3A_67 = tpu.vector_load_idx %arg5[%add3A_66] : memref<10752xi32, #tpu.memory_space<vmem>>[vector<16xi32>], vector<16xi32>,
    %shift_right_logical3A_68 = arith.constant 15 : i32
    %shift_right_logical3A_69 = vector.broadcast %shift_right_logical3A_68 : i32 to vector<16xi32>
    %shift_right_logical3A_70 = arith.shrui %gather3A_67, %shift_right_logical3A_69 : vector<16xi32>
    %shift_left3A_71 = arith.constant 13 : i32
    %shift_left3A_72 = vector.broadcast %shift_left3A_71 : i32 to vector<16xi32>
    %shift_left3A_73 = arith.shli %shift_right_logical3A_70, %shift_left3A_72 : vector<16xi32>
    %and3A_74 = arith.constant 8191 : i32
    %and3A_75 = vector.broadcast %and3A_74 : i32 to vector<16xi32>
    %and3A_76 = arith.andi %gather3A_67, %and3A_75 : vector<16xi32>
    %or3A_77 = arith.ori %shift_left3A_73, %and3A_76 : vector<16xi32>
    %shift_right_logical3A_78 = arith.constant 13 : i32
    %shift_right_logical3A_79 = vector.broadcast %shift_right_logical3A_78 : i32 to vector<16xi32>
    %shift_right_logical3A_80 = arith.shrui %gather3A_67, %shift_right_logical3A_79 : vector<16xi32>
    %and3A_81 = arith.constant 3 : i32
    %and3A_82 = vector.broadcast %and3A_81 : i32 to vector<16xi32>
    %and3A_83 = arith.andi %shift_right_logical3A_80, %and3A_82 : vector<16xi32>
    %shift_left3A_84 = arith.constant 5 : i32
    %shift_left3A_85 = vector.broadcast %shift_left3A_84 : i32 to vector<16xi32>
    %shift_left3A_86 = arith.shli %and3A_83, %shift_left3A_85 : vector<16xi32>
    %swap3A_87 = arith.constant 0 : i32
    %swap3A_88 = arith.index_cast %swap3A_87 : i32 to index
    %swap3A_89 = arith.constant 32 : index
    %swap3A_90 = tpu.vector_load %arg6[%swap3A_88, %swap3A_89] {strides = array<i32>} : memref<5x64xi32, #tpu.memory_space<vmem>>, vector<16xi32>,
    tpu.vector_store %arg6[%swap3A_88, %swap3A_89], %or3A_77 {strides = array<i32>} : memref<5x64xi32, #tpu.memory_space<vmem>>, vector<16xi32>,
    %swap3A_91 = arith.constant 2 : i32
    %swap3A_92 = arith.index_cast %swap3A_91 : i32 to index
    %swap3A_93 = arith.constant 0 : index
    %swap3A_94 = tpu.vector_load %arg8[%swap3A_92, %swap3A_93] {strides = array<i32>} : memref<20x16xi32, #tpu.memory_space<vmem>>, vector<16xi32>,
    tpu.vector_store %arg8[%swap3A_92, %swap3A_93], %shift_left3A_86 {strides = array<i32>} : memref<20x16xi32, #tpu.memory_space<vmem>>, vector<16xi32>,
    %add3A_95 = arith.constant 3 : i32
    %add3A_96 = vector.broadcast %add3A_95 : i32 to vector<16xi32>
    %add3A_97 = arith.addi %mul3A_7, %add3A_96 : vector<16xi32>
    %gather3A_98 = tpu.vector_load_idx %arg5[%add3A_97] : memref<10752xi32, #tpu.memory_space<vmem>>[vector<16xi32>], vector<16xi32>,
    %shift_right_logical3A_99 = arith.constant 15 : i32
    %shift_right_logical3A_100 = vector.broadcast %shift_right_logical3A_99 : i32 to vector<16xi32>
    %shift_right_logical3A_101 = arith.shrui %gather3A_98, %shift_right_logical3A_100 : vector<16xi32>
    %shift_left3A_102 = arith.constant 13 : i32
    %shift_left3A_103 = vector.broadcast %shift_left3A_102 : i32 to vector<16xi32>
    %shift_left3A_104 = arith.shli %shift_right_logical3A_101, %shift_left3A_103 : vector<16xi32>
    %and3A_105 = arith.constant 8191 : i32
    %and3A_106 = vector.broadcast %and3A_105 : i32 to vector<16xi32>
    %and3A_107 = arith.andi %gather3A_98, %and3A_106 : vector<16xi32>
    %or3A_108 = arith.ori %shift_left3A_104, %and3A_107 : vector<16xi32>
    %shift_right_logical3A_109 = arith.constant 13 : i32
    %shift_right_logical3A_110 = vector.broadcast %shift_right_logical3A_109 : i32 to vector<16xi32>
    %shift_right_logical3A_111 = arith.shrui %gather3A_98, %shift_right_logical3A_110 : vector<16xi32>
    %and3A_112 = arith.constant 3 : i32
    %and3A_113 = vector.broadcast %and3A_112 : i32 to vector<16xi32>
    %and3A_114 = arith.andi %shift_right_logical3A_111, %and3A_113 : vector<16xi32>
    %shift_left3A_115 = arith.constant 5 : i32
    %shift_left3A_116 = vector.broadcast %shift_left3A_115 : i32 to vector<16xi32>
    %shift_left3A_117 = arith.shli %and3A_114, %shift_left3A_116 : vector<16xi32>
    %swap3A_118 = arith.constant 0 : i32
    %swap3A_119 = arith.index_cast %swap3A_118 : i32 to index
    %swap3A_120 = arith.constant 48 : index
    %swap3A_121 = tpu.vector_load %arg6[%swap3A_119, %swap3A_120] {strides = array<i32>} : memref<5x64xi32, #tpu.memory_space<vmem>>, vector<16xi32>,
    tpu.vector_store %arg6[%swap3A_119, %swap3A_120], %or3A_108 {strides = array<i32>} : memref<5x64xi32, #tpu.memory_space<vmem>>, vector<16xi32>,
    %swap3A_122 = arith.constant 3 : i32
    %swap3A_123 = arith.index_cast %swap3A_122 : i32 to index
    %swap3A_124 = arith.constant 0 : index
    %swap3A_125 = tpu.vector_load %arg8[%swap3A_123, %swap3A_124] {strides = array<i32>} : memref<20x16xi32, #tpu.memory_space<vmem>>, vector<16xi32>,
    tpu.vector_store %arg8[%swap3A_123, %swap3A_124], %shift_left3A_117 {strides = array<i32>} : memref<20x16xi32, #tpu.memory_space<vmem>>, vector<16xi32>,
    %add3A_126 = arith.constant 4 : i32
    %add3A_127 = vector.broadcast %add3A_126 : i32 to vector<16xi32>
    %add3A_128 = arith.addi %mul3A_7, %add3A_127 : vector<16xi32>
    %gather3A_129 = tpu.vector_load_idx %arg5[%add3A_128] : memref<10752xi32, #tpu.memory_space<vmem>>[vector<16xi32>], vector<16xi32>,
    %shift_right_logical3A_130 = arith.constant 15 : i32
    %shift_right_logical3A_131 = vector.broadcast %shift_right_logical3A_130 : i32 to vector<16xi32>
    %shift_right_logical3A_132 = arith.shrui %gather3A_129, %shift_right_logical3A_131 : vector<16xi32>
    %shift_left3A_133 = arith.constant 13 : i32
    %shift_left3A_134 = vector.broadcast %shift_left3A_133 : i32 to vector<16xi32>
    %shift_left3A_135 = arith.shli %shift_right_logical3A_132, %shift_left3A_134 : vector<16xi32>
    %and3A_136 = arith.constant 8191 : i32
    %and3A_137 = vector.broadcast %and3A_136 : i32 to vector<16xi32>
    %and3A_138 = arith.andi %gather3A_129, %and3A_137 : vector<16xi32>
    %or3A_139 = arith.ori %shift_left3A_135, %and3A_138 : vector<16xi32>
    %shift_right_logical3A_140 = arith.constant 13 : i32
    %shift_right_logical3A_141 = vector.broadcast %shift_right_logical3A_140 : i32 to vector<16xi32>
    %shift_right_logical3A_142 = arith.shrui %gather3A_129, %shift_right_logical3A_141 : vector<16xi32>
    %and3A_143 = arith.constant 3 : i32
    %and3A_144 = vector.broadcast %and3A_143 : i32 to vector<16xi32>
    %and3A_145 = arith.andi %shift_right_logical3A_142, %and3A_144 : vector<16xi32>
    %shift_left3A_146 = arith.constant 5 : i32
    %shift_left3A_147 = vector.broadcast %shift_left3A_146 : i32 to vector<16xi32>
    %shift_left3A_148 = arith.shli %and3A_145, %shift_left3A_147 : vector<16xi32>
    %swap3A_149 = arith.constant 1 : i32
    %swap3A_150 = arith.index_cast %swap3A_149 : i32 to index
    %swap3A_151 = arith.constant 0 : index
    %swap3A_152 = tpu.vector_load %arg6[%swap3A_150, %swap3A_151] {strides = array<i32>} : memref<5x64xi32, #tpu.memory_space<vmem>>, vector<16xi32>,
    tpu.vector_store %arg6[%swap3A_150, %swap3A_151], %or3A_139 {strides = array<i32>} : memref<5x64xi32, #tpu.memory_space<vmem>>, vector<16xi32>,
    %swap3A_153 = arith.constant 4 : i32
    %swap3A_154 = arith.index_cast %swap3A_153 : i32 to index
    %swap3A_155 = arith.constant 0 : index
    %swap3A_156 = tpu.vector_load %arg8[%swap3A_154, %swap3A_155] {strides = array<i32>} : memref<20x16xi32, #tpu.memory_space<vmem>>, vector<16xi32>,
    tpu.vector_store %arg8[%swap3A_154, %swap3A_155], %shift_left3A_148 {strides = array<i32>} : memref<20x16xi32, #tpu.memory_space<vmem>>, vector<16xi32>,
    %add3A_157 = arith.constant 5 : i32
    %add3A_158 = vector.broadcast %add3A_157 : i32 to vector<16xi32>
    %add3A_159 = arith.addi %mul3A_7, %add3A_158 : vector<16xi32>
    %gather3A_160 = tpu.vector_load_idx %arg5[%add3A_159] : memref<10752xi32, #tpu.memory_space<vmem>>[vector<16xi32>], vector<16xi32>,
    %shift_right_logical3A_161 = arith.constant 15 : i32
    %shift_right_logical3A_162 = vector.broadcast %shift_right_logical3A_161 : i32 to vector<16xi32>
    %shift_right_logical3A_163 = arith.shrui %gather3A_160, %shift_right_logical3A_162 : vector<16xi32>
    %shift_left3A_164 = arith.constant 13 : i32
    %shift_left3A_165 = vector.broadcast %shift_left3A_164 : i32 to vector<16xi32>
    %shift_left3A_166 = arith.shli %shift_right_logical3A_163, %shift_left3A_165 : vector<16xi32>
    %and3A_167 = arith.constant 8191 : i32
    %and3A_168 = vector.broadcast %and3A_167 : i32 to vector<16xi32>
    %and3A_169 = arith.andi %gather3A_160, %and3A_168 : vector<16xi32>
    %or3A_170 = arith.ori %shift_left3A_166, %and3A_169 : vector<16xi32>
    %shift_right_logical3A_171 = arith.constant 13 : i32
    %shift_right_logical3A_172 = vector.broadcast %shift_right_logical3A_171 : i32 to vector<16xi32>
    %shift_right_logical3A_173 = arith.shrui %gather3A_160, %shift_right_logical3A_172 : vector<16xi32>
    %and3A_174 = arith.constant 3 : i32
    %and3A_175 = vector.broadcast %and3A_174 : i32 to vector<16xi32>
    %and3A_176 = arith.andi %shift_right_logical3A_173, %and3A_175 : vector<16xi32>
    %shift_left3A_177 = arith.constant 5 : i32
    %shift_left3A_178 = vector.broadcast %shift_left3A_177 : i32 to vector<16xi32>
    %shift_left3A_179 = arith.shli %and3A_176, %shift_left3A_178 : vector<16xi32>
    %swap3A_180 = arith.constant 1 : i32
    %swap3A_181 = arith.index_cast %swap3A_180 : i32 to index
    %swap3A_182 = arith.constant 16 : index
    %swap3A_183 = tpu.vector_load %arg6[%swap3A_181, %swap3A_182] {strides = array<i32>} : memref<5x64xi32, #tpu.memory_space<vmem>>, vector<16xi32>,
    tpu.vector_store %arg6[%swap3A_181, %swap3A_182], %or3A_170 {strides = array<i32>} : memref<5x64xi32, #tpu.memory_space<vmem>>, vector<16xi32>,
    %swap3A_184 = arith.constant 5 : i32
    %swap3A_185 = arith.index_cast %swap3A_184 : i32 to index
    %swap3A_186 = arith.constant 0 : index
    %swap3A_187 = tpu.vector_load %arg8[%swap3A_185, %swap3A_186] {strides = array<i32>} : memref<20x16xi32, #tpu.memory_space<vmem>>, vector<16xi32>,
    tpu.vector_store %arg8[%swap3A_185, %swap3A_186], %shift_left3A_179 {strides = array<i32>} : memref<20x16xi32, #tpu.memory_space<vmem>>, vector<16xi32>,
    %add3A_188 = arith.constant 6 : i32
    %add3A_189 = vector.broadcast %add3A_188 : i32 to vector<16xi32>
    %add3A_190 = arith.addi %mul3A_7, %add3A_189 : vector<16xi32>
    %gather3A_191 = tpu.vector_load_idx %arg5[%add3A_190] : memref<10752xi32, #tpu.memory_space<vmem>>[vector<16xi32>], vector<16xi32>,
    %shift_right_logical3A_192 = arith.constant 15 : i32
    %shift_right_logical3A_193 = vector.broadcast %shift_right_logical3A_192 : i32 to vector<16xi32>
    %shift_right_logical3A_194 = arith.shrui %gather3A_191, %shift_right_logical3A_193 : vector<16xi32>
    %shift_left3A_195 = arith.constant 13 : i32
    %shift_left3A_196 = vector.broadcast %shift_left3A_195 : i32 to vector<16xi32>
    %shift_left3A_197 = arith.shli %shift_right_logical3A_194, %shift_left3A_196 : vector<16xi32>
    %and3A_198 = arith.constant 8191 : i32
    %and3A_199 = vector.broadcast %and3A_198 : i32 to vector<16xi32>
    %and3A_200 = arith.andi %gather3A_191, %and3A_199 : vector<16xi32>
    %or3A_201 = arith.ori %shift_left3A_197, %and3A_200 : vector<16xi32>
    %shift_right_logical3A_202 = arith.constant 13 : i32
    %shift_right_logical3A_203 = vector.broadcast %shift_right_logical3A_202 : i32 to vector<16xi32>
    %shift_right_logical3A_204 = arith.shrui %gather3A_191, %shift_right_logical3A_203 : vector<16xi32>
    %and3A_205 = arith.constant 3 : i32
    %and3A_206 = vector.broadcast %and3A_205 : i32 to vector<16xi32>
    %and3A_207 = arith.andi %shift_right_logical3A_204, %and3A_206 : vector<16xi32>
    %shift_left3A_208 = arith.constant 5 : i32
    %shift_left3A_209 = vector.broadcast %shift_left3A_208 : i32 to vector<16xi32>
    %shift_left3A_210 = arith.shli %and3A_207, %shift_left3A_209 : vector<16xi32>
    %swap3A_211 = arith.constant 1 : i32
    %swap3A_212 = arith.index_cast %swap3A_211 : i32 to index
    %swap3A_213 = arith.constant 32 : index
    %swap3A_214 = tpu.vector_load %arg6[%swap3A_212, %swap3A_213] {strides = array<i32>} : memref<5x64xi32, #tpu.memory_space<vmem>>, vector<16xi32>,
    tpu.vector_store %arg6[%swap3A_212, %swap3A_213], %or3A_201 {strides = array<i32>} : memref<5x64xi32, #tpu.memory_space<vmem>>, vector<16xi32>,
    %swap3A_215 = arith.constant 6 : i32
    %swap3A_216 = arith.index_cast %swap3A_215 : i32 to index
    %swap3A_217 = arith.constant 0 : index
    %swap3A_218 = tpu.vector_load %arg8[%swap3A_216, %swap3A_217] {strides = array<i32>} : memref<20x16xi32, #tpu.memory_space<vmem>>, vector<16xi32>,
    tpu.vector_store %arg8[%swap3A_216, %swap3A_217], %shift_left3A_210 {strides = array<i32>} : memref<20x16xi32, #tpu.memory_space<vmem>>, vector<16xi32>,
    %add3A_219 = arith.constant 7 : i32
    %add3A_220 = vector.broadcast %add3A_219 : i32 to vector<16xi32>
    %add3A_221 = arith.addi %mul3A_7, %add3A_220 : vector<16xi32>
    %gather3A_222 = tpu.vector_load_idx %arg5[%add3A_221] : memref<10752xi32, #tpu.memory_space<vmem>>[vector<16xi32>], vector<16xi32>,
    %shift_right_logical3A_223 = arith.constant 15 : i32
    %shift_right_logical3A_224 = vector.broadcast %shift_right_logical3A_223 : i32 to vector<16xi32>
    %shift_right_logical3A_225 = arith.shrui %gather3A_222, %shift_right_logical3A_224 : vector<16xi32>
    %shift_left3A_226 = arith.constant 13 : i32
    %shift_left3A_227 = vector.broadcast %shift_left3A_226 : i32 to vector<16xi32>
    %shift_left3A_228 = arith.shli %shift_right_logical3A_225, %shift_left3A_227 : vector<16xi32>
    %and3A_229 = arith.constant 8191 : i32
    %and3A_230 = vector.broadcast %and3A_229 : i32 to vector<16xi32>
    %and3A_231 = arith.andi %gather3A_222, %and3A_230 : vector<16xi32>
    %or3A_232 = arith.ori %shift_left3A_228, %and3A_231 : vector<16xi32>
    %shift_right_logical3A_233 = arith.constant 13 : i32
    %shift_right_logical3A_234 = vector.broadcast %shift_right_logical3A_233 : i32 to vector<16xi32>
    %shift_right_logical3A_235 = arith.shrui %gather3A_222, %shift_right_logical3A_234 : vector<16xi32>
    %and3A_236 = arith.constant 3 : i32
    %and3A_237 = vector.broadcast %and3A_236 : i32 to vector<16xi32>
    %and3A_238 = arith.andi %shift_right_logical3A_235, %and3A_237 : vector<16xi32>
    %shift_left3A_239 = arith.constant 5 : i32
    %shift_left3A_240 = vector.broadcast %shift_left3A_239 : i32 to vector<16xi32>
    %shift_left3A_241 = arith.shli %and3A_238, %shift_left3A_240 : vector<16xi32>
    %swap3A_242 = arith.constant 1 : i32
    %swap3A_243 = arith.index_cast %swap3A_242 : i32 to index
    %swap3A_244 = arith.constant 48 : index
    %swap3A_245 = tpu.vector_load %arg6[%swap3A_243, %swap3A_244] {strides = array<i32>} : memref<5x64xi32, #tpu.memory_space<vmem>>, vector<16xi32>,
    tpu.vector_store %arg6[%swap3A_243, %swap3A_244], %or3A_232 {strides = array<i32>} : memref<5x64xi32, #tpu.memory_space<vmem>>, vector<16xi32>,
    %swap3A_246 = arith.constant 7 : i32
    %swap3A_247 = arith.index_cast %swap3A_246 : i32 to index
    %swap3A_248 = arith.constant 0 : index
    %swap3A_249 = tpu.vector_load %arg8[%swap3A_247, %swap3A_248] {strides = array<i32>} : memref<20x16xi32, #tpu.memory_space<vmem>>, vector<16xi32>,
    tpu.vector_store %arg8[%swap3A_247, %swap3A_248], %shift_left3A_241 {strides = array<i32>} : memref<20x16xi32, #tpu.memory_space<vmem>>, vector<16xi32>,
    %add3A_250 = arith.constant 8 : i32
    %add3A_251 = vector.broadcast %add3A_250 : i32 to vector<16xi32>
    %add3A_252 = arith.addi %mul3A_7, %add3A_251 : vector<16xi32>
    %gather3A_253 = tpu.vector_load_idx %arg5[%add3A_252] : memref<10752xi32, #tpu.memory_space<vmem>>[vector<16xi32>], vector<16xi32>,
    %shift_right_logical3A_254 = arith.constant 15 : i32
    %shift_right_logical3A_255 = vector.broadcast %shift_right_logical3A_254 : i32 to vector<16xi32>
    %shift_right_logical3A_256 = arith.shrui %gather3A_253, %shift_right_logical3A_255 : vector<16xi32>
    %shift_left3A_257 = arith.constant 13 : i32
    %shift_left3A_258 = vector.broadcast %shift_left3A_257 : i32 to vector<16xi32>
    %shift_left3A_259 = arith.shli %shift_right_logical3A_256, %shift_left3A_258 : vector<16xi32>
    %and3A_260 = arith.constant 8191 : i32
    %and3A_261 = vector.broadcast %and3A_260 : i32 to vector<16xi32>
    %and3A_262 = arith.andi %gather3A_253, %and3A_261 : vector<16xi32>
    %or3A_263 = arith.ori %shift_left3A_259, %and3A_262 : vector<16xi32>
    %shift_right_logical3A_264 = arith.constant 13 : i32
    %shift_right_logical3A_265 = vector.broadcast %shift_right_logical3A_264 : i32 to vector<16xi32>
    %shift_right_logical3A_266 = arith.shrui %gather3A_253, %shift_right_logical3A_265 : vector<16xi32>
    %and3A_267 = arith.constant 3 : i32
    %and3A_268 = vector.broadcast %and3A_267 : i32 to vector<16xi32>
    %and3A_269 = arith.andi %shift_right_logical3A_266, %and3A_268 : vector<16xi32>
    %shift_left3A_270 = arith.constant 5 : i32
    %shift_left3A_271 = vector.broadcast %shift_left3A_270 : i32 to vector<16xi32>
    %shift_left3A_272 = arith.shli %and3A_269, %shift_left3A_271 : vector<16xi32>
    %swap3A_273 = arith.constant 2 : i32
    %swap3A_274 = arith.index_cast %swap3A_273 : i32 to index
    %swap3A_275 = arith.constant 0 : index
    %swap3A_276 = tpu.vector_load %arg6[%swap3A_274, %swap3A_275] {strides = array<i32>} : memref<5x64xi32, #tpu.memory_space<vmem>>, vector<16xi32>,
    tpu.vector_store %arg6[%swap3A_274, %swap3A_275], %or3A_263 {strides = array<i32>} : memref<5x64xi32, #tpu.memory_space<vmem>>, vector<16xi32>,
    %swap3A_277 = arith.constant 8 : i32
    %swap3A_278 = arith.index_cast %swap3A_277 : i32 to index
    %swap3A_279 = arith.constant 0 : index
    %swap3A_280 = tpu.vector_load %arg8[%swap3A_278, %swap3A_279] {strides = array<i32>} : memref<20x16xi32, #tpu.memory_space<vmem>>, vector<16xi32>,
    tpu.vector_store %arg8[%swap3A_278, %swap3A_279], %shift_left3A_272 {strides = array<i32>} : memref<20x16xi32, #tpu.memory_space<vmem>>, vector<16xi32>,
    %add3A_281 = arith.constant 9 : i32
    %add3A_282 = vector.broadcast %add3A_281 : i32 to vector<16xi32>
    %add3A_283 = arith.addi %mul3A_7, %add3A_282 : vector<16xi32>
    %gather3A_284 = tpu.vector_load_idx %arg5[%add3A_283] : memref<10752xi32, #tpu.memory_space<vmem>>[vector<16xi32>], vector<16xi32>,
    %shift_right_logical3A_285 = arith.constant 15 : i32
    %shift_right_logical3A_286 = vector.broadcast %shift_right_logical3A_285 : i32 to vector<16xi32>
    %shift_right_logical3A_287 = arith.shrui %gather3A_284, %shift_right_logical3A_286 : vector<16xi32>
    %shift_left3A_288 = arith.constant 13 : i32
    %shift_left3A_289 = vector.broadcast %shift_left3A_288 : i32 to vector<16xi32>
    %shift_left3A_290 = arith.shli %shift_right_logical3A_287, %shift_left3A_289 : vector<16xi32>
    %and3A_291 = arith.constant 8191 : i32
    %and3A_292 = vector.broadcast %and3A_291 : i32 to vector<16xi32>
    %and3A_293 = arith.andi %gather3A_284, %and3A_292 : vector<16xi32>
    %or3A_294 = arith.ori %shift_left3A_290, %and3A_293 : vector<16xi32>
    %shift_right_logical3A_295 = arith.constant 13 : i32
    %shift_right_logical3A_296 = vector.broadcast %shift_right_logical3A_295 : i32 to vector<16xi32>
    %shift_right_logical3A_297 = arith.shrui %gather3A_284, %shift_right_logical3A_296 : vector<16xi32>
    %and3A_298 = arith.constant 3 : i32
    %and3A_299 = vector.broadcast %and3A_298 : i32 to vector<16xi32>
    %and3A_300 = arith.andi %shift_right_logical3A_297, %and3A_299 : vector<16xi32>
    %shift_left3A_301 = arith.constant 5 : i32
    %shift_left3A_302 = vector.broadcast %shift_left3A_301 : i32 to vector<16xi32>
    %shift_left3A_303 = arith.shli %and3A_300, %shift_left3A_302 : vector<16xi32>
    %swap3A_304 = arith.constant 2 : i32
    %swap3A_305 = arith.index_cast %swap3A_304 : i32 to index
    %swap3A_306 = arith.constant 16 : index
    %swap3A_307 = tpu.vector_load %arg6[%swap3A_305, %swap3A_306] {strides = array<i32>} : memref<5x64xi32, #tpu.memory_space<vmem>>, vector<16xi32>,
    tpu.vector_store %arg6[%swap3A_305, %swap3A_306], %or3A_294 {strides = array<i32>} : memref<5x64xi32, #tpu.memory_space<vmem>>, vector<16xi32>,
    %swap3A_308 = arith.constant 9 : i32
    %swap3A_309 = arith.index_cast %swap3A_308 : i32 to index
    %swap3A_310 = arith.constant 0 : index
    %swap3A_311 = tpu.vector_load %arg8[%swap3A_309, %swap3A_310] {strides = array<i32>} : memref<20x16xi32, #tpu.memory_space<vmem>>, vector<16xi32>,
    tpu.vector_store %arg8[%swap3A_309, %swap3A_310], %shift_left3A_303 {strides = array<i32>} : memref<20x16xi32, #tpu.memory_space<vmem>>, vector<16xi32>,
    %add3A_312 = arith.constant 10 : i32
    %add3A_313 = vector.broadcast %add3A_312 : i32 to vector<16xi32>
    %add3A_314 = arith.addi %mul3A_7, %add3A_313 : vector<16xi32>
    %gather3A_315 = tpu.vector_load_idx %arg5[%add3A_314] : memref<10752xi32, #tpu.memory_space<vmem>>[vector<16xi32>], vector<16xi32>,
    %shift_right_logical3A_316 = arith.constant 15 : i32
    %shift_right_logical3A_317 = vector.broadcast %shift_right_logical3A_316 : i32 to vector<16xi32>
    %shift_right_logical3A_318 = arith.shrui %gather3A_315, %shift_right_logical3A_317 : vector<16xi32>
    %shift_left3A_319 = arith.constant 13 : i32
    %shift_left3A_320 = vector.broadcast %shift_left3A_319 : i32 to vector<16xi32>
    %shift_left3A_321 = arith.shli %shift_right_logical3A_318, %shift_left3A_320 : vector<16xi32>
    %and3A_322 = arith.constant 8191 : i32
    %and3A_323 = vector.broadcast %and3A_322 : i32 to vector<16xi32>
    %and3A_324 = arith.andi %gather3A_315, %and3A_323 : vector<16xi32>
    %or3A_325 = arith.ori %shift_left3A_321, %and3A_324 : vector<16xi32>
    %shift_right_logical3A_326 = arith.constant 13 : i32
    %shift_right_logical3A_327 = vector.broadcast %shift_right_logical3A_326 : i32 to vector<16xi32>
    %shift_right_logical3A_328 = arith.shrui %gather3A_315, %shift_right_logical3A_327 : vector<16xi32>
    %and3A_329 = arith.constant 3 : i32
    %and3A_330 = vector.broadcast %and3A_329 : i32 to vector<16xi32>
    %and3A_331 = arith.andi %shift_right_logical3A_328, %and3A_330 : vector<16xi32>
    %shift_left3A_332 = arith.constant 5 : i32
    %shift_left3A_333 = vector.broadcast %shift_left3A_332 : i32 to vector<16xi32>
    %shift_left3A_334 = arith.shli %and3A_331, %shift_left3A_333 : vector<16xi32>
    %swap3A_335 = arith.constant 2 : i32
    %swap3A_336 = arith.index_cast %swap3A_335 : i32 to index
    %swap3A_337 = arith.constant 32 : index
    %swap3A_338 = tpu.vector_load %arg6[%swap3A_336, %swap3A_337] {strides = array<i32>} : memref<5x64xi32, #tpu.memory_space<vmem>>, vector<16xi32>,
    tpu.vector_store %arg6[%swap3A_336, %swap3A_337], %or3A_325 {strides = array<i32>} : memref<5x64xi32, #tpu.memory_space<vmem>>, vector<16xi32>,
    %swap3A_339 = arith.constant 10 : i32
    %swap3A_340 = arith.index_cast %swap3A_339 : i32 to index
    %swap3A_341 = arith.constant 0 : index
    %swap3A_342 = tpu.vector_load %arg8[%swap3A_340, %swap3A_341] {strides = array<i32>} : memref<20x16xi32, #tpu.memory_space<vmem>>, vector<16xi32>,
    tpu.vector_store %arg8[%swap3A_340, %swap3A_341], %shift_left3A_334 {strides = array<i32>} : memref<20x16xi32, #tpu.memory_space<vmem>>, vector<16xi32>,
    %add3A_343 = arith.constant 11 : i32
    %add3A_344 = vector.broadcast %add3A_343 : i32 to vector<16xi32>
    %add3A_345 = arith.addi %mul3A_7, %add3A_344 : vector<16xi32>
    %gather3A_346 = tpu.vector_load_idx %arg5[%add3A_345] : memref<10752xi32, #tpu.memory_space<vmem>>[vector<16xi32>], vector<16xi32>,
    %shift_right_logical3A_347 = arith.constant 15 : i32
    %shift_right_logical3A_348 = vector.broadcast %shift_right_logical3A_347 : i32 to vector<16xi32>
    %shift_right_logical3A_349 = arith.shrui %gather3A_346, %shift_right_logical3A_348 : vector<16xi32>
    %shift_left3A_350 = arith.constant 13 : i32
    %shift_left3A_351 = vector.broadcast %shift_left3A_350 : i32 to vector<16xi32>
    %shift_left3A_352 = arith.shli %shift_right_logical3A_349, %shift_left3A_351 : vector<16xi32>
    %and3A_353 = arith.constant 8191 : i32
    %and3A_354 = vector.broadcast %and3A_353 : i32 to vector<16xi32>
    %and3A_355 = arith.andi %gather3A_346, %and3A_354 : vector<16xi32>
    %or3A_356 = arith.ori %shift_left3A_352, %and3A_355 : vector<16xi32>
    %shift_right_logical3A_357 = arith.constant 13 : i32
    %shift_right_logical3A_358 = vector.broadcast %shift_right_logical3A_357 : i32 to vector<16xi32>
    %shift_right_logical3A_359 = arith.shrui %gather3A_346, %shift_right_logical3A_358 : vector<16xi32>
    %and3A_360 = arith.constant 3 : i32
    %and3A_361 = vector.broadcast %and3A_360 : i32 to vector<16xi32>
    %and3A_362 = arith.andi %shift_right_logical3A_359, %and3A_361 : vector<16xi32>
    %shift_left3A_363 = arith.constant 5 : i32
    %shift_left3A_364 = vector.broadcast %shift_left3A_363 : i32 to vector<16xi32>
    %shift_left3A_365 = arith.shli %and3A_362, %shift_left3A_364 : vector<16xi32>
    %swap3A_366 = arith.constant 2 : i32
    %swap3A_367 = arith.index_cast %swap3A_366 : i32 to index
    %swap3A_368 = arith.constant 48 : index
    %swap3A_369 = tpu.vector_load %arg6[%swap3A_367, %swap3A_368] {strides = array<i32>} : memref<5x64xi32, #tpu.memory_space<vmem>>, vector<16xi32>,
    tpu.vector_store %arg6[%swap3A_367, %swap3A_368], %or3A_356 {strides = array<i32>} : memref<5x64xi32, #tpu.memory_space<vmem>>, vector<16xi32>,
    %swap3A_370 = arith.constant 11 : i32
    %swap3A_371 = arith.index_cast %swap3A_370 : i32 to index
    %swap3A_372 = arith.constant 0 : index
    %swap3A_373 = tpu.vector_load %arg8[%swap3A_371, %swap3A_372] {strides = array<i32>} : memref<20x16xi32, #tpu.memory_space<vmem>>, vector<16xi32>,
    tpu.vector_store %arg8[%swap3A_371, %swap3A_372], %shift_left3A_365 {strides = array<i32>} : memref<20x16xi32, #tpu.memory_space<vmem>>, vector<16xi32>,
    %add3A_374 = arith.constant 12 : i32
    %add3A_375 = vector.broadcast %add3A_374 : i32 to vector<16xi32>
    %add3A_376 = arith.addi %mul3A_7, %add3A_375 : vector<16xi32>
    %gather3A_377 = tpu.vector_load_idx %arg5[%add3A_376] : memref<10752xi32, #tpu.memory_space<vmem>>[vector<16xi32>], vector<16xi32>,
    %shift_right_logical3A_378 = arith.constant 15 : i32
    %shift_right_logical3A_379 = vector.broadcast %shift_right_logical3A_378 : i32 to vector<16xi32>
    %shift_right_logical3A_380 = arith.shrui %gather3A_377, %shift_right_logical3A_379 : vector<16xi32>
    %shift_left3A_381 = arith.constant 13 : i32
    %shift_left3A_382 = vector.broadcast %shift_left3A_381 : i32 to vector<16xi32>
    %shift_left3A_383 = arith.shli %shift_right_logical3A_380, %shift_left3A_382 : vector<16xi32>
    %and3A_384 = arith.constant 8191 : i32
    %and3A_385 = vector.broadcast %and3A_384 : i32 to vector<16xi32>
    %and3A_386 = arith.andi %gather3A_377, %and3A_385 : vector<16xi32>
    %or3A_387 = arith.ori %shift_left3A_383, %and3A_386 : vector<16xi32>
    %shift_right_logical3A_388 = arith.constant 13 : i32
    %shift_right_logical3A_389 = vector.broadcast %shift_right_logical3A_388 : i32 to vector<16xi32>
    %shift_right_logical3A_390 = arith.shrui %gather3A_377, %shift_right_logical3A_389 : vector<16xi32>
    %and3A_391 = arith.constant 3 : i32
    %and3A_392 = vector.broadcast %and3A_391 : i32 to vector<16xi32>
    %and3A_393 = arith.andi %shift_right_logical3A_390, %and3A_392 : vector<16xi32>
    %shift_left3A_394 = arith.constant 5 : i32
    %shift_left3A_395 = vector.broadcast %shift_left3A_394 : i32 to vector<16xi32>
    %shift_left3A_396 = arith.shli %and3A_393, %shift_left3A_395 : vector<16xi32>
    %swap3A_397 = arith.constant 3 : i32
    %swap3A_398 = arith.index_cast %swap3A_397 : i32 to index
    %swap3A_399 = arith.constant 0 : index
    %swap3A_400 = tpu.vector_load %arg6[%swap3A_398, %swap3A_399] {strides = array<i32>} : memref<5x64xi32, #tpu.memory_space<vmem>>, vector<16xi32>,
    tpu.vector_store %arg6[%swap3A_398, %swap3A_399], %or3A_387 {strides = array<i32>} : memref<5x64xi32, #tpu.memory_space<vmem>>, vector<16xi32>,
    %swap3A_401 = arith.constant 12 : i32
    %swap3A_402 = arith.index_cast %swap3A_401 : i32 to index
    %swap3A_403 = arith.constant 0 : index
    %swap3A_404 = tpu.vector_load %arg8[%swap3A_402, %swap3A_403] {strides = array<i32>} : memref<20x16xi32, #tpu.memory_space<vmem>>, vector<16xi32>,
    tpu.vector_store %arg8[%swap3A_402, %swap3A_403], %shift_left3A_396 {strides = array<i32>} : memref<20x16xi32, #tpu.memory_space<vmem>>, vector<16xi32>,
    %add3A_405 = arith.constant 13 : i32
    %add3A_406 = vector.broadcast %add3A_405 : i32 to vector<16xi32>
    %add3A_407 = arith.addi %mul3A_7, %add3A_406 : vector<16xi32>
    %gather3A_408 = tpu.vector_load_idx %arg5[%add3A_407] : memref<10752xi32, #tpu.memory_space<vmem>>[vector<16xi32>], vector<16xi32>,
    %shift_right_logical3A_409 = arith.constant 15 : i32
    %shift_right_logical3A_410 = vector.broadcast %shift_right_logical3A_409 : i32 to vector<16xi32>
    %shift_right_logical3A_411 = arith.shrui %gather3A_408, %shift_right_logical3A_410 : vector<16xi32>
    %shift_left3A_412 = arith.constant 13 : i32
    %shift_left3A_413 = vector.broadcast %shift_left3A_412 : i32 to vector<16xi32>
    %shift_left3A_414 = arith.shli %shift_right_logical3A_411, %shift_left3A_413 : vector<16xi32>
    %and3A_415 = arith.constant 8191 : i32
    %and3A_416 = vector.broadcast %and3A_415 : i32 to vector<16xi32>
    %and3A_417 = arith.andi %gather3A_408, %and3A_416 : vector<16xi32>
    %or3A_418 = arith.ori %shift_left3A_414, %and3A_417 : vector<16xi32>
    %shift_right_logical3A_419 = arith.constant 13 : i32
    %shift_right_logical3A_420 = vector.broadcast %shift_right_logical3A_419 : i32 to vector<16xi32>
    %shift_right_logical3A_421 = arith.shrui %gather3A_408, %shift_right_logical3A_420 : vector<16xi32>
    %and3A_422 = arith.constant 3 : i32
    %and3A_423 = vector.broadcast %and3A_422 : i32 to vector<16xi32>
    %and3A_424 = arith.andi %shift_right_logical3A_421, %and3A_423 : vector<16xi32>
    %shift_left3A_425 = arith.constant 5 : i32
    %shift_left3A_426 = vector.broadcast %shift_left3A_425 : i32 to vector<16xi32>
    %shift_left3A_427 = arith.shli %and3A_424, %shift_left3A_426 : vector<16xi32>
    %swap3A_428 = arith.constant 3 : i32
    %swap3A_429 = arith.index_cast %swap3A_428 : i32 to index
    %swap3A_430 = arith.constant 16 : index
    %swap3A_431 = tpu.vector_load %arg6[%swap3A_429, %swap3A_430] {strides = array<i32>} : memref<5x64xi32, #tpu.memory_space<vmem>>, vector<16xi32>,
    tpu.vector_store %arg6[%swap3A_429, %swap3A_430], %or3A_418 {strides = array<i32>} : memref<5x64xi32, #tpu.memory_space<vmem>>, vector<16xi32>,
    %swap3A_432 = arith.constant 13 : i32
    %swap3A_433 = arith.index_cast %swap3A_432 : i32 to index
    %swap3A_434 = arith.constant 0 : index
    %swap3A_435 = tpu.vector_load %arg8[%swap3A_433, %swap3A_434] {strides = array<i32>} : memref<20x16xi32, #tpu.memory_space<vmem>>, vector<16xi32>,
    tpu.vector_store %arg8[%swap3A_433, %swap3A_434], %shift_left3A_427 {strides = array<i32>} : memref<20x16xi32, #tpu.memory_space<vmem>>, vector<16xi32>,
    %add3A_436 = arith.constant 14 : i32
    %add3A_437 = vector.broadcast %add3A_436 : i32 to vector<16xi32>
    %add3A_438 = arith.addi %mul3A_7, %add3A_437 : vector<16xi32>
    %gather3A_439 = tpu.vector_load_idx %arg5[%add3A_438] : memref<10752xi32, #tpu.memory_space<vmem>>[vector<16xi32>], vector<16xi32>,
    %shift_right_logical3A_440 = arith.constant 15 : i32
    %shift_right_logical3A_441 = vector.broadcast %shift_right_logical3A_440 : i32 to vector<16xi32>
    %shift_right_logical3A_442 = arith.shrui %gather3A_439, %shift_right_logical3A_441 : vector<16xi32>
    %shift_left3A_443 = arith.constant 13 : i32
    %shift_left3A_444 = vector.broadcast %shift_left3A_443 : i32 to vector<16xi32>
    %shift_left3A_445 = arith.shli %shift_right_logical3A_442, %shift_left3A_444 : vector<16xi32>
    %and3A_446 = arith.constant 8191 : i32
    %and3A_447 = vector.broadcast %and3A_446 : i32 to vector<16xi32>
    %and3A_448 = arith.andi %gather3A_439, %and3A_447 : vector<16xi32>
    %or3A_449 = arith.ori %shift_left3A_445, %and3A_448 : vector<16xi32>
    %shift_right_logical3A_450 = arith.constant 13 : i32
    %shift_right_logical3A_451 = vector.broadcast %shift_right_logical3A_450 : i32 to vector<16xi32>
    %shift_right_logical3A_452 = arith.shrui %gather3A_439, %shift_right_logical3A_451 : vector<16xi32>
    %and3A_453 = arith.constant 3 : i32
    %and3A_454 = vector.broadcast %and3A_453 : i32 to vector<16xi32>
    %and3A_455 = arith.andi %shift_right_logical3A_452, %and3A_454 : vector<16xi32>
    %shift_left3A_456 = arith.constant 5 : i32
    %shift_left3A_457 = vector.broadcast %shift_left3A_456 : i32 to vector<16xi32>
    %shift_left3A_458 = arith.shli %and3A_455, %shift_left3A_457 : vector<16xi32>
    %swap3A_459 = arith.constant 3 : i32
    %swap3A_460 = arith.index_cast %swap3A_459 : i32 to index
    %swap3A_461 = arith.constant 32 : index
    %swap3A_462 = tpu.vector_load %arg6[%swap3A_460, %swap3A_461] {strides = array<i32>} : memref<5x64xi32, #tpu.memory_space<vmem>>, vector<16xi32>,
    tpu.vector_store %arg6[%swap3A_460, %swap3A_461], %or3A_449 {strides = array<i32>} : memref<5x64xi32, #tpu.memory_space<vmem>>, vector<16xi32>,
    %swap3A_463 = arith.constant 14 : i32
    %swap3A_464 = arith.index_cast %swap3A_463 : i32 to index
    %swap3A_465 = arith.constant 0 : index
    %swap3A_466 = tpu.vector_load %arg8[%swap3A_464, %swap3A_465] {strides = array<i32>} : memref<20x16xi32, #tpu.memory_space<vmem>>, vector<16xi32>,
    tpu.vector_store %arg8[%swap3A_464, %swap3A_465], %shift_left3A_458 {strides = array<i32>} : memref<20x16xi32, #tpu.memory_space<vmem>>, vector<16xi32>,
    %add3A_467 = arith.constant 15 : i32
    %add3A_468 = vector.broadcast %add3A_467 : i32 to vector<16xi32>
    %add3A_469 = arith.addi %mul3A_7, %add3A_468 : vector<16xi32>
    %gather3A_470 = tpu.vector_load_idx %arg5[%add3A_469] : memref<10752xi32, #tpu.memory_space<vmem>>[vector<16xi32>], vector<16xi32>,
    %shift_right_logical3A_471 = arith.constant 15 : i32
    %shift_right_logical3A_472 = vector.broadcast %shift_right_logical3A_471 : i32 to vector<16xi32>
    %shift_right_logical3A_473 = arith.shrui %gather3A_470, %shift_right_logical3A_472 : vector<16xi32>
    %shift_left3A_474 = arith.constant 13 : i32
    %shift_left3A_475 = vector.broadcast %shift_left3A_474 : i32 to vector<16xi32>
    %shift_left3A_476 = arith.shli %shift_right_logical3A_473, %shift_left3A_475 : vector<16xi32>
    %and3A_477 = arith.constant 8191 : i32
    %and3A_478 = vector.broadcast %and3A_477 : i32 to vector<16xi32>
    %and3A_479 = arith.andi %gather3A_470, %and3A_478 : vector<16xi32>
    %or3A_480 = arith.ori %shift_left3A_476, %and3A_479 : vector<16xi32>
    %shift_right_logical3A_481 = arith.constant 13 : i32
    %shift_right_logical3A_482 = vector.broadcast %shift_right_logical3A_481 : i32 to vector<16xi32>
    %shift_right_logical3A_483 = arith.shrui %gather3A_470, %shift_right_logical3A_482 : vector<16xi32>
    %and3A_484 = arith.constant 3 : i32
    %and3A_485 = vector.broadcast %and3A_484 : i32 to vector<16xi32>
    %and3A_486 = arith.andi %shift_right_logical3A_483, %and3A_485 : vector<16xi32>
    %shift_left3A_487 = arith.constant 5 : i32
    %shift_left3A_488 = vector.broadcast %shift_left3A_487 : i32 to vector<16xi32>
    %shift_left3A_489 = arith.shli %and3A_486, %shift_left3A_488 : vector<16xi32>
    %swap3A_490 = arith.constant 3 : i32
    %swap3A_491 = arith.index_cast %swap3A_490 : i32 to index
    %swap3A_492 = arith.constant 48 : index
    %swap3A_493 = tpu.vector_load %arg6[%swap3A_491, %swap3A_492] {strides = array<i32>} : memref<5x64xi32, #tpu.memory_space<vmem>>, vector<16xi32>,
    tpu.vector_store %arg6[%swap3A_491, %swap3A_492], %or3A_480 {strides = array<i32>} : memref<5x64xi32, #tpu.memory_space<vmem>>, vector<16xi32>,
    %swap3A_494 = arith.constant 15 : i32
    %swap3A_495 = arith.index_cast %swap3A_494 : i32 to index
    %swap3A_496 = arith.constant 0 : index
    %swap3A_497 = tpu.vector_load %arg8[%swap3A_495, %swap3A_496] {strides = array<i32>} : memref<20x16xi32, #tpu.memory_space<vmem>>, vector<16xi32>,
    tpu.vector_store %arg8[%swap3A_495, %swap3A_496], %shift_left3A_489 {strides = array<i32>} : memref<20x16xi32, #tpu.memory_space<vmem>>, vector<16xi32>,
    %add3A_498 = arith.constant 16 : i32
    %add3A_499 = vector.broadcast %add3A_498 : i32 to vector<16xi32>
    %add3A_500 = arith.addi %mul3A_7, %add3A_499 : vector<16xi32>
    %gather3A_501 = tpu.vector_load_idx %arg5[%add3A_500] : memref<10752xi32, #tpu.memory_space<vmem>>[vector<16xi32>], vector<16xi32>,
    %shift_right_logical3A_502 = arith.constant 15 : i32
    %shift_right_logical3A_503 = vector.broadcast %shift_right_logical3A_502 : i32 to vector<16xi32>
    %shift_right_logical3A_504 = arith.shrui %gather3A_501, %shift_right_logical3A_503 : vector<16xi32>
    %shift_left3A_505 = arith.constant 13 : i32
    %shift_left3A_506 = vector.broadcast %shift_left3A_505 : i32 to vector<16xi32>
    %shift_left3A_507 = arith.shli %shift_right_logical3A_504, %shift_left3A_506 : vector<16xi32>
    %and3A_508 = arith.constant 8191 : i32
    %and3A_509 = vector.broadcast %and3A_508 : i32 to vector<16xi32>
    %and3A_510 = arith.andi %gather3A_501, %and3A_509 : vector<16xi32>
    %or3A_511 = arith.ori %shift_left3A_507, %and3A_510 : vector<16xi32>
    %shift_right_logical3A_512 = arith.constant 13 : i32
    %shift_right_logical3A_513 = vector.broadcast %shift_right_logical3A_512 : i32 to vector<16xi32>
    %shift_right_logical3A_514 = arith.shrui %gather3A_501, %shift_right_logical3A_513 : vector<16xi32>
    %and3A_515 = arith.constant 3 : i32
    %and3A_516 = vector.broadcast %and3A_515 : i32 to vector<16xi32>
    %and3A_517 = arith.andi %shift_right_logical3A_514, %and3A_516 : vector<16xi32>
    %shift_left3A_518 = arith.constant 5 : i32
    %shift_left3A_519 = vector.broadcast %shift_left3A_518 : i32 to vector<16xi32>
    %shift_left3A_520 = arith.shli %and3A_517, %shift_left3A_519 : vector<16xi32>
    %swap3A_521 = arith.constant 4 : i32
    %swap3A_522 = arith.index_cast %swap3A_521 : i32 to index
    %swap3A_523 = arith.constant 0 : index
    %swap3A_524 = tpu.vector_load %arg6[%swap3A_522, %swap3A_523] {strides = array<i32>} : memref<5x64xi32, #tpu.memory_space<vmem>>, vector<16xi32>,
    tpu.vector_store %arg6[%swap3A_522, %swap3A_523], %or3A_511 {strides = array<i32>} : memref<5x64xi32, #tpu.memory_space<vmem>>, vector<16xi32>,
    %swap3A_525 = arith.constant 16 : i32
    %swap3A_526 = arith.index_cast %swap3A_525 : i32 to index
    %swap3A_527 = arith.constant 0 : index
    %swap3A_528 = tpu.vector_load %arg8[%swap3A_526, %swap3A_527] {strides = array<i32>} : memref<20x16xi32, #tpu.memory_space<vmem>>, vector<16xi32>,
    tpu.vector_store %arg8[%swap3A_526, %swap3A_527], %shift_left3A_520 {strides = array<i32>} : memref<20x16xi32, #tpu.memory_space<vmem>>, vector<16xi32>,
    %add3A_529 = arith.constant 17 : i32
    %add3A_530 = vector.broadcast %add3A_529 : i32 to vector<16xi32>
    %add3A_531 = arith.addi %mul3A_7, %add3A_530 : vector<16xi32>
    %gather3A_532 = tpu.vector_load_idx %arg5[%add3A_531] : memref<10752xi32, #tpu.memory_space<vmem>>[vector<16xi32>], vector<16xi32>,
    %shift_right_logical3A_533 = arith.constant 15 : i32
    %shift_right_logical3A_534 = vector.broadcast %shift_right_logical3A_533 : i32 to vector<16xi32>
    %shift_right_logical3A_535 = arith.shrui %gather3A_532, %shift_right_logical3A_534 : vector<16xi32>
    %shift_left3A_536 = arith.constant 13 : i32
    %shift_left3A_537 = vector.broadcast %shift_left3A_536 : i32 to vector<16xi32>
    %shift_left3A_538 = arith.shli %shift_right_logical3A_535, %shift_left3A_537 : vector<16xi32>
    %and3A_539 = arith.constant 8191 : i32
    %and3A_540 = vector.broadcast %and3A_539 : i32 to vector<16xi32>
    %and3A_541 = arith.andi %gather3A_532, %and3A_540 : vector<16xi32>
    %or3A_542 = arith.ori %shift_left3A_538, %and3A_541 : vector<16xi32>
    %shift_right_logical3A_543 = arith.constant 13 : i32
    %shift_right_logical3A_544 = vector.broadcast %shift_right_logical3A_543 : i32 to vector<16xi32>
    %shift_right_logical3A_545 = arith.shrui %gather3A_532, %shift_right_logical3A_544 : vector<16xi32>
    %and3A_546 = arith.constant 3 : i32
    %and3A_547 = vector.broadcast %and3A_546 : i32 to vector<16xi32>
    %and3A_548 = arith.andi %shift_right_logical3A_545, %and3A_547 : vector<16xi32>
    %shift_left3A_549 = arith.constant 5 : i32
    %shift_left3A_550 = vector.broadcast %shift_left3A_549 : i32 to vector<16xi32>
    %shift_left3A_551 = arith.shli %and3A_548, %shift_left3A_550 : vector<16xi32>
    %swap3A_552 = arith.constant 4 : i32
    %swap3A_553 = arith.index_cast %swap3A_552 : i32 to index
    %swap3A_554 = arith.constant 16 : index
    %swap3A_555 = tpu.vector_load %arg6[%swap3A_553, %swap3A_554] {strides = array<i32>} : memref<5x64xi32, #tpu.memory_space<vmem>>, vector<16xi32>,
    tpu.vector_store %arg6[%swap3A_553, %swap3A_554], %or3A_542 {strides = array<i32>} : memref<5x64xi32, #tpu.memory_space<vmem>>, vector<16xi32>,
    %swap3A_556 = arith.constant 17 : i32
    %swap3A_557 = arith.index_cast %swap3A_556 : i32 to index
    %swap3A_558 = arith.constant 0 : index
    %swap3A_559 = tpu.vector_load %arg8[%swap3A_557, %swap3A_558] {strides = array<i32>} : memref<20x16xi32, #tpu.memory_space<vmem>>, vector<16xi32>,
    tpu.vector_store %arg8[%swap3A_557, %swap3A_558], %shift_left3A_551 {strides = array<i32>} : memref<20x16xi32, #tpu.memory_space<vmem>>, vector<16xi32>,
    %add3A_560 = arith.constant 18 : i32
    %add3A_561 = vector.broadcast %add3A_560 : i32 to vector<16xi32>
    %add3A_562 = arith.addi %mul3A_7, %add3A_561 : vector<16xi32>
    %gather3A_563 = tpu.vector_load_idx %arg5[%add3A_562] : memref<10752xi32, #tpu.memory_space<vmem>>[vector<16xi32>], vector<16xi32>,
    %shift_right_logical3A_564 = arith.constant 15 : i32
    %shift_right_logical3A_565 = vector.broadcast %shift_right_logical3A_564 : i32 to vector<16xi32>
    %shift_right_logical3A_566 = arith.shrui %gather3A_563, %shift_right_logical3A_565 : vector<16xi32>
    %shift_left3A_567 = arith.constant 13 : i32
    %shift_left3A_568 = vector.broadcast %shift_left3A_567 : i32 to vector<16xi32>
    %shift_left3A_569 = arith.shli %shift_right_logical3A_566, %shift_left3A_568 : vector<16xi32>
    %and3A_570 = arith.constant 8191 : i32
    %and3A_571 = vector.broadcast %and3A_570 : i32 to vector<16xi32>
    %and3A_572 = arith.andi %gather3A_563, %and3A_571 : vector<16xi32>
    %or3A_573 = arith.ori %shift_left3A_569, %and3A_572 : vector<16xi32>
    %shift_right_logical3A_574 = arith.constant 13 : i32
    %shift_right_logical3A_575 = vector.broadcast %shift_right_logical3A_574 : i32 to vector<16xi32>
    %shift_right_logical3A_576 = arith.shrui %gather3A_563, %shift_right_logical3A_575 : vector<16xi32>
    %and3A_577 = arith.constant 3 : i32
    %and3A_578 = vector.broadcast %and3A_577 : i32 to vector<16xi32>
    %and3A_579 = arith.andi %shift_right_logical3A_576, %and3A_578 : vector<16xi32>
    %shift_left3A_580 = arith.constant 5 : i32
    %shift_left3A_581 = vector.broadcast %shift_left3A_580 : i32 to vector<16xi32>
    %shift_left3A_582 = arith.shli %and3A_579, %shift_left3A_581 : vector<16xi32>
    %swap3A_583 = arith.constant 4 : i32
    %swap3A_584 = arith.index_cast %swap3A_583 : i32 to index
    %swap3A_585 = arith.constant 32 : index
    %swap3A_586 = tpu.vector_load %arg6[%swap3A_584, %swap3A_585] {strides = array<i32>} : memref<5x64xi32, #tpu.memory_space<vmem>>, vector<16xi32>,
    tpu.vector_store %arg6[%swap3A_584, %swap3A_585], %or3A_573 {strides = array<i32>} : memref<5x64xi32, #tpu.memory_space<vmem>>, vector<16xi32>,
    %swap3A_587 = arith.constant 18 : i32
    %swap3A_588 = arith.index_cast %swap3A_587 : i32 to index
    %swap3A_589 = arith.constant 0 : index
    %swap3A_590 = tpu.vector_load %arg8[%swap3A_588, %swap3A_589] {strides = array<i32>} : memref<20x16xi32, #tpu.memory_space<vmem>>, vector<16xi32>,
    tpu.vector_store %arg8[%swap3A_588, %swap3A_589], %shift_left3A_582 {strides = array<i32>} : memref<20x16xi32, #tpu.memory_space<vmem>>, vector<16xi32>,
    %add3A_591 = arith.constant 19 : i32
    %add3A_592 = vector.broadcast %add3A_591 : i32 to vector<16xi32>
    %add3A_593 = arith.addi %mul3A_7, %add3A_592 : vector<16xi32>
    %gather3A_594 = tpu.vector_load_idx %arg5[%add3A_593] : memref<10752xi32, #tpu.memory_space<vmem>>[vector<16xi32>], vector<16xi32>,
    %shift_right_logical3A_595 = arith.constant 15 : i32
    %shift_right_logical3A_596 = vector.broadcast %shift_right_logical3A_595 : i32 to vector<16xi32>
    %shift_right_logical3A_597 = arith.shrui %gather3A_594, %shift_right_logical3A_596 : vector<16xi32>
    %shift_left3A_598 = arith.constant 13 : i32
    %shift_left3A_599 = vector.broadcast %shift_left3A_598 : i32 to vector<16xi32>
    %shift_left3A_600 = arith.shli %shift_right_logical3A_597, %shift_left3A_599 : vector<16xi32>
    %and3A_601 = arith.constant 8191 : i32
    %and3A_602 = vector.broadcast %and3A_601 : i32 to vector<16xi32>
    %and3A_603 = arith.andi %gather3A_594, %and3A_602 : vector<16xi32>
    %or3A_604 = arith.ori %shift_left3A_600, %and3A_603 : vector<16xi32>
    %shift_right_logical3A_605 = arith.constant 13 : i32
    %shift_right_logical3A_606 = vector.broadcast %shift_right_logical3A_605 : i32 to vector<16xi32>
    %shift_right_logical3A_607 = arith.shrui %gather3A_594, %shift_right_logical3A_606 : vector<16xi32>
    %and3A_608 = arith.constant 3 : i32
    %and3A_609 = vector.broadcast %and3A_608 : i32 to vector<16xi32>
    %and3A_610 = arith.andi %shift_right_logical3A_607, %and3A_609 : vector<16xi32>
    %shift_left3A_611 = arith.constant 5 : i32
    %shift_left3A_612 = vector.broadcast %shift_left3A_611 : i32 to vector<16xi32>
    %shift_left3A_613 = arith.shli %and3A_610, %shift_left3A_612 : vector<16xi32>
    %swap3A_614 = arith.constant 4 : i32
    %swap3A_615 = arith.index_cast %swap3A_614 : i32 to index
    %swap3A_616 = arith.constant 48 : index
    %swap3A_617 = tpu.vector_load %arg6[%swap3A_615, %swap3A_616] {strides = array<i32>} : memref<5x64xi32, #tpu.memory_space<vmem>>, vector<16xi32>,
    tpu.vector_store %arg6[%swap3A_615, %swap3A_616], %or3A_604 {strides = array<i32>} : memref<5x64xi32, #tpu.memory_space<vmem>>, vector<16xi32>,
    %swap3A_618 = arith.constant 19 : i32
    %swap3A_619 = arith.index_cast %swap3A_618 : i32 to index
    %swap3A_620 = arith.constant 0 : index
    %swap3A_621 = tpu.vector_load %arg8[%swap3A_619, %swap3A_620] {strides = array<i32>} : memref<20x16xi32, #tpu.memory_space<vmem>>, vector<16xi32>,
    tpu.vector_store %arg8[%swap3A_619, %swap3A_620], %shift_left3A_613 {strides = array<i32>} : memref<20x16xi32, #tpu.memory_space<vmem>>, vector<16xi32>,
    %dma_start3A = arith.constant 0 : i32
    %dma_start3A_622 = arith.constant 0 : i32
    %dma_start3A_623 = arith.constant 0 : i32
    %dma_start3A_624 = tpu.memref_slice %arg10[%dma_start3A_622, %dma_start3A_623] : memref<320x128xf32, #tpu.memory_space<vmem>> -> memref<64x128xf32, #tpu.memory_space<vmem>>
    %dma_start3A_625 = arith.constant 0 : i32
    %dma_start3A_626 = tpu.memref_slice %arg6[%dma_start3A, %dma_start3A_625] : memref<5x64xi32, #tpu.memory_space<vmem>> -> memref<1x64xi32, #tpu.memory_space<vmem>>
    %dma_start3A_627 = tpu.memref_squeeze %dma_start3A_626 : memref<1x64xi32, #tpu.memory_space<vmem>> -> memref<64xi32, #tpu.memory_space<vmem>>
    %dma_start3A_628 = arith.constant 0 : i32
    %dma_start3A_629 = arith.constant 0 : i32
    %dma_start3A_630 = tpu.memref_slice %arg3[%dma_start3A_628, %dma_start3A_629] : memref<253952x128xf32, #tpu.memory_space<hbm>> -> memref<253952x128xf32, #tpu.memory_space<hbm>>
    tpu.enqueue_indirect_dma source(%dma_start3A_630 : memref<253952x128xf32, #tpu.memory_space<hbm>>) target(%dma_start3A_624 : memref<64x128xf32, #tpu.memory_space<vmem>>) offsets(%dma_start3A_627 : memref<64xi32, #tpu.memory_space<vmem>>) semaphore(%arg13 : memref<!tpu.dma_semaphore, #tpu.memory_space<semaphore_mem>>)
    %dma_start3A_631 = arith.constant 1 : i32
    %dma_start3A_632 = arith.constant 64 : i32
    %dma_start3A_633 = arith.constant 0 : i32
    %dma_start3A_634 = tpu.memref_slice %arg10[%dma_start3A_632, %dma_start3A_633] : memref<320x128xf32, #tpu.memory_space<vmem>> -> memref<64x128xf32, #tpu.memory_space<vmem>>
    %dma_start3A_635 = arith.constant 0 : i32
    %dma_start3A_636 = tpu.memref_slice %arg6[%dma_start3A_631, %dma_start3A_635] : memref<5x64xi32, #tpu.memory_space<vmem>> -> memref<1x64xi32, #tpu.memory_space<vmem>>
    %dma_start3A_637 = tpu.memref_squeeze %dma_start3A_636 : memref<1x64xi32, #tpu.memory_space<vmem>> -> memref<64xi32, #tpu.memory_space<vmem>>
    %dma_start3A_638 = arith.constant 0 : i32
    %dma_start3A_639 = arith.constant 0 : i32
    %dma_start3A_640 = tpu.memref_slice %arg3[%dma_start3A_638, %dma_start3A_639] : memref<253952x128xf32, #tpu.memory_space<hbm>> -> memref<253952x128xf32, #tpu.memory_space<hbm>>
    tpu.enqueue_indirect_dma source(%dma_start3A_640 : memref<253952x128xf32, #tpu.memory_space<hbm>>) target(%dma_start3A_634 : memref<64x128xf32, #tpu.memory_space<vmem>>) offsets(%dma_start3A_637 : memref<64xi32, #tpu.memory_space<vmem>>) semaphore(%arg13 : memref<!tpu.dma_semaphore, #tpu.memory_space<semaphore_mem>>)
    %dma_start3A_641 = arith.constant 2 : i32
    %dma_start3A_642 = arith.constant 128 : i32
    %dma_start3A_643 = arith.constant 0 : i32
    %dma_start3A_644 = tpu.memref_slice %arg10[%dma_start3A_642, %dma_start3A_643] : memref<320x128xf32, #tpu.memory_space<vmem>> -> memref<64x128xf32, #tpu.memory_space<vmem>>
    %dma_start3A_645 = arith.constant 0 : i32
    %dma_start3A_646 = tpu.memref_slice %arg6[%dma_start3A_641, %dma_start3A_645] : memref<5x64xi32, #tpu.memory_space<vmem>> -> memref<1x64xi32, #tpu.memory_space<vmem>>
    %dma_start3A_647 = tpu.memref_squeeze %dma_start3A_646 : memref<1x64xi32, #tpu.memory_space<vmem>> -> memref<64xi32, #tpu.memory_space<vmem>>
    %dma_start3A_648 = arith.constant 0 : i32
    %dma_start3A_649 = arith.constant 0 : i32
    %dma_start3A_650 = tpu.memref_slice %arg3[%dma_start3A_648, %dma_start3A_649] : memref<253952x128xf32, #tpu.memory_space<hbm>> -> memref<253952x128xf32, #tpu.memory_space<hbm>>
    tpu.enqueue_indirect_dma source(%dma_start3A_650 : memref<253952x128xf32, #tpu.memory_space<hbm>>) target(%dma_start3A_644 : memref<64x128xf32, #tpu.memory_space<vmem>>) offsets(%dma_start3A_647 : memref<64xi32, #tpu.memory_space<vmem>>) semaphore(%arg13 : memref<!tpu.dma_semaphore, #tpu.memory_space<semaphore_mem>>)
    %dma_start3A_651 = arith.constant 3 : i32
    %dma_start3A_652 = arith.constant 192 : i32
    %dma_start3A_653 = arith.constant 0 : i32
    %dma_start3A_654 = tpu.memref_slice %arg10[%dma_start3A_652, %dma_start3A_653] : memref<320x128xf32, #tpu.memory_space<vmem>> -> memref<64x128xf32, #tpu.memory_space<vmem>>
    %dma_start3A_655 = arith.constant 0 : i32
    %dma_start3A_656 = tpu.memref_slice %arg6[%dma_start3A_651, %dma_start3A_655] : memref<5x64xi32, #tpu.memory_space<vmem>> -> memref<1x64xi32, #tpu.memory_space<vmem>>
    %dma_start3A_657 = tpu.memref_squeeze %dma_start3A_656 : memref<1x64xi32, #tpu.memory_space<vmem>> -> memref<64xi32, #tpu.memory_space<vmem>>
    %dma_start3A_658 = arith.constant 0 : i32
    %dma_start3A_659 = arith.constant 0 : i32
    %dma_start3A_660 = tpu.memref_slice %arg3[%dma_start3A_658, %dma_start3A_659] : memref<253952x128xf32, #tpu.memory_space<hbm>> -> memref<253952x128xf32, #tpu.memory_space<hbm>>
    tpu.enqueue_indirect_dma source(%dma_start3A_660 : memref<253952x128xf32, #tpu.memory_space<hbm>>) target(%dma_start3A_654 : memref<64x128xf32, #tpu.memory_space<vmem>>) offsets(%dma_start3A_657 : memref<64xi32, #tpu.memory_space<vmem>>) semaphore(%arg13 : memref<!tpu.dma_semaphore, #tpu.memory_space<semaphore_mem>>)
    %dma_start3A_661 = arith.constant 4 : i32
    %dma_start3A_662 = arith.constant 256 : i32
    %dma_start3A_663 = arith.constant 0 : i32
    %dma_start3A_664 = tpu.memref_slice %arg10[%dma_start3A_662, %dma_start3A_663] : memref<320x128xf32, #tpu.memory_space<vmem>> -> memref<64x128xf32, #tpu.memory_space<vmem>>
    %dma_start3A_665 = arith.constant 0 : i32
    %dma_start3A_666 = tpu.memref_slice %arg6[%dma_start3A_661, %dma_start3A_665] : memref<5x64xi32, #tpu.memory_space<vmem>> -> memref<1x64xi32, #tpu.memory_space<vmem>>
    %dma_start3A_667 = tpu.memref_squeeze %dma_start3A_666 : memref<1x64xi32, #tpu.memory_space<vmem>> -> memref<64xi32, #tpu.memory_space<vmem>>
    %dma_start3A_668 = arith.constant 0 : i32
    %dma_start3A_669 = arith.constant 0 : i32
    %dma_start3A_670 = tpu.memref_slice %arg3[%dma_start3A_668, %dma_start3A_669] : memref<253952x128xf32, #tpu.memory_space<hbm>> -> memref<253952x128xf32, #tpu.memory_space<hbm>>
    tpu.enqueue_indirect_dma source(%dma_start3A_670 : memref<253952x128xf32, #tpu.memory_space<hbm>>) target(%dma_start3A_664 : memref<64x128xf32, #tpu.memory_space<vmem>>) offsets(%dma_start3A_667 : memref<64xi32, #tpu.memory_space<vmem>>) semaphore(%arg13 : memref<!tpu.dma_semaphore, #tpu.memory_space<semaphore_mem>>)
    %scan3A = arith.constant 0 : i32
    %scan3A_671 = arith.constant 0 : i32
    %scan3A_672 = arith.constant 16 : i32
    %scan3A_673 = arith.addi %scan3A_671, %scan3A_672 : i32
    %scan3A_674 = arith.constant 1 : i32
    scf.for %scan3A_676 = %scan3A_671 to %scan3A_673 step %scan3A_674  : i32 {
      %mul3A_677 = arith.constant 2 : i32
      %mul3A_678 = arith.muli %scan3A_676, %mul3A_677 : i32
      %add3A_679 = arith.constant 1 : i32
      %add3A_680 = arith.addi %mul3A_678, %add3A_679 : i32
      %mul3A_681 = arith.constant 336 : i32
      %mul3A_682 = arith.muli %add3A_680, %mul3A_681 : i32
      %add3A_683 = arith.constant 0 : i32
      %add3A_684 = arith.addi %mul3A_682, %add3A_683 : i32
      %add3A_685 = vector.broadcast %add3A_684 : i32 to vector<16xi32>
      %add3A_686 = arith.addi %mul3A_7, %add3A_685 : vector<16xi32>
      %gather3A_687 = tpu.vector_load_idx %arg5[%add3A_686] : memref<10752xi32, #tpu.memory_space<vmem>>[vector<16xi32>], vector<16xi32>,
      %shift_right_logical3A_688 = arith.constant 15 : i32
      %shift_right_logical3A_689 = vector.broadcast %shift_right_logical3A_688 : i32 to vector<16xi32>
      %shift_right_logical3A_690 = arith.shrui %gather3A_687, %shift_right_logical3A_689 : vector<16xi32>
      %shift_left3A_691 = arith.constant 13 : i32
      %shift_left3A_692 = vector.broadcast %shift_left3A_691 : i32 to vector<16xi32>
      %shift_left3A_693 = arith.shli %shift_right_logical3A_690, %shift_left3A_692 : vector<16xi32>
      %and3A_694 = arith.constant 8191 : i32
      %and3A_695 = vector.broadcast %and3A_694 : i32 to vector<16xi32>
      %and3A_696 = arith.andi %gather3A_687, %and3A_695 : vector<16xi32>
      %or3A_697 = arith.ori %shift_left3A_693, %and3A_696 : vector<16xi32>
      %shift_right_logical3A_698 = arith.constant 13 : i32
      %shift_right_logical3A_699 = vector.broadcast %shift_right_logical3A_698 : i32 to vector<16xi32>
      %shift_right_logical3A_700 = arith.shrui %gather3A_687, %shift_right_logical3A_699 : vector<16xi32>
      %and3A_701 = arith.constant 3 : i32
      %and3A_702 = vector.broadcast %and3A_701 : i32 to vector<16xi32>
      %and3A_703 = arith.andi %shift_right_logical3A_700, %and3A_702 : vector<16xi32>
      %shift_left3A_704 = arith.constant 5 : i32
      %shift_left3A_705 = vector.broadcast %shift_left3A_704 : i32 to vector<16xi32>
      %shift_left3A_706 = arith.shli %and3A_703, %shift_left3A_705 : vector<16xi32>
      %swap3A_707 = arith.constant 0 : i32
      %swap3A_708 = arith.index_cast %swap3A_707 : i32 to index
      %swap3A_709 = arith.constant 0 : index
      %swap3A_710 = tpu.vector_load %arg7[%swap3A_708, %swap3A_709] {strides = array<i32>} : memref<5x64xi32, #tpu.memory_space<vmem>>, vector<16xi32>,
      tpu.vector_store %arg7[%swap3A_708, %swap3A_709], %or3A_697 {strides = array<i32>} : memref<5x64xi32, #tpu.memory_space<vmem>>, vector<16xi32>,
      %swap3A_711 = arith.constant 0 : i32
      %swap3A_712 = arith.index_cast %swap3A_711 : i32 to index
      %swap3A_713 = arith.constant 0 : index
      %swap3A_714 = tpu.vector_load %arg9[%swap3A_712, %swap3A_713] {strides = array<i32>} : memref<20x16xi32, #tpu.memory_space<vmem>>, vector<16xi32>,
      tpu.vector_store %arg9[%swap3A_712, %swap3A_713], %shift_left3A_706 {strides = array<i32>} : memref<20x16xi32, #tpu.memory_space<vmem>>, vector<16xi32>,
      %mul3A_715 = arith.constant 336 : i32
      %mul3A_716 = arith.muli %add3A_680, %mul3A_715 : i32
      %add3A_717 = arith.constant 1 : i32
      %add3A_718 = arith.addi %mul3A_716, %add3A_717 : i32
      %add3A_719 = vector.broadcast %add3A_718 : i32 to vector<16xi32>
      %add3A_720 = arith.addi %mul3A_7, %add3A_719 : vector<16xi32>
      %gather3A_721 = tpu.vector_load_idx %arg5[%add3A_720] : memref<10752xi32, #tpu.memory_space<vmem>>[vector<16xi32>], vector<16xi32>,
      %shift_right_logical3A_722 = arith.constant 15 : i32
      %shift_right_logical3A_723 = vector.broadcast %shift_right_logical3A_722 : i32 to vector<16xi32>
      %shift_right_logical3A_724 = arith.shrui %gather3A_721, %shift_right_logical3A_723 : vector<16xi32>
      %shift_left3A_725 = arith.constant 13 : i32
      %shift_left3A_726 = vector.broadcast %shift_left3A_725 : i32 to vector<16xi32>
      %shift_left3A_727 = arith.shli %shift_right_logical3A_724, %shift_left3A_726 : vector<16xi32>
      %and3A_728 = arith.constant 8191 : i32
      %and3A_729 = vector.broadcast %and3A_728 : i32 to vector<16xi32>
      %and3A_730 = arith.andi %gather3A_721, %and3A_729 : vector<16xi32>
      %or3A_731 = arith.ori %shift_left3A_727, %and3A_730 : vector<16xi32>
      %shift_right_logical3A_732 = arith.constant 13 : i32
      %shift_right_logical3A_733 = vector.broadcast %shift_right_logical3A_732 : i32 to vector<16xi32>
      %shift_right_logical3A_734 = arith.shrui %gather3A_721, %shift_right_logical3A_733 : vector<16xi32>
      %and3A_735 = arith.constant 3 : i32
      %and3A_736 = vector.broadcast %and3A_735 : i32 to vector<16xi32>
      %and3A_737 = arith.andi %shift_right_logical3A_734, %and3A_736 : vector<16xi32>
      %shift_left3A_738 = arith.constant 5 : i32
      %shift_left3A_739 = vector.broadcast %shift_left3A_738 : i32 to vector<16xi32>
      %shift_left3A_740 = arith.shli %and3A_737, %shift_left3A_739 : vector<16xi32>
      %swap3A_741 = arith.constant 0 : i32
      %swap3A_742 = arith.index_cast %swap3A_741 : i32 to index
      %swap3A_743 = arith.constant 16 : index
      %swap3A_744 = tpu.vector_load %arg7[%swap3A_742, %swap3A_743] {strides = array<i32>} : memref<5x64xi32, #tpu.memory_space<vmem>>, vector<16xi32>,
      tpu.vector_store %arg7[%swap3A_742, %swap3A_743], %or3A_731 {strides = array<i32>} : memref<5x64xi32, #tpu.memory_space<vmem>>, vector<16xi32>,
      %swap3A_745 = arith.constant 1 : i32
      %swap3A_746 = arith.index_cast %swap3A_745 : i32 to index
      %swap3A_747 = arith.constant 0 : index
      %swap3A_748 = tpu.vector_load %arg9[%swap3A_746, %swap3A_747] {strides = array<i32>} : memref<20x16xi32, #tpu.memory_space<vmem>>, vector<16xi32>,
      tpu.vector_store %arg9[%swap3A_746, %swap3A_747], %shift_left3A_740 {strides = array<i32>} : memref<20x16xi32, #tpu.memory_space<vmem>>, vector<16xi32>,
      %mul3A_749 = arith.constant 336 : i32
      %mul3A_750 = arith.muli %add3A_680, %mul3A_749 : i32
      %add3A_751 = arith.constant 2 : i32
      %add3A_752 = arith.addi %mul3A_750, %add3A_751 : i32
      %add3A_753 = vector.broadcast %add3A_752 : i32 to vector<16xi32>
      %add3A_754 = arith.addi %mul3A_7, %add3A_753 : vector<16xi32>
      %gather3A_755 = tpu.vector_load_idx %arg5[%add3A_754] : memref<10752xi32, #tpu.memory_space<vmem>>[vector<16xi32>], vector<16xi32>,
      %shift_right_logical3A_756 = arith.constant 15 : i32
      %shift_right_logical3A_757 = vector.broadcast %shift_right_logical3A_756 : i32 to vector<16xi32>
      %shift_right_logical3A_758 = arith.shrui %gather3A_755, %shift_right_logical3A_757 : vector<16xi32>
      %shift_left3A_759 = arith.constant 13 : i32
      %shift_left3A_760 = vector.broadcast %shift_left3A_759 : i32 to vector<16xi32>
      %shift_left3A_761 = arith.shli %shift_right_logical3A_758, %shift_left3A_760 : vector<16xi32>
      %and3A_762 = arith.constant 8191 : i32
      %and3A_763 = vector.broadcast %and3A_762 : i32 to vector<16xi32>
      %and3A_764 = arith.andi %gather3A_755, %and3A_763 : vector<16xi32>
      %or3A_765 = arith.ori %shift_left3A_761, %and3A_764 : vector<16xi32>
      %shift_right_logical3A_766 = arith.constant 13 : i32
      %shift_right_logical3A_767 = vector.broadcast %shift_right_logical3A_766 : i32 to vector<16xi32>
      %shift_right_logical3A_768 = arith.shrui %gather3A_755, %shift_right_logical3A_767 : vector<16xi32>
      %and3A_769 = arith.constant 3 : i32
      %and3A_770 = vector.broadcast %and3A_769 : i32 to vector<16xi32>
      %and3A_771 = arith.andi %shift_right_logical3A_768, %and3A_770 : vector<16xi32>
      %shift_left3A_772 = arith.constant 5 : i32
      %shift_left3A_773 = vector.broadcast %shift_left3A_772 : i32 to vector<16xi32>
      %shift_left3A_774 = arith.shli %and3A_771, %shift_left3A_773 : vector<16xi32>
      %swap3A_775 = arith.constant 0 : i32
      %swap3A_776 = arith.index_cast %swap3A_775 : i32 to index
      %swap3A_777 = arith.constant 32 : index
      %swap3A_778 = tpu.vector_load %arg7[%swap3A_776, %swap3A_777] {strides = array<i32>} : memref<5x64xi32, #tpu.memory_space<vmem>>, vector<16xi32>,
      tpu.vector_store %arg7[%swap3A_776, %swap3A_777], %or3A_765 {strides = array<i32>} : memref<5x64xi32, #tpu.memory_space<vmem>>, vector<16xi32>,
      %swap3A_779 = arith.constant 2 : i32
      %swap3A_780 = arith.index_cast %swap3A_779 : i32 to index
      %swap3A_781 = arith.constant 0 : index
      %swap3A_782 = tpu.vector_load %arg9[%swap3A_780, %swap3A_781] {strides = array<i32>} : memref<20x16xi32, #tpu.memory_space<vmem>>, vector<16xi32>,
      tpu.vector_store %arg9[%swap3A_780, %swap3A_781], %shift_left3A_774 {strides = array<i32>} : memref<20x16xi32, #tpu.memory_space<vmem>>, vector<16xi32>,
      %mul3A_783 = arith.constant 336 : i32
      %mul3A_784 = arith.muli %add3A_680, %mul3A_783 : i32
      %add3A_785 = arith.constant 3 : i32
      %add3A_786 = arith.addi %mul3A_784, %add3A_785 : i32
      %add3A_787 = vector.broadcast %add3A_786 : i32 to vector<16xi32>
      %add3A_788 = arith.addi %mul3A_7, %add3A_787 : vector<16xi32>
      %gather3A_789 = tpu.vector_load_idx %arg5[%add3A_788] : memref<10752xi32, #tpu.memory_space<vmem>>[vector<16xi32>], vector<16xi32>,
      %shift_right_logical3A_790 = arith.constant 15 : i32
      %shift_right_logical3A_791 = vector.broadcast %shift_right_logical3A_790 : i32 to vector<16xi32>
      %shift_right_logical3A_792 = arith.shrui %gather3A_789, %shift_right_logical3A_791 : vector<16xi32>
      %shift_left3A_793 = arith.constant 13 : i32
      %shift_left3A_794 = vector.broadcast %shift_left3A_793 : i32 to vector<16xi32>
      %shift_left3A_795 = arith.shli %shift_right_logical3A_792, %shift_left3A_794 : vector<16xi32>
      %and3A_796 = arith.constant 8191 : i32
      %and3A_797 = vector.broadcast %and3A_796 : i32 to vector<16xi32>
      %and3A_798 = arith.andi %gather3A_789, %and3A_797 : vector<16xi32>
      %or3A_799 = arith.ori %shift_left3A_795, %and3A_798 : vector<16xi32>
      %shift_right_logical3A_800 = arith.constant 13 : i32
      %shift_right_logical3A_801 = vector.broadcast %shift_right_logical3A_800 : i32 to vector<16xi32>
      %shift_right_logical3A_802 = arith.shrui %gather3A_789, %shift_right_logical3A_801 : vector<16xi32>
      %and3A_803 = arith.constant 3 : i32
      %and3A_804 = vector.broadcast %and3A_803 : i32 to vector<16xi32>
      %and3A_805 = arith.andi %shift_right_logical3A_802, %and3A_804 : vector<16xi32>
      %shift_left3A_806 = arith.constant 5 : i32
      %shift_left3A_807 = vector.broadcast %shift_left3A_806 : i32 to vector<16xi32>
      %shift_left3A_808 = arith.shli %and3A_805, %shift_left3A_807 : vector<16xi32>
      %swap3A_809 = arith.constant 0 : i32
      %swap3A_810 = arith.index_cast %swap3A_809 : i32 to index
      %swap3A_811 = arith.constant 48 : index
      %swap3A_812 = tpu.vector_load %arg7[%swap3A_810, %swap3A_811] {strides = array<i32>} : memref<5x64xi32, #tpu.memory_space<vmem>>, vector<16xi32>,
      tpu.vector_store %arg7[%swap3A_810, %swap3A_811], %or3A_799 {strides = array<i32>} : memref<5x64xi32, #tpu.memory_space<vmem>>, vector<16xi32>,
      %swap3A_813 = arith.constant 3 : i32
      %swap3A_814 = arith.index_cast %swap3A_813 : i32 to index
      %swap3A_815 = arith.constant 0 : index
      %swap3A_816 = tpu.vector_load %arg9[%swap3A_814, %swap3A_815] {strides = array<i32>} : memref<20x16xi32, #tpu.memory_space<vmem>>, vector<16xi32>,
      tpu.vector_store %arg9[%swap3A_814, %swap3A_815], %shift_left3A_808 {strides = array<i32>} : memref<20x16xi32, #tpu.memory_space<vmem>>, vector<16xi32>,
      %mul3A_817 = arith.constant 336 : i32
      %mul3A_818 = arith.muli %add3A_680, %mul3A_817 : i32
      %add3A_819 = arith.constant 4 : i32
      %add3A_820 = arith.addi %mul3A_818, %add3A_819 : i32
      %add3A_821 = vector.broadcast %add3A_820 : i32 to vector<16xi32>
      %add3A_822 = arith.addi %mul3A_7, %add3A_821 : vector<16xi32>
      %gather3A_823 = tpu.vector_load_idx %arg5[%add3A_822] : memref<10752xi32, #tpu.memory_space<vmem>>[vector<16xi32>], vector<16xi32>,
      %shift_right_logical3A_824 = arith.constant 15 : i32
      %shift_right_logical3A_825 = vector.broadcast %shift_right_logical3A_824 : i32 to vector<16xi32>
      %shift_right_logical3A_826 = arith.shrui %gather3A_823, %shift_right_logical3A_825 : vector<16xi32>
      %shift_left3A_827 = arith.constant 13 : i32
      %shift_left3A_828 = vector.broadcast %shift_left3A_827 : i32 to vector<16xi32>
      %shift_left3A_829 = arith.shli %shift_right_logical3A_826, %shift_left3A_828 : vector<16xi32>
      %and3A_830 = arith.constant 8191 : i32
      %and3A_831 = vector.broadcast %and3A_830 : i32 to vector<16xi32>
      %and3A_832 = arith.andi %gather3A_823, %and3A_831 : vector<16xi32>
      %or3A_833 = arith.ori %shift_left3A_829, %and3A_832 : vector<16xi32>
      %shift_right_logical3A_834 = arith.constant 13 : i32
      %shift_right_logical3A_835 = vector.broadcast %shift_right_logical3A_834 : i32 to vector<16xi32>
      %shift_right_logical3A_836 = arith.shrui %gather3A_823, %shift_right_logical3A_835 : vector<16xi32>
      %and3A_837 = arith.constant 3 : i32
      %and3A_838 = vector.broadcast %and3A_837 : i32 to vector<16xi32>
      %and3A_839 = arith.andi %shift_right_logical3A_836, %and3A_838 : vector<16xi32>
      %shift_left3A_840 = arith.constant 5 : i32
      %shift_left3A_841 = vector.broadcast %shift_left3A_840 : i32 to vector<16xi32>
      %shift_left3A_842 = arith.shli %and3A_839, %shift_left3A_841 : vector<16xi32>
      %swap3A_843 = arith.constant 1 : i32
      %swap3A_844 = arith.index_cast %swap3A_843 : i32 to index
      %swap3A_845 = arith.constant 0 : index
      %swap3A_846 = tpu.vector_load %arg7[%swap3A_844, %swap3A_845] {strides = array<i32>} : memref<5x64xi32, #tpu.memory_space<vmem>>, vector<16xi32>,
      tpu.vector_store %arg7[%swap3A_844, %swap3A_845], %or3A_833 {strides = array<i32>} : memref<5x64xi32, #tpu.memory_space<vmem>>, vector<16xi32>,
      %swap3A_847 = arith.constant 4 : i32
      %swap3A_848 = arith.index_cast %swap3A_847 : i32 to index
      %swap3A_849 = arith.constant 0 : index
      %swap3A_850 = tpu.vector_load %arg9[%swap3A_848, %swap3A_849] {strides = array<i32>} : memref<20x16xi32, #tpu.memory_space<vmem>>, vector<16xi32>,
      tpu.vector_store %arg9[%swap3A_848, %swap3A_849], %shift_left3A_842 {strides = array<i32>} : memref<20x16xi32, #tpu.memory_space<vmem>>, vector<16xi32>,
      %mul3A_851 = arith.constant 336 : i32
      %mul3A_852 = arith.muli %add3A_680, %mul3A_851 : i32
      %add3A_853 = arith.constant 5 : i32
      %add3A_854 = arith.addi %mul3A_852, %add3A_853 : i32
      %add3A_855 = vector.broadcast %add3A_854 : i32 to vector<16xi32>
      %add3A_856 = arith.addi %mul3A_7, %add3A_855 : vector<16xi32>
      %gather3A_857 = tpu.vector_load_idx %arg5[%add3A_856] : memref<10752xi32, #tpu.memory_space<vmem>>[vector<16xi32>], vector<16xi32>,
      %shift_right_logical3A_858 = arith.constant 15 : i32
      %shift_right_logical3A_859 = vector.broadcast %shift_right_logical3A_858 : i32 to vector<16xi32>
      %shift_right_logical3A_860 = arith.shrui %gather3A_857, %shift_right_logical3A_859 : vector<16xi32>
      %shift_left3A_861 = arith.constant 13 : i32
      %shift_left3A_862 = vector.broadcast %shift_left3A_861 : i32 to vector<16xi32>
      %shift_left3A_863 = arith.shli %shift_right_logical3A_860, %shift_left3A_862 : vector<16xi32>
      %and3A_864 = arith.constant 8191 : i32
      %and3A_865 = vector.broadcast %and3A_864 : i32 to vector<16xi32>
      %and3A_866 = arith.andi %gather3A_857, %and3A_865 : vector<16xi32>
      %or3A_867 = arith.ori %shift_left3A_863, %and3A_866 : vector<16xi32>
      %shift_right_logical3A_868 = arith.constant 13 : i32
      %shift_right_logical3A_869 = vector.broadcast %shift_right_logical3A_868 : i32 to vector<16xi32>
      %shift_right_logical3A_870 = arith.shrui %gather3A_857, %shift_right_logical3A_869 : vector<16xi32>
      %and3A_871 = arith.constant 3 : i32
      %and3A_872 = vector.broadcast %and3A_871 : i32 to vector<16xi32>
      %and3A_873 = arith.andi %shift_right_logical3A_870, %and3A_872 : vector<16xi32>
      %shift_left3A_874 = arith.constant 5 : i32
      %shift_left3A_875 = vector.broadcast %shift_left3A_874 : i32 to vector<16xi32>
      %shift_left3A_876 = arith.shli %and3A_873, %shift_left3A_875 : vector<16xi32>
      %swap3A_877 = arith.constant 1 : i32
      %swap3A_878 = arith.index_cast %swap3A_877 : i32 to index
      %swap3A_879 = arith.constant 16 : index
      %swap3A_880 = tpu.vector_load %arg7[%swap3A_878, %swap3A_879] {strides = array<i32>} : memref<5x64xi32, #tpu.memory_space<vmem>>, vector<16xi32>,
      tpu.vector_store %arg7[%swap3A_878, %swap3A_879], %or3A_867 {strides = array<i32>} : memref<5x64xi32, #tpu.memory_space<vmem>>, vector<16xi32>,
      %swap3A_881 = arith.constant 5 : i32
      %swap3A_882 = arith.index_cast %swap3A_881 : i32 to index
      %swap3A_883 = arith.constant 0 : index
      %swap3A_884 = tpu.vector_load %arg9[%swap3A_882, %swap3A_883] {strides = array<i32>} : memref<20x16xi32, #tpu.memory_space<vmem>>, vector<16xi32>,
      tpu.vector_store %arg9[%swap3A_882, %swap3A_883], %shift_left3A_876 {strides = array<i32>} : memref<20x16xi32, #tpu.memory_space<vmem>>, vector<16xi32>,
      %mul3A_885 = arith.constant 336 : i32
      %mul3A_886 = arith.muli %add3A_680, %mul3A_885 : i32
      %add3A_887 = arith.constant 6 : i32
      %add3A_888 = arith.addi %mul3A_886, %add3A_887 : i32
      %add3A_889 = vector.broadcast %add3A_888 : i32 to vector<16xi32>
      %add3A_890 = arith.addi %mul3A_7, %add3A_889 : vector<16xi32>
      %gather3A_891 = tpu.vector_load_idx %arg5[%add3A_890] : memref<10752xi32, #tpu.memory_space<vmem>>[vector<16xi32>], vector<16xi32>,
      %shift_right_logical3A_892 = arith.constant 15 : i32
      %shift_right_logical3A_893 = vector.broadcast %shift_right_logical3A_892 : i32 to vector<16xi32>
      %shift_right_logical3A_894 = arith.shrui %gather3A_891, %shift_right_logical3A_893 : vector<16xi32>
      %shift_left3A_895 = arith.constant 13 : i32
      %shift_left3A_896 = vector.broadcast %shift_left3A_895 : i32 to vector<16xi32>
      %shift_left3A_897 = arith.shli %shift_right_logical3A_894, %shift_left3A_896 : vector<16xi32>
      %and3A_898 = arith.constant 8191 : i32
      %and3A_899 = vector.broadcast %and3A_898 : i32 to vector<16xi32>
      %and3A_900 = arith.andi %gather3A_891, %and3A_899 : vector<16xi32>
      %or3A_901 = arith.ori %shift_left3A_897, %and3A_900 : vector<16xi32>
      %shift_right_logical3A_902 = arith.constant 13 : i32
      %shift_right_logical3A_903 = vector.broadcast %shift_right_logical3A_902 : i32 to vector<16xi32>
      %shift_right_logical3A_904 = arith.shrui %gather3A_891, %shift_right_logical3A_903 : vector<16xi32>
      %and3A_905 = arith.constant 3 : i32
      %and3A_906 = vector.broadcast %and3A_905 : i32 to vector<16xi32>
      %and3A_907 = arith.andi %shift_right_logical3A_904, %and3A_906 : vector<16xi32>
      %shift_left3A_908 = arith.constant 5 : i32
      %shift_left3A_909 = vector.broadcast %shift_left3A_908 : i32 to vector<16xi32>
      %shift_left3A_910 = arith.shli %and3A_907, %shift_left3A_909 : vector<16xi32>
      %swap3A_911 = arith.constant 1 : i32
      %swap3A_912 = arith.index_cast %swap3A_911 : i32 to index
      %swap3A_913 = arith.constant 32 : index
      %swap3A_914 = tpu.vector_load %arg7[%swap3A_912, %swap3A_913] {strides = array<i32>} : memref<5x64xi32, #tpu.memory_space<vmem>>, vector<16xi32>,
      tpu.vector_store %arg7[%swap3A_912, %swap3A_913], %or3A_901 {strides = array<i32>} : memref<5x64xi32, #tpu.memory_space<vmem>>, vector<16xi32>,
      %swap3A_915 = arith.constant 6 : i32
      %swap3A_916 = arith.index_cast %swap3A_915 : i32 to index
      %swap3A_917 = arith.constant 0 : index
      %swap3A_918 = tpu.vector_load %arg9[%swap3A_916, %swap3A_917] {strides = array<i32>} : memref<20x16xi32, #tpu.memory_space<vmem>>, vector<16xi32>,
      tpu.vector_store %arg9[%swap3A_916, %swap3A_917], %shift_left3A_910 {strides = array<i32>} : memref<20x16xi32, #tpu.memory_space<vmem>>, vector<16xi32>,
      %mul3A_919 = arith.constant 336 : i32
      %mul3A_920 = arith.muli %add3A_680, %mul3A_919 : i32
      %add3A_921 = arith.constant 7 : i32
      %add3A_922 = arith.addi %mul3A_920, %add3A_921 : i32
      %add3A_923 = vector.broadcast %add3A_922 : i32 to vector<16xi32>
      %add3A_924 = arith.addi %mul3A_7, %add3A_923 : vector<16xi32>
      %gather3A_925 = tpu.vector_load_idx %arg5[%add3A_924] : memref<10752xi32, #tpu.memory_space<vmem>>[vector<16xi32>], vector<16xi32>,
      %shift_right_logical3A_926 = arith.constant 15 : i32
      %shift_right_logical3A_927 = vector.broadcast %shift_right_logical3A_926 : i32 to vector<16xi32>
      %shift_right_logical3A_928 = arith.shrui %gather3A_925, %shift_right_logical3A_927 : vector<16xi32>
      %shift_left3A_929 = arith.constant 13 : i32
      %shift_left3A_930 = vector.broadcast %shift_left3A_929 : i32 to vector<16xi32>
      %shift_left3A_931 = arith.shli %shift_right_logical3A_928, %shift_left3A_930 : vector<16xi32>
      %and3A_932 = arith.constant 8191 : i32
      %and3A_933 = vector.broadcast %and3A_932 : i32 to vector<16xi32>
      %and3A_934 = arith.andi %gather3A_925, %and3A_933 : vector<16xi32>
      %or3A_935 = arith.ori %shift_left3A_931, %and3A_934 : vector<16xi32>
      %shift_right_logical3A_936 = arith.constant 13 : i32
      %shift_right_logical3A_937 = vector.broadcast %shift_right_logical3A_936 : i32 to vector<16xi32>
      %shift_right_logical3A_938 = arith.shrui %gather3A_925, %shift_right_logical3A_937 : vector<16xi32>
      %and3A_939 = arith.constant 3 : i32
      %and3A_940 = vector.broadcast %and3A_939 : i32 to vector<16xi32>
      %and3A_941 = arith.andi %shift_right_logical3A_938, %and3A_940 : vector<16xi32>
      %shift_left3A_942 = arith.constant 5 : i32
      %shift_left3A_943 = vector.broadcast %shift_left3A_942 : i32 to vector<16xi32>
      %shift_left3A_944 = arith.shli %and3A_941, %shift_left3A_943 : vector<16xi32>
      %swap3A_945 = arith.constant 1 : i32
      %swap3A_946 = arith.index_cast %swap3A_945 : i32 to index
      %swap3A_947 = arith.constant 48 : index
      %swap3A_948 = tpu.vector_load %arg7[%swap3A_946, %swap3A_947] {strides = array<i32>} : memref<5x64xi32, #tpu.memory_space<vmem>>, vector<16xi32>,
      tpu.vector_store %arg7[%swap3A_946, %swap3A_947], %or3A_935 {strides = array<i32>} : memref<5x64xi32, #tpu.memory_space<vmem>>, vector<16xi32>,
      %swap3A_949 = arith.constant 7 : i32
      %swap3A_950 = arith.index_cast %swap3A_949 : i32 to index
      %swap3A_951 = arith.constant 0 : index
      %swap3A_952 = tpu.vector_load %arg9[%swap3A_950, %swap3A_951] {strides = array<i32>} : memref<20x16xi32, #tpu.memory_space<vmem>>, vector<16xi32>,
      tpu.vector_store %arg9[%swap3A_950, %swap3A_951], %shift_left3A_944 {strides = array<i32>} : memref<20x16xi32, #tpu.memory_space<vmem>>, vector<16xi32>,
      %mul3A_953 = arith.constant 336 : i32
      %mul3A_954 = arith.muli %add3A_680, %mul3A_953 : i32
      %add3A_955 = arith.constant 8 : i32
      %add3A_956 = arith.addi %mul3A_954, %add3A_955 : i32
      %add3A_957 = vector.broadcast %add3A_956 : i32 to vector<16xi32>
      %add3A_958 = arith.addi %mul3A_7, %add3A_957 : vector<16xi32>
      %gather3A_959 = tpu.vector_load_idx %arg5[%add3A_958] : memref<10752xi32, #tpu.memory_space<vmem>>[vector<16xi32>], vector<16xi32>,
      %shift_right_logical3A_960 = arith.constant 15 : i32
      %shift_right_logical3A_961 = vector.broadcast %shift_right_logical3A_960 : i32 to vector<16xi32>
      %shift_right_logical3A_962 = arith.shrui %gather3A_959, %shift_right_logical3A_961 : vector<16xi32>
      %shift_left3A_963 = arith.constant 13 : i32
      %shift_left3A_964 = vector.broadcast %shift_left3A_963 : i32 to vector<16xi32>
      %shift_left3A_965 = arith.shli %shift_right_logical3A_962, %shift_left3A_964 : vector<16xi32>
      %and3A_966 = arith.constant 8191 : i32
      %and3A_967 = vector.broadcast %and3A_966 : i32 to vector<16xi32>
      %and3A_968 = arith.andi %gather3A_959, %and3A_967 : vector<16xi32>
      %or3A_969 = arith.ori %shift_left3A_965, %and3A_968 : vector<16xi32>
      %shift_right_logical3A_970 = arith.constant 13 : i32
      %shift_right_logical3A_971 = vector.broadcast %shift_right_logical3A_970 : i32 to vector<16xi32>
      %shift_right_logical3A_972 = arith.shrui %gather3A_959, %shift_right_logical3A_971 : vector<16xi32>
      %and3A_973 = arith.constant 3 : i32
      %and3A_974 = vector.broadcast %and3A_973 : i32 to vector<16xi32>
      %and3A_975 = arith.andi %shift_right_logical3A_972, %and3A_974 : vector<16xi32>
      %shift_left3A_976 = arith.constant 5 : i32
      %shift_left3A_977 = vector.broadcast %shift_left3A_976 : i32 to vector<16xi32>
      %shift_left3A_978 = arith.shli %and3A_975, %shift_left3A_977 : vector<16xi32>
      %swap3A_979 = arith.constant 2 : i32
      %swap3A_980 = arith.index_cast %swap3A_979 : i32 to index
      %swap3A_981 = arith.constant 0 : index
      %swap3A_982 = tpu.vector_load %arg7[%swap3A_980, %swap3A_981] {strides = array<i32>} : memref<5x64xi32, #tpu.memory_space<vmem>>, vector<16xi32>,
      tpu.vector_store %arg7[%swap3A_980, %swap3A_981], %or3A_969 {strides = array<i32>} : memref<5x64xi32, #tpu.memory_space<vmem>>, vector<16xi32>,
      %swap3A_983 = arith.constant 8 : i32
      %swap3A_984 = arith.index_cast %swap3A_983 : i32 to index
      %swap3A_985 = arith.constant 0 : index
      %swap3A_986 = tpu.vector_load %arg9[%swap3A_984, %swap3A_985] {strides = array<i32>} : memref<20x16xi32, #tpu.memory_space<vmem>>, vector<16xi32>,
      tpu.vector_store %arg9[%swap3A_984, %swap3A_985], %shift_left3A_978 {strides = array<i32>} : memref<20x16xi32, #tpu.memory_space<vmem>>, vector<16xi32>,
      %mul3A_987 = arith.constant 336 : i32
      %mul3A_988 = arith.muli %add3A_680, %mul3A_987 : i32
      %add3A_989 = arith.constant 9 : i32
      %add3A_990 = arith.addi %mul3A_988, %add3A_989 : i32
      %add3A_991 = vector.broadcast %add3A_990 : i32 to vector<16xi32>
      %add3A_992 = arith.addi %mul3A_7, %add3A_991 : vector<16xi32>
      %gather3A_993 = tpu.vector_load_idx %arg5[%add3A_992] : memref<10752xi32, #tpu.memory_space<vmem>>[vector<16xi32>], vector<16xi32>,
      %shift_right_logical3A_994 = arith.constant 15 : i32
      %shift_right_logical3A_995 = vector.broadcast %shift_right_logical3A_994 : i32 to vector<16xi32>
      %shift_right_logical3A_996 = arith.shrui %gather3A_993, %shift_right_logical3A_995 : vector<16xi32>
      %shift_left3A_997 = arith.constant 13 : i32
      %shift_left3A_998 = vector.broadcast %shift_left3A_997 : i32 to vector<16xi32>
      %shift_left3A_999 = arith.shli %shift_right_logical3A_996, %shift_left3A_998 : vector<16xi32>
      %and3A_1000 = arith.constant 8191 : i32
      %and3A_1001 = vector.broadcast %and3A_1000 : i32 to vector<16xi32>
      %and3A_1002 = arith.andi %gather3A_993, %and3A_1001 : vector<16xi32>
      %or3A_1003 = arith.ori %shift_left3A_999, %and3A_1002 : vector<16xi32>
      %shift_right_logical3A_1004 = arith.constant 13 : i32
      %shift_right_logical3A_1005 = vector.broadcast %shift_right_logical3A_1004 : i32 to vector<16xi32>
      %shift_right_logical3A_1006 = arith.shrui %gather3A_993, %shift_right_logical3A_1005 : vector<16xi32>
      %and3A_1007 = arith.constant 3 : i32
      %and3A_1008 = vector.broadcast %and3A_1007 : i32 to vector<16xi32>
      %and3A_1009 = arith.andi %shift_right_logical3A_1006, %and3A_1008 : vector<16xi32>
      %shift_left3A_1010 = arith.constant 5 : i32
      %shift_left3A_1011 = vector.broadcast %shift_left3A_1010 : i32 to vector<16xi32>
      %shift_left3A_1012 = arith.shli %and3A_1009, %shift_left3A_1011 : vector<16xi32>
      %swap3A_1013 = arith.constant 2 : i32
      %swap3A_1014 = arith.index_cast %swap3A_1013 : i32 to index
      %swap3A_1015 = arith.constant 16 : index
      %swap3A_1016 = tpu.vector_load %arg7[%swap3A_1014, %swap3A_1015] {strides = array<i32>} : memref<5x64xi32, #tpu.memory_space<vmem>>, vector<16xi32>,
      tpu.vector_store %arg7[%swap3A_1014, %swap3A_1015], %or3A_1003 {strides = array<i32>} : memref<5x64xi32, #tpu.memory_space<vmem>>, vector<16xi32>,
      %swap3A_1017 = arith.constant 9 : i32
      %swap3A_1018 = arith.index_cast %swap3A_1017 : i32 to index
      %swap3A_1019 = arith.constant 0 : index
      %swap3A_1020 = tpu.vector_load %arg9[%swap3A_1018, %swap3A_1019] {strides = array<i32>} : memref<20x16xi32, #tpu.memory_space<vmem>>, vector<16xi32>,
      tpu.vector_store %arg9[%swap3A_1018, %swap3A_1019], %shift_left3A_1012 {strides = array<i32>} : memref<20x16xi32, #tpu.memory_space<vmem>>, vector<16xi32>,
      %mul3A_1021 = arith.constant 336 : i32
      %mul3A_1022 = arith.muli %add3A_680, %mul3A_1021 : i32
      %add3A_1023 = arith.constant 10 : i32
      %add3A_1024 = arith.addi %mul3A_1022, %add3A_1023 : i32
      %add3A_1025 = vector.broadcast %add3A_1024 : i32 to vector<16xi32>
      %add3A_1026 = arith.addi %mul3A_7, %add3A_1025 : vector<16xi32>
      %gather3A_1027 = tpu.vector_load_idx %arg5[%add3A_1026] : memref<10752xi32, #tpu.memory_space<vmem>>[vector<16xi32>], vector<16xi32>,
      %shift_right_logical3A_1028 = arith.constant 15 : i32
      %shift_right_logical3A_1029 = vector.broadcast %shift_right_logical3A_1028 : i32 to vector<16xi32>
      %shift_right_logical3A_1030 = arith.shrui %gather3A_1027, %shift_right_logical3A_1029 : vector<16xi32>
      %shift_left3A_1031 = arith.constant 13 : i32
      %shift_left3A_1032 = vector.broadcast %shift_left3A_1031 : i32 to vector<16xi32>
      %shift_left3A_1033 = arith.shli %shift_right_logical3A_1030, %shift_left3A_1032 : vector<16xi32>
      %and3A_1034 = arith.constant 8191 : i32
      %and3A_1035 = vector.broadcast %and3A_1034 : i32 to vector<16xi32>
      %and3A_1036 = arith.andi %gather3A_1027, %and3A_1035 : vector<16xi32>
      %or3A_1037 = arith.ori %shift_left3A_1033, %and3A_1036 : vector<16xi32>
      %shift_right_logical3A_1038 = arith.constant 13 : i32
      %shift_right_logical3A_1039 = vector.broadcast %shift_right_logical3A_1038 : i32 to vector<16xi32>
      %shift_right_logical3A_1040 = arith.shrui %gather3A_1027, %shift_right_logical3A_1039 : vector<16xi32>
      %and3A_1041 = arith.constant 3 : i32
      %and3A_1042 = vector.broadcast %and3A_1041 : i32 to vector<16xi32>
      %and3A_1043 = arith.andi %shift_right_logical3A_1040, %and3A_1042 : vector<16xi32>
      %shift_left3A_1044 = arith.constant 5 : i32
      %shift_left3A_1045 = vector.broadcast %shift_left3A_1044 : i32 to vector<16xi32>
      %shift_left3A_1046 = arith.shli %and3A_1043, %shift_left3A_1045 : vector<16xi32>
      %swap3A_1047 = arith.constant 2 : i32
      %swap3A_1048 = arith.index_cast %swap3A_1047 : i32 to index
      %swap3A_1049 = arith.constant 32 : index
      %swap3A_1050 = tpu.vector_load %arg7[%swap3A_1048, %swap3A_1049] {strides = array<i32>} : memref<5x64xi32, #tpu.memory_space<vmem>>, vector<16xi32>,
      tpu.vector_store %arg7[%swap3A_1048, %swap3A_1049], %or3A_1037 {strides = array<i32>} : memref<5x64xi32, #tpu.memory_space<vmem>>, vector<16xi32>,
      %swap3A_1051 = arith.constant 10 : i32
      %swap3A_1052 = arith.index_cast %swap3A_1051 : i32 to index
      %swap3A_1053 = arith.constant 0 : index
      %swap3A_1054 = tpu.vector_load %arg9[%swap3A_1052, %swap3A_1053] {strides = array<i32>} : memref<20x16xi32, #tpu.memory_space<vmem>>, vector<16xi32>,
      tpu.vector_store %arg9[%swap3A_1052, %swap3A_1053], %shift_left3A_1046 {strides = array<i32>} : memref<20x16xi32, #tpu.memory_space<vmem>>, vector<16xi32>,
      %mul3A_1055 = arith.constant 336 : i32
      %mul3A_1056 = arith.muli %add3A_680, %mul3A_1055 : i32
      %add3A_1057 = arith.constant 11 : i32
      %add3A_1058 = arith.addi %mul3A_1056, %add3A_1057 : i32
      %add3A_1059 = vector.broadcast %add3A_1058 : i32 to vector<16xi32>
      %add3A_1060 = arith.addi %mul3A_7, %add3A_1059 : vector<16xi32>
      %gather3A_1061 = tpu.vector_load_idx %arg5[%add3A_1060] : memref<10752xi32, #tpu.memory_space<vmem>>[vector<16xi32>], vector<16xi32>,
      %shift_right_logical3A_1062 = arith.constant 15 : i32
      %shift_right_logical3A_1063 = vector.broadcast %shift_right_logical3A_1062 : i32 to vector<16xi32>
      %shift_right_logical3A_1064 = arith.shrui %gather3A_1061, %shift_right_logical3A_1063 : vector<16xi32>
      %shift_left3A_1065 = arith.constant 13 : i32
      %shift_left3A_1066 = vector.broadcast %shift_left3A_1065 : i32 to vector<16xi32>
      %shift_left3A_1067 = arith.shli %shift_right_logical3A_1064, %shift_left3A_1066 : vector<16xi32>
      %and3A_1068 = arith.constant 8191 : i32
      %and3A_1069 = vector.broadcast %and3A_1068 : i32 to vector<16xi32>
      %and3A_1070 = arith.andi %gather3A_1061, %and3A_1069 : vector<16xi32>
      %or3A_1071 = arith.ori %shift_left3A_1067, %and3A_1070 : vector<16xi32>
      %shift_right_logical3A_1072 = arith.constant 13 : i32
      %shift_right_logical3A_1073 = vector.broadcast %shift_right_logical3A_1072 : i32 to vector<16xi32>
      %shift_right_logical3A_1074 = arith.shrui %gather3A_1061, %shift_right_logical3A_1073 : vector<16xi32>
      %and3A_1075 = arith.constant 3 : i32
      %and3A_1076 = vector.broadcast %and3A_1075 : i32 to vector<16xi32>
      %and3A_1077 = arith.andi %shift_right_logical3A_1074, %and3A_1076 : vector<16xi32>
      %shift_left3A_1078 = arith.constant 5 : i32
      %shift_left3A_1079 = vector.broadcast %shift_left3A_1078 : i32 to vector<16xi32>
      %shift_left3A_1080 = arith.shli %and3A_1077, %shift_left3A_1079 : vector<16xi32>
      %swap3A_1081 = arith.constant 2 : i32
      %swap3A_1082 = arith.index_cast %swap3A_1081 : i32 to index
      %swap3A_1083 = arith.constant 48 : index
      %swap3A_1084 = tpu.vector_load %arg7[%swap3A_1082, %swap3A_1083] {strides = array<i32>} : memref<5x64xi32, #tpu.memory_space<vmem>>, vector<16xi32>,
      tpu.vector_store %arg7[%swap3A_1082, %swap3A_1083], %or3A_1071 {strides = array<i32>} : memref<5x64xi32, #tpu.memory_space<vmem>>, vector<16xi32>,
      %swap3A_1085 = arith.constant 11 : i32
      %swap3A_1086 = arith.index_cast %swap3A_1085 : i32 to index
      %swap3A_1087 = arith.constant 0 : index
      %swap3A_1088 = tpu.vector_load %arg9[%swap3A_1086, %swap3A_1087] {strides = array<i32>} : memref<20x16xi32, #tpu.memory_space<vmem>>, vector<16xi32>,
      tpu.vector_store %arg9[%swap3A_1086, %swap3A_1087], %shift_left3A_1080 {strides = array<i32>} : memref<20x16xi32, #tpu.memory_space<vmem>>, vector<16xi32>,
      %mul3A_1089 = arith.constant 336 : i32
      %mul3A_1090 = arith.muli %add3A_680, %mul3A_1089 : i32
      %add3A_1091 = arith.constant 12 : i32
      %add3A_1092 = arith.addi %mul3A_1090, %add3A_1091 : i32
      %add3A_1093 = vector.broadcast %add3A_1092 : i32 to vector<16xi32>
      %add3A_1094 = arith.addi %mul3A_7, %add3A_1093 : vector<16xi32>
      %gather3A_1095 = tpu.vector_load_idx %arg5[%add3A_1094] : memref<10752xi32, #tpu.memory_space<vmem>>[vector<16xi32>], vector<16xi32>,
      %shift_right_logical3A_1096 = arith.constant 15 : i32
      %shift_right_logical3A_1097 = vector.broadcast %shift_right_logical3A_1096 : i32 to vector<16xi32>
      %shift_right_logical3A_1098 = arith.shrui %gather3A_1095, %shift_right_logical3A_1097 : vector<16xi32>
      %shift_left3A_1099 = arith.constant 13 : i32
      %shift_left3A_1100 = vector.broadcast %shift_left3A_1099 : i32 to vector<16xi32>
      %shift_left3A_1101 = arith.shli %shift_right_logical3A_1098, %shift_left3A_1100 : vector<16xi32>
      %and3A_1102 = arith.constant 8191 : i32
      %and3A_1103 = vector.broadcast %and3A_1102 : i32 to vector<16xi32>
      %and3A_1104 = arith.andi %gather3A_1095, %and3A_1103 : vector<16xi32>
      %or3A_1105 = arith.ori %shift_left3A_1101, %and3A_1104 : vector<16xi32>
      %shift_right_logical3A_1106 = arith.constant 13 : i32
      %shift_right_logical3A_1107 = vector.broadcast %shift_right_logical3A_1106 : i32 to vector<16xi32>
      %shift_right_logical3A_1108 = arith.shrui %gather3A_1095, %shift_right_logical3A_1107 : vector<16xi32>
      %and3A_1109 = arith.constant 3 : i32
      %and3A_1110 = vector.broadcast %and3A_1109 : i32 to vector<16xi32>
      %and3A_1111 = arith.andi %shift_right_logical3A_1108, %and3A_1110 : vector<16xi32>
      %shift_left3A_1112 = arith.constant 5 : i32
      %shift_left3A_1113 = vector.broadcast %shift_left3A_1112 : i32 to vector<16xi32>
      %shift_left3A_1114 = arith.shli %and3A_1111, %shift_left3A_1113 : vector<16xi32>
      %swap3A_1115 = arith.constant 3 : i32
      %swap3A_1116 = arith.index_cast %swap3A_1115 : i32 to index
      %swap3A_1117 = arith.constant 0 : index
      %swap3A_1118 = tpu.vector_load %arg7[%swap3A_1116, %swap3A_1117] {strides = array<i32>} : memref<5x64xi32, #tpu.memory_space<vmem>>, vector<16xi32>,
      tpu.vector_store %arg7[%swap3A_1116, %swap3A_1117], %or3A_1105 {strides = array<i32>} : memref<5x64xi32, #tpu.memory_space<vmem>>, vector<16xi32>,
      %swap3A_1119 = arith.constant 12 : i32
      %swap3A_1120 = arith.index_cast %swap3A_1119 : i32 to index
      %swap3A_1121 = arith.constant 0 : index
      %swap3A_1122 = tpu.vector_load %arg9[%swap3A_1120, %swap3A_1121] {strides = array<i32>} : memref<20x16xi32, #tpu.memory_space<vmem>>, vector<16xi32>,
      tpu.vector_store %arg9[%swap3A_1120, %swap3A_1121], %shift_left3A_1114 {strides = array<i32>} : memref<20x16xi32, #tpu.memory_space<vmem>>, vector<16xi32>,
      %mul3A_1123 = arith.constant 336 : i32
      %mul3A_1124 = arith.muli %add3A_680, %mul3A_1123 : i32
      %add3A_1125 = arith.constant 13 : i32
      %add3A_1126 = arith.addi %mul3A_1124, %add3A_1125 : i32
      %add3A_1127 = vector.broadcast %add3A_1126 : i32 to vector<16xi32>
      %add3A_1128 = arith.addi %mul3A_7, %add3A_1127 : vector<16xi32>
      %gather3A_1129 = tpu.vector_load_idx %arg5[%add3A_1128] : memref<10752xi32, #tpu.memory_space<vmem>>[vector<16xi32>], vector<16xi32>,
      %shift_right_logical3A_1130 = arith.constant 15 : i32
      %shift_right_logical3A_1131 = vector.broadcast %shift_right_logical3A_1130 : i32 to vector<16xi32>
      %shift_right_logical3A_1132 = arith.shrui %gather3A_1129, %shift_right_logical3A_1131 : vector<16xi32>
      %shift_left3A_1133 = arith.constant 13 : i32
      %shift_left3A_1134 = vector.broadcast %shift_left3A_1133 : i32 to vector<16xi32>
      %shift_left3A_1135 = arith.shli %shift_right_logical3A_1132, %shift_left3A_1134 : vector<16xi32>
      %and3A_1136 = arith.constant 8191 : i32
      %and3A_1137 = vector.broadcast %and3A_1136 : i32 to vector<16xi32>
      %and3A_1138 = arith.andi %gather3A_1129, %and3A_1137 : vector<16xi32>
      %or3A_1139 = arith.ori %shift_left3A_1135, %and3A_1138 : vector<16xi32>
      %shift_right_logical3A_1140 = arith.constant 13 : i32
      %shift_right_logical3A_1141 = vector.broadcast %shift_right_logical3A_1140 : i32 to vector<16xi32>
      %shift_right_logical3A_1142 = arith.shrui %gather3A_1129, %shift_right_logical3A_1141 : vector<16xi32>
      %and3A_1143 = arith.constant 3 : i32
      %and3A_1144 = vector.broadcast %and3A_1143 : i32 to vector<16xi32>
      %and3A_1145 = arith.andi %shift_right_logical3A_1142, %and3A_1144 : vector<16xi32>
      %shift_left3A_1146 = arith.constant 5 : i32
      %shift_left3A_1147 = vector.broadcast %shift_left3A_1146 : i32 to vector<16xi32>
      %shift_left3A_1148 = arith.shli %and3A_1145, %shift_left3A_1147 : vector<16xi32>
      %swap3A_1149 = arith.constant 3 : i32
      %swap3A_1150 = arith.index_cast %swap3A_1149 : i32 to index
      %swap3A_1151 = arith.constant 16 : index
      %swap3A_1152 = tpu.vector_load %arg7[%swap3A_1150, %swap3A_1151] {strides = array<i32>} : memref<5x64xi32, #tpu.memory_space<vmem>>, vector<16xi32>,
      tpu.vector_store %arg7[%swap3A_1150, %swap3A_1151], %or3A_1139 {strides = array<i32>} : memref<5x64xi32, #tpu.memory_space<vmem>>, vector<16xi32>,
      %swap3A_1153 = arith.constant 13 : i32
      %swap3A_1154 = arith.index_cast %swap3A_1153 : i32 to index
      %swap3A_1155 = arith.constant 0 : index
      %swap3A_1156 = tpu.vector_load %arg9[%swap3A_1154, %swap3A_1155] {strides = array<i32>} : memref<20x16xi32, #tpu.memory_space<vmem>>, vector<16xi32>,
      tpu.vector_store %arg9[%swap3A_1154, %swap3A_1155], %shift_left3A_1148 {strides = array<i32>} : memref<20x16xi32, #tpu.memory_space<vmem>>, vector<16xi32>,
      %mul3A_1157 = arith.constant 336 : i32
      %mul3A_1158 = arith.muli %add3A_680, %mul3A_1157 : i32
      %add3A_1159 = arith.constant 14 : i32
      %add3A_1160 = arith.addi %mul3A_1158, %add3A_1159 : i32
      %add3A_1161 = vector.broadcast %add3A_1160 : i32 to vector<16xi32>
      %add3A_1162 = arith.addi %mul3A_7, %add3A_1161 : vector<16xi32>
      %gather3A_1163 = tpu.vector_load_idx %arg5[%add3A_1162] : memref<10752xi32, #tpu.memory_space<vmem>>[vector<16xi32>], vector<16xi32>,
      %shift_right_logical3A_1164 = arith.constant 15 : i32
      %shift_right_logical3A_1165 = vector.broadcast %shift_right_logical3A_1164 : i32 to vector<16xi32>
      %shift_right_logical3A_1166 = arith.shrui %gather3A_1163, %shift_right_logical3A_1165 : vector<16xi32>
      %shift_left3A_1167 = arith.constant 13 : i32
      %shift_left3A_1168 = vector.broadcast %shift_left3A_1167 : i32 to vector<16xi32>
      %shift_left3A_1169 = arith.shli %shift_right_logical3A_1166, %shift_left3A_1168 : vector<16xi32>
      %and3A_1170 = arith.constant 8191 : i32
      %and3A_1171 = vector.broadcast %and3A_1170 : i32 to vector<16xi32>
      %and3A_1172 = arith.andi %gather3A_1163, %and3A_1171 : vector<16xi32>
      %or3A_1173 = arith.ori %shift_left3A_1169, %and3A_1172 : vector<16xi32>
      %shift_right_logical3A_1174 = arith.constant 13 : i32
      %shift_right_logical3A_1175 = vector.broadcast %shift_right_logical3A_1174 : i32 to vector<16xi32>
      %shift_right_logical3A_1176 = arith.shrui %gather3A_1163, %shift_right_logical3A_1175 : vector<16xi32>
      %and3A_1177 = arith.constant 3 : i32
      %and3A_1178 = vector.broadcast %and3A_1177 : i32 to vector<16xi32>
      %and3A_1179 = arith.andi %shift_right_logical3A_1176, %and3A_1178 : vector<16xi32>
      %shift_left3A_1180 = arith.constant 5 : i32
      %shift_left3A_1181 = vector.broadcast %shift_left3A_1180 : i32 to vector<16xi32>
      %shift_left3A_1182 = arith.shli %and3A_1179, %shift_left3A_1181 : vector<16xi32>
      %swap3A_1183 = arith.constant 3 : i32
      %swap3A_1184 = arith.index_cast %swap3A_1183 : i32 to index
      %swap3A_1185 = arith.constant 32 : index
      %swap3A_1186 = tpu.vector_load %arg7[%swap3A_1184, %swap3A_1185] {strides = array<i32>} : memref<5x64xi32, #tpu.memory_space<vmem>>, vector<16xi32>,
      tpu.vector_store %arg7[%swap3A_1184, %swap3A_1185], %or3A_1173 {strides = array<i32>} : memref<5x64xi32, #tpu.memory_space<vmem>>, vector<16xi32>,
      %swap3A_1187 = arith.constant 14 : i32
      %swap3A_1188 = arith.index_cast %swap3A_1187 : i32 to index
      %swap3A_1189 = arith.constant 0 : index
      %swap3A_1190 = tpu.vector_load %arg9[%swap3A_1188, %swap3A_1189] {strides = array<i32>} : memref<20x16xi32, #tpu.memory_space<vmem>>, vector<16xi32>,
      tpu.vector_store %arg9[%swap3A_1188, %swap3A_1189], %shift_left3A_1182 {strides = array<i32>} : memref<20x16xi32, #tpu.memory_space<vmem>>, vector<16xi32>,
      %mul3A_1191 = arith.constant 336 : i32
      %mul3A_1192 = arith.muli %add3A_680, %mul3A_1191 : i32
      %add3A_1193 = arith.constant 15 : i32
      %add3A_1194 = arith.addi %mul3A_1192, %add3A_1193 : i32
      %add3A_1195 = vector.broadcast %add3A_1194 : i32 to vector<16xi32>
      %add3A_1196 = arith.addi %mul3A_7, %add3A_1195 : vector<16xi32>
      %gather3A_1197 = tpu.vector_load_idx %arg5[%add3A_1196] : memref<10752xi32, #tpu.memory_space<vmem>>[vector<16xi32>], vector<16xi32>,
      %shift_right_logical3A_1198 = arith.constant 15 : i32
      %shift_right_logical3A_1199 = vector.broadcast %shift_right_logical3A_1198 : i32 to vector<16xi32>
      %shift_right_logical3A_1200 = arith.shrui %gather3A_1197, %shift_right_logical3A_1199 : vector<16xi32>
      %shift_left3A_1201 = arith.constant 13 : i32
      %shift_left3A_1202 = vector.broadcast %shift_left3A_1201 : i32 to vector<16xi32>
      %shift_left3A_1203 = arith.shli %shift_right_logical3A_1200, %shift_left3A_1202 : vector<16xi32>
      %and3A_1204 = arith.constant 8191 : i32
      %and3A_1205 = vector.broadcast %and3A_1204 : i32 to vector<16xi32>
      %and3A_1206 = arith.andi %gather3A_1197, %and3A_1205 : vector<16xi32>
      %or3A_1207 = arith.ori %shift_left3A_1203, %and3A_1206 : vector<16xi32>
      %shift_right_logical3A_1208 = arith.constant 13 : i32
      %shift_right_logical3A_1209 = vector.broadcast %shift_right_logical3A_1208 : i32 to vector<16xi32>
      %shift_right_logical3A_1210 = arith.shrui %gather3A_1197, %shift_right_logical3A_1209 : vector<16xi32>
      %and3A_1211 = arith.constant 3 : i32
      %and3A_1212 = vector.broadcast %and3A_1211 : i32 to vector<16xi32>
      %and3A_1213 = arith.andi %shift_right_logical3A_1210, %and3A_1212 : vector<16xi32>
      %shift_left3A_1214 = arith.constant 5 : i32
      %shift_left3A_1215 = vector.broadcast %shift_left3A_1214 : i32 to vector<16xi32>
      %shift_left3A_1216 = arith.shli %and3A_1213, %shift_left3A_1215 : vector<16xi32>
      %swap3A_1217 = arith.constant 3 : i32
      %swap3A_1218 = arith.index_cast %swap3A_1217 : i32 to index
      %swap3A_1219 = arith.constant 48 : index
      %swap3A_1220 = tpu.vector_load %arg7[%swap3A_1218, %swap3A_1219] {strides = array<i32>} : memref<5x64xi32, #tpu.memory_space<vmem>>, vector<16xi32>,
      tpu.vector_store %arg7[%swap3A_1218, %swap3A_1219], %or3A_1207 {strides = array<i32>} : memref<5x64xi32, #tpu.memory_space<vmem>>, vector<16xi32>,
      %swap3A_1221 = arith.constant 15 : i32
      %swap3A_1222 = arith.index_cast %swap3A_1221 : i32 to index
      %swap3A_1223 = arith.constant 0 : index
      %swap3A_1224 = tpu.vector_load %arg9[%swap3A_1222, %swap3A_1223] {strides = array<i32>} : memref<20x16xi32, #tpu.memory_space<vmem>>, vector<16xi32>,
      tpu.vector_store %arg9[%swap3A_1222, %swap3A_1223], %shift_left3A_1216 {strides = array<i32>} : memref<20x16xi32, #tpu.memory_space<vmem>>, vector<16xi32>,
      %mul3A_1225 = arith.constant 336 : i32
      %mul3A_1226 = arith.muli %add3A_680, %mul3A_1225 : i32
      %add3A_1227 = arith.constant 16 : i32
      %add3A_1228 = arith.addi %mul3A_1226, %add3A_1227 : i32
      %add3A_1229 = vector.broadcast %add3A_1228 : i32 to vector<16xi32>
      %add3A_1230 = arith.addi %mul3A_7, %add3A_1229 : vector<16xi32>
      %gather3A_1231 = tpu.vector_load_idx %arg5[%add3A_1230] : memref<10752xi32, #tpu.memory_space<vmem>>[vector<16xi32>], vector<16xi32>,
      %shift_right_logical3A_1232 = arith.constant 15 : i32
      %shift_right_logical3A_1233 = vector.broadcast %shift_right_logical3A_1232 : i32 to vector<16xi32>
      %shift_right_logical3A_1234 = arith.shrui %gather3A_1231, %shift_right_logical3A_1233 : vector<16xi32>
      %shift_left3A_1235 = arith.constant 13 : i32
      %shift_left3A_1236 = vector.broadcast %shift_left3A_1235 : i32 to vector<16xi32>
      %shift_left3A_1237 = arith.shli %shift_right_logical3A_1234, %shift_left3A_1236 : vector<16xi32>
      %and3A_1238 = arith.constant 8191 : i32
      %and3A_1239 = vector.broadcast %and3A_1238 : i32 to vector<16xi32>
      %and3A_1240 = arith.andi %gather3A_1231, %and3A_1239 : vector<16xi32>
      %or3A_1241 = arith.ori %shift_left3A_1237, %and3A_1240 : vector<16xi32>
      %shift_right_logical3A_1242 = arith.constant 13 : i32
      %shift_right_logical3A_1243 = vector.broadcast %shift_right_logical3A_1242 : i32 to vector<16xi32>
      %shift_right_logical3A_1244 = arith.shrui %gather3A_1231, %shift_right_logical3A_1243 : vector<16xi32>
      %and3A_1245 = arith.constant 3 : i32
      %and3A_1246 = vector.broadcast %and3A_1245 : i32 to vector<16xi32>
      %and3A_1247 = arith.andi %shift_right_logical3A_1244, %and3A_1246 : vector<16xi32>
      %shift_left3A_1248 = arith.constant 5 : i32
      %shift_left3A_1249 = vector.broadcast %shift_left3A_1248 : i32 to vector<16xi32>
      %shift_left3A_1250 = arith.shli %and3A_1247, %shift_left3A_1249 : vector<16xi32>
      %swap3A_1251 = arith.constant 4 : i32
      %swap3A_1252 = arith.index_cast %swap3A_1251 : i32 to index
      %swap3A_1253 = arith.constant 0 : index
      %swap3A_1254 = tpu.vector_load %arg7[%swap3A_1252, %swap3A_1253] {strides = array<i32>} : memref<5x64xi32, #tpu.memory_space<vmem>>, vector<16xi32>,
      tpu.vector_store %arg7[%swap3A_1252, %swap3A_1253], %or3A_1241 {strides = array<i32>} : memref<5x64xi32, #tpu.memory_space<vmem>>, vector<16xi32>,
      %swap3A_1255 = arith.constant 16 : i32
      %swap3A_1256 = arith.index_cast %swap3A_1255 : i32 to index
      %swap3A_1257 = arith.constant 0 : index
      %swap3A_1258 = tpu.vector_load %arg9[%swap3A_1256, %swap3A_1257] {strides = array<i32>} : memref<20x16xi32, #tpu.memory_space<vmem>>, vector<16xi32>,
      tpu.vector_store %arg9[%swap3A_1256, %swap3A_1257], %shift_left3A_1250 {strides = array<i32>} : memref<20x16xi32, #tpu.memory_space<vmem>>, vector<16xi32>,
      %mul3A_1259 = arith.constant 336 : i32
      %mul3A_1260 = arith.muli %add3A_680, %mul3A_1259 : i32
      %add3A_1261 = arith.constant 17 : i32
      %add3A_1262 = arith.addi %mul3A_1260, %add3A_1261 : i32
      %add3A_1263 = vector.broadcast %add3A_1262 : i32 to vector<16xi32>
      %add3A_1264 = arith.addi %mul3A_7, %add3A_1263 : vector<16xi32>
      %gather3A_1265 = tpu.vector_load_idx %arg5[%add3A_1264] : memref<10752xi32, #tpu.memory_space<vmem>>[vector<16xi32>], vector<16xi32>,
      %shift_right_logical3A_1266 = arith.constant 15 : i32
      %shift_right_logical3A_1267 = vector.broadcast %shift_right_logical3A_1266 : i32 to vector<16xi32>
      %shift_right_logical3A_1268 = arith.shrui %gather3A_1265, %shift_right_logical3A_1267 : vector<16xi32>
      %shift_left3A_1269 = arith.constant 13 : i32
      %shift_left3A_1270 = vector.broadcast %shift_left3A_1269 : i32 to vector<16xi32>
      %shift_left3A_1271 = arith.shli %shift_right_logical3A_1268, %shift_left3A_1270 : vector<16xi32>
      %and3A_1272 = arith.constant 8191 : i32
      %and3A_1273 = vector.broadcast %and3A_1272 : i32 to vector<16xi32>
      %and3A_1274 = arith.andi %gather3A_1265, %and3A_1273 : vector<16xi32>
      %or3A_1275 = arith.ori %shift_left3A_1271, %and3A_1274 : vector<16xi32>
      %shift_right_logical3A_1276 = arith.constant 13 : i32
      %shift_right_logical3A_1277 = vector.broadcast %shift_right_logical3A_1276 : i32 to vector<16xi32>
      %shift_right_logical3A_1278 = arith.shrui %gather3A_1265, %shift_right_logical3A_1277 : vector<16xi32>
      %and3A_1279 = arith.constant 3 : i32
      %and3A_1280 = vector.broadcast %and3A_1279 : i32 to vector<16xi32>
      %and3A_1281 = arith.andi %shift_right_logical3A_1278, %and3A_1280 : vector<16xi32>
      %shift_left3A_1282 = arith.constant 5 : i32
      %shift_left3A_1283 = vector.broadcast %shift_left3A_1282 : i32 to vector<16xi32>
      %shift_left3A_1284 = arith.shli %and3A_1281, %shift_left3A_1283 : vector<16xi32>
      %swap3A_1285 = arith.constant 4 : i32
      %swap3A_1286 = arith.index_cast %swap3A_1285 : i32 to index
      %swap3A_1287 = arith.constant 16 : index
      %swap3A_1288 = tpu.vector_load %arg7[%swap3A_1286, %swap3A_1287] {strides = array<i32>} : memref<5x64xi32, #tpu.memory_space<vmem>>, vector<16xi32>,
      tpu.vector_store %arg7[%swap3A_1286, %swap3A_1287], %or3A_1275 {strides = array<i32>} : memref<5x64xi32, #tpu.memory_space<vmem>>, vector<16xi32>,
      %swap3A_1289 = arith.constant 17 : i32
      %swap3A_1290 = arith.index_cast %swap3A_1289 : i32 to index
      %swap3A_1291 = arith.constant 0 : index
      %swap3A_1292 = tpu.vector_load %arg9[%swap3A_1290, %swap3A_1291] {strides = array<i32>} : memref<20x16xi32, #tpu.memory_space<vmem>>, vector<16xi32>,
      tpu.vector_store %arg9[%swap3A_1290, %swap3A_1291], %shift_left3A_1284 {strides = array<i32>} : memref<20x16xi32, #tpu.memory_space<vmem>>, vector<16xi32>,
      %mul3A_1293 = arith.constant 336 : i32
      %mul3A_1294 = arith.muli %add3A_680, %mul3A_1293 : i32
      %add3A_1295 = arith.constant 18 : i32
      %add3A_1296 = arith.addi %mul3A_1294, %add3A_1295 : i32
      %add3A_1297 = vector.broadcast %add3A_1296 : i32 to vector<16xi32>
      %add3A_1298 = arith.addi %mul3A_7, %add3A_1297 : vector<16xi32>
      %gather3A_1299 = tpu.vector_load_idx %arg5[%add3A_1298] : memref<10752xi32, #tpu.memory_space<vmem>>[vector<16xi32>], vector<16xi32>,
      %shift_right_logical3A_1300 = arith.constant 15 : i32
      %shift_right_logical3A_1301 = vector.broadcast %shift_right_logical3A_1300 : i32 to vector<16xi32>
      %shift_right_logical3A_1302 = arith.shrui %gather3A_1299, %shift_right_logical3A_1301 : vector<16xi32>
      %shift_left3A_1303 = arith.constant 13 : i32
      %shift_left3A_1304 = vector.broadcast %shift_left3A_1303 : i32 to vector<16xi32>
      %shift_left3A_1305 = arith.shli %shift_right_logical3A_1302, %shift_left3A_1304 : vector<16xi32>
      %and3A_1306 = arith.constant 8191 : i32
      %and3A_1307 = vector.broadcast %and3A_1306 : i32 to vector<16xi32>
      %and3A_1308 = arith.andi %gather3A_1299, %and3A_1307 : vector<16xi32>
      %or3A_1309 = arith.ori %shift_left3A_1305, %and3A_1308 : vector<16xi32>
      %shift_right_logical3A_1310 = arith.constant 13 : i32
      %shift_right_logical3A_1311 = vector.broadcast %shift_right_logical3A_1310 : i32 to vector<16xi32>
      %shift_right_logical3A_1312 = arith.shrui %gather3A_1299, %shift_right_logical3A_1311 : vector<16xi32>
      %and3A_1313 = arith.constant 3 : i32
      %and3A_1314 = vector.broadcast %and3A_1313 : i32 to vector<16xi32>
      %and3A_1315 = arith.andi %shift_right_logical3A_1312, %and3A_1314 : vector<16xi32>
      %shift_left3A_1316 = arith.constant 5 : i32
      %shift_left3A_1317 = vector.broadcast %shift_left3A_1316 : i32 to vector<16xi32>
      %shift_left3A_1318 = arith.shli %and3A_1315, %shift_left3A_1317 : vector<16xi32>
      %swap3A_1319 = arith.constant 4 : i32
      %swap3A_1320 = arith.index_cast %swap3A_1319 : i32 to index
      %swap3A_1321 = arith.constant 32 : index
      %swap3A_1322 = tpu.vector_load %arg7[%swap3A_1320, %swap3A_1321] {strides = array<i32>} : memref<5x64xi32, #tpu.memory_space<vmem>>, vector<16xi32>,
      tpu.vector_store %arg7[%swap3A_1320, %swap3A_1321], %or3A_1309 {strides = array<i32>} : memref<5x64xi32, #tpu.memory_space<vmem>>, vector<16xi32>,
      %swap3A_1323 = arith.constant 18 : i32
      %swap3A_1324 = arith.index_cast %swap3A_1323 : i32 to index
      %swap3A_1325 = arith.constant 0 : index
      %swap3A_1326 = tpu.vector_load %arg9[%swap3A_1324, %swap3A_1325] {strides = array<i32>} : memref<20x16xi32, #tpu.memory_space<vmem>>, vector<16xi32>,
      tpu.vector_store %arg9[%swap3A_1324, %swap3A_1325], %shift_left3A_1318 {strides = array<i32>} : memref<20x16xi32, #tpu.memory_space<vmem>>, vector<16xi32>,
      %mul3A_1327 = arith.constant 336 : i32
      %mul3A_1328 = arith.muli %add3A_680, %mul3A_1327 : i32
      %add3A_1329 = arith.constant 19 : i32
      %add3A_1330 = arith.addi %mul3A_1328, %add3A_1329 : i32
      %add3A_1331 = vector.broadcast %add3A_1330 : i32 to vector<16xi32>
      %add3A_1332 = arith.addi %mul3A_7, %add3A_1331 : vector<16xi32>
      %gather3A_1333 = tpu.vector_load_idx %arg5[%add3A_1332] : memref<10752xi32, #tpu.memory_space<vmem>>[vector<16xi32>], vector<16xi32>,
      %shift_right_logical3A_1334 = arith.constant 15 : i32
      %shift_right_logical3A_1335 = vector.broadcast %shift_right_logical3A_1334 : i32 to vector<16xi32>
      %shift_right_logical3A_1336 = arith.shrui %gather3A_1333, %shift_right_logical3A_1335 : vector<16xi32>
      %shift_left3A_1337 = arith.constant 13 : i32
      %shift_left3A_1338 = vector.broadcast %shift_left3A_1337 : i32 to vector<16xi32>
      %shift_left3A_1339 = arith.shli %shift_right_logical3A_1336, %shift_left3A_1338 : vector<16xi32>
      %and3A_1340 = arith.constant 8191 : i32
      %and3A_1341 = vector.broadcast %and3A_1340 : i32 to vector<16xi32>
      %and3A_1342 = arith.andi %gather3A_1333, %and3A_1341 : vector<16xi32>
      %or3A_1343 = arith.ori %shift_left3A_1339, %and3A_1342 : vector<16xi32>
      %shift_right_logical3A_1344 = arith.constant 13 : i32
      %shift_right_logical3A_1345 = vector.broadcast %shift_right_logical3A_1344 : i32 to vector<16xi32>
      %shift_right_logical3A_1346 = arith.shrui %gather3A_1333, %shift_right_logical3A_1345 : vector<16xi32>
      %and3A_1347 = arith.constant 3 : i32
      %and3A_1348 = vector.broadcast %and3A_1347 : i32 to vector<16xi32>
      %and3A_1349 = arith.andi %shift_right_logical3A_1346, %and3A_1348 : vector<16xi32>
      %shift_left3A_1350 = arith.constant 5 : i32
      %shift_left3A_1351 = vector.broadcast %shift_left3A_1350 : i32 to vector<16xi32>
      %shift_left3A_1352 = arith.shli %and3A_1349, %shift_left3A_1351 : vector<16xi32>
      %swap3A_1353 = arith.constant 4 : i32
      %swap3A_1354 = arith.index_cast %swap3A_1353 : i32 to index
      %swap3A_1355 = arith.constant 48 : index
      %swap3A_1356 = tpu.vector_load %arg7[%swap3A_1354, %swap3A_1355] {strides = array<i32>} : memref<5x64xi32, #tpu.memory_space<vmem>>, vector<16xi32>,
      tpu.vector_store %arg7[%swap3A_1354, %swap3A_1355], %or3A_1343 {strides = array<i32>} : memref<5x64xi32, #tpu.memory_space<vmem>>, vector<16xi32>,
      %swap3A_1357 = arith.constant 19 : i32
      %swap3A_1358 = arith.index_cast %swap3A_1357 : i32 to index
      %swap3A_1359 = arith.constant 0 : index
      %swap3A_1360 = tpu.vector_load %arg9[%swap3A_1358, %swap3A_1359] {strides = array<i32>} : memref<20x16xi32, #tpu.memory_space<vmem>>, vector<16xi32>,
      tpu.vector_store %arg9[%swap3A_1358, %swap3A_1359], %shift_left3A_1352 {strides = array<i32>} : memref<20x16xi32, #tpu.memory_space<vmem>>, vector<16xi32>,
      %dma_start3A_1361 = arith.constant 0 : i32
      %dma_start3A_1362 = arith.constant 0 : i32
      %dma_start3A_1363 = arith.constant 0 : i32
      %dma_start3A_1364 = tpu.memref_slice %arg11[%dma_start3A_1362, %dma_start3A_1363] : memref<320x128xf32, #tpu.memory_space<vmem>> -> memref<64x128xf32, #tpu.memory_space<vmem>>
      %dma_start3A_1365 = arith.constant 0 : i32
      %dma_start3A_1366 = tpu.memref_slice %arg7[%dma_start3A_1361, %dma_start3A_1365] : memref<5x64xi32, #tpu.memory_space<vmem>> -> memref<1x64xi32, #tpu.memory_space<vmem>>
      %dma_start3A_1367 = tpu.memref_squeeze %dma_start3A_1366 : memref<1x64xi32, #tpu.memory_space<vmem>> -> memref<64xi32, #tpu.memory_space<vmem>>
      %dma_start3A_1368 = arith.constant 0 : i32
      %dma_start3A_1369 = arith.constant 0 : i32
      %dma_start3A_1370 = tpu.memref_slice %arg3[%dma_start3A_1368, %dma_start3A_1369] : memref<253952x128xf32, #tpu.memory_space<hbm>> -> memref<253952x128xf32, #tpu.memory_space<hbm>>
      tpu.enqueue_indirect_dma source(%dma_start3A_1370 : memref<253952x128xf32, #tpu.memory_space<hbm>>) target(%dma_start3A_1364 : memref<64x128xf32, #tpu.memory_space<vmem>>) offsets(%dma_start3A_1367 : memref<64xi32, #tpu.memory_space<vmem>>) semaphore(%arg14 : memref<!tpu.dma_semaphore, #tpu.memory_space<semaphore_mem>>)
      %dma_start3A_1371 = arith.constant 1 : i32
      %dma_start3A_1372 = arith.constant 64 : i32
      %dma_start3A_1373 = arith.constant 0 : i32
      %dma_start3A_1374 = tpu.memref_slice %arg11[%dma_start3A_1372, %dma_start3A_1373] : memref<320x128xf32, #tpu.memory_space<vmem>> -> memref<64x128xf32, #tpu.memory_space<vmem>>
      %dma_start3A_1375 = arith.constant 0 : i32
      %dma_start3A_1376 = tpu.memref_slice %arg7[%dma_start3A_1371, %dma_start3A_1375] : memref<5x64xi32, #tpu.memory_space<vmem>> -> memref<1x64xi32, #tpu.memory_space<vmem>>
      %dma_start3A_1377 = tpu.memref_squeeze %dma_start3A_1376 : memref<1x64xi32, #tpu.memory_space<vmem>> -> memref<64xi32, #tpu.memory_space<vmem>>
      %dma_start3A_1378 = arith.constant 0 : i32
      %dma_start3A_1379 = arith.constant 0 : i32
      %dma_start3A_1380 = tpu.memref_slice %arg3[%dma_start3A_1378, %dma_start3A_1379] : memref<253952x128xf32, #tpu.memory_space<hbm>> -> memref<253952x128xf32, #tpu.memory_space<hbm>>
      tpu.enqueue_indirect_dma source(%dma_start3A_1380 : memref<253952x128xf32, #tpu.memory_space<hbm>>) target(%dma_start3A_1374 : memref<64x128xf32, #tpu.memory_space<vmem>>) offsets(%dma_start3A_1377 : memref<64xi32, #tpu.memory_space<vmem>>) semaphore(%arg14 : memref<!tpu.dma_semaphore, #tpu.memory_space<semaphore_mem>>)
      %dma_start3A_1381 = arith.constant 2 : i32
      %dma_start3A_1382 = arith.constant 128 : i32
      %dma_start3A_1383 = arith.constant 0 : i32
      %dma_start3A_1384 = tpu.memref_slice %arg11[%dma_start3A_1382, %dma_start3A_1383] : memref<320x128xf32, #tpu.memory_space<vmem>> -> memref<64x128xf32, #tpu.memory_space<vmem>>
      %dma_start3A_1385 = arith.constant 0 : i32
      %dma_start3A_1386 = tpu.memref_slice %arg7[%dma_start3A_1381, %dma_start3A_1385] : memref<5x64xi32, #tpu.memory_space<vmem>> -> memref<1x64xi32, #tpu.memory_space<vmem>>
      %dma_start3A_1387 = tpu.memref_squeeze %dma_start3A_1386 : memref<1x64xi32, #tpu.memory_space<vmem>> -> memref<64xi32, #tpu.memory_space<vmem>>
      %dma_start3A_1388 = arith.constant 0 : i32
      %dma_start3A_1389 = arith.constant 0 : i32
      %dma_start3A_1390 = tpu.memref_slice %arg3[%dma_start3A_1388, %dma_start3A_1389] : memref<253952x128xf32, #tpu.memory_space<hbm>> -> memref<253952x128xf32, #tpu.memory_space<hbm>>
      tpu.enqueue_indirect_dma source(%dma_start3A_1390 : memref<253952x128xf32, #tpu.memory_space<hbm>>) target(%dma_start3A_1384 : memref<64x128xf32, #tpu.memory_space<vmem>>) offsets(%dma_start3A_1387 : memref<64xi32, #tpu.memory_space<vmem>>) semaphore(%arg14 : memref<!tpu.dma_semaphore, #tpu.memory_space<semaphore_mem>>)
      %dma_start3A_1391 = arith.constant 3 : i32
      %dma_start3A_1392 = arith.constant 192 : i32
      %dma_start3A_1393 = arith.constant 0 : i32
      %dma_start3A_1394 = tpu.memref_slice %arg11[%dma_start3A_1392, %dma_start3A_1393] : memref<320x128xf32, #tpu.memory_space<vmem>> -> memref<64x128xf32, #tpu.memory_space<vmem>>
      %dma_start3A_1395 = arith.constant 0 : i32
      %dma_start3A_1396 = tpu.memref_slice %arg7[%dma_start3A_1391, %dma_start3A_1395] : memref<5x64xi32, #tpu.memory_space<vmem>> -> memref<1x64xi32, #tpu.memory_space<vmem>>
      %dma_start3A_1397 = tpu.memref_squeeze %dma_start3A_1396 : memref<1x64xi32, #tpu.memory_space<vmem>> -> memref<64xi32, #tpu.memory_space<vmem>>
      %dma_start3A_1398 = arith.constant 0 : i32
      %dma_start3A_1399 = arith.constant 0 : i32
      %dma_start3A_1400 = tpu.memref_slice %arg3[%dma_start3A_1398, %dma_start3A_1399] : memref<253952x128xf32, #tpu.memory_space<hbm>> -> memref<253952x128xf32, #tpu.memory_space<hbm>>
      tpu.enqueue_indirect_dma source(%dma_start3A_1400 : memref<253952x128xf32, #tpu.memory_space<hbm>>) target(%dma_start3A_1394 : memref<64x128xf32, #tpu.memory_space<vmem>>) offsets(%dma_start3A_1397 : memref<64xi32, #tpu.memory_space<vmem>>) semaphore(%arg14 : memref<!tpu.dma_semaphore, #tpu.memory_space<semaphore_mem>>)
      %dma_start3A_1401 = arith.constant 4 : i32
      %dma_start3A_1402 = arith.constant 256 : i32
      %dma_start3A_1403 = arith.constant 0 : i32
      %dma_start3A_1404 = tpu.memref_slice %arg11[%dma_start3A_1402, %dma_start3A_1403] : memref<320x128xf32, #tpu.memory_space<vmem>> -> memref<64x128xf32, #tpu.memory_space<vmem>>
      %dma_start3A_1405 = arith.constant 0 : i32
      %dma_start3A_1406 = tpu.memref_slice %arg7[%dma_start3A_1401, %dma_start3A_1405] : memref<5x64xi32, #tpu.memory_space<vmem>> -> memref<1x64xi32, #tpu.memory_space<vmem>>
      %dma_start3A_1407 = tpu.memref_squeeze %dma_start3A_1406 : memref<1x64xi32, #tpu.memory_space<vmem>> -> memref<64xi32, #tpu.memory_space<vmem>>
      %dma_start3A_1408 = arith.constant 0 : i32
      %dma_start3A_1409 = arith.constant 0 : i32
      %dma_start3A_1410 = tpu.memref_slice %arg3[%dma_start3A_1408, %dma_start3A_1409] : memref<253952x128xf32, #tpu.memory_space<hbm>> -> memref<253952x128xf32, #tpu.memory_space<hbm>>
      tpu.enqueue_indirect_dma source(%dma_start3A_1410 : memref<253952x128xf32, #tpu.memory_space<hbm>>) target(%dma_start3A_1404 : memref<64x128xf32, #tpu.memory_space<vmem>>) offsets(%dma_start3A_1407 : memref<64xi32, #tpu.memory_space<vmem>>) semaphore(%arg14 : memref<!tpu.dma_semaphore, #tpu.memory_space<semaphore_mem>>)
      %dma_wait3A = arith.constant 0 : i32
      %dma_wait3A_1411 = arith.constant 0 : i32
      %dma_wait3A_1412 = tpu.memref_slice %arg3[%dma_wait3A, %dma_wait3A_1411] : memref<253952x128xf32, #tpu.memory_space<hbm>> -> memref<320x128xf32, #tpu.memory_space<hbm>>
      %dma_wait3A_1413 = arith.constant 0 : i32
      %dma_wait3A_1414 = arith.constant 0 : i32
      %dma_wait3A_1415 = tpu.memref_slice %arg3[%dma_wait3A_1413, %dma_wait3A_1414] : memref<253952x128xf32, #tpu.memory_space<hbm>> -> memref<320x128xf32, #tpu.memory_space<hbm>>
      tpu.wait_dma2 semaphore(%arg13 : memref<!tpu.dma_semaphore, #tpu.memory_space<semaphore_mem>>) src(%dma_wait3A_1415 : memref<320x128xf32, #tpu.memory_space<hbm>>) dst(%arg10 : memref<320x128xf32, #tpu.memory_space<vmem>>)
      %broadcast_in_dim3A = arith.constant 0 : i32
      %broadcast_in_dim3A_1416 = vector.broadcast %broadcast_in_dim3A : i32 to vector<16xi32>
      %add3A_1417 = arith.constant 0 : i32
      %add3A_1418 = vector.broadcast %add3A_1417 : i32 to vector<16xi32>
      %add3A_1419 = arith.addi %iota3A, %add3A_1418 : vector<16xi32>
      %mul3A_1420 = arith.constant 128 : i32
      %mul3A_1421 = vector.broadcast %mul3A_1420 : i32 to vector<16xi32>
      %mul3A_1422 = arith.muli %add3A_1419, %mul3A_1421 : vector<16xi32>
      %get3A = arith.constant 0 : i32
      %get3A_1423 = arith.index_cast %get3A : i32 to index
      %get3A_1424 = arith.constant 0 : index
      %get3A_1425 = tpu.vector_load %arg8[%get3A_1423, %get3A_1424] {strides = array<i32>} : memref<20x16xi32, #tpu.memory_space<vmem>>, vector<16xi32>,
      %add3A_1426 = arith.addi %mul3A_1422, %get3A_1425 : vector<16xi32>
      %add3A_1427 = arith.constant 16 : i32
      %add3A_1428 = vector.broadcast %add3A_1427 : i32 to vector<16xi32>
      %add3A_1429 = arith.addi %iota3A, %add3A_1428 : vector<16xi32>
      %mul3A_1430 = arith.constant 128 : i32
      %mul3A_1431 = vector.broadcast %mul3A_1430 : i32 to vector<16xi32>
      %mul3A_1432 = arith.muli %add3A_1429, %mul3A_1431 : vector<16xi32>
      %get3A_1433 = arith.constant 1 : i32
      %get3A_1434 = arith.index_cast %get3A_1433 : i32 to index
      %get3A_1435 = arith.constant 0 : index
      %get3A_1436 = tpu.vector_load %arg8[%get3A_1434, %get3A_1435] {strides = array<i32>} : memref<20x16xi32, #tpu.memory_space<vmem>>, vector<16xi32>,
      %add3A_1437 = arith.addi %mul3A_1432, %get3A_1436 : vector<16xi32>
      %add3A_1438 = arith.constant 32 : i32
      %add3A_1439 = vector.broadcast %add3A_1438 : i32 to vector<16xi32>
      %add3A_1440 = arith.addi %iota3A, %add3A_1439 : vector<16xi32>
      %mul3A_1441 = arith.constant 128 : i32
      %mul3A_1442 = vector.broadcast %mul3A_1441 : i32 to vector<16xi32>
      %mul3A_1443 = arith.muli %add3A_1440, %mul3A_1442 : vector<16xi32>
      %get3A_1444 = arith.constant 2 : i32
      %get3A_1445 = arith.index_cast %get3A_1444 : i32 to index
      %get3A_1446 = arith.constant 0 : index
      %get3A_1447 = tpu.vector_load %arg8[%get3A_1445, %get3A_1446] {strides = array<i32>} : memref<20x16xi32, #tpu.memory_space<vmem>>, vector<16xi32>,
      %add3A_1448 = arith.addi %mul3A_1443, %get3A_1447 : vector<16xi32>
      %add3A_1449 = arith.constant 48 : i32
      %add3A_1450 = vector.broadcast %add3A_1449 : i32 to vector<16xi32>
      %add3A_1451 = arith.addi %iota3A, %add3A_1450 : vector<16xi32>
      %mul3A_1452 = arith.constant 128 : i32
      %mul3A_1453 = vector.broadcast %mul3A_1452 : i32 to vector<16xi32>
      %mul3A_1454 = arith.muli %add3A_1451, %mul3A_1453 : vector<16xi32>
      %get3A_1455 = arith.constant 3 : i32
      %get3A_1456 = arith.index_cast %get3A_1455 : i32 to index
      %get3A_1457 = arith.constant 0 : index
      %get3A_1458 = tpu.vector_load %arg8[%get3A_1456, %get3A_1457] {strides = array<i32>} : memref<20x16xi32, #tpu.memory_space<vmem>>, vector<16xi32>,
      %add3A_1459 = arith.addi %mul3A_1454, %get3A_1458 : vector<16xi32>
      %add3A_1460 = arith.constant 64 : i32
      %add3A_1461 = vector.broadcast %add3A_1460 : i32 to vector<16xi32>
      %add3A_1462 = arith.addi %iota3A, %add3A_1461 : vector<16xi32>
      %mul3A_1463 = arith.constant 128 : i32
      %mul3A_1464 = vector.broadcast %mul3A_1463 : i32 to vector<16xi32>
      %mul3A_1465 = arith.muli %add3A_1462, %mul3A_1464 : vector<16xi32>
      %get3A_1466 = arith.constant 4 : i32
      %get3A_1467 = arith.index_cast %get3A_1466 : i32 to index
      %get3A_1468 = arith.constant 0 : index
      %get3A_1469 = tpu.vector_load %arg8[%get3A_1467, %get3A_1468] {strides = array<i32>} : memref<20x16xi32, #tpu.memory_space<vmem>>, vector<16xi32>,
      %add3A_1470 = arith.addi %mul3A_1465, %get3A_1469 : vector<16xi32>
      %add3A_1471 = arith.constant 80 : i32
      %add3A_1472 = vector.broadcast %add3A_1471 : i32 to vector<16xi32>
      %add3A_1473 = arith.addi %iota3A, %add3A_1472 : vector<16xi32>
      %mul3A_1474 = arith.constant 128 : i32
      %mul3A_1475 = vector.broadcast %mul3A_1474 : i32 to vector<16xi32>
      %mul3A_1476 = arith.muli %add3A_1473, %mul3A_1475 : vector<16xi32>
      %get3A_1477 = arith.constant 5 : i32
      %get3A_1478 = arith.index_cast %get3A_1477 : i32 to index
      %get3A_1479 = arith.constant 0 : index
      %get3A_1480 = tpu.vector_load %arg8[%get3A_1478, %get3A_1479] {strides = array<i32>} : memref<20x16xi32, #tpu.memory_space<vmem>>, vector<16xi32>,
      %add3A_1481 = arith.addi %mul3A_1476, %get3A_1480 : vector<16xi32>
      %add3A_1482 = arith.constant 96 : i32
      %add3A_1483 = vector.broadcast %add3A_1482 : i32 to vector<16xi32>
      %add3A_1484 = arith.addi %iota3A, %add3A_1483 : vector<16xi32>
      %mul3A_1485 = arith.constant 128 : i32
      %mul3A_1486 = vector.broadcast %mul3A_1485 : i32 to vector<16xi32>
      %mul3A_1487 = arith.muli %add3A_1484, %mul3A_1486 : vector<16xi32>
      %get3A_1488 = arith.constant 6 : i32
      %get3A_1489 = arith.index_cast %get3A_1488 : i32 to index
      %get3A_1490 = arith.constant 0 : index
      %get3A_1491 = tpu.vector_load %arg8[%get3A_1489, %get3A_1490] {strides = array<i32>} : memref<20x16xi32, #tpu.memory_space<vmem>>, vector<16xi32>,
      %add3A_1492 = arith.addi %mul3A_1487, %get3A_1491 : vector<16xi32>
      %add3A_1493 = arith.constant 112 : i32
      %add3A_1494 = vector.broadcast %add3A_1493 : i32 to vector<16xi32>
      %add3A_1495 = arith.addi %iota3A, %add3A_1494 : vector<16xi32>
      %mul3A_1496 = arith.constant 128 : i32
      %mul3A_1497 = vector.broadcast %mul3A_1496 : i32 to vector<16xi32>
      %mul3A_1498 = arith.muli %add3A_1495, %mul3A_1497 : vector<16xi32>
      %get3A_1499 = arith.constant 7 : i32
      %get3A_1500 = arith.index_cast %get3A_1499 : i32 to index
      %get3A_1501 = arith.constant 0 : index
      %get3A_1502 = tpu.vector_load %arg8[%get3A_1500, %get3A_1501] {strides = array<i32>} : memref<20x16xi32, #tpu.memory_space<vmem>>, vector<16xi32>,
      %add3A_1503 = arith.addi %mul3A_1498, %get3A_1502 : vector<16xi32>
      %add3A_1504 = arith.constant 128 : i32
      %add3A_1505 = vector.broadcast %add3A_1504 : i32 to vector<16xi32>
      %add3A_1506 = arith.addi %iota3A, %add3A_1505 : vector<16xi32>
      %mul3A_1507 = arith.constant 128 : i32
      %mul3A_1508 = vector.broadcast %mul3A_1507 : i32 to vector<16xi32>
      %mul3A_1509 = arith.muli %add3A_1506, %mul3A_1508 : vector<16xi32>
      %get3A_1510 = arith.constant 8 : i32
      %get3A_1511 = arith.index_cast %get3A_1510 : i32 to index
      %get3A_1512 = arith.constant 0 : index
      %get3A_1513 = tpu.vector_load %arg8[%get3A_1511, %get3A_1512] {strides = array<i32>} : memref<20x16xi32, #tpu.memory_space<vmem>>, vector<16xi32>,
      %add3A_1514 = arith.addi %mul3A_1509, %get3A_1513 : vector<16xi32>
      %add3A_1515 = arith.constant 144 : i32
      %add3A_1516 = vector.broadcast %add3A_1515 : i32 to vector<16xi32>
      %add3A_1517 = arith.addi %iota3A, %add3A_1516 : vector<16xi32>
      %mul3A_1518 = arith.constant 128 : i32
      %mul3A_1519 = vector.broadcast %mul3A_1518 : i32 to vector<16xi32>
      %mul3A_1520 = arith.muli %add3A_1517, %mul3A_1519 : vector<16xi32>
      %get3A_1521 = arith.constant 9 : i32
      %get3A_1522 = arith.index_cast %get3A_1521 : i32 to index
      %get3A_1523 = arith.constant 0 : index
      %get3A_1524 = tpu.vector_load %arg8[%get3A_1522, %get3A_1523] {strides = array<i32>} : memref<20x16xi32, #tpu.memory_space<vmem>>, vector<16xi32>,
      %add3A_1525 = arith.addi %mul3A_1520, %get3A_1524 : vector<16xi32>
      %add3A_1526 = arith.constant 160 : i32
      %add3A_1527 = vector.broadcast %add3A_1526 : i32 to vector<16xi32>
      %add3A_1528 = arith.addi %iota3A, %add3A_1527 : vector<16xi32>
      %mul3A_1529 = arith.constant 128 : i32
      %mul3A_1530 = vector.broadcast %mul3A_1529 : i32 to vector<16xi32>
      %mul3A_1531 = arith.muli %add3A_1528, %mul3A_1530 : vector<16xi32>
      %get3A_1532 = arith.constant 10 : i32
      %get3A_1533 = arith.index_cast %get3A_1532 : i32 to index
      %get3A_1534 = arith.constant 0 : index
      %get3A_1535 = tpu.vector_load %arg8[%get3A_1533, %get3A_1534] {strides = array<i32>} : memref<20x16xi32, #tpu.memory_space<vmem>>, vector<16xi32>,
      %add3A_1536 = arith.addi %mul3A_1531, %get3A_1535 : vector<16xi32>
      %add3A_1537 = arith.constant 176 : i32
      %add3A_1538 = vector.broadcast %add3A_1537 : i32 to vector<16xi32>
      %add3A_1539 = arith.addi %iota3A, %add3A_1538 : vector<16xi32>
      %mul3A_1540 = arith.constant 128 : i32
      %mul3A_1541 = vector.broadcast %mul3A_1540 : i32 to vector<16xi32>
      %mul3A_1542 = arith.muli %add3A_1539, %mul3A_1541 : vector<16xi32>
      %get3A_1543 = arith.constant 11 : i32
      %get3A_1544 = arith.index_cast %get3A_1543 : i32 to index
      %get3A_1545 = arith.constant 0 : index
      %get3A_1546 = tpu.vector_load %arg8[%get3A_1544, %get3A_1545] {strides = array<i32>} : memref<20x16xi32, #tpu.memory_space<vmem>>, vector<16xi32>,
      %add3A_1547 = arith.addi %mul3A_1542, %get3A_1546 : vector<16xi32>
      %add3A_1548 = arith.constant 192 : i32
      %add3A_1549 = vector.broadcast %add3A_1548 : i32 to vector<16xi32>
      %add3A_1550 = arith.addi %iota3A, %add3A_1549 : vector<16xi32>
      %mul3A_1551 = arith.constant 128 : i32
      %mul3A_1552 = vector.broadcast %mul3A_1551 : i32 to vector<16xi32>
      %mul3A_1553 = arith.muli %add3A_1550, %mul3A_1552 : vector<16xi32>
      %get3A_1554 = arith.constant 12 : i32
      %get3A_1555 = arith.index_cast %get3A_1554 : i32 to index
      %get3A_1556 = arith.constant 0 : index
      %get3A_1557 = tpu.vector_load %arg8[%get3A_1555, %get3A_1556] {strides = array<i32>} : memref<20x16xi32, #tpu.memory_space<vmem>>, vector<16xi32>,
      %add3A_1558 = arith.addi %mul3A_1553, %get3A_1557 : vector<16xi32>
      %add3A_1559 = arith.constant 208 : i32
      %add3A_1560 = vector.broadcast %add3A_1559 : i32 to vector<16xi32>
      %add3A_1561 = arith.addi %iota3A, %add3A_1560 : vector<16xi32>
      %mul3A_1562 = arith.constant 128 : i32
      %mul3A_1563 = vector.broadcast %mul3A_1562 : i32 to vector<16xi32>
      %mul3A_1564 = arith.muli %add3A_1561, %mul3A_1563 : vector<16xi32>
      %get3A_1565 = arith.constant 13 : i32
      %get3A_1566 = arith.index_cast %get3A_1565 : i32 to index
      %get3A_1567 = arith.constant 0 : index
      %get3A_1568 = tpu.vector_load %arg8[%get3A_1566, %get3A_1567] {strides = array<i32>} : memref<20x16xi32, #tpu.memory_space<vmem>>, vector<16xi32>,
      %add3A_1569 = arith.addi %mul3A_1564, %get3A_1568 : vector<16xi32>
      %add3A_1570 = arith.constant 224 : i32
      %add3A_1571 = vector.broadcast %add3A_1570 : i32 to vector<16xi32>
      %add3A_1572 = arith.addi %iota3A, %add3A_1571 : vector<16xi32>
      %mul3A_1573 = arith.constant 128 : i32
      %mul3A_1574 = vector.broadcast %mul3A_1573 : i32 to vector<16xi32>
      %mul3A_1575 = arith.muli %add3A_1572, %mul3A_1574 : vector<16xi32>
      %get3A_1576 = arith.constant 14 : i32
      %get3A_1577 = arith.index_cast %get3A_1576 : i32 to index
      %get3A_1578 = arith.constant 0 : index
      %get3A_1579 = tpu.vector_load %arg8[%get3A_1577, %get3A_1578] {strides = array<i32>} : memref<20x16xi32, #tpu.memory_space<vmem>>, vector<16xi32>,
      %add3A_1580 = arith.addi %mul3A_1575, %get3A_1579 : vector<16xi32>
      %add3A_1581 = arith.constant 240 : i32
      %add3A_1582 = vector.broadcast %add3A_1581 : i32 to vector<16xi32>
      %add3A_1583 = arith.addi %iota3A, %add3A_1582 : vector<16xi32>
      %mul3A_1584 = arith.constant 128 : i32
      %mul3A_1585 = vector.broadcast %mul3A_1584 : i32 to vector<16xi32>
      %mul3A_1586 = arith.muli %add3A_1583, %mul3A_1585 : vector<16xi32>
      %get3A_1587 = arith.constant 15 : i32
      %get3A_1588 = arith.index_cast %get3A_1587 : i32 to index
      %get3A_1589 = arith.constant 0 : index
      %get3A_1590 = tpu.vector_load %arg8[%get3A_1588, %get3A_1589] {strides = array<i32>} : memref<20x16xi32, #tpu.memory_space<vmem>>, vector<16xi32>,
      %add3A_1591 = arith.addi %mul3A_1586, %get3A_1590 : vector<16xi32>
      %add3A_1592 = arith.constant 256 : i32
      %add3A_1593 = vector.broadcast %add3A_1592 : i32 to vector<16xi32>
      %add3A_1594 = arith.addi %iota3A, %add3A_1593 : vector<16xi32>
      %mul3A_1595 = arith.constant 128 : i32
      %mul3A_1596 = vector.broadcast %mul3A_1595 : i32 to vector<16xi32>
      %mul3A_1597 = arith.muli %add3A_1594, %mul3A_1596 : vector<16xi32>
      %get3A_1598 = arith.constant 16 : i32
      %get3A_1599 = arith.index_cast %get3A_1598 : i32 to index
      %get3A_1600 = arith.constant 0 : index
      %get3A_1601 = tpu.vector_load %arg8[%get3A_1599, %get3A_1600] {strides = array<i32>} : memref<20x16xi32, #tpu.memory_space<vmem>>, vector<16xi32>,
      %add3A_1602 = arith.addi %mul3A_1597, %get3A_1601 : vector<16xi32>
      %add3A_1603 = arith.constant 272 : i32
      %add3A_1604 = vector.broadcast %add3A_1603 : i32 to vector<16xi32>
      %add3A_1605 = arith.addi %iota3A, %add3A_1604 : vector<16xi32>
      %mul3A_1606 = arith.constant 128 : i32
      %mul3A_1607 = vector.broadcast %mul3A_1606 : i32 to vector<16xi32>
      %mul3A_1608 = arith.muli %add3A_1605, %mul3A_1607 : vector<16xi32>
      %get3A_1609 = arith.constant 17 : i32
      %get3A_1610 = arith.index_cast %get3A_1609 : i32 to index
      %get3A_1611 = arith.constant 0 : index
      %get3A_1612 = tpu.vector_load %arg8[%get3A_1610, %get3A_1611] {strides = array<i32>} : memref<20x16xi32, #tpu.memory_space<vmem>>, vector<16xi32>,
      %add3A_1613 = arith.addi %mul3A_1608, %get3A_1612 : vector<16xi32>
      %add3A_1614 = arith.constant 288 : i32
      %add3A_1615 = vector.broadcast %add3A_1614 : i32 to vector<16xi32>
      %add3A_1616 = arith.addi %iota3A, %add3A_1615 : vector<16xi32>
      %mul3A_1617 = arith.constant 128 : i32
      %mul3A_1618 = vector.broadcast %mul3A_1617 : i32 to vector<16xi32>
      %mul3A_1619 = arith.muli %add3A_1616, %mul3A_1618 : vector<16xi32>
      %get3A_1620 = arith.constant 18 : i32
      %get3A_1621 = arith.index_cast %get3A_1620 : i32 to index
      %get3A_1622 = arith.constant 0 : index
      %get3A_1623 = tpu.vector_load %arg8[%get3A_1621, %get3A_1622] {strides = array<i32>} : memref<20x16xi32, #tpu.memory_space<vmem>>, vector<16xi32>,
      %add3A_1624 = arith.addi %mul3A_1619, %get3A_1623 : vector<16xi32>
      %add3A_1625 = arith.constant 304 : i32
      %add3A_1626 = vector.broadcast %add3A_1625 : i32 to vector<16xi32>
      %add3A_1627 = arith.addi %iota3A, %add3A_1626 : vector<16xi32>
      %mul3A_1628 = arith.constant 128 : i32
      %mul3A_1629 = vector.broadcast %mul3A_1628 : i32 to vector<16xi32>
      %mul3A_1630 = arith.muli %add3A_1627, %mul3A_1629 : vector<16xi32>
      %get3A_1631 = arith.constant 19 : i32
      %get3A_1632 = arith.index_cast %get3A_1631 : i32 to index
      %get3A_1633 = arith.constant 0 : index
      %get3A_1634 = tpu.vector_load %arg8[%get3A_1632, %get3A_1633] {strides = array<i32>} : memref<20x16xi32, #tpu.memory_space<vmem>>, vector<16xi32>,
      %add3A_1635 = arith.addi %mul3A_1630, %get3A_1634 : vector<16xi32>
      %scan3A_1636 = arith.constant 0 : i32
      %scan3A_1637 = arith.constant 0 : i32
      %scan3A_1638 = arith.constant 32 : i32
      %scan3A_1639 = arith.addi %scan3A_1637, %scan3A_1638 : i32
      %scan3A_1640 = arith.constant 1 : i32
      scf.for %scan3A_1886 = %scan3A_1637 to %scan3A_1639 step %scan3A_1640  : i32 {
        %broadcast_in_dim3A_1887 = arith.constant 0.000000e+00 : f32
        %broadcast_in_dim3A_1888 = vector.broadcast %broadcast_in_dim3A_1887 : f32 to vector<16xf32>
        %add3A_1889 = vector.broadcast %scan3A_1886 : i32 to vector<16xi32>
        %add3A_1890 = arith.addi %add3A_1426, %add3A_1889 : vector<16xi32>
        %gather3A_1891 = tpu.vector_load_idx %arg10[%broadcast_in_dim3A_1416, %add3A_1890] : memref<320x128xf32, #tpu.memory_space<vmem>>[vector<16xi32>, vector<16xi32>], vector<16xf32>,
        %add3A_1892 = arith.addf %broadcast_in_dim3A_1888, %gather3A_1891 : vector<16xf32>
        %add3A_1893 = vector.broadcast %scan3A_1886 : i32 to vector<16xi32>
        %add3A_1894 = arith.addi %add3A_1437, %add3A_1893 : vector<16xi32>
        %gather3A_1895 = tpu.vector_load_idx %arg10[%broadcast_in_dim3A_1416, %add3A_1894] : memref<320x128xf32, #tpu.memory_space<vmem>>[vector<16xi32>, vector<16xi32>], vector<16xf32>,
        %add3A_1896 = arith.addf %add3A_1892, %gather3A_1895 : vector<16xf32>
        %add3A_1897 = vector.broadcast %scan3A_1886 : i32 to vector<16xi32>
        %add3A_1898 = arith.addi %add3A_1448, %add3A_1897 : vector<16xi32>
        %gather3A_1899 = tpu.vector_load_idx %arg10[%broadcast_in_dim3A_1416, %add3A_1898] : memref<320x128xf32, #tpu.memory_space<vmem>>[vector<16xi32>, vector<16xi32>], vector<16xf32>,
        %add3A_1900 = arith.addf %add3A_1896, %gather3A_1899 : vector<16xf32>
        %add3A_1901 = vector.broadcast %scan3A_1886 : i32 to vector<16xi32>
        %add3A_1902 = arith.addi %add3A_1459, %add3A_1901 : vector<16xi32>
        %gather3A_1903 = tpu.vector_load_idx %arg10[%broadcast_in_dim3A_1416, %add3A_1902] : memref<320x128xf32, #tpu.memory_space<vmem>>[vector<16xi32>, vector<16xi32>], vector<16xf32>,
        %add3A_1904 = arith.addf %add3A_1900, %gather3A_1903 : vector<16xf32>
        %add3A_1905 = vector.broadcast %scan3A_1886 : i32 to vector<16xi32>
        %add3A_1906 = arith.addi %add3A_1470, %add3A_1905 : vector<16xi32>
        %gather3A_1907 = tpu.vector_load_idx %arg10[%broadcast_in_dim3A_1416, %add3A_1906] : memref<320x128xf32, #tpu.memory_space<vmem>>[vector<16xi32>, vector<16xi32>], vector<16xf32>,
        %add3A_1908 = arith.addf %add3A_1904, %gather3A_1907 : vector<16xf32>
        %add3A_1909 = vector.broadcast %scan3A_1886 : i32 to vector<16xi32>
        %add3A_1910 = arith.addi %add3A_1481, %add3A_1909 : vector<16xi32>
        %gather3A_1911 = tpu.vector_load_idx %arg10[%broadcast_in_dim3A_1416, %add3A_1910] : memref<320x128xf32, #tpu.memory_space<vmem>>[vector<16xi32>, vector<16xi32>], vector<16xf32>,
        %add3A_1912 = arith.addf %add3A_1908, %gather3A_1911 : vector<16xf32>
        %add3A_1913 = vector.broadcast %scan3A_1886 : i32 to vector<16xi32>
        %add3A_1914 = arith.addi %add3A_1492, %add3A_1913 : vector<16xi32>
        %gather3A_1915 = tpu.vector_load_idx %arg10[%broadcast_in_dim3A_1416, %add3A_1914] : memref<320x128xf32, #tpu.memory_space<vmem>>[vector<16xi32>, vector<16xi32>], vector<16xf32>,
        %add3A_1916 = arith.addf %add3A_1912, %gather3A_1915 : vector<16xf32>
        %add3A_1917 = vector.broadcast %scan3A_1886 : i32 to vector<16xi32>
        %add3A_1918 = arith.addi %add3A_1503, %add3A_1917 : vector<16xi32>
        %gather3A_1919 = tpu.vector_load_idx %arg10[%broadcast_in_dim3A_1416, %add3A_1918] : memref<320x128xf32, #tpu.memory_space<vmem>>[vector<16xi32>, vector<16xi32>], vector<16xf32>,
        %add3A_1920 = arith.addf %add3A_1916, %gather3A_1919 : vector<16xf32>
        %add3A_1921 = vector.broadcast %scan3A_1886 : i32 to vector<16xi32>
        %add3A_1922 = arith.addi %add3A_1514, %add3A_1921 : vector<16xi32>
        %gather3A_1923 = tpu.vector_load_idx %arg10[%broadcast_in_dim3A_1416, %add3A_1922] : memref<320x128xf32, #tpu.memory_space<vmem>>[vector<16xi32>, vector<16xi32>], vector<16xf32>,
        %add3A_1924 = arith.addf %add3A_1920, %gather3A_1923 : vector<16xf32>
        %add3A_1925 = vector.broadcast %scan3A_1886 : i32 to vector<16xi32>
        %add3A_1926 = arith.addi %add3A_1525, %add3A_1925 : vector<16xi32>
        %gather3A_1927 = tpu.vector_load_idx %arg10[%broadcast_in_dim3A_1416, %add3A_1926] : memref<320x128xf32, #tpu.memory_space<vmem>>[vector<16xi32>, vector<16xi32>], vector<16xf32>,
        %add3A_1928 = arith.addf %add3A_1924, %gather3A_1927 : vector<16xf32>
        %add3A_1929 = vector.broadcast %scan3A_1886 : i32 to vector<16xi32>
        %add3A_1930 = arith.addi %add3A_1536, %add3A_1929 : vector<16xi32>
        %gather3A_1931 = tpu.vector_load_idx %arg10[%broadcast_in_dim3A_1416, %add3A_1930] : memref<320x128xf32, #tpu.memory_space<vmem>>[vector<16xi32>, vector<16xi32>], vector<16xf32>,
        %add3A_1932 = arith.addf %add3A_1928, %gather3A_1931 : vector<16xf32>
        %add3A_1933 = vector.broadcast %scan3A_1886 : i32 to vector<16xi32>
        %add3A_1934 = arith.addi %add3A_1547, %add3A_1933 : vector<16xi32>
        %gather3A_1935 = tpu.vector_load_idx %arg10[%broadcast_in_dim3A_1416, %add3A_1934] : memref<320x128xf32, #tpu.memory_space<vmem>>[vector<16xi32>, vector<16xi32>], vector<16xf32>,
        %add3A_1936 = arith.addf %add3A_1932, %gather3A_1935 : vector<16xf32>
        %add3A_1937 = vector.broadcast %scan3A_1886 : i32 to vector<16xi32>
        %add3A_1938 = arith.addi %add3A_1558, %add3A_1937 : vector<16xi32>
        %gather3A_1939 = tpu.vector_load_idx %arg10[%broadcast_in_dim3A_1416, %add3A_1938] : memref<320x128xf32, #tpu.memory_space<vmem>>[vector<16xi32>, vector<16xi32>], vector<16xf32>,
        %add3A_1940 = arith.addf %add3A_1936, %gather3A_1939 : vector<16xf32>
        %add3A_1941 = vector.broadcast %scan3A_1886 : i32 to vector<16xi32>
        %add3A_1942 = arith.addi %add3A_1569, %add3A_1941 : vector<16xi32>
        %gather3A_1943 = tpu.vector_load_idx %arg10[%broadcast_in_dim3A_1416, %add3A_1942] : memref<320x128xf32, #tpu.memory_space<vmem>>[vector<16xi32>, vector<16xi32>], vector<16xf32>,
        %add3A_1944 = arith.addf %add3A_1940, %gather3A_1943 : vector<16xf32>
        %add3A_1945 = vector.broadcast %scan3A_1886 : i32 to vector<16xi32>
        %add3A_1946 = arith.addi %add3A_1580, %add3A_1945 : vector<16xi32>
        %gather3A_1947 = tpu.vector_load_idx %arg10[%broadcast_in_dim3A_1416, %add3A_1946] : memref<320x128xf32, #tpu.memory_space<vmem>>[vector<16xi32>, vector<16xi32>], vector<16xf32>,
        %add3A_1948 = arith.addf %add3A_1944, %gather3A_1947 : vector<16xf32>
        %add3A_1949 = vector.broadcast %scan3A_1886 : i32 to vector<16xi32>
        %add3A_1950 = arith.addi %add3A_1591, %add3A_1949 : vector<16xi32>
        %gather3A_1951 = tpu.vector_load_idx %arg10[%broadcast_in_dim3A_1416, %add3A_1950] : memref<320x128xf32, #tpu.memory_space<vmem>>[vector<16xi32>, vector<16xi32>], vector<16xf32>,
        %add3A_1952 = arith.addf %add3A_1948, %gather3A_1951 : vector<16xf32>
        %add3A_1953 = vector.broadcast %scan3A_1886 : i32 to vector<16xi32>
        %add3A_1954 = arith.addi %add3A_1602, %add3A_1953 : vector<16xi32>
        %gather3A_1955 = tpu.vector_load_idx %arg10[%broadcast_in_dim3A_1416, %add3A_1954] : memref<320x128xf32, #tpu.memory_space<vmem>>[vector<16xi32>, vector<16xi32>], vector<16xf32>,
        %add3A_1956 = arith.addf %add3A_1952, %gather3A_1955 : vector<16xf32>
        %add3A_1957 = vector.broadcast %scan3A_1886 : i32 to vector<16xi32>
        %add3A_1958 = arith.addi %add3A_1613, %add3A_1957 : vector<16xi32>
        %gather3A_1959 = tpu.vector_load_idx %arg10[%broadcast_in_dim3A_1416, %add3A_1958] : memref<320x128xf32, #tpu.memory_space<vmem>>[vector<16xi32>, vector<16xi32>], vector<16xf32>,
        %add3A_1960 = arith.addf %add3A_1956, %gather3A_1959 : vector<16xf32>
        %add3A_1961 = vector.broadcast %scan3A_1886 : i32 to vector<16xi32>
        %add3A_1962 = arith.addi %add3A_1624, %add3A_1961 : vector<16xi32>
        %gather3A_1963 = tpu.vector_load_idx %arg10[%broadcast_in_dim3A_1416, %add3A_1962] : memref<320x128xf32, #tpu.memory_space<vmem>>[vector<16xi32>, vector<16xi32>], vector<16xf32>,
        %add3A_1964 = arith.addf %add3A_1960, %gather3A_1963 : vector<16xf32>
        %add3A_1965 = vector.broadcast %scan3A_1886 : i32 to vector<16xi32>
        %add3A_1966 = arith.addi %add3A_1635, %add3A_1965 : vector<16xi32>
        %gather3A_1967 = tpu.vector_load_idx %arg10[%broadcast_in_dim3A_1416, %add3A_1966] : memref<320x128xf32, #tpu.memory_space<vmem>>[vector<16xi32>, vector<16xi32>], vector<16xf32>,
        %add3A_1968 = arith.addf %add3A_1964, %gather3A_1967 : vector<16xf32>
        %add3A_1969 = vector.broadcast %scan3A_1886 : i32 to vector<16xi32>
        %add3A_1970 = arith.addi %broadcast_in_dim3A_1416, %add3A_1969 : vector<16xi32>
        tpu.vector_store_idx %arg12[%iota3A, %add3A_1970], %add3A_1968 : memref<16x32xf32, #tpu.memory_space<vmem>>[vector<16xi32>, vector<16xi32>], vector<16xf32>,
      }
      %scan3A_1641 = arith.constant 32 : i32
      %mul3A_1642 = arith.constant 16 : i32
      %mul3A_1643 = arith.muli %mul3A_678, %mul3A_1642 : i32
      %add3A_1644 = arith.addi %mul3A_2, %mul3A_1643 : i32
      "tpu.region"() ({
        %run_scoped3A = tpu.sem_alloc : memref<!tpu.dma_semaphore, #tpu.memory_space<semaphore_mem>>
        %dma_start3A_1886 = arith.constant 0 : i32
        %dma_start3A_1887 = tpu.memref_slice %arg4[%add3A_1644, %dma_start3A_1886] : memref<16384x32xf32, #tpu.memory_space<hbm>> -> memref<16x32xf32, #tpu.memory_space<hbm>>
        %dma_start3A_1888 = arith.constant 0 : i32
        %dma_start3A_1889 = tpu.memref_slice %arg4[%add3A_1644, %dma_start3A_1888] : memref<16384x32xf32, #tpu.memory_space<hbm>> -> memref<16x32xf32, #tpu.memory_space<hbm>>
        tpu.enqueue_dma source(%arg12 : memref<16x32xf32, #tpu.memory_space<vmem>>) target(%dma_start3A_1889 : memref<16x32xf32, #tpu.memory_space<hbm>>) target_semaphore(%run_scoped3A : memref<!tpu.dma_semaphore, #tpu.memory_space<semaphore_mem>>)
        %dma_wait3A_1890 = arith.constant 0 : i32
        %dma_wait3A_1891 = tpu.memref_slice %arg4[%add3A_1644, %dma_wait3A_1890] : memref<16384x32xf32, #tpu.memory_space<hbm>> -> memref<16x32xf32, #tpu.memory_space<hbm>>
        %dma_wait3A_1892 = arith.constant 0 : i32
        %dma_wait3A_1893 = tpu.memref_slice %arg4[%add3A_1644, %dma_wait3A_1892] : memref<16384x32xf32, #tpu.memory_space<hbm>> -> memref<16x32xf32, #tpu.memory_space<hbm>>
        tpu.wait_dma2 semaphore(%run_scoped3A : memref<!tpu.dma_semaphore, #tpu.memory_space<semaphore_mem>>) src(%arg12 : memref<16x32xf32, #tpu.memory_space<vmem>>) dst(%dma_wait3A_1893 : memref<16x32xf32, #tpu.memory_space<hbm>>)
        tpu.yield
      }) : () -> ()
      %lt3A = arith.constant 15 : i32
      %lt3A_1645 = arith.cmpi slt, %scan3A_676, %lt3A : i32
      %convert_element_type3A = arith.extui %lt3A_1645 : i1 to i32
      %cond3A = arith.constant 0 : i32
      %cond3A_1646 = arith.cmpi ne, %convert_element_type3A, %cond3A : i32
      scf.if %cond3A_1646 {
        %add3A_1886 = arith.constant 2 : i32
        %add3A_1887 = arith.addi %mul3A_678, %add3A_1886 : i32
        %mul3A_1888 = arith.constant 336 : i32
        %mul3A_1889 = arith.muli %add3A_1887, %mul3A_1888 : i32
        %add3A_1890 = arith.constant 0 : i32
        %add3A_1891 = arith.addi %mul3A_1889, %add3A_1890 : i32
        %add3A_1892 = vector.broadcast %add3A_1891 : i32 to vector<16xi32>
        %add3A_1893 = arith.addi %mul3A_7, %add3A_1892 : vector<16xi32>
        %gather3A_1894 = tpu.vector_load_idx %arg5[%add3A_1893] : memref<10752xi32, #tpu.memory_space<vmem>>[vector<16xi32>], vector<16xi32>,
        %shift_right_logical3A_1895 = arith.constant 15 : i32
        %shift_right_logical3A_1896 = vector.broadcast %shift_right_logical3A_1895 : i32 to vector<16xi32>
        %shift_right_logical3A_1897 = arith.shrui %gather3A_1894, %shift_right_logical3A_1896 : vector<16xi32>
        %shift_left3A_1898 = arith.constant 13 : i32
        %shift_left3A_1899 = vector.broadcast %shift_left3A_1898 : i32 to vector<16xi32>
        %shift_left3A_1900 = arith.shli %shift_right_logical3A_1897, %shift_left3A_1899 : vector<16xi32>
        %and3A_1901 = arith.constant 8191 : i32
        %and3A_1902 = vector.broadcast %and3A_1901 : i32 to vector<16xi32>
        %and3A_1903 = arith.andi %gather3A_1894, %and3A_1902 : vector<16xi32>
        %or3A_1904 = arith.ori %shift_left3A_1900, %and3A_1903 : vector<16xi32>
        %shift_right_logical3A_1905 = arith.constant 13 : i32
        %shift_right_logical3A_1906 = vector.broadcast %shift_right_logical3A_1905 : i32 to vector<16xi32>
        %shift_right_logical3A_1907 = arith.shrui %gather3A_1894, %shift_right_logical3A_1906 : vector<16xi32>
        %and3A_1908 = arith.constant 3 : i32
        %and3A_1909 = vector.broadcast %and3A_1908 : i32 to vector<16xi32>
        %and3A_1910 = arith.andi %shift_right_logical3A_1907, %and3A_1909 : vector<16xi32>
        %shift_left3A_1911 = arith.constant 5 : i32
        %shift_left3A_1912 = vector.broadcast %shift_left3A_1911 : i32 to vector<16xi32>
        %shift_left3A_1913 = arith.shli %and3A_1910, %shift_left3A_1912 : vector<16xi32>
        %swap3A_1914 = arith.constant 0 : i32
        %swap3A_1915 = arith.index_cast %swap3A_1914 : i32 to index
        %swap3A_1916 = arith.constant 0 : index
        %swap3A_1917 = tpu.vector_load %arg6[%swap3A_1915, %swap3A_1916] {strides = array<i32>} : memref<5x64xi32, #tpu.memory_space<vmem>>, vector<16xi32>,
        tpu.vector_store %arg6[%swap3A_1915, %swap3A_1916], %or3A_1904 {strides = array<i32>} : memref<5x64xi32, #tpu.memory_space<vmem>>, vector<16xi32>,
        %swap3A_1918 = arith.constant 0 : i32
        %swap3A_1919 = arith.index_cast %swap3A_1918 : i32 to index
        %swap3A_1920 = arith.constant 0 : index
        %swap3A_1921 = tpu.vector_load %arg8[%swap3A_1919, %swap3A_1920] {strides = array<i32>} : memref<20x16xi32, #tpu.memory_space<vmem>>, vector<16xi32>,
        tpu.vector_store %arg8[%swap3A_1919, %swap3A_1920], %shift_left3A_1913 {strides = array<i32>} : memref<20x16xi32, #tpu.memory_space<vmem>>, vector<16xi32>,
        %mul3A_1922 = arith.constant 336 : i32
        %mul3A_1923 = arith.muli %add3A_1887, %mul3A_1922 : i32
        %add3A_1924 = arith.constant 1 : i32
        %add3A_1925 = arith.addi %mul3A_1923, %add3A_1924 : i32
        %add3A_1926 = vector.broadcast %add3A_1925 : i32 to vector<16xi32>
        %add3A_1927 = arith.addi %mul3A_7, %add3A_1926 : vector<16xi32>
        %gather3A_1928 = tpu.vector_load_idx %arg5[%add3A_1927] : memref<10752xi32, #tpu.memory_space<vmem>>[vector<16xi32>], vector<16xi32>,
        %shift_right_logical3A_1929 = arith.constant 15 : i32
        %shift_right_logical3A_1930 = vector.broadcast %shift_right_logical3A_1929 : i32 to vector<16xi32>
        %shift_right_logical3A_1931 = arith.shrui %gather3A_1928, %shift_right_logical3A_1930 : vector<16xi32>
        %shift_left3A_1932 = arith.constant 13 : i32
        %shift_left3A_1933 = vector.broadcast %shift_left3A_1932 : i32 to vector<16xi32>
        %shift_left3A_1934 = arith.shli %shift_right_logical3A_1931, %shift_left3A_1933 : vector<16xi32>
        %and3A_1935 = arith.constant 8191 : i32
        %and3A_1936 = vector.broadcast %and3A_1935 : i32 to vector<16xi32>
        %and3A_1937 = arith.andi %gather3A_1928, %and3A_1936 : vector<16xi32>
        %or3A_1938 = arith.ori %shift_left3A_1934, %and3A_1937 : vector<16xi32>
        %shift_right_logical3A_1939 = arith.constant 13 : i32
        %shift_right_logical3A_1940 = vector.broadcast %shift_right_logical3A_1939 : i32 to vector<16xi32>
        %shift_right_logical3A_1941 = arith.shrui %gather3A_1928, %shift_right_logical3A_1940 : vector<16xi32>
        %and3A_1942 = arith.constant 3 : i32
        %and3A_1943 = vector.broadcast %and3A_1942 : i32 to vector<16xi32>
        %and3A_1944 = arith.andi %shift_right_logical3A_1941, %and3A_1943 : vector<16xi32>
        %shift_left3A_1945 = arith.constant 5 : i32
        %shift_left3A_1946 = vector.broadcast %shift_left3A_1945 : i32 to vector<16xi32>
        %shift_left3A_1947 = arith.shli %and3A_1944, %shift_left3A_1946 : vector<16xi32>
        %swap3A_1948 = arith.constant 0 : i32
        %swap3A_1949 = arith.index_cast %swap3A_1948 : i32 to index
        %swap3A_1950 = arith.constant 16 : index
        %swap3A_1951 = tpu.vector_load %arg6[%swap3A_1949, %swap3A_1950] {strides = array<i32>} : memref<5x64xi32, #tpu.memory_space<vmem>>, vector<16xi32>,
        tpu.vector_store %arg6[%swap3A_1949, %swap3A_1950], %or3A_1938 {strides = array<i32>} : memref<5x64xi32, #tpu.memory_space<vmem>>, vector<16xi32>,
        %swap3A_1952 = arith.constant 1 : i32
        %swap3A_1953 = arith.index_cast %swap3A_1952 : i32 to index
        %swap3A_1954 = arith.constant 0 : index
        %swap3A_1955 = tpu.vector_load %arg8[%swap3A_1953, %swap3A_1954] {strides = array<i32>} : memref<20x16xi32, #tpu.memory_space<vmem>>, vector<16xi32>,
        tpu.vector_store %arg8[%swap3A_1953, %swap3A_1954], %shift_left3A_1947 {strides = array<i32>} : memref<20x16xi32, #tpu.memory_space<vmem>>, vector<16xi32>,
        %mul3A_1956 = arith.constant 336 : i32
        %mul3A_1957 = arith.muli %add3A_1887, %mul3A_1956 : i32
        %add3A_1958 = arith.constant 2 : i32
        %add3A_1959 = arith.addi %mul3A_1957, %add3A_1958 : i32
        %add3A_1960 = vector.broadcast %add3A_1959 : i32 to vector<16xi32>
        %add3A_1961 = arith.addi %mul3A_7, %add3A_1960 : vector<16xi32>
        %gather3A_1962 = tpu.vector_load_idx %arg5[%add3A_1961] : memref<10752xi32, #tpu.memory_space<vmem>>[vector<16xi32>], vector<16xi32>,
        %shift_right_logical3A_1963 = arith.constant 15 : i32
        %shift_right_logical3A_1964 = vector.broadcast %shift_right_logical3A_1963 : i32 to vector<16xi32>
        %shift_right_logical3A_1965 = arith.shrui %gather3A_1962, %shift_right_logical3A_1964 : vector<16xi32>
        %shift_left3A_1966 = arith.constant 13 : i32
        %shift_left3A_1967 = vector.broadcast %shift_left3A_1966 : i32 to vector<16xi32>
        %shift_left3A_1968 = arith.shli %shift_right_logical3A_1965, %shift_left3A_1967 : vector<16xi32>
        %and3A_1969 = arith.constant 8191 : i32
        %and3A_1970 = vector.broadcast %and3A_1969 : i32 to vector<16xi32>
        %and3A_1971 = arith.andi %gather3A_1962, %and3A_1970 : vector<16xi32>
        %or3A_1972 = arith.ori %shift_left3A_1968, %and3A_1971 : vector<16xi32>
        %shift_right_logical3A_1973 = arith.constant 13 : i32
        %shift_right_logical3A_1974 = vector.broadcast %shift_right_logical3A_1973 : i32 to vector<16xi32>
        %shift_right_logical3A_1975 = arith.shrui %gather3A_1962, %shift_right_logical3A_1974 : vector<16xi32>
        %and3A_1976 = arith.constant 3 : i32
        %and3A_1977 = vector.broadcast %and3A_1976 : i32 to vector<16xi32>
        %and3A_1978 = arith.andi %shift_right_logical3A_1975, %and3A_1977 : vector<16xi32>
        %shift_left3A_1979 = arith.constant 5 : i32
        %shift_left3A_1980 = vector.broadcast %shift_left3A_1979 : i32 to vector<16xi32>
        %shift_left3A_1981 = arith.shli %and3A_1978, %shift_left3A_1980 : vector<16xi32>
        %swap3A_1982 = arith.constant 0 : i32
        %swap3A_1983 = arith.index_cast %swap3A_1982 : i32 to index
        %swap3A_1984 = arith.constant 32 : index
        %swap3A_1985 = tpu.vector_load %arg6[%swap3A_1983, %swap3A_1984] {strides = array<i32>} : memref<5x64xi32, #tpu.memory_space<vmem>>, vector<16xi32>,
        tpu.vector_store %arg6[%swap3A_1983, %swap3A_1984], %or3A_1972 {strides = array<i32>} : memref<5x64xi32, #tpu.memory_space<vmem>>, vector<16xi32>,
        %swap3A_1986 = arith.constant 2 : i32
        %swap3A_1987 = arith.index_cast %swap3A_1986 : i32 to index
        %swap3A_1988 = arith.constant 0 : index
        %swap3A_1989 = tpu.vector_load %arg8[%swap3A_1987, %swap3A_1988] {strides = array<i32>} : memref<20x16xi32, #tpu.memory_space<vmem>>, vector<16xi32>,
        tpu.vector_store %arg8[%swap3A_1987, %swap3A_1988], %shift_left3A_1981 {strides = array<i32>} : memref<20x16xi32, #tpu.memory_space<vmem>>, vector<16xi32>,
        %mul3A_1990 = arith.constant 336 : i32
        %mul3A_1991 = arith.muli %add3A_1887, %mul3A_1990 : i32
        %add3A_1992 = arith.constant 3 : i32
        %add3A_1993 = arith.addi %mul3A_1991, %add3A_1992 : i32
        %add3A_1994 = vector.broadcast %add3A_1993 : i32 to vector<16xi32>
        %add3A_1995 = arith.addi %mul3A_7, %add3A_1994 : vector<16xi32>
        %gather3A_1996 = tpu.vector_load_idx %arg5[%add3A_1995] : memref<10752xi32, #tpu.memory_space<vmem>>[vector<16xi32>], vector<16xi32>,
        %shift_right_logical3A_1997 = arith.constant 15 : i32
        %shift_right_logical3A_1998 = vector.broadcast %shift_right_logical3A_1997 : i32 to vector<16xi32>
        %shift_right_logical3A_1999 = arith.shrui %gather3A_1996, %shift_right_logical3A_1998 : vector<16xi32>
        %shift_left3A_2000 = arith.constant 13 : i32
        %shift_left3A_2001 = vector.broadcast %shift_left3A_2000 : i32 to vector<16xi32>
        %shift_left3A_2002 = arith.shli %shift_right_logical3A_1999, %shift_left3A_2001 : vector<16xi32>
        %and3A_2003 = arith.constant 8191 : i32
        %and3A_2004 = vector.broadcast %and3A_2003 : i32 to vector<16xi32>
        %and3A_2005 = arith.andi %gather3A_1996, %and3A_2004 : vector<16xi32>
        %or3A_2006 = arith.ori %shift_left3A_2002, %and3A_2005 : vector<16xi32>
        %shift_right_logical3A_2007 = arith.constant 13 : i32
        %shift_right_logical3A_2008 = vector.broadcast %shift_right_logical3A_2007 : i32 to vector<16xi32>
        %shift_right_logical3A_2009 = arith.shrui %gather3A_1996, %shift_right_logical3A_2008 : vector<16xi32>
        %and3A_2010 = arith.constant 3 : i32
        %and3A_2011 = vector.broadcast %and3A_2010 : i32 to vector<16xi32>
        %and3A_2012 = arith.andi %shift_right_logical3A_2009, %and3A_2011 : vector<16xi32>
        %shift_left3A_2013 = arith.constant 5 : i32
        %shift_left3A_2014 = vector.broadcast %shift_left3A_2013 : i32 to vector<16xi32>
        %shift_left3A_2015 = arith.shli %and3A_2012, %shift_left3A_2014 : vector<16xi32>
        %swap3A_2016 = arith.constant 0 : i32
        %swap3A_2017 = arith.index_cast %swap3A_2016 : i32 to index
        %swap3A_2018 = arith.constant 48 : index
        %swap3A_2019 = tpu.vector_load %arg6[%swap3A_2017, %swap3A_2018] {strides = array<i32>} : memref<5x64xi32, #tpu.memory_space<vmem>>, vector<16xi32>,
        tpu.vector_store %arg6[%swap3A_2017, %swap3A_2018], %or3A_2006 {strides = array<i32>} : memref<5x64xi32, #tpu.memory_space<vmem>>, vector<16xi32>,
        %swap3A_2020 = arith.constant 3 : i32
        %swap3A_2021 = arith.index_cast %swap3A_2020 : i32 to index
        %swap3A_2022 = arith.constant 0 : index
        %swap3A_2023 = tpu.vector_load %arg8[%swap3A_2021, %swap3A_2022] {strides = array<i32>} : memref<20x16xi32, #tpu.memory_space<vmem>>, vector<16xi32>,
        tpu.vector_store %arg8[%swap3A_2021, %swap3A_2022], %shift_left3A_2015 {strides = array<i32>} : memref<20x16xi32, #tpu.memory_space<vmem>>, vector<16xi32>,
        %mul3A_2024 = arith.constant 336 : i32
        %mul3A_2025 = arith.muli %add3A_1887, %mul3A_2024 : i32
        %add3A_2026 = arith.constant 4 : i32
        %add3A_2027 = arith.addi %mul3A_2025, %add3A_2026 : i32
        %add3A_2028 = vector.broadcast %add3A_2027 : i32 to vector<16xi32>
        %add3A_2029 = arith.addi %mul3A_7, %add3A_2028 : vector<16xi32>
        %gather3A_2030 = tpu.vector_load_idx %arg5[%add3A_2029] : memref<10752xi32, #tpu.memory_space<vmem>>[vector<16xi32>], vector<16xi32>,
        %shift_right_logical3A_2031 = arith.constant 15 : i32
        %shift_right_logical3A_2032 = vector.broadcast %shift_right_logical3A_2031 : i32 to vector<16xi32>
        %shift_right_logical3A_2033 = arith.shrui %gather3A_2030, %shift_right_logical3A_2032 : vector<16xi32>
        %shift_left3A_2034 = arith.constant 13 : i32
        %shift_left3A_2035 = vector.broadcast %shift_left3A_2034 : i32 to vector<16xi32>
        %shift_left3A_2036 = arith.shli %shift_right_logical3A_2033, %shift_left3A_2035 : vector<16xi32>
        %and3A_2037 = arith.constant 8191 : i32
        %and3A_2038 = vector.broadcast %and3A_2037 : i32 to vector<16xi32>
        %and3A_2039 = arith.andi %gather3A_2030, %and3A_2038 : vector<16xi32>
        %or3A_2040 = arith.ori %shift_left3A_2036, %and3A_2039 : vector<16xi32>
        %shift_right_logical3A_2041 = arith.constant 13 : i32
        %shift_right_logical3A_2042 = vector.broadcast %shift_right_logical3A_2041 : i32 to vector<16xi32>
        %shift_right_logical3A_2043 = arith.shrui %gather3A_2030, %shift_right_logical3A_2042 : vector<16xi32>
        %and3A_2044 = arith.constant 3 : i32
        %and3A_2045 = vector.broadcast %and3A_2044 : i32 to vector<16xi32>
        %and3A_2046 = arith.andi %shift_right_logical3A_2043, %and3A_2045 : vector<16xi32>
        %shift_left3A_2047 = arith.constant 5 : i32
        %shift_left3A_2048 = vector.broadcast %shift_left3A_2047 : i32 to vector<16xi32>
        %shift_left3A_2049 = arith.shli %and3A_2046, %shift_left3A_2048 : vector<16xi32>
        %swap3A_2050 = arith.constant 1 : i32
        %swap3A_2051 = arith.index_cast %swap3A_2050 : i32 to index
        %swap3A_2052 = arith.constant 0 : index
        %swap3A_2053 = tpu.vector_load %arg6[%swap3A_2051, %swap3A_2052] {strides = array<i32>} : memref<5x64xi32, #tpu.memory_space<vmem>>, vector<16xi32>,
        tpu.vector_store %arg6[%swap3A_2051, %swap3A_2052], %or3A_2040 {strides = array<i32>} : memref<5x64xi32, #tpu.memory_space<vmem>>, vector<16xi32>,
        %swap3A_2054 = arith.constant 4 : i32
        %swap3A_2055 = arith.index_cast %swap3A_2054 : i32 to index
        %swap3A_2056 = arith.constant 0 : index
        %swap3A_2057 = tpu.vector_load %arg8[%swap3A_2055, %swap3A_2056] {strides = array<i32>} : memref<20x16xi32, #tpu.memory_space<vmem>>, vector<16xi32>,
        tpu.vector_store %arg8[%swap3A_2055, %swap3A_2056], %shift_left3A_2049 {strides = array<i32>} : memref<20x16xi32, #tpu.memory_space<vmem>>, vector<16xi32>,
        %mul3A_2058 = arith.constant 336 : i32
        %mul3A_2059 = arith.muli %add3A_1887, %mul3A_2058 : i32
        %add3A_2060 = arith.constant 5 : i32
        %add3A_2061 = arith.addi %mul3A_2059, %add3A_2060 : i32
        %add3A_2062 = vector.broadcast %add3A_2061 : i32 to vector<16xi32>
        %add3A_2063 = arith.addi %mul3A_7, %add3A_2062 : vector<16xi32>
        %gather3A_2064 = tpu.vector_load_idx %arg5[%add3A_2063] : memref<10752xi32, #tpu.memory_space<vmem>>[vector<16xi32>], vector<16xi32>,
        %shift_right_logical3A_2065 = arith.constant 15 : i32
        %shift_right_logical3A_2066 = vector.broadcast %shift_right_logical3A_2065 : i32 to vector<16xi32>
        %shift_right_logical3A_2067 = arith.shrui %gather3A_2064, %shift_right_logical3A_2066 : vector<16xi32>
        %shift_left3A_2068 = arith.constant 13 : i32
        %shift_left3A_2069 = vector.broadcast %shift_left3A_2068 : i32 to vector<16xi32>
        %shift_left3A_2070 = arith.shli %shift_right_logical3A_2067, %shift_left3A_2069 : vector<16xi32>
        %and3A_2071 = arith.constant 8191 : i32
        %and3A_2072 = vector.broadcast %and3A_2071 : i32 to vector<16xi32>
        %and3A_2073 = arith.andi %gather3A_2064, %and3A_2072 : vector<16xi32>
        %or3A_2074 = arith.ori %shift_left3A_2070, %and3A_2073 : vector<16xi32>
        %shift_right_logical3A_2075 = arith.constant 13 : i32
        %shift_right_logical3A_2076 = vector.broadcast %shift_right_logical3A_2075 : i32 to vector<16xi32>
        %shift_right_logical3A_2077 = arith.shrui %gather3A_2064, %shift_right_logical3A_2076 : vector<16xi32>
        %and3A_2078 = arith.constant 3 : i32
        %and3A_2079 = vector.broadcast %and3A_2078 : i32 to vector<16xi32>
        %and3A_2080 = arith.andi %shift_right_logical3A_2077, %and3A_2079 : vector<16xi32>
        %shift_left3A_2081 = arith.constant 5 : i32
        %shift_left3A_2082 = vector.broadcast %shift_left3A_2081 : i32 to vector<16xi32>
        %shift_left3A_2083 = arith.shli %and3A_2080, %shift_left3A_2082 : vector<16xi32>
        %swap3A_2084 = arith.constant 1 : i32
        %swap3A_2085 = arith.index_cast %swap3A_2084 : i32 to index
        %swap3A_2086 = arith.constant 16 : index
        %swap3A_2087 = tpu.vector_load %arg6[%swap3A_2085, %swap3A_2086] {strides = array<i32>} : memref<5x64xi32, #tpu.memory_space<vmem>>, vector<16xi32>,
        tpu.vector_store %arg6[%swap3A_2085, %swap3A_2086], %or3A_2074 {strides = array<i32>} : memref<5x64xi32, #tpu.memory_space<vmem>>, vector<16xi32>,
        %swap3A_2088 = arith.constant 5 : i32
        %swap3A_2089 = arith.index_cast %swap3A_2088 : i32 to index
        %swap3A_2090 = arith.constant 0 : index
        %swap3A_2091 = tpu.vector_load %arg8[%swap3A_2089, %swap3A_2090] {strides = array<i32>} : memref<20x16xi32, #tpu.memory_space<vmem>>, vector<16xi32>,
        tpu.vector_store %arg8[%swap3A_2089, %swap3A_2090], %shift_left3A_2083 {strides = array<i32>} : memref<20x16xi32, #tpu.memory_space<vmem>>, vector<16xi32>,
        %mul3A_2092 = arith.constant 336 : i32
        %mul3A_2093 = arith.muli %add3A_1887, %mul3A_2092 : i32
        %add3A_2094 = arith.constant 6 : i32
        %add3A_2095 = arith.addi %mul3A_2093, %add3A_2094 : i32
        %add3A_2096 = vector.broadcast %add3A_2095 : i32 to vector<16xi32>
        %add3A_2097 = arith.addi %mul3A_7, %add3A_2096 : vector<16xi32>
        %gather3A_2098 = tpu.vector_load_idx %arg5[%add3A_2097] : memref<10752xi32, #tpu.memory_space<vmem>>[vector<16xi32>], vector<16xi32>,
        %shift_right_logical3A_2099 = arith.constant 15 : i32
        %shift_right_logical3A_2100 = vector.broadcast %shift_right_logical3A_2099 : i32 to vector<16xi32>
        %shift_right_logical3A_2101 = arith.shrui %gather3A_2098, %shift_right_logical3A_2100 : vector<16xi32>
        %shift_left3A_2102 = arith.constant 13 : i32
        %shift_left3A_2103 = vector.broadcast %shift_left3A_2102 : i32 to vector<16xi32>
        %shift_left3A_2104 = arith.shli %shift_right_logical3A_2101, %shift_left3A_2103 : vector<16xi32>
        %and3A_2105 = arith.constant 8191 : i32
        %and3A_2106 = vector.broadcast %and3A_2105 : i32 to vector<16xi32>
        %and3A_2107 = arith.andi %gather3A_2098, %and3A_2106 : vector<16xi32>
        %or3A_2108 = arith.ori %shift_left3A_2104, %and3A_2107 : vector<16xi32>
        %shift_right_logical3A_2109 = arith.constant 13 : i32
        %shift_right_logical3A_2110 = vector.broadcast %shift_right_logical3A_2109 : i32 to vector<16xi32>
        %shift_right_logical3A_2111 = arith.shrui %gather3A_2098, %shift_right_logical3A_2110 : vector<16xi32>
        %and3A_2112 = arith.constant 3 : i32
        %and3A_2113 = vector.broadcast %and3A_2112 : i32 to vector<16xi32>
        %and3A_2114 = arith.andi %shift_right_logical3A_2111, %and3A_2113 : vector<16xi32>
        %shift_left3A_2115 = arith.constant 5 : i32
        %shift_left3A_2116 = vector.broadcast %shift_left3A_2115 : i32 to vector<16xi32>
        %shift_left3A_2117 = arith.shli %and3A_2114, %shift_left3A_2116 : vector<16xi32>
        %swap3A_2118 = arith.constant 1 : i32
        %swap3A_2119 = arith.index_cast %swap3A_2118 : i32 to index
        %swap3A_2120 = arith.constant 32 : index
        %swap3A_2121 = tpu.vector_load %arg6[%swap3A_2119, %swap3A_2120] {strides = array<i32>} : memref<5x64xi32, #tpu.memory_space<vmem>>, vector<16xi32>,
        tpu.vector_store %arg6[%swap3A_2119, %swap3A_2120], %or3A_2108 {strides = array<i32>} : memref<5x64xi32, #tpu.memory_space<vmem>>, vector<16xi32>,
        %swap3A_2122 = arith.constant 6 : i32
        %swap3A_2123 = arith.index_cast %swap3A_2122 : i32 to index
        %swap3A_2124 = arith.constant 0 : index
        %swap3A_2125 = tpu.vector_load %arg8[%swap3A_2123, %swap3A_2124] {strides = array<i32>} : memref<20x16xi32, #tpu.memory_space<vmem>>, vector<16xi32>,
        tpu.vector_store %arg8[%swap3A_2123, %swap3A_2124], %shift_left3A_2117 {strides = array<i32>} : memref<20x16xi32, #tpu.memory_space<vmem>>, vector<16xi32>,
        %mul3A_2126 = arith.constant 336 : i32
        %mul3A_2127 = arith.muli %add3A_1887, %mul3A_2126 : i32
        %add3A_2128 = arith.constant 7 : i32
        %add3A_2129 = arith.addi %mul3A_2127, %add3A_2128 : i32
        %add3A_2130 = vector.broadcast %add3A_2129 : i32 to vector<16xi32>
        %add3A_2131 = arith.addi %mul3A_7, %add3A_2130 : vector<16xi32>
        %gather3A_2132 = tpu.vector_load_idx %arg5[%add3A_2131] : memref<10752xi32, #tpu.memory_space<vmem>>[vector<16xi32>], vector<16xi32>,
        %shift_right_logical3A_2133 = arith.constant 15 : i32
        %shift_right_logical3A_2134 = vector.broadcast %shift_right_logical3A_2133 : i32 to vector<16xi32>
        %shift_right_logical3A_2135 = arith.shrui %gather3A_2132, %shift_right_logical3A_2134 : vector<16xi32>
        %shift_left3A_2136 = arith.constant 13 : i32
        %shift_left3A_2137 = vector.broadcast %shift_left3A_2136 : i32 to vector<16xi32>
        %shift_left3A_2138 = arith.shli %shift_right_logical3A_2135, %shift_left3A_2137 : vector<16xi32>
        %and3A_2139 = arith.constant 8191 : i32
        %and3A_2140 = vector.broadcast %and3A_2139 : i32 to vector<16xi32>
        %and3A_2141 = arith.andi %gather3A_2132, %and3A_2140 : vector<16xi32>
        %or3A_2142 = arith.ori %shift_left3A_2138, %and3A_2141 : vector<16xi32>
        %shift_right_logical3A_2143 = arith.constant 13 : i32
        %shift_right_logical3A_2144 = vector.broadcast %shift_right_logical3A_2143 : i32 to vector<16xi32>
        %shift_right_logical3A_2145 = arith.shrui %gather3A_2132, %shift_right_logical3A_2144 : vector<16xi32>
        %and3A_2146 = arith.constant 3 : i32
        %and3A_2147 = vector.broadcast %and3A_2146 : i32 to vector<16xi32>
        %and3A_2148 = arith.andi %shift_right_logical3A_2145, %and3A_2147 : vector<16xi32>
        %shift_left3A_2149 = arith.constant 5 : i32
        %shift_left3A_2150 = vector.broadcast %shift_left3A_2149 : i32 to vector<16xi32>
        %shift_left3A_2151 = arith.shli %and3A_2148, %shift_left3A_2150 : vector<16xi32>
        %swap3A_2152 = arith.constant 1 : i32
        %swap3A_2153 = arith.index_cast %swap3A_2152 : i32 to index
        %swap3A_2154 = arith.constant 48 : index
        %swap3A_2155 = tpu.vector_load %arg6[%swap3A_2153, %swap3A_2154] {strides = array<i32>} : memref<5x64xi32, #tpu.memory_space<vmem>>, vector<16xi32>,
        tpu.vector_store %arg6[%swap3A_2153, %swap3A_2154], %or3A_2142 {strides = array<i32>} : memref<5x64xi32, #tpu.memory_space<vmem>>, vector<16xi32>,
        %swap3A_2156 = arith.constant 7 : i32
        %swap3A_2157 = arith.index_cast %swap3A_2156 : i32 to index
        %swap3A_2158 = arith.constant 0 : index
        %swap3A_2159 = tpu.vector_load %arg8[%swap3A_2157, %swap3A_2158] {strides = array<i32>} : memref<20x16xi32, #tpu.memory_space<vmem>>, vector<16xi32>,
        tpu.vector_store %arg8[%swap3A_2157, %swap3A_2158], %shift_left3A_2151 {strides = array<i32>} : memref<20x16xi32, #tpu.memory_space<vmem>>, vector<16xi32>,
        %mul3A_2160 = arith.constant 336 : i32
        %mul3A_2161 = arith.muli %add3A_1887, %mul3A_2160 : i32
        %add3A_2162 = arith.constant 8 : i32
        %add3A_2163 = arith.addi %mul3A_2161, %add3A_2162 : i32
        %add3A_2164 = vector.broadcast %add3A_2163 : i32 to vector<16xi32>
        %add3A_2165 = arith.addi %mul3A_7, %add3A_2164 : vector<16xi32>
        %gather3A_2166 = tpu.vector_load_idx %arg5[%add3A_2165] : memref<10752xi32, #tpu.memory_space<vmem>>[vector<16xi32>], vector<16xi32>,
        %shift_right_logical3A_2167 = arith.constant 15 : i32
        %shift_right_logical3A_2168 = vector.broadcast %shift_right_logical3A_2167 : i32 to vector<16xi32>
        %shift_right_logical3A_2169 = arith.shrui %gather3A_2166, %shift_right_logical3A_2168 : vector<16xi32>
        %shift_left3A_2170 = arith.constant 13 : i32
        %shift_left3A_2171 = vector.broadcast %shift_left3A_2170 : i32 to vector<16xi32>
        %shift_left3A_2172 = arith.shli %shift_right_logical3A_2169, %shift_left3A_2171 : vector<16xi32>
        %and3A_2173 = arith.constant 8191 : i32
        %and3A_2174 = vector.broadcast %and3A_2173 : i32 to vector<16xi32>
        %and3A_2175 = arith.andi %gather3A_2166, %and3A_2174 : vector<16xi32>
        %or3A_2176 = arith.ori %shift_left3A_2172, %and3A_2175 : vector<16xi32>
        %shift_right_logical3A_2177 = arith.constant 13 : i32
        %shift_right_logical3A_2178 = vector.broadcast %shift_right_logical3A_2177 : i32 to vector<16xi32>
        %shift_right_logical3A_2179 = arith.shrui %gather3A_2166, %shift_right_logical3A_2178 : vector<16xi32>
        %and3A_2180 = arith.constant 3 : i32
        %and3A_2181 = vector.broadcast %and3A_2180 : i32 to vector<16xi32>
        %and3A_2182 = arith.andi %shift_right_logical3A_2179, %and3A_2181 : vector<16xi32>
        %shift_left3A_2183 = arith.constant 5 : i32
        %shift_left3A_2184 = vector.broadcast %shift_left3A_2183 : i32 to vector<16xi32>
        %shift_left3A_2185 = arith.shli %and3A_2182, %shift_left3A_2184 : vector<16xi32>
        %swap3A_2186 = arith.constant 2 : i32
        %swap3A_2187 = arith.index_cast %swap3A_2186 : i32 to index
        %swap3A_2188 = arith.constant 0 : index
        %swap3A_2189 = tpu.vector_load %arg6[%swap3A_2187, %swap3A_2188] {strides = array<i32>} : memref<5x64xi32, #tpu.memory_space<vmem>>, vector<16xi32>,
        tpu.vector_store %arg6[%swap3A_2187, %swap3A_2188], %or3A_2176 {strides = array<i32>} : memref<5x64xi32, #tpu.memory_space<vmem>>, vector<16xi32>,
        %swap3A_2190 = arith.constant 8 : i32
        %swap3A_2191 = arith.index_cast %swap3A_2190 : i32 to index
        %swap3A_2192 = arith.constant 0 : index
        %swap3A_2193 = tpu.vector_load %arg8[%swap3A_2191, %swap3A_2192] {strides = array<i32>} : memref<20x16xi32, #tpu.memory_space<vmem>>, vector<16xi32>,
        tpu.vector_store %arg8[%swap3A_2191, %swap3A_2192], %shift_left3A_2185 {strides = array<i32>} : memref<20x16xi32, #tpu.memory_space<vmem>>, vector<16xi32>,
        %mul3A_2194 = arith.constant 336 : i32
        %mul3A_2195 = arith.muli %add3A_1887, %mul3A_2194 : i32
        %add3A_2196 = arith.constant 9 : i32
        %add3A_2197 = arith.addi %mul3A_2195, %add3A_2196 : i32
        %add3A_2198 = vector.broadcast %add3A_2197 : i32 to vector<16xi32>
        %add3A_2199 = arith.addi %mul3A_7, %add3A_2198 : vector<16xi32>
        %gather3A_2200 = tpu.vector_load_idx %arg5[%add3A_2199] : memref<10752xi32, #tpu.memory_space<vmem>>[vector<16xi32>], vector<16xi32>,
        %shift_right_logical3A_2201 = arith.constant 15 : i32
        %shift_right_logical3A_2202 = vector.broadcast %shift_right_logical3A_2201 : i32 to vector<16xi32>
        %shift_right_logical3A_2203 = arith.shrui %gather3A_2200, %shift_right_logical3A_2202 : vector<16xi32>
        %shift_left3A_2204 = arith.constant 13 : i32
        %shift_left3A_2205 = vector.broadcast %shift_left3A_2204 : i32 to vector<16xi32>
        %shift_left3A_2206 = arith.shli %shift_right_logical3A_2203, %shift_left3A_2205 : vector<16xi32>
        %and3A_2207 = arith.constant 8191 : i32
        %and3A_2208 = vector.broadcast %and3A_2207 : i32 to vector<16xi32>
        %and3A_2209 = arith.andi %gather3A_2200, %and3A_2208 : vector<16xi32>
        %or3A_2210 = arith.ori %shift_left3A_2206, %and3A_2209 : vector<16xi32>
        %shift_right_logical3A_2211 = arith.constant 13 : i32
        %shift_right_logical3A_2212 = vector.broadcast %shift_right_logical3A_2211 : i32 to vector<16xi32>
        %shift_right_logical3A_2213 = arith.shrui %gather3A_2200, %shift_right_logical3A_2212 : vector<16xi32>
        %and3A_2214 = arith.constant 3 : i32
        %and3A_2215 = vector.broadcast %and3A_2214 : i32 to vector<16xi32>
        %and3A_2216 = arith.andi %shift_right_logical3A_2213, %and3A_2215 : vector<16xi32>
        %shift_left3A_2217 = arith.constant 5 : i32
        %shift_left3A_2218 = vector.broadcast %shift_left3A_2217 : i32 to vector<16xi32>
        %shift_left3A_2219 = arith.shli %and3A_2216, %shift_left3A_2218 : vector<16xi32>
        %swap3A_2220 = arith.constant 2 : i32
        %swap3A_2221 = arith.index_cast %swap3A_2220 : i32 to index
        %swap3A_2222 = arith.constant 16 : index
        %swap3A_2223 = tpu.vector_load %arg6[%swap3A_2221, %swap3A_2222] {strides = array<i32>} : memref<5x64xi32, #tpu.memory_space<vmem>>, vector<16xi32>,
        tpu.vector_store %arg6[%swap3A_2221, %swap3A_2222], %or3A_2210 {strides = array<i32>} : memref<5x64xi32, #tpu.memory_space<vmem>>, vector<16xi32>,
        %swap3A_2224 = arith.constant 9 : i32
        %swap3A_2225 = arith.index_cast %swap3A_2224 : i32 to index
        %swap3A_2226 = arith.constant 0 : index
        %swap3A_2227 = tpu.vector_load %arg8[%swap3A_2225, %swap3A_2226] {strides = array<i32>} : memref<20x16xi32, #tpu.memory_space<vmem>>, vector<16xi32>,
        tpu.vector_store %arg8[%swap3A_2225, %swap3A_2226], %shift_left3A_2219 {strides = array<i32>} : memref<20x16xi32, #tpu.memory_space<vmem>>, vector<16xi32>,
        %mul3A_2228 = arith.constant 336 : i32
        %mul3A_2229 = arith.muli %add3A_1887, %mul3A_2228 : i32
        %add3A_2230 = arith.constant 10 : i32
        %add3A_2231 = arith.addi %mul3A_2229, %add3A_2230 : i32
        %add3A_2232 = vector.broadcast %add3A_2231 : i32 to vector<16xi32>
        %add3A_2233 = arith.addi %mul3A_7, %add3A_2232 : vector<16xi32>
        %gather3A_2234 = tpu.vector_load_idx %arg5[%add3A_2233] : memref<10752xi32, #tpu.memory_space<vmem>>[vector<16xi32>], vector<16xi32>,
        %shift_right_logical3A_2235 = arith.constant 15 : i32
        %shift_right_logical3A_2236 = vector.broadcast %shift_right_logical3A_2235 : i32 to vector<16xi32>
        %shift_right_logical3A_2237 = arith.shrui %gather3A_2234, %shift_right_logical3A_2236 : vector<16xi32>
        %shift_left3A_2238 = arith.constant 13 : i32
        %shift_left3A_2239 = vector.broadcast %shift_left3A_2238 : i32 to vector<16xi32>
        %shift_left3A_2240 = arith.shli %shift_right_logical3A_2237, %shift_left3A_2239 : vector<16xi32>
        %and3A_2241 = arith.constant 8191 : i32
        %and3A_2242 = vector.broadcast %and3A_2241 : i32 to vector<16xi32>
        %and3A_2243 = arith.andi %gather3A_2234, %and3A_2242 : vector<16xi32>
        %or3A_2244 = arith.ori %shift_left3A_2240, %and3A_2243 : vector<16xi32>
        %shift_right_logical3A_2245 = arith.constant 13 : i32
        %shift_right_logical3A_2246 = vector.broadcast %shift_right_logical3A_2245 : i32 to vector<16xi32>
        %shift_right_logical3A_2247 = arith.shrui %gather3A_2234, %shift_right_logical3A_2246 : vector<16xi32>
        %and3A_2248 = arith.constant 3 : i32
        %and3A_2249 = vector.broadcast %and3A_2248 : i32 to vector<16xi32>
        %and3A_2250 = arith.andi %shift_right_logical3A_2247, %and3A_2249 : vector<16xi32>
        %shift_left3A_2251 = arith.constant 5 : i32
        %shift_left3A_2252 = vector.broadcast %shift_left3A_2251 : i32 to vector<16xi32>
        %shift_left3A_2253 = arith.shli %and3A_2250, %shift_left3A_2252 : vector<16xi32>
        %swap3A_2254 = arith.constant 2 : i32
        %swap3A_2255 = arith.index_cast %swap3A_2254 : i32 to index
        %swap3A_2256 = arith.constant 32 : index
        %swap3A_2257 = tpu.vector_load %arg6[%swap3A_2255, %swap3A_2256] {strides = array<i32>} : memref<5x64xi32, #tpu.memory_space<vmem>>, vector<16xi32>,
        tpu.vector_store %arg6[%swap3A_2255, %swap3A_2256], %or3A_2244 {strides = array<i32>} : memref<5x64xi32, #tpu.memory_space<vmem>>, vector<16xi32>,
        %swap3A_2258 = arith.constant 10 : i32
        %swap3A_2259 = arith.index_cast %swap3A_2258 : i32 to index
        %swap3A_2260 = arith.constant 0 : index
        %swap3A_2261 = tpu.vector_load %arg8[%swap3A_2259, %swap3A_2260] {strides = array<i32>} : memref<20x16xi32, #tpu.memory_space<vmem>>, vector<16xi32>,
        tpu.vector_store %arg8[%swap3A_2259, %swap3A_2260], %shift_left3A_2253 {strides = array<i32>} : memref<20x16xi32, #tpu.memory_space<vmem>>, vector<16xi32>,
        %mul3A_2262 = arith.constant 336 : i32
        %mul3A_2263 = arith.muli %add3A_1887, %mul3A_2262 : i32
        %add3A_2264 = arith.constant 11 : i32
        %add3A_2265 = arith.addi %mul3A_2263, %add3A_2264 : i32
        %add3A_2266 = vector.broadcast %add3A_2265 : i32 to vector<16xi32>
        %add3A_2267 = arith.addi %mul3A_7, %add3A_2266 : vector<16xi32>
        %gather3A_2268 = tpu.vector_load_idx %arg5[%add3A_2267] : memref<10752xi32, #tpu.memory_space<vmem>>[vector<16xi32>], vector<16xi32>,
        %shift_right_logical3A_2269 = arith.constant 15 : i32
        %shift_right_logical3A_2270 = vector.broadcast %shift_right_logical3A_2269 : i32 to vector<16xi32>
        %shift_right_logical3A_2271 = arith.shrui %gather3A_2268, %shift_right_logical3A_2270 : vector<16xi32>
        %shift_left3A_2272 = arith.constant 13 : i32
        %shift_left3A_2273 = vector.broadcast %shift_left3A_2272 : i32 to vector<16xi32>
        %shift_left3A_2274 = arith.shli %shift_right_logical3A_2271, %shift_left3A_2273 : vector<16xi32>
        %and3A_2275 = arith.constant 8191 : i32
        %and3A_2276 = vector.broadcast %and3A_2275 : i32 to vector<16xi32>
        %and3A_2277 = arith.andi %gather3A_2268, %and3A_2276 : vector<16xi32>
        %or3A_2278 = arith.ori %shift_left3A_2274, %and3A_2277 : vector<16xi32>
        %shift_right_logical3A_2279 = arith.constant 13 : i32
        %shift_right_logical3A_2280 = vector.broadcast %shift_right_logical3A_2279 : i32 to vector<16xi32>
        %shift_right_logical3A_2281 = arith.shrui %gather3A_2268, %shift_right_logical3A_2280 : vector<16xi32>
        %and3A_2282 = arith.constant 3 : i32
        %and3A_2283 = vector.broadcast %and3A_2282 : i32 to vector<16xi32>
        %and3A_2284 = arith.andi %shift_right_logical3A_2281, %and3A_2283 : vector<16xi32>
        %shift_left3A_2285 = arith.constant 5 : i32
        %shift_left3A_2286 = vector.broadcast %shift_left3A_2285 : i32 to vector<16xi32>
        %shift_left3A_2287 = arith.shli %and3A_2284, %shift_left3A_2286 : vector<16xi32>
        %swap3A_2288 = arith.constant 2 : i32
        %swap3A_2289 = arith.index_cast %swap3A_2288 : i32 to index
        %swap3A_2290 = arith.constant 48 : index
        %swap3A_2291 = tpu.vector_load %arg6[%swap3A_2289, %swap3A_2290] {strides = array<i32>} : memref<5x64xi32, #tpu.memory_space<vmem>>, vector<16xi32>,
        tpu.vector_store %arg6[%swap3A_2289, %swap3A_2290], %or3A_2278 {strides = array<i32>} : memref<5x64xi32, #tpu.memory_space<vmem>>, vector<16xi32>,
        %swap3A_2292 = arith.constant 11 : i32
        %swap3A_2293 = arith.index_cast %swap3A_2292 : i32 to index
        %swap3A_2294 = arith.constant 0 : index
        %swap3A_2295 = tpu.vector_load %arg8[%swap3A_2293, %swap3A_2294] {strides = array<i32>} : memref<20x16xi32, #tpu.memory_space<vmem>>, vector<16xi32>,
        tpu.vector_store %arg8[%swap3A_2293, %swap3A_2294], %shift_left3A_2287 {strides = array<i32>} : memref<20x16xi32, #tpu.memory_space<vmem>>, vector<16xi32>,
        %mul3A_2296 = arith.constant 336 : i32
        %mul3A_2297 = arith.muli %add3A_1887, %mul3A_2296 : i32
        %add3A_2298 = arith.constant 12 : i32
        %add3A_2299 = arith.addi %mul3A_2297, %add3A_2298 : i32
        %add3A_2300 = vector.broadcast %add3A_2299 : i32 to vector<16xi32>
        %add3A_2301 = arith.addi %mul3A_7, %add3A_2300 : vector<16xi32>
        %gather3A_2302 = tpu.vector_load_idx %arg5[%add3A_2301] : memref<10752xi32, #tpu.memory_space<vmem>>[vector<16xi32>], vector<16xi32>,
        %shift_right_logical3A_2303 = arith.constant 15 : i32
        %shift_right_logical3A_2304 = vector.broadcast %shift_right_logical3A_2303 : i32 to vector<16xi32>
        %shift_right_logical3A_2305 = arith.shrui %gather3A_2302, %shift_right_logical3A_2304 : vector<16xi32>
        %shift_left3A_2306 = arith.constant 13 : i32
        %shift_left3A_2307 = vector.broadcast %shift_left3A_2306 : i32 to vector<16xi32>
        %shift_left3A_2308 = arith.shli %shift_right_logical3A_2305, %shift_left3A_2307 : vector<16xi32>
        %and3A_2309 = arith.constant 8191 : i32
        %and3A_2310 = vector.broadcast %and3A_2309 : i32 to vector<16xi32>
        %and3A_2311 = arith.andi %gather3A_2302, %and3A_2310 : vector<16xi32>
        %or3A_2312 = arith.ori %shift_left3A_2308, %and3A_2311 : vector<16xi32>
        %shift_right_logical3A_2313 = arith.constant 13 : i32
        %shift_right_logical3A_2314 = vector.broadcast %shift_right_logical3A_2313 : i32 to vector<16xi32>
        %shift_right_logical3A_2315 = arith.shrui %gather3A_2302, %shift_right_logical3A_2314 : vector<16xi32>
        %and3A_2316 = arith.constant 3 : i32
        %and3A_2317 = vector.broadcast %and3A_2316 : i32 to vector<16xi32>
        %and3A_2318 = arith.andi %shift_right_logical3A_2315, %and3A_2317 : vector<16xi32>
        %shift_left3A_2319 = arith.constant 5 : i32
        %shift_left3A_2320 = vector.broadcast %shift_left3A_2319 : i32 to vector<16xi32>
        %shift_left3A_2321 = arith.shli %and3A_2318, %shift_left3A_2320 : vector<16xi32>
        %swap3A_2322 = arith.constant 3 : i32
        %swap3A_2323 = arith.index_cast %swap3A_2322 : i32 to index
        %swap3A_2324 = arith.constant 0 : index
        %swap3A_2325 = tpu.vector_load %arg6[%swap3A_2323, %swap3A_2324] {strides = array<i32>} : memref<5x64xi32, #tpu.memory_space<vmem>>, vector<16xi32>,
        tpu.vector_store %arg6[%swap3A_2323, %swap3A_2324], %or3A_2312 {strides = array<i32>} : memref<5x64xi32, #tpu.memory_space<vmem>>, vector<16xi32>,
        %swap3A_2326 = arith.constant 12 : i32
        %swap3A_2327 = arith.index_cast %swap3A_2326 : i32 to index
        %swap3A_2328 = arith.constant 0 : index
        %swap3A_2329 = tpu.vector_load %arg8[%swap3A_2327, %swap3A_2328] {strides = array<i32>} : memref<20x16xi32, #tpu.memory_space<vmem>>, vector<16xi32>,
        tpu.vector_store %arg8[%swap3A_2327, %swap3A_2328], %shift_left3A_2321 {strides = array<i32>} : memref<20x16xi32, #tpu.memory_space<vmem>>, vector<16xi32>,
        %mul3A_2330 = arith.constant 336 : i32
        %mul3A_2331 = arith.muli %add3A_1887, %mul3A_2330 : i32
        %add3A_2332 = arith.constant 13 : i32
        %add3A_2333 = arith.addi %mul3A_2331, %add3A_2332 : i32
        %add3A_2334 = vector.broadcast %add3A_2333 : i32 to vector<16xi32>
        %add3A_2335 = arith.addi %mul3A_7, %add3A_2334 : vector<16xi32>
        %gather3A_2336 = tpu.vector_load_idx %arg5[%add3A_2335] : memref<10752xi32, #tpu.memory_space<vmem>>[vector<16xi32>], vector<16xi32>,
        %shift_right_logical3A_2337 = arith.constant 15 : i32
        %shift_right_logical3A_2338 = vector.broadcast %shift_right_logical3A_2337 : i32 to vector<16xi32>
        %shift_right_logical3A_2339 = arith.shrui %gather3A_2336, %shift_right_logical3A_2338 : vector<16xi32>
        %shift_left3A_2340 = arith.constant 13 : i32
        %shift_left3A_2341 = vector.broadcast %shift_left3A_2340 : i32 to vector<16xi32>
        %shift_left3A_2342 = arith.shli %shift_right_logical3A_2339, %shift_left3A_2341 : vector<16xi32>
        %and3A_2343 = arith.constant 8191 : i32
        %and3A_2344 = vector.broadcast %and3A_2343 : i32 to vector<16xi32>
        %and3A_2345 = arith.andi %gather3A_2336, %and3A_2344 : vector<16xi32>
        %or3A_2346 = arith.ori %shift_left3A_2342, %and3A_2345 : vector<16xi32>
        %shift_right_logical3A_2347 = arith.constant 13 : i32
        %shift_right_logical3A_2348 = vector.broadcast %shift_right_logical3A_2347 : i32 to vector<16xi32>
        %shift_right_logical3A_2349 = arith.shrui %gather3A_2336, %shift_right_logical3A_2348 : vector<16xi32>
        %and3A_2350 = arith.constant 3 : i32
        %and3A_2351 = vector.broadcast %and3A_2350 : i32 to vector<16xi32>
        %and3A_2352 = arith.andi %shift_right_logical3A_2349, %and3A_2351 : vector<16xi32>
        %shift_left3A_2353 = arith.constant 5 : i32
        %shift_left3A_2354 = vector.broadcast %shift_left3A_2353 : i32 to vector<16xi32>
        %shift_left3A_2355 = arith.shli %and3A_2352, %shift_left3A_2354 : vector<16xi32>
        %swap3A_2356 = arith.constant 3 : i32
        %swap3A_2357 = arith.index_cast %swap3A_2356 : i32 to index
        %swap3A_2358 = arith.constant 16 : index
        %swap3A_2359 = tpu.vector_load %arg6[%swap3A_2357, %swap3A_2358] {strides = array<i32>} : memref<5x64xi32, #tpu.memory_space<vmem>>, vector<16xi32>,
        tpu.vector_store %arg6[%swap3A_2357, %swap3A_2358], %or3A_2346 {strides = array<i32>} : memref<5x64xi32, #tpu.memory_space<vmem>>, vector<16xi32>,
        %swap3A_2360 = arith.constant 13 : i32
        %swap3A_2361 = arith.index_cast %swap3A_2360 : i32 to index
        %swap3A_2362 = arith.constant 0 : index
        %swap3A_2363 = tpu.vector_load %arg8[%swap3A_2361, %swap3A_2362] {strides = array<i32>} : memref<20x16xi32, #tpu.memory_space<vmem>>, vector<16xi32>,
        tpu.vector_store %arg8[%swap3A_2361, %swap3A_2362], %shift_left3A_2355 {strides = array<i32>} : memref<20x16xi32, #tpu.memory_space<vmem>>, vector<16xi32>,
        %mul3A_2364 = arith.constant 336 : i32
        %mul3A_2365 = arith.muli %add3A_1887, %mul3A_2364 : i32
        %add3A_2366 = arith.constant 14 : i32
        %add3A_2367 = arith.addi %mul3A_2365, %add3A_2366 : i32
        %add3A_2368 = vector.broadcast %add3A_2367 : i32 to vector<16xi32>
        %add3A_2369 = arith.addi %mul3A_7, %add3A_2368 : vector<16xi32>
        %gather3A_2370 = tpu.vector_load_idx %arg5[%add3A_2369] : memref<10752xi32, #tpu.memory_space<vmem>>[vector<16xi32>], vector<16xi32>,
        %shift_right_logical3A_2371 = arith.constant 15 : i32
        %shift_right_logical3A_2372 = vector.broadcast %shift_right_logical3A_2371 : i32 to vector<16xi32>
        %shift_right_logical3A_2373 = arith.shrui %gather3A_2370, %shift_right_logical3A_2372 : vector<16xi32>
        %shift_left3A_2374 = arith.constant 13 : i32
        %shift_left3A_2375 = vector.broadcast %shift_left3A_2374 : i32 to vector<16xi32>
        %shift_left3A_2376 = arith.shli %shift_right_logical3A_2373, %shift_left3A_2375 : vector<16xi32>
        %and3A_2377 = arith.constant 8191 : i32
        %and3A_2378 = vector.broadcast %and3A_2377 : i32 to vector<16xi32>
        %and3A_2379 = arith.andi %gather3A_2370, %and3A_2378 : vector<16xi32>
        %or3A_2380 = arith.ori %shift_left3A_2376, %and3A_2379 : vector<16xi32>
        %shift_right_logical3A_2381 = arith.constant 13 : i32
        %shift_right_logical3A_2382 = vector.broadcast %shift_right_logical3A_2381 : i32 to vector<16xi32>
        %shift_right_logical3A_2383 = arith.shrui %gather3A_2370, %shift_right_logical3A_2382 : vector<16xi32>
        %and3A_2384 = arith.constant 3 : i32
        %and3A_2385 = vector.broadcast %and3A_2384 : i32 to vector<16xi32>
        %and3A_2386 = arith.andi %shift_right_logical3A_2383, %and3A_2385 : vector<16xi32>
        %shift_left3A_2387 = arith.constant 5 : i32
        %shift_left3A_2388 = vector.broadcast %shift_left3A_2387 : i32 to vector<16xi32>
        %shift_left3A_2389 = arith.shli %and3A_2386, %shift_left3A_2388 : vector<16xi32>
        %swap3A_2390 = arith.constant 3 : i32
        %swap3A_2391 = arith.index_cast %swap3A_2390 : i32 to index
        %swap3A_2392 = arith.constant 32 : index
        %swap3A_2393 = tpu.vector_load %arg6[%swap3A_2391, %swap3A_2392] {strides = array<i32>} : memref<5x64xi32, #tpu.memory_space<vmem>>, vector<16xi32>,
        tpu.vector_store %arg6[%swap3A_2391, %swap3A_2392], %or3A_2380 {strides = array<i32>} : memref<5x64xi32, #tpu.memory_space<vmem>>, vector<16xi32>,
        %swap3A_2394 = arith.constant 14 : i32
        %swap3A_2395 = arith.index_cast %swap3A_2394 : i32 to index
        %swap3A_2396 = arith.constant 0 : index
        %swap3A_2397 = tpu.vector_load %arg8[%swap3A_2395, %swap3A_2396] {strides = array<i32>} : memref<20x16xi32, #tpu.memory_space<vmem>>, vector<16xi32>,
        tpu.vector_store %arg8[%swap3A_2395, %swap3A_2396], %shift_left3A_2389 {strides = array<i32>} : memref<20x16xi32, #tpu.memory_space<vmem>>, vector<16xi32>,
        %mul3A_2398 = arith.constant 336 : i32
        %mul3A_2399 = arith.muli %add3A_1887, %mul3A_2398 : i32
        %add3A_2400 = arith.constant 15 : i32
        %add3A_2401 = arith.addi %mul3A_2399, %add3A_2400 : i32
        %add3A_2402 = vector.broadcast %add3A_2401 : i32 to vector<16xi32>
        %add3A_2403 = arith.addi %mul3A_7, %add3A_2402 : vector<16xi32>
        %gather3A_2404 = tpu.vector_load_idx %arg5[%add3A_2403] : memref<10752xi32, #tpu.memory_space<vmem>>[vector<16xi32>], vector<16xi32>,
        %shift_right_logical3A_2405 = arith.constant 15 : i32
        %shift_right_logical3A_2406 = vector.broadcast %shift_right_logical3A_2405 : i32 to vector<16xi32>
        %shift_right_logical3A_2407 = arith.shrui %gather3A_2404, %shift_right_logical3A_2406 : vector<16xi32>
        %shift_left3A_2408 = arith.constant 13 : i32
        %shift_left3A_2409 = vector.broadcast %shift_left3A_2408 : i32 to vector<16xi32>
        %shift_left3A_2410 = arith.shli %shift_right_logical3A_2407, %shift_left3A_2409 : vector<16xi32>
        %and3A_2411 = arith.constant 8191 : i32
        %and3A_2412 = vector.broadcast %and3A_2411 : i32 to vector<16xi32>
        %and3A_2413 = arith.andi %gather3A_2404, %and3A_2412 : vector<16xi32>
        %or3A_2414 = arith.ori %shift_left3A_2410, %and3A_2413 : vector<16xi32>
        %shift_right_logical3A_2415 = arith.constant 13 : i32
        %shift_right_logical3A_2416 = vector.broadcast %shift_right_logical3A_2415 : i32 to vector<16xi32>
        %shift_right_logical3A_2417 = arith.shrui %gather3A_2404, %shift_right_logical3A_2416 : vector<16xi32>
        %and3A_2418 = arith.constant 3 : i32
        %and3A_2419 = vector.broadcast %and3A_2418 : i32 to vector<16xi32>
        %and3A_2420 = arith.andi %shift_right_logical3A_2417, %and3A_2419 : vector<16xi32>
        %shift_left3A_2421 = arith.constant 5 : i32
        %shift_left3A_2422 = vector.broadcast %shift_left3A_2421 : i32 to vector<16xi32>
        %shift_left3A_2423 = arith.shli %and3A_2420, %shift_left3A_2422 : vector<16xi32>
        %swap3A_2424 = arith.constant 3 : i32
        %swap3A_2425 = arith.index_cast %swap3A_2424 : i32 to index
        %swap3A_2426 = arith.constant 48 : index
        %swap3A_2427 = tpu.vector_load %arg6[%swap3A_2425, %swap3A_2426] {strides = array<i32>} : memref<5x64xi32, #tpu.memory_space<vmem>>, vector<16xi32>,
        tpu.vector_store %arg6[%swap3A_2425, %swap3A_2426], %or3A_2414 {strides = array<i32>} : memref<5x64xi32, #tpu.memory_space<vmem>>, vector<16xi32>,
        %swap3A_2428 = arith.constant 15 : i32
        %swap3A_2429 = arith.index_cast %swap3A_2428 : i32 to index
        %swap3A_2430 = arith.constant 0 : index
        %swap3A_2431 = tpu.vector_load %arg8[%swap3A_2429, %swap3A_2430] {strides = array<i32>} : memref<20x16xi32, #tpu.memory_space<vmem>>, vector<16xi32>,
        tpu.vector_store %arg8[%swap3A_2429, %swap3A_2430], %shift_left3A_2423 {strides = array<i32>} : memref<20x16xi32, #tpu.memory_space<vmem>>, vector<16xi32>,
        %mul3A_2432 = arith.constant 336 : i32
        %mul3A_2433 = arith.muli %add3A_1887, %mul3A_2432 : i32
        %add3A_2434 = arith.constant 16 : i32
        %add3A_2435 = arith.addi %mul3A_2433, %add3A_2434 : i32
        %add3A_2436 = vector.broadcast %add3A_2435 : i32 to vector<16xi32>
        %add3A_2437 = arith.addi %mul3A_7, %add3A_2436 : vector<16xi32>
        %gather3A_2438 = tpu.vector_load_idx %arg5[%add3A_2437] : memref<10752xi32, #tpu.memory_space<vmem>>[vector<16xi32>], vector<16xi32>,
        %shift_right_logical3A_2439 = arith.constant 15 : i32
        %shift_right_logical3A_2440 = vector.broadcast %shift_right_logical3A_2439 : i32 to vector<16xi32>
        %shift_right_logical3A_2441 = arith.shrui %gather3A_2438, %shift_right_logical3A_2440 : vector<16xi32>
        %shift_left3A_2442 = arith.constant 13 : i32
        %shift_left3A_2443 = vector.broadcast %shift_left3A_2442 : i32 to vector<16xi32>
        %shift_left3A_2444 = arith.shli %shift_right_logical3A_2441, %shift_left3A_2443 : vector<16xi32>
        %and3A_2445 = arith.constant 8191 : i32
        %and3A_2446 = vector.broadcast %and3A_2445 : i32 to vector<16xi32>
        %and3A_2447 = arith.andi %gather3A_2438, %and3A_2446 : vector<16xi32>
        %or3A_2448 = arith.ori %shift_left3A_2444, %and3A_2447 : vector<16xi32>
        %shift_right_logical3A_2449 = arith.constant 13 : i32
        %shift_right_logical3A_2450 = vector.broadcast %shift_right_logical3A_2449 : i32 to vector<16xi32>
        %shift_right_logical3A_2451 = arith.shrui %gather3A_2438, %shift_right_logical3A_2450 : vector<16xi32>
        %and3A_2452 = arith.constant 3 : i32
        %and3A_2453 = vector.broadcast %and3A_2452 : i32 to vector<16xi32>
        %and3A_2454 = arith.andi %shift_right_logical3A_2451, %and3A_2453 : vector<16xi32>
        %shift_left3A_2455 = arith.constant 5 : i32
        %shift_left3A_2456 = vector.broadcast %shift_left3A_2455 : i32 to vector<16xi32>
        %shift_left3A_2457 = arith.shli %and3A_2454, %shift_left3A_2456 : vector<16xi32>
        %swap3A_2458 = arith.constant 4 : i32
        %swap3A_2459 = arith.index_cast %swap3A_2458 : i32 to index
        %swap3A_2460 = arith.constant 0 : index
        %swap3A_2461 = tpu.vector_load %arg6[%swap3A_2459, %swap3A_2460] {strides = array<i32>} : memref<5x64xi32, #tpu.memory_space<vmem>>, vector<16xi32>,
        tpu.vector_store %arg6[%swap3A_2459, %swap3A_2460], %or3A_2448 {strides = array<i32>} : memref<5x64xi32, #tpu.memory_space<vmem>>, vector<16xi32>,
        %swap3A_2462 = arith.constant 16 : i32
        %swap3A_2463 = arith.index_cast %swap3A_2462 : i32 to index
        %swap3A_2464 = arith.constant 0 : index
        %swap3A_2465 = tpu.vector_load %arg8[%swap3A_2463, %swap3A_2464] {strides = array<i32>} : memref<20x16xi32, #tpu.memory_space<vmem>>, vector<16xi32>,
        tpu.vector_store %arg8[%swap3A_2463, %swap3A_2464], %shift_left3A_2457 {strides = array<i32>} : memref<20x16xi32, #tpu.memory_space<vmem>>, vector<16xi32>,
        %mul3A_2466 = arith.constant 336 : i32
        %mul3A_2467 = arith.muli %add3A_1887, %mul3A_2466 : i32
        %add3A_2468 = arith.constant 17 : i32
        %add3A_2469 = arith.addi %mul3A_2467, %add3A_2468 : i32
        %add3A_2470 = vector.broadcast %add3A_2469 : i32 to vector<16xi32>
        %add3A_2471 = arith.addi %mul3A_7, %add3A_2470 : vector<16xi32>
        %gather3A_2472 = tpu.vector_load_idx %arg5[%add3A_2471] : memref<10752xi32, #tpu.memory_space<vmem>>[vector<16xi32>], vector<16xi32>,
        %shift_right_logical3A_2473 = arith.constant 15 : i32
        %shift_right_logical3A_2474 = vector.broadcast %shift_right_logical3A_2473 : i32 to vector<16xi32>
        %shift_right_logical3A_2475 = arith.shrui %gather3A_2472, %shift_right_logical3A_2474 : vector<16xi32>
        %shift_left3A_2476 = arith.constant 13 : i32
        %shift_left3A_2477 = vector.broadcast %shift_left3A_2476 : i32 to vector<16xi32>
        %shift_left3A_2478 = arith.shli %shift_right_logical3A_2475, %shift_left3A_2477 : vector<16xi32>
        %and3A_2479 = arith.constant 8191 : i32
        %and3A_2480 = vector.broadcast %and3A_2479 : i32 to vector<16xi32>
        %and3A_2481 = arith.andi %gather3A_2472, %and3A_2480 : vector<16xi32>
        %or3A_2482 = arith.ori %shift_left3A_2478, %and3A_2481 : vector<16xi32>
        %shift_right_logical3A_2483 = arith.constant 13 : i32
        %shift_right_logical3A_2484 = vector.broadcast %shift_right_logical3A_2483 : i32 to vector<16xi32>
        %shift_right_logical3A_2485 = arith.shrui %gather3A_2472, %shift_right_logical3A_2484 : vector<16xi32>
        %and3A_2486 = arith.constant 3 : i32
        %and3A_2487 = vector.broadcast %and3A_2486 : i32 to vector<16xi32>
        %and3A_2488 = arith.andi %shift_right_logical3A_2485, %and3A_2487 : vector<16xi32>
        %shift_left3A_2489 = arith.constant 5 : i32
        %shift_left3A_2490 = vector.broadcast %shift_left3A_2489 : i32 to vector<16xi32>
        %shift_left3A_2491 = arith.shli %and3A_2488, %shift_left3A_2490 : vector<16xi32>
        %swap3A_2492 = arith.constant 4 : i32
        %swap3A_2493 = arith.index_cast %swap3A_2492 : i32 to index
        %swap3A_2494 = arith.constant 16 : index
        %swap3A_2495 = tpu.vector_load %arg6[%swap3A_2493, %swap3A_2494] {strides = array<i32>} : memref<5x64xi32, #tpu.memory_space<vmem>>, vector<16xi32>,
        tpu.vector_store %arg6[%swap3A_2493, %swap3A_2494], %or3A_2482 {strides = array<i32>} : memref<5x64xi32, #tpu.memory_space<vmem>>, vector<16xi32>,
        %swap3A_2496 = arith.constant 17 : i32
        %swap3A_2497 = arith.index_cast %swap3A_2496 : i32 to index
        %swap3A_2498 = arith.constant 0 : index
        %swap3A_2499 = tpu.vector_load %arg8[%swap3A_2497, %swap3A_2498] {strides = array<i32>} : memref<20x16xi32, #tpu.memory_space<vmem>>, vector<16xi32>,
        tpu.vector_store %arg8[%swap3A_2497, %swap3A_2498], %shift_left3A_2491 {strides = array<i32>} : memref<20x16xi32, #tpu.memory_space<vmem>>, vector<16xi32>,
        %mul3A_2500 = arith.constant 336 : i32
        %mul3A_2501 = arith.muli %add3A_1887, %mul3A_2500 : i32
        %add3A_2502 = arith.constant 18 : i32
        %add3A_2503 = arith.addi %mul3A_2501, %add3A_2502 : i32
        %add3A_2504 = vector.broadcast %add3A_2503 : i32 to vector<16xi32>
        %add3A_2505 = arith.addi %mul3A_7, %add3A_2504 : vector<16xi32>
        %gather3A_2506 = tpu.vector_load_idx %arg5[%add3A_2505] : memref<10752xi32, #tpu.memory_space<vmem>>[vector<16xi32>], vector<16xi32>,
        %shift_right_logical3A_2507 = arith.constant 15 : i32
        %shift_right_logical3A_2508 = vector.broadcast %shift_right_logical3A_2507 : i32 to vector<16xi32>
        %shift_right_logical3A_2509 = arith.shrui %gather3A_2506, %shift_right_logical3A_2508 : vector<16xi32>
        %shift_left3A_2510 = arith.constant 13 : i32
        %shift_left3A_2511 = vector.broadcast %shift_left3A_2510 : i32 to vector<16xi32>
        %shift_left3A_2512 = arith.shli %shift_right_logical3A_2509, %shift_left3A_2511 : vector<16xi32>
        %and3A_2513 = arith.constant 8191 : i32
        %and3A_2514 = vector.broadcast %and3A_2513 : i32 to vector<16xi32>
        %and3A_2515 = arith.andi %gather3A_2506, %and3A_2514 : vector<16xi32>
        %or3A_2516 = arith.ori %shift_left3A_2512, %and3A_2515 : vector<16xi32>
        %shift_right_logical3A_2517 = arith.constant 13 : i32
        %shift_right_logical3A_2518 = vector.broadcast %shift_right_logical3A_2517 : i32 to vector<16xi32>
        %shift_right_logical3A_2519 = arith.shrui %gather3A_2506, %shift_right_logical3A_2518 : vector<16xi32>
        %and3A_2520 = arith.constant 3 : i32
        %and3A_2521 = vector.broadcast %and3A_2520 : i32 to vector<16xi32>
        %and3A_2522 = arith.andi %shift_right_logical3A_2519, %and3A_2521 : vector<16xi32>
        %shift_left3A_2523 = arith.constant 5 : i32
        %shift_left3A_2524 = vector.broadcast %shift_left3A_2523 : i32 to vector<16xi32>
        %shift_left3A_2525 = arith.shli %and3A_2522, %shift_left3A_2524 : vector<16xi32>
        %swap3A_2526 = arith.constant 4 : i32
        %swap3A_2527 = arith.index_cast %swap3A_2526 : i32 to index
        %swap3A_2528 = arith.constant 32 : index
        %swap3A_2529 = tpu.vector_load %arg6[%swap3A_2527, %swap3A_2528] {strides = array<i32>} : memref<5x64xi32, #tpu.memory_space<vmem>>, vector<16xi32>,
        tpu.vector_store %arg6[%swap3A_2527, %swap3A_2528], %or3A_2516 {strides = array<i32>} : memref<5x64xi32, #tpu.memory_space<vmem>>, vector<16xi32>,
        %swap3A_2530 = arith.constant 18 : i32
        %swap3A_2531 = arith.index_cast %swap3A_2530 : i32 to index
        %swap3A_2532 = arith.constant 0 : index
        %swap3A_2533 = tpu.vector_load %arg8[%swap3A_2531, %swap3A_2532] {strides = array<i32>} : memref<20x16xi32, #tpu.memory_space<vmem>>, vector<16xi32>,
        tpu.vector_store %arg8[%swap3A_2531, %swap3A_2532], %shift_left3A_2525 {strides = array<i32>} : memref<20x16xi32, #tpu.memory_space<vmem>>, vector<16xi32>,
        %mul3A_2534 = arith.constant 336 : i32
        %mul3A_2535 = arith.muli %add3A_1887, %mul3A_2534 : i32
        %add3A_2536 = arith.constant 19 : i32
        %add3A_2537 = arith.addi %mul3A_2535, %add3A_2536 : i32
        %add3A_2538 = vector.broadcast %add3A_2537 : i32 to vector<16xi32>
        %add3A_2539 = arith.addi %mul3A_7, %add3A_2538 : vector<16xi32>
        %gather3A_2540 = tpu.vector_load_idx %arg5[%add3A_2539] : memref<10752xi32, #tpu.memory_space<vmem>>[vector<16xi32>], vector<16xi32>,
        %shift_right_logical3A_2541 = arith.constant 15 : i32
        %shift_right_logical3A_2542 = vector.broadcast %shift_right_logical3A_2541 : i32 to vector<16xi32>
        %shift_right_logical3A_2543 = arith.shrui %gather3A_2540, %shift_right_logical3A_2542 : vector<16xi32>
        %shift_left3A_2544 = arith.constant 13 : i32
        %shift_left3A_2545 = vector.broadcast %shift_left3A_2544 : i32 to vector<16xi32>
        %shift_left3A_2546 = arith.shli %shift_right_logical3A_2543, %shift_left3A_2545 : vector<16xi32>
        %and3A_2547 = arith.constant 8191 : i32
        %and3A_2548 = vector.broadcast %and3A_2547 : i32 to vector<16xi32>
        %and3A_2549 = arith.andi %gather3A_2540, %and3A_2548 : vector<16xi32>
        %or3A_2550 = arith.ori %shift_left3A_2546, %and3A_2549 : vector<16xi32>
        %shift_right_logical3A_2551 = arith.constant 13 : i32
        %shift_right_logical3A_2552 = vector.broadcast %shift_right_logical3A_2551 : i32 to vector<16xi32>
        %shift_right_logical3A_2553 = arith.shrui %gather3A_2540, %shift_right_logical3A_2552 : vector<16xi32>
        %and3A_2554 = arith.constant 3 : i32
        %and3A_2555 = vector.broadcast %and3A_2554 : i32 to vector<16xi32>
        %and3A_2556 = arith.andi %shift_right_logical3A_2553, %and3A_2555 : vector<16xi32>
        %shift_left3A_2557 = arith.constant 5 : i32
        %shift_left3A_2558 = vector.broadcast %shift_left3A_2557 : i32 to vector<16xi32>
        %shift_left3A_2559 = arith.shli %and3A_2556, %shift_left3A_2558 : vector<16xi32>
        %swap3A_2560 = arith.constant 4 : i32
        %swap3A_2561 = arith.index_cast %swap3A_2560 : i32 to index
        %swap3A_2562 = arith.constant 48 : index
        %swap3A_2563 = tpu.vector_load %arg6[%swap3A_2561, %swap3A_2562] {strides = array<i32>} : memref<5x64xi32, #tpu.memory_space<vmem>>, vector<16xi32>,
        tpu.vector_store %arg6[%swap3A_2561, %swap3A_2562], %or3A_2550 {strides = array<i32>} : memref<5x64xi32, #tpu.memory_space<vmem>>, vector<16xi32>,
        %swap3A_2564 = arith.constant 19 : i32
        %swap3A_2565 = arith.index_cast %swap3A_2564 : i32 to index
        %swap3A_2566 = arith.constant 0 : index
        %swap3A_2567 = tpu.vector_load %arg8[%swap3A_2565, %swap3A_2566] {strides = array<i32>} : memref<20x16xi32, #tpu.memory_space<vmem>>, vector<16xi32>,
        tpu.vector_store %arg8[%swap3A_2565, %swap3A_2566], %shift_left3A_2559 {strides = array<i32>} : memref<20x16xi32, #tpu.memory_space<vmem>>, vector<16xi32>,
        %dma_start3A_2568 = arith.constant 0 : i32
        %dma_start3A_2569 = arith.constant 0 : i32
        %dma_start3A_2570 = arith.constant 0 : i32
        %dma_start3A_2571 = tpu.memref_slice %arg10[%dma_start3A_2569, %dma_start3A_2570] : memref<320x128xf32, #tpu.memory_space<vmem>> -> memref<64x128xf32, #tpu.memory_space<vmem>>
        %dma_start3A_2572 = arith.constant 0 : i32
        %dma_start3A_2573 = tpu.memref_slice %arg6[%dma_start3A_2568, %dma_start3A_2572] : memref<5x64xi32, #tpu.memory_space<vmem>> -> memref<1x64xi32, #tpu.memory_space<vmem>>
        %dma_start3A_2574 = tpu.memref_squeeze %dma_start3A_2573 : memref<1x64xi32, #tpu.memory_space<vmem>> -> memref<64xi32, #tpu.memory_space<vmem>>
        %dma_start3A_2575 = arith.constant 0 : i32
        %dma_start3A_2576 = arith.constant 0 : i32
        %dma_start3A_2577 = tpu.memref_slice %arg3[%dma_start3A_2575, %dma_start3A_2576] : memref<253952x128xf32, #tpu.memory_space<hbm>> -> memref<253952x128xf32, #tpu.memory_space<hbm>>
        tpu.enqueue_indirect_dma source(%dma_start3A_2577 : memref<253952x128xf32, #tpu.memory_space<hbm>>) target(%dma_start3A_2571 : memref<64x128xf32, #tpu.memory_space<vmem>>) offsets(%dma_start3A_2574 : memref<64xi32, #tpu.memory_space<vmem>>) semaphore(%arg13 : memref<!tpu.dma_semaphore, #tpu.memory_space<semaphore_mem>>)
        %dma_start3A_2578 = arith.constant 1 : i32
        %dma_start3A_2579 = arith.constant 64 : i32
        %dma_start3A_2580 = arith.constant 0 : i32
        %dma_start3A_2581 = tpu.memref_slice %arg10[%dma_start3A_2579, %dma_start3A_2580] : memref<320x128xf32, #tpu.memory_space<vmem>> -> memref<64x128xf32, #tpu.memory_space<vmem>>
        %dma_start3A_2582 = arith.constant 0 : i32
        %dma_start3A_2583 = tpu.memref_slice %arg6[%dma_start3A_2578, %dma_start3A_2582] : memref<5x64xi32, #tpu.memory_space<vmem>> -> memref<1x64xi32, #tpu.memory_space<vmem>>
        %dma_start3A_2584 = tpu.memref_squeeze %dma_start3A_2583 : memref<1x64xi32, #tpu.memory_space<vmem>> -> memref<64xi32, #tpu.memory_space<vmem>>
        %dma_start3A_2585 = arith.constant 0 : i32
        %dma_start3A_2586 = arith.constant 0 : i32
        %dma_start3A_2587 = tpu.memref_slice %arg3[%dma_start3A_2585, %dma_start3A_2586] : memref<253952x128xf32, #tpu.memory_space<hbm>> -> memref<253952x128xf32, #tpu.memory_space<hbm>>
        tpu.enqueue_indirect_dma source(%dma_start3A_2587 : memref<253952x128xf32, #tpu.memory_space<hbm>>) target(%dma_start3A_2581 : memref<64x128xf32, #tpu.memory_space<vmem>>) offsets(%dma_start3A_2584 : memref<64xi32, #tpu.memory_space<vmem>>) semaphore(%arg13 : memref<!tpu.dma_semaphore, #tpu.memory_space<semaphore_mem>>)
        %dma_start3A_2588 = arith.constant 2 : i32
        %dma_start3A_2589 = arith.constant 128 : i32
        %dma_start3A_2590 = arith.constant 0 : i32
        %dma_start3A_2591 = tpu.memref_slice %arg10[%dma_start3A_2589, %dma_start3A_2590] : memref<320x128xf32, #tpu.memory_space<vmem>> -> memref<64x128xf32, #tpu.memory_space<vmem>>
        %dma_start3A_2592 = arith.constant 0 : i32
        %dma_start3A_2593 = tpu.memref_slice %arg6[%dma_start3A_2588, %dma_start3A_2592] : memref<5x64xi32, #tpu.memory_space<vmem>> -> memref<1x64xi32, #tpu.memory_space<vmem>>
        %dma_start3A_2594 = tpu.memref_squeeze %dma_start3A_2593 : memref<1x64xi32, #tpu.memory_space<vmem>> -> memref<64xi32, #tpu.memory_space<vmem>>
        %dma_start3A_2595 = arith.constant 0 : i32
        %dma_start3A_2596 = arith.constant 0 : i32
        %dma_start3A_2597 = tpu.memref_slice %arg3[%dma_start3A_2595, %dma_start3A_2596] : memref<253952x128xf32, #tpu.memory_space<hbm>> -> memref<253952x128xf32, #tpu.memory_space<hbm>>
        tpu.enqueue_indirect_dma source(%dma_start3A_2597 : memref<253952x128xf32, #tpu.memory_space<hbm>>) target(%dma_start3A_2591 : memref<64x128xf32, #tpu.memory_space<vmem>>) offsets(%dma_start3A_2594 : memref<64xi32, #tpu.memory_space<vmem>>) semaphore(%arg13 : memref<!tpu.dma_semaphore, #tpu.memory_space<semaphore_mem>>)
        %dma_start3A_2598 = arith.constant 3 : i32
        %dma_start3A_2599 = arith.constant 192 : i32
        %dma_start3A_2600 = arith.constant 0 : i32
        %dma_start3A_2601 = tpu.memref_slice %arg10[%dma_start3A_2599, %dma_start3A_2600] : memref<320x128xf32, #tpu.memory_space<vmem>> -> memref<64x128xf32, #tpu.memory_space<vmem>>
        %dma_start3A_2602 = arith.constant 0 : i32
        %dma_start3A_2603 = tpu.memref_slice %arg6[%dma_start3A_2598, %dma_start3A_2602] : memref<5x64xi32, #tpu.memory_space<vmem>> -> memref<1x64xi32, #tpu.memory_space<vmem>>
        %dma_start3A_2604 = tpu.memref_squeeze %dma_start3A_2603 : memref<1x64xi32, #tpu.memory_space<vmem>> -> memref<64xi32, #tpu.memory_space<vmem>>
        %dma_start3A_2605 = arith.constant 0 : i32
        %dma_start3A_2606 = arith.constant 0 : i32
        %dma_start3A_2607 = tpu.memref_slice %arg3[%dma_start3A_2605, %dma_start3A_2606] : memref<253952x128xf32, #tpu.memory_space<hbm>> -> memref<253952x128xf32, #tpu.memory_space<hbm>>
        tpu.enqueue_indirect_dma source(%dma_start3A_2607 : memref<253952x128xf32, #tpu.memory_space<hbm>>) target(%dma_start3A_2601 : memref<64x128xf32, #tpu.memory_space<vmem>>) offsets(%dma_start3A_2604 : memref<64xi32, #tpu.memory_space<vmem>>) semaphore(%arg13 : memref<!tpu.dma_semaphore, #tpu.memory_space<semaphore_mem>>)
        %dma_start3A_2608 = arith.constant 4 : i32
        %dma_start3A_2609 = arith.constant 256 : i32
        %dma_start3A_2610 = arith.constant 0 : i32
        %dma_start3A_2611 = tpu.memref_slice %arg10[%dma_start3A_2609, %dma_start3A_2610] : memref<320x128xf32, #tpu.memory_space<vmem>> -> memref<64x128xf32, #tpu.memory_space<vmem>>
        %dma_start3A_2612 = arith.constant 0 : i32
        %dma_start3A_2613 = tpu.memref_slice %arg6[%dma_start3A_2608, %dma_start3A_2612] : memref<5x64xi32, #tpu.memory_space<vmem>> -> memref<1x64xi32, #tpu.memory_space<vmem>>
        %dma_start3A_2614 = tpu.memref_squeeze %dma_start3A_2613 : memref<1x64xi32, #tpu.memory_space<vmem>> -> memref<64xi32, #tpu.memory_space<vmem>>
        %dma_start3A_2615 = arith.constant 0 : i32
        %dma_start3A_2616 = arith.constant 0 : i32
        %dma_start3A_2617 = tpu.memref_slice %arg3[%dma_start3A_2615, %dma_start3A_2616] : memref<253952x128xf32, #tpu.memory_space<hbm>> -> memref<253952x128xf32, #tpu.memory_space<hbm>>
        tpu.enqueue_indirect_dma source(%dma_start3A_2617 : memref<253952x128xf32, #tpu.memory_space<hbm>>) target(%dma_start3A_2611 : memref<64x128xf32, #tpu.memory_space<vmem>>) offsets(%dma_start3A_2614 : memref<64xi32, #tpu.memory_space<vmem>>) semaphore(%arg13 : memref<!tpu.dma_semaphore, #tpu.memory_space<semaphore_mem>>)
      } else {
      }
      %add3A_1647 = arith.constant 1 : i32
      %add3A_1648 = arith.addi %mul3A_678, %add3A_1647 : i32
      %dma_wait3A_1649 = arith.constant 0 : i32
      %dma_wait3A_1650 = arith.constant 0 : i32
      %dma_wait3A_1651 = tpu.memref_slice %arg3[%dma_wait3A_1649, %dma_wait3A_1650] : memref<253952x128xf32, #tpu.memory_space<hbm>> -> memref<320x128xf32, #tpu.memory_space<hbm>>
      %dma_wait3A_1652 = arith.constant 0 : i32
      %dma_wait3A_1653 = arith.constant 0 : i32
      %dma_wait3A_1654 = tpu.memref_slice %arg3[%dma_wait3A_1652, %dma_wait3A_1653] : memref<253952x128xf32, #tpu.memory_space<hbm>> -> memref<320x128xf32, #tpu.memory_space<hbm>>
      tpu.wait_dma2 semaphore(%arg14 : memref<!tpu.dma_semaphore, #tpu.memory_space<semaphore_mem>>) src(%dma_wait3A_1654 : memref<320x128xf32, #tpu.memory_space<hbm>>) dst(%arg11 : memref<320x128xf32, #tpu.memory_space<vmem>>)
      %broadcast_in_dim3A_1655 = arith.constant 0 : i32
      %broadcast_in_dim3A_1656 = vector.broadcast %broadcast_in_dim3A_1655 : i32 to vector<16xi32>
      %add3A_1657 = arith.constant 0 : i32
      %add3A_1658 = vector.broadcast %add3A_1657 : i32 to vector<16xi32>
      %add3A_1659 = arith.addi %iota3A, %add3A_1658 : vector<16xi32>
      %mul3A_1660 = arith.constant 128 : i32
      %mul3A_1661 = vector.broadcast %mul3A_1660 : i32 to vector<16xi32>
      %mul3A_1662 = arith.muli %add3A_1659, %mul3A_1661 : vector<16xi32>
      %get3A_1663 = arith.constant 0 : i32
      %get3A_1664 = arith.index_cast %get3A_1663 : i32 to index
      %get3A_1665 = arith.constant 0 : index
      %get3A_1666 = tpu.vector_load %arg9[%get3A_1664, %get3A_1665] {strides = array<i32>} : memref<20x16xi32, #tpu.memory_space<vmem>>, vector<16xi32>,
      %add3A_1667 = arith.addi %mul3A_1662, %get3A_1666 : vector<16xi32>
      %add3A_1668 = arith.constant 16 : i32
      %add3A_1669 = vector.broadcast %add3A_1668 : i32 to vector<16xi32>
      %add3A_1670 = arith.addi %iota3A, %add3A_1669 : vector<16xi32>
      %mul3A_1671 = arith.constant 128 : i32
      %mul3A_1672 = vector.broadcast %mul3A_1671 : i32 to vector<16xi32>
      %mul3A_1673 = arith.muli %add3A_1670, %mul3A_1672 : vector<16xi32>
      %get3A_1674 = arith.constant 1 : i32
      %get3A_1675 = arith.index_cast %get3A_1674 : i32 to index
      %get3A_1676 = arith.constant 0 : index
      %get3A_1677 = tpu.vector_load %arg9[%get3A_1675, %get3A_1676] {strides = array<i32>} : memref<20x16xi32, #tpu.memory_space<vmem>>, vector<16xi32>,
      %add3A_1678 = arith.addi %mul3A_1673, %get3A_1677 : vector<16xi32>
      %add3A_1679 = arith.constant 32 : i32
      %add3A_1680 = vector.broadcast %add3A_1679 : i32 to vector<16xi32>
      %add3A_1681 = arith.addi %iota3A, %add3A_1680 : vector<16xi32>
      %mul3A_1682 = arith.constant 128 : i32
      %mul3A_1683 = vector.broadcast %mul3A_1682 : i32 to vector<16xi32>
      %mul3A_1684 = arith.muli %add3A_1681, %mul3A_1683 : vector<16xi32>
      %get3A_1685 = arith.constant 2 : i32
      %get3A_1686 = arith.index_cast %get3A_1685 : i32 to index
      %get3A_1687 = arith.constant 0 : index
      %get3A_1688 = tpu.vector_load %arg9[%get3A_1686, %get3A_1687] {strides = array<i32>} : memref<20x16xi32, #tpu.memory_space<vmem>>, vector<16xi32>,
      %add3A_1689 = arith.addi %mul3A_1684, %get3A_1688 : vector<16xi32>
      %add3A_1690 = arith.constant 48 : i32
      %add3A_1691 = vector.broadcast %add3A_1690 : i32 to vector<16xi32>
      %add3A_1692 = arith.addi %iota3A, %add3A_1691 : vector<16xi32>
      %mul3A_1693 = arith.constant 128 : i32
      %mul3A_1694 = vector.broadcast %mul3A_1693 : i32 to vector<16xi32>
      %mul3A_1695 = arith.muli %add3A_1692, %mul3A_1694 : vector<16xi32>
      %get3A_1696 = arith.constant 3 : i32
      %get3A_1697 = arith.index_cast %get3A_1696 : i32 to index
      %get3A_1698 = arith.constant 0 : index
      %get3A_1699 = tpu.vector_load %arg9[%get3A_1697, %get3A_1698] {strides = array<i32>} : memref<20x16xi32, #tpu.memory_space<vmem>>, vector<16xi32>,
      %add3A_1700 = arith.addi %mul3A_1695, %get3A_1699 : vector<16xi32>
      %add3A_1701 = arith.constant 64 : i32
      %add3A_1702 = vector.broadcast %add3A_1701 : i32 to vector<16xi32>
      %add3A_1703 = arith.addi %iota3A, %add3A_1702 : vector<16xi32>
      %mul3A_1704 = arith.constant 128 : i32
      %mul3A_1705 = vector.broadcast %mul3A_1704 : i32 to vector<16xi32>
      %mul3A_1706 = arith.muli %add3A_1703, %mul3A_1705 : vector<16xi32>
      %get3A_1707 = arith.constant 4 : i32
      %get3A_1708 = arith.index_cast %get3A_1707 : i32 to index
      %get3A_1709 = arith.constant 0 : index
      %get3A_1710 = tpu.vector_load %arg9[%get3A_1708, %get3A_1709] {strides = array<i32>} : memref<20x16xi32, #tpu.memory_space<vmem>>, vector<16xi32>,
      %add3A_1711 = arith.addi %mul3A_1706, %get3A_1710 : vector<16xi32>
      %add3A_1712 = arith.constant 80 : i32
      %add3A_1713 = vector.broadcast %add3A_1712 : i32 to vector<16xi32>
      %add3A_1714 = arith.addi %iota3A, %add3A_1713 : vector<16xi32>
      %mul3A_1715 = arith.constant 128 : i32
      %mul3A_1716 = vector.broadcast %mul3A_1715 : i32 to vector<16xi32>
      %mul3A_1717 = arith.muli %add3A_1714, %mul3A_1716 : vector<16xi32>
      %get3A_1718 = arith.constant 5 : i32
      %get3A_1719 = arith.index_cast %get3A_1718 : i32 to index
      %get3A_1720 = arith.constant 0 : index
      %get3A_1721 = tpu.vector_load %arg9[%get3A_1719, %get3A_1720] {strides = array<i32>} : memref<20x16xi32, #tpu.memory_space<vmem>>, vector<16xi32>,
      %add3A_1722 = arith.addi %mul3A_1717, %get3A_1721 : vector<16xi32>
      %add3A_1723 = arith.constant 96 : i32
      %add3A_1724 = vector.broadcast %add3A_1723 : i32 to vector<16xi32>
      %add3A_1725 = arith.addi %iota3A, %add3A_1724 : vector<16xi32>
      %mul3A_1726 = arith.constant 128 : i32
      %mul3A_1727 = vector.broadcast %mul3A_1726 : i32 to vector<16xi32>
      %mul3A_1728 = arith.muli %add3A_1725, %mul3A_1727 : vector<16xi32>
      %get3A_1729 = arith.constant 6 : i32
      %get3A_1730 = arith.index_cast %get3A_1729 : i32 to index
      %get3A_1731 = arith.constant 0 : index
      %get3A_1732 = tpu.vector_load %arg9[%get3A_1730, %get3A_1731] {strides = array<i32>} : memref<20x16xi32, #tpu.memory_space<vmem>>, vector<16xi32>,
      %add3A_1733 = arith.addi %mul3A_1728, %get3A_1732 : vector<16xi32>
      %add3A_1734 = arith.constant 112 : i32
      %add3A_1735 = vector.broadcast %add3A_1734 : i32 to vector<16xi32>
      %add3A_1736 = arith.addi %iota3A, %add3A_1735 : vector<16xi32>
      %mul3A_1737 = arith.constant 128 : i32
      %mul3A_1738 = vector.broadcast %mul3A_1737 : i32 to vector<16xi32>
      %mul3A_1739 = arith.muli %add3A_1736, %mul3A_1738 : vector<16xi32>
      %get3A_1740 = arith.constant 7 : i32
      %get3A_1741 = arith.index_cast %get3A_1740 : i32 to index
      %get3A_1742 = arith.constant 0 : index
      %get3A_1743 = tpu.vector_load %arg9[%get3A_1741, %get3A_1742] {strides = array<i32>} : memref<20x16xi32, #tpu.memory_space<vmem>>, vector<16xi32>,
      %add3A_1744 = arith.addi %mul3A_1739, %get3A_1743 : vector<16xi32>
      %add3A_1745 = arith.constant 128 : i32
      %add3A_1746 = vector.broadcast %add3A_1745 : i32 to vector<16xi32>
      %add3A_1747 = arith.addi %iota3A, %add3A_1746 : vector<16xi32>
      %mul3A_1748 = arith.constant 128 : i32
      %mul3A_1749 = vector.broadcast %mul3A_1748 : i32 to vector<16xi32>
      %mul3A_1750 = arith.muli %add3A_1747, %mul3A_1749 : vector<16xi32>
      %get3A_1751 = arith.constant 8 : i32
      %get3A_1752 = arith.index_cast %get3A_1751 : i32 to index
      %get3A_1753 = arith.constant 0 : index
      %get3A_1754 = tpu.vector_load %arg9[%get3A_1752, %get3A_1753] {strides = array<i32>} : memref<20x16xi32, #tpu.memory_space<vmem>>, vector<16xi32>,
      %add3A_1755 = arith.addi %mul3A_1750, %get3A_1754 : vector<16xi32>
      %add3A_1756 = arith.constant 144 : i32
      %add3A_1757 = vector.broadcast %add3A_1756 : i32 to vector<16xi32>
      %add3A_1758 = arith.addi %iota3A, %add3A_1757 : vector<16xi32>
      %mul3A_1759 = arith.constant 128 : i32
      %mul3A_1760 = vector.broadcast %mul3A_1759 : i32 to vector<16xi32>
      %mul3A_1761 = arith.muli %add3A_1758, %mul3A_1760 : vector<16xi32>
      %get3A_1762 = arith.constant 9 : i32
      %get3A_1763 = arith.index_cast %get3A_1762 : i32 to index
      %get3A_1764 = arith.constant 0 : index
      %get3A_1765 = tpu.vector_load %arg9[%get3A_1763, %get3A_1764] {strides = array<i32>} : memref<20x16xi32, #tpu.memory_space<vmem>>, vector<16xi32>,
      %add3A_1766 = arith.addi %mul3A_1761, %get3A_1765 : vector<16xi32>
      %add3A_1767 = arith.constant 160 : i32
      %add3A_1768 = vector.broadcast %add3A_1767 : i32 to vector<16xi32>
      %add3A_1769 = arith.addi %iota3A, %add3A_1768 : vector<16xi32>
      %mul3A_1770 = arith.constant 128 : i32
      %mul3A_1771 = vector.broadcast %mul3A_1770 : i32 to vector<16xi32>
      %mul3A_1772 = arith.muli %add3A_1769, %mul3A_1771 : vector<16xi32>
      %get3A_1773 = arith.constant 10 : i32
      %get3A_1774 = arith.index_cast %get3A_1773 : i32 to index
      %get3A_1775 = arith.constant 0 : index
      %get3A_1776 = tpu.vector_load %arg9[%get3A_1774, %get3A_1775] {strides = array<i32>} : memref<20x16xi32, #tpu.memory_space<vmem>>, vector<16xi32>,
      %add3A_1777 = arith.addi %mul3A_1772, %get3A_1776 : vector<16xi32>
      %add3A_1778 = arith.constant 176 : i32
      %add3A_1779 = vector.broadcast %add3A_1778 : i32 to vector<16xi32>
      %add3A_1780 = arith.addi %iota3A, %add3A_1779 : vector<16xi32>
      %mul3A_1781 = arith.constant 128 : i32
      %mul3A_1782 = vector.broadcast %mul3A_1781 : i32 to vector<16xi32>
      %mul3A_1783 = arith.muli %add3A_1780, %mul3A_1782 : vector<16xi32>
      %get3A_1784 = arith.constant 11 : i32
      %get3A_1785 = arith.index_cast %get3A_1784 : i32 to index
      %get3A_1786 = arith.constant 0 : index
      %get3A_1787 = tpu.vector_load %arg9[%get3A_1785, %get3A_1786] {strides = array<i32>} : memref<20x16xi32, #tpu.memory_space<vmem>>, vector<16xi32>,
      %add3A_1788 = arith.addi %mul3A_1783, %get3A_1787 : vector<16xi32>
      %add3A_1789 = arith.constant 192 : i32
      %add3A_1790 = vector.broadcast %add3A_1789 : i32 to vector<16xi32>
      %add3A_1791 = arith.addi %iota3A, %add3A_1790 : vector<16xi32>
      %mul3A_1792 = arith.constant 128 : i32
      %mul3A_1793 = vector.broadcast %mul3A_1792 : i32 to vector<16xi32>
      %mul3A_1794 = arith.muli %add3A_1791, %mul3A_1793 : vector<16xi32>
      %get3A_1795 = arith.constant 12 : i32
      %get3A_1796 = arith.index_cast %get3A_1795 : i32 to index
      %get3A_1797 = arith.constant 0 : index
      %get3A_1798 = tpu.vector_load %arg9[%get3A_1796, %get3A_1797] {strides = array<i32>} : memref<20x16xi32, #tpu.memory_space<vmem>>, vector<16xi32>,
      %add3A_1799 = arith.addi %mul3A_1794, %get3A_1798 : vector<16xi32>
      %add3A_1800 = arith.constant 208 : i32
      %add3A_1801 = vector.broadcast %add3A_1800 : i32 to vector<16xi32>
      %add3A_1802 = arith.addi %iota3A, %add3A_1801 : vector<16xi32>
      %mul3A_1803 = arith.constant 128 : i32
      %mul3A_1804 = vector.broadcast %mul3A_1803 : i32 to vector<16xi32>
      %mul3A_1805 = arith.muli %add3A_1802, %mul3A_1804 : vector<16xi32>
      %get3A_1806 = arith.constant 13 : i32
      %get3A_1807 = arith.index_cast %get3A_1806 : i32 to index
      %get3A_1808 = arith.constant 0 : index
      %get3A_1809 = tpu.vector_load %arg9[%get3A_1807, %get3A_1808] {strides = array<i32>} : memref<20x16xi32, #tpu.memory_space<vmem>>, vector<16xi32>,
      %add3A_1810 = arith.addi %mul3A_1805, %get3A_1809 : vector<16xi32>
      %add3A_1811 = arith.constant 224 : i32
      %add3A_1812 = vector.broadcast %add3A_1811 : i32 to vector<16xi32>
      %add3A_1813 = arith.addi %iota3A, %add3A_1812 : vector<16xi32>
      %mul3A_1814 = arith.constant 128 : i32
      %mul3A_1815 = vector.broadcast %mul3A_1814 : i32 to vector<16xi32>
      %mul3A_1816 = arith.muli %add3A_1813, %mul3A_1815 : vector<16xi32>
      %get3A_1817 = arith.constant 14 : i32
      %get3A_1818 = arith.index_cast %get3A_1817 : i32 to index
      %get3A_1819 = arith.constant 0 : index
      %get3A_1820 = tpu.vector_load %arg9[%get3A_1818, %get3A_1819] {strides = array<i32>} : memref<20x16xi32, #tpu.memory_space<vmem>>, vector<16xi32>,
      %add3A_1821 = arith.addi %mul3A_1816, %get3A_1820 : vector<16xi32>
      %add3A_1822 = arith.constant 240 : i32
      %add3A_1823 = vector.broadcast %add3A_1822 : i32 to vector<16xi32>
      %add3A_1824 = arith.addi %iota3A, %add3A_1823 : vector<16xi32>
      %mul3A_1825 = arith.constant 128 : i32
      %mul3A_1826 = vector.broadcast %mul3A_1825 : i32 to vector<16xi32>
      %mul3A_1827 = arith.muli %add3A_1824, %mul3A_1826 : vector<16xi32>
      %get3A_1828 = arith.constant 15 : i32
      %get3A_1829 = arith.index_cast %get3A_1828 : i32 to index
      %get3A_1830 = arith.constant 0 : index
      %get3A_1831 = tpu.vector_load %arg9[%get3A_1829, %get3A_1830] {strides = array<i32>} : memref<20x16xi32, #tpu.memory_space<vmem>>, vector<16xi32>,
      %add3A_1832 = arith.addi %mul3A_1827, %get3A_1831 : vector<16xi32>
      %add3A_1833 = arith.constant 256 : i32
      %add3A_1834 = vector.broadcast %add3A_1833 : i32 to vector<16xi32>
      %add3A_1835 = arith.addi %iota3A, %add3A_1834 : vector<16xi32>
      %mul3A_1836 = arith.constant 128 : i32
      %mul3A_1837 = vector.broadcast %mul3A_1836 : i32 to vector<16xi32>
      %mul3A_1838 = arith.muli %add3A_1835, %mul3A_1837 : vector<16xi32>
      %get3A_1839 = arith.constant 16 : i32
      %get3A_1840 = arith.index_cast %get3A_1839 : i32 to index
      %get3A_1841 = arith.constant 0 : index
      %get3A_1842 = tpu.vector_load %arg9[%get3A_1840, %get3A_1841] {strides = array<i32>} : memref<20x16xi32, #tpu.memory_space<vmem>>, vector<16xi32>,
      %add3A_1843 = arith.addi %mul3A_1838, %get3A_1842 : vector<16xi32>
      %add3A_1844 = arith.constant 272 : i32
      %add3A_1845 = vector.broadcast %add3A_1844 : i32 to vector<16xi32>
      %add3A_1846 = arith.addi %iota3A, %add3A_1845 : vector<16xi32>
      %mul3A_1847 = arith.constant 128 : i32
      %mul3A_1848 = vector.broadcast %mul3A_1847 : i32 to vector<16xi32>
      %mul3A_1849 = arith.muli %add3A_1846, %mul3A_1848 : vector<16xi32>
      %get3A_1850 = arith.constant 17 : i32
      %get3A_1851 = arith.index_cast %get3A_1850 : i32 to index
      %get3A_1852 = arith.constant 0 : index
      %get3A_1853 = tpu.vector_load %arg9[%get3A_1851, %get3A_1852] {strides = array<i32>} : memref<20x16xi32, #tpu.memory_space<vmem>>, vector<16xi32>,
      %add3A_1854 = arith.addi %mul3A_1849, %get3A_1853 : vector<16xi32>
      %add3A_1855 = arith.constant 288 : i32
      %add3A_1856 = vector.broadcast %add3A_1855 : i32 to vector<16xi32>
      %add3A_1857 = arith.addi %iota3A, %add3A_1856 : vector<16xi32>
      %mul3A_1858 = arith.constant 128 : i32
      %mul3A_1859 = vector.broadcast %mul3A_1858 : i32 to vector<16xi32>
      %mul3A_1860 = arith.muli %add3A_1857, %mul3A_1859 : vector<16xi32>
      %get3A_1861 = arith.constant 18 : i32
      %get3A_1862 = arith.index_cast %get3A_1861 : i32 to index
      %get3A_1863 = arith.constant 0 : index
      %get3A_1864 = tpu.vector_load %arg9[%get3A_1862, %get3A_1863] {strides = array<i32>} : memref<20x16xi32, #tpu.memory_space<vmem>>, vector<16xi32>,
      %add3A_1865 = arith.addi %mul3A_1860, %get3A_1864 : vector<16xi32>
      %add3A_1866 = arith.constant 304 : i32
      %add3A_1867 = vector.broadcast %add3A_1866 : i32 to vector<16xi32>
      %add3A_1868 = arith.addi %iota3A, %add3A_1867 : vector<16xi32>
      %mul3A_1869 = arith.constant 128 : i32
      %mul3A_1870 = vector.broadcast %mul3A_1869 : i32 to vector<16xi32>
      %mul3A_1871 = arith.muli %add3A_1868, %mul3A_1870 : vector<16xi32>
      %get3A_1872 = arith.constant 19 : i32
      %get3A_1873 = arith.index_cast %get3A_1872 : i32 to index
      %get3A_1874 = arith.constant 0 : index
      %get3A_1875 = tpu.vector_load %arg9[%get3A_1873, %get3A_1874] {strides = array<i32>} : memref<20x16xi32, #tpu.memory_space<vmem>>, vector<16xi32>,
      %add3A_1876 = arith.addi %mul3A_1871, %get3A_1875 : vector<16xi32>
      %scan3A_1877 = arith.constant 0 : i32
      %scan3A_1878 = arith.constant 0 : i32
      %scan3A_1879 = arith.constant 32 : i32
      %scan3A_1880 = arith.addi %scan3A_1878, %scan3A_1879 : i32
      %scan3A_1881 = arith.constant 1 : i32
      scf.for %scan3A_1886 = %scan3A_1878 to %scan3A_1880 step %scan3A_1881  : i32 {
        %broadcast_in_dim3A_1887 = arith.constant 0.000000e+00 : f32
        %broadcast_in_dim3A_1888 = vector.broadcast %broadcast_in_dim3A_1887 : f32 to vector<16xf32>
        %add3A_1889 = vector.broadcast %scan3A_1886 : i32 to vector<16xi32>
        %add3A_1890 = arith.addi %add3A_1667, %add3A_1889 : vector<16xi32>
        %gather3A_1891 = tpu.vector_load_idx %arg11[%broadcast_in_dim3A_1656, %add3A_1890] : memref<320x128xf32, #tpu.memory_space<vmem>>[vector<16xi32>, vector<16xi32>], vector<16xf32>,
        %add3A_1892 = arith.addf %broadcast_in_dim3A_1888, %gather3A_1891 : vector<16xf32>
        %add3A_1893 = vector.broadcast %scan3A_1886 : i32 to vector<16xi32>
        %add3A_1894 = arith.addi %add3A_1678, %add3A_1893 : vector<16xi32>
        %gather3A_1895 = tpu.vector_load_idx %arg11[%broadcast_in_dim3A_1656, %add3A_1894] : memref<320x128xf32, #tpu.memory_space<vmem>>[vector<16xi32>, vector<16xi32>], vector<16xf32>,
        %add3A_1896 = arith.addf %add3A_1892, %gather3A_1895 : vector<16xf32>
        %add3A_1897 = vector.broadcast %scan3A_1886 : i32 to vector<16xi32>
        %add3A_1898 = arith.addi %add3A_1689, %add3A_1897 : vector<16xi32>
        %gather3A_1899 = tpu.vector_load_idx %arg11[%broadcast_in_dim3A_1656, %add3A_1898] : memref<320x128xf32, #tpu.memory_space<vmem>>[vector<16xi32>, vector<16xi32>], vector<16xf32>,
        %add3A_1900 = arith.addf %add3A_1896, %gather3A_1899 : vector<16xf32>
        %add3A_1901 = vector.broadcast %scan3A_1886 : i32 to vector<16xi32>
        %add3A_1902 = arith.addi %add3A_1700, %add3A_1901 : vector<16xi32>
        %gather3A_1903 = tpu.vector_load_idx %arg11[%broadcast_in_dim3A_1656, %add3A_1902] : memref<320x128xf32, #tpu.memory_space<vmem>>[vector<16xi32>, vector<16xi32>], vector<16xf32>,
        %add3A_1904 = arith.addf %add3A_1900, %gather3A_1903 : vector<16xf32>
        %add3A_1905 = vector.broadcast %scan3A_1886 : i32 to vector<16xi32>
        %add3A_1906 = arith.addi %add3A_1711, %add3A_1905 : vector<16xi32>
        %gather3A_1907 = tpu.vector_load_idx %arg11[%broadcast_in_dim3A_1656, %add3A_1906] : memref<320x128xf32, #tpu.memory_space<vmem>>[vector<16xi32>, vector<16xi32>], vector<16xf32>,
        %add3A_1908 = arith.addf %add3A_1904, %gather3A_1907 : vector<16xf32>
        %add3A_1909 = vector.broadcast %scan3A_1886 : i32 to vector<16xi32>
        %add3A_1910 = arith.addi %add3A_1722, %add3A_1909 : vector<16xi32>
        %gather3A_1911 = tpu.vector_load_idx %arg11[%broadcast_in_dim3A_1656, %add3A_1910] : memref<320x128xf32, #tpu.memory_space<vmem>>[vector<16xi32>, vector<16xi32>], vector<16xf32>,
        %add3A_1912 = arith.addf %add3A_1908, %gather3A_1911 : vector<16xf32>
        %add3A_1913 = vector.broadcast %scan3A_1886 : i32 to vector<16xi32>
        %add3A_1914 = arith.addi %add3A_1733, %add3A_1913 : vector<16xi32>
        %gather3A_1915 = tpu.vector_load_idx %arg11[%broadcast_in_dim3A_1656, %add3A_1914] : memref<320x128xf32, #tpu.memory_space<vmem>>[vector<16xi32>, vector<16xi32>], vector<16xf32>,
        %add3A_1916 = arith.addf %add3A_1912, %gather3A_1915 : vector<16xf32>
        %add3A_1917 = vector.broadcast %scan3A_1886 : i32 to vector<16xi32>
        %add3A_1918 = arith.addi %add3A_1744, %add3A_1917 : vector<16xi32>
        %gather3A_1919 = tpu.vector_load_idx %arg11[%broadcast_in_dim3A_1656, %add3A_1918] : memref<320x128xf32, #tpu.memory_space<vmem>>[vector<16xi32>, vector<16xi32>], vector<16xf32>,
        %add3A_1920 = arith.addf %add3A_1916, %gather3A_1919 : vector<16xf32>
        %add3A_1921 = vector.broadcast %scan3A_1886 : i32 to vector<16xi32>
        %add3A_1922 = arith.addi %add3A_1755, %add3A_1921 : vector<16xi32>
        %gather3A_1923 = tpu.vector_load_idx %arg11[%broadcast_in_dim3A_1656, %add3A_1922] : memref<320x128xf32, #tpu.memory_space<vmem>>[vector<16xi32>, vector<16xi32>], vector<16xf32>,
        %add3A_1924 = arith.addf %add3A_1920, %gather3A_1923 : vector<16xf32>
        %add3A_1925 = vector.broadcast %scan3A_1886 : i32 to vector<16xi32>
        %add3A_1926 = arith.addi %add3A_1766, %add3A_1925 : vector<16xi32>
        %gather3A_1927 = tpu.vector_load_idx %arg11[%broadcast_in_dim3A_1656, %add3A_1926] : memref<320x128xf32, #tpu.memory_space<vmem>>[vector<16xi32>, vector<16xi32>], vector<16xf32>,
        %add3A_1928 = arith.addf %add3A_1924, %gather3A_1927 : vector<16xf32>
        %add3A_1929 = vector.broadcast %scan3A_1886 : i32 to vector<16xi32>
        %add3A_1930 = arith.addi %add3A_1777, %add3A_1929 : vector<16xi32>
        %gather3A_1931 = tpu.vector_load_idx %arg11[%broadcast_in_dim3A_1656, %add3A_1930] : memref<320x128xf32, #tpu.memory_space<vmem>>[vector<16xi32>, vector<16xi32>], vector<16xf32>,
        %add3A_1932 = arith.addf %add3A_1928, %gather3A_1931 : vector<16xf32>
        %add3A_1933 = vector.broadcast %scan3A_1886 : i32 to vector<16xi32>
        %add3A_1934 = arith.addi %add3A_1788, %add3A_1933 : vector<16xi32>
        %gather3A_1935 = tpu.vector_load_idx %arg11[%broadcast_in_dim3A_1656, %add3A_1934] : memref<320x128xf32, #tpu.memory_space<vmem>>[vector<16xi32>, vector<16xi32>], vector<16xf32>,
        %add3A_1936 = arith.addf %add3A_1932, %gather3A_1935 : vector<16xf32>
        %add3A_1937 = vector.broadcast %scan3A_1886 : i32 to vector<16xi32>
        %add3A_1938 = arith.addi %add3A_1799, %add3A_1937 : vector<16xi32>
        %gather3A_1939 = tpu.vector_load_idx %arg11[%broadcast_in_dim3A_1656, %add3A_1938] : memref<320x128xf32, #tpu.memory_space<vmem>>[vector<16xi32>, vector<16xi32>], vector<16xf32>,
        %add3A_1940 = arith.addf %add3A_1936, %gather3A_1939 : vector<16xf32>
        %add3A_1941 = vector.broadcast %scan3A_1886 : i32 to vector<16xi32>
        %add3A_1942 = arith.addi %add3A_1810, %add3A_1941 : vector<16xi32>
        %gather3A_1943 = tpu.vector_load_idx %arg11[%broadcast_in_dim3A_1656, %add3A_1942] : memref<320x128xf32, #tpu.memory_space<vmem>>[vector<16xi32>, vector<16xi32>], vector<16xf32>,
        %add3A_1944 = arith.addf %add3A_1940, %gather3A_1943 : vector<16xf32>
        %add3A_1945 = vector.broadcast %scan3A_1886 : i32 to vector<16xi32>
        %add3A_1946 = arith.addi %add3A_1821, %add3A_1945 : vector<16xi32>
        %gather3A_1947 = tpu.vector_load_idx %arg11[%broadcast_in_dim3A_1656, %add3A_1946] : memref<320x128xf32, #tpu.memory_space<vmem>>[vector<16xi32>, vector<16xi32>], vector<16xf32>,
        %add3A_1948 = arith.addf %add3A_1944, %gather3A_1947 : vector<16xf32>
        %add3A_1949 = vector.broadcast %scan3A_1886 : i32 to vector<16xi32>
        %add3A_1950 = arith.addi %add3A_1832, %add3A_1949 : vector<16xi32>
        %gather3A_1951 = tpu.vector_load_idx %arg11[%broadcast_in_dim3A_1656, %add3A_1950] : memref<320x128xf32, #tpu.memory_space<vmem>>[vector<16xi32>, vector<16xi32>], vector<16xf32>,
        %add3A_1952 = arith.addf %add3A_1948, %gather3A_1951 : vector<16xf32>
        %add3A_1953 = vector.broadcast %scan3A_1886 : i32 to vector<16xi32>
        %add3A_1954 = arith.addi %add3A_1843, %add3A_1953 : vector<16xi32>
        %gather3A_1955 = tpu.vector_load_idx %arg11[%broadcast_in_dim3A_1656, %add3A_1954] : memref<320x128xf32, #tpu.memory_space<vmem>>[vector<16xi32>, vector<16xi32>], vector<16xf32>,
        %add3A_1956 = arith.addf %add3A_1952, %gather3A_1955 : vector<16xf32>
        %add3A_1957 = vector.broadcast %scan3A_1886 : i32 to vector<16xi32>
        %add3A_1958 = arith.addi %add3A_1854, %add3A_1957 : vector<16xi32>
        %gather3A_1959 = tpu.vector_load_idx %arg11[%broadcast_in_dim3A_1656, %add3A_1958] : memref<320x128xf32, #tpu.memory_space<vmem>>[vector<16xi32>, vector<16xi32>], vector<16xf32>,
        %add3A_1960 = arith.addf %add3A_1956, %gather3A_1959 : vector<16xf32>
        %add3A_1961 = vector.broadcast %scan3A_1886 : i32 to vector<16xi32>
        %add3A_1962 = arith.addi %add3A_1865, %add3A_1961 : vector<16xi32>
        %gather3A_1963 = tpu.vector_load_idx %arg11[%broadcast_in_dim3A_1656, %add3A_1962] : memref<320x128xf32, #tpu.memory_space<vmem>>[vector<16xi32>, vector<16xi32>], vector<16xf32>,
        %add3A_1964 = arith.addf %add3A_1960, %gather3A_1963 : vector<16xf32>
        %add3A_1965 = vector.broadcast %scan3A_1886 : i32 to vector<16xi32>
        %add3A_1966 = arith.addi %add3A_1876, %add3A_1965 : vector<16xi32>
        %gather3A_1967 = tpu.vector_load_idx %arg11[%broadcast_in_dim3A_1656, %add3A_1966] : memref<320x128xf32, #tpu.memory_space<vmem>>[vector<16xi32>, vector<16xi32>], vector<16xf32>,
        %add3A_1968 = arith.addf %add3A_1964, %gather3A_1967 : vector<16xf32>
        %add3A_1969 = vector.broadcast %scan3A_1886 : i32 to vector<16xi32>
        %add3A_1970 = arith.addi %broadcast_in_dim3A_1656, %add3A_1969 : vector<16xi32>
        tpu.vector_store_idx %arg12[%iota3A, %add3A_1970], %add3A_1968 : memref<16x32xf32, #tpu.memory_space<vmem>>[vector<16xi32>, vector<16xi32>], vector<16xf32>,
      }
      %scan3A_1882 = arith.constant 32 : i32
      %mul3A_1883 = arith.constant 16 : i32
      %mul3A_1884 = arith.muli %add3A_1648, %mul3A_1883 : i32
      %add3A_1885 = arith.addi %mul3A_2, %mul3A_1884 : i32
      "tpu.region"() ({
        %run_scoped3A = tpu.sem_alloc : memref<!tpu.dma_semaphore, #tpu.memory_space<semaphore_mem>>
        %dma_start3A_1886 = arith.constant 0 : i32
        %dma_start3A_1887 = tpu.memref_slice %arg4[%add3A_1885, %dma_start3A_1886] : memref<16384x32xf32, #tpu.memory_space<hbm>> -> memref<16x32xf32, #tpu.memory_space<hbm>>
        %dma_start3A_1888 = arith.constant 0 : i32
        %dma_start3A_1889 = tpu.memref_slice %arg4[%add3A_1885, %dma_start3A_1888] : memref<16384x32xf32, #tpu.memory_space<hbm>> -> memref<16x32xf32, #tpu.memory_space<hbm>>
        tpu.enqueue_dma source(%arg12 : memref<16x32xf32, #tpu.memory_space<vmem>>) target(%dma_start3A_1889 : memref<16x32xf32, #tpu.memory_space<hbm>>) target_semaphore(%run_scoped3A : memref<!tpu.dma_semaphore, #tpu.memory_space<semaphore_mem>>)
        %dma_wait3A_1890 = arith.constant 0 : i32
        %dma_wait3A_1891 = tpu.memref_slice %arg4[%add3A_1885, %dma_wait3A_1890] : memref<16384x32xf32, #tpu.memory_space<hbm>> -> memref<16x32xf32, #tpu.memory_space<hbm>>
        %dma_wait3A_1892 = arith.constant 0 : i32
        %dma_wait3A_1893 = tpu.memref_slice %arg4[%add3A_1885, %dma_wait3A_1892] : memref<16384x32xf32, #tpu.memory_space<hbm>> -> memref<16x32xf32, #tpu.memory_space<hbm>>
        tpu.wait_dma2 semaphore(%run_scoped3A : memref<!tpu.dma_semaphore, #tpu.memory_space<semaphore_mem>>) src(%arg12 : memref<16x32xf32, #tpu.memory_space<vmem>>) dst(%dma_wait3A_1893 : memref<16x32xf32, #tpu.memory_space<hbm>>)
        tpu.yield
      }) : () -> ()
    }
    %scan3A_675 = arith.constant 16 : i32
    return
  }
}

module attributes {stable_mosaic.version = 14 : i64} {
  func.func @_repack_body(%arg0: i32, %arg1: memref<32x32768xf32, #tpu.memory_space<vmem>>, %arg2: memref<8192x128xf32, #tpu.memory_space<vmem>>) attributes {dimension_semantics = [#tpu.dimension_semantics<arbitrary>], iteration_bounds = array<i64: 31>, scalar_prefetch = 0 : i64, scratch_operands = 0 : i64, tpu.core_type = #tpu.core_type<tc>, window_params = [{transform_indices = @transform_0, window_bounds = array<i64: 32, 32768>}, {transform_indices = @transform_1, window_bounds = array<i64: 8192, 128>}]} {
    %get3A = arith.constant 0 : index
    %get3A_0 = arith.constant 0 : index
    %get3A_1 = vector.load %arg1[%get3A, %get3A_0] : memref<32x32768xf32, #tpu.memory_space<vmem>>, vector<32x8192xf32>
    %transpose3A = tpu.transpose %get3A_1, [1, 0] : vector<32x8192xf32> -> vector<8192x32xf32>
    %get3A_2 = arith.constant 0 : index
    %get3A_3 = arith.constant 8192 : index
    %get3A_4 = vector.load %arg1[%get3A_2, %get3A_3] : memref<32x32768xf32, #tpu.memory_space<vmem>>, vector<32x8192xf32>
    %transpose3A_5 = tpu.transpose %get3A_4, [1, 0] : vector<32x8192xf32> -> vector<8192x32xf32>
    %get3A_6 = arith.constant 0 : index
    %get3A_7 = arith.constant 16384 : index
    %get3A_8 = vector.load %arg1[%get3A_6, %get3A_7] : memref<32x32768xf32, #tpu.memory_space<vmem>>, vector<32x8192xf32>
    %transpose3A_9 = tpu.transpose %get3A_8, [1, 0] : vector<32x8192xf32> -> vector<8192x32xf32>
    %get3A_10 = arith.constant 0 : index
    %get3A_11 = arith.constant 24576 : index
    %get3A_12 = vector.load %arg1[%get3A_10, %get3A_11] : memref<32x32768xf32, #tpu.memory_space<vmem>>, vector<32x8192xf32>
    %transpose3A_13 = tpu.transpose %get3A_12, [1, 0] : vector<32x8192xf32> -> vector<8192x32xf32>
    %concatenate3A = tpu.concatenate %transpose3A, %transpose3A_5, %transpose3A_9, %transpose3A_13 in 1 : vector<8192x32xf32>, vector<8192x32xf32>, vector<8192x32xf32>, vector<8192x32xf32> -> vector<8192x128xf32>
    %swap3A = arith.constant 0 : index
    %swap3A_14 = arith.constant 0 : index
    %swap3A_15 = vector.load %arg2[%swap3A, %swap3A_14] : memref<8192x128xf32, #tpu.memory_space<vmem>>, vector<8192x128xf32>
    tpu.vector_store %arg2[%swap3A, %swap3A_14], %concatenate3A {strides = array<i32>} : memref<8192x128xf32, #tpu.memory_space<vmem>>, vector<8192x128xf32>,
    return
  }
  func.func @transform_0(%arg0: i32) -> (i32, i32) {
    %c0_i32 = arith.constant 0 : i32
    %c0_i32_0 = arith.constant 0 : i32
    return %c0_i32, %arg0 : i32, i32
  }
  func.func @transform_1(%arg0: i32) -> (i32, i32) {
    %c0_i32 = arith.constant 0 : i32
    %c0_i32_0 = arith.constant 0 : i32
    return %arg0, %c0_i32 : i32, i32
  }
}

module attributes {stable_mosaic.version = 14 : i64} {
  func.func @_mlp_body(%arg0: i32, %arg1: memref<2048x32xf32, #tpu.memory_space<vmem>>, %arg2: memref<2048x21xi32, #tpu.memory_space<vmem>>, %arg3: memref<33x256xf32, #tpu.memory_space<vmem>>, %arg4: memref<1x256xf32, #tpu.memory_space<vmem>>, %arg5: memref<256x1xf32, #tpu.memory_space<vmem>>, %arg6: memref<1x1xf32, #tpu.memory_space<vmem>>, %arg7: memref<2048x1xf32, #tpu.memory_space<vmem>>) attributes {dimension_semantics = [#tpu.dimension_semantics<arbitrary>], iteration_bounds = array<i64: 8>, scalar_prefetch = 0 : i64, scratch_operands = 0 : i64, tpu.core_type = #tpu.core_type<tc>, window_params = [{transform_indices = @transform_0, window_bounds = array<i64: 2048, 32>}, {transform_indices = @transform_1, window_bounds = array<i64: 2048, 21>}, {pipeline_mode = #tpu.pipeline_mode<synchronous>, transform_indices = @transform_2, window_bounds = array<i64: 33, 256>}, {pipeline_mode = #tpu.pipeline_mode<synchronous>, transform_indices = @transform_3, window_bounds = array<i64: 1, 256>}, {pipeline_mode = #tpu.pipeline_mode<synchronous>, transform_indices = @transform_4, window_bounds = array<i64: 256, 1>}, {pipeline_mode = #tpu.pipeline_mode<synchronous>, transform_indices = @transform_5, window_bounds = array<i64: 1, 1>}, {transform_indices = @transform_6, window_bounds = array<i64: 2048, 1>}]} {
    %get3A = arith.constant 0 : index
    %get3A_0 = arith.constant 0 : index
    %get3A_1 = vector.load %arg1[%get3A, %get3A_0] : memref<2048x32xf32, #tpu.memory_space<vmem>>, vector<2048x32xf32>
    %get3A_2 = arith.constant 0 : index
    %get3A_3 = arith.constant 20 : index
    %get3A_4 = vector.load %arg2[%get3A_2, %get3A_3] : memref<2048x21xi32, #tpu.memory_space<vmem>>, vector<2048x1xi32>
    %convert_element_type3A = arith.sitofp %get3A_4 : vector<2048x1xi32> to vector<2048x1xf32>
    %concatenate3A = tpu.concatenate %get3A_1, %convert_element_type3A in 1 : vector<2048x32xf32>, vector<2048x1xf32> -> vector<2048x33xf32>
    %get3A_5 = arith.constant 0 : index
    %get3A_6 = arith.constant 0 : index
    %get3A_7 = vector.load %arg3[%get3A_5, %get3A_6] : memref<33x256xf32, #tpu.memory_space<vmem>>, vector<33x256xf32>
    %dot_general3A = arith.constant dense<0.000000e+00> : vector<2048x256xf32>
    %dot_general3A_8 = tpu.matmul %concatenate3A, %get3A_7, %dot_general3A {dimension_numbers = #tpu.dot_dimension_numbers<[1], [0], [0], [1], [0, 0, 1, 1], [], []>, transpose_lhs_hint = false} : vector<2048x33xf32>, vector<33x256xf32>, vector<2048x256xf32> -> vector<2048x256xf32>
    %get3A_9 = arith.constant 0 : index
    %get3A_10 = arith.constant 0 : index
    %get3A_11 = vector.load %arg4[%get3A_9, %get3A_10] : memref<1x256xf32, #tpu.memory_space<vmem>>, vector<1x256xf32>
    %add3A = vector.broadcast %get3A_11 : vector<1x256xf32> to vector<2048x256xf32>
    %add3A_12 = arith.addf %dot_general3A_8, %add3A : vector<2048x256xf32>
    %max3A = arith.constant 0.000000e+00 : f32
    %max3A_13 = vector.broadcast %max3A : f32 to vector<2048x256xf32>
    %max3A_14 = arith.maximumf %add3A_12, %max3A_13 : vector<2048x256xf32>
    %get3A_15 = arith.constant 0 : index
    %get3A_16 = arith.constant 0 : index
    %get3A_17 = vector.load %arg5[%get3A_15, %get3A_16] : memref<256x1xf32, #tpu.memory_space<vmem>>, vector<256x1xf32>
    %dot_general3A_18 = arith.constant dense<0.000000e+00> : vector<2048x1xf32>
    %dot_general3A_19 = tpu.matmul %max3A_14, %get3A_17, %dot_general3A_18 {dimension_numbers = #tpu.dot_dimension_numbers<[1], [0], [0], [1], [0, 0, 1, 1], [], []>, transpose_lhs_hint = false} : vector<2048x256xf32>, vector<256x1xf32>, vector<2048x1xf32> -> vector<2048x1xf32>
    %get3A_20 = arith.constant 0 : index
    %get3A_21 = arith.constant 0 : index
    %get3A_22 = vector.load %arg6[%get3A_20, %get3A_21] : memref<1x1xf32, #tpu.memory_space<vmem>>, vector<1x1xf32>
    %get3A_23 = vector.extract %get3A_22[0, 0] : f32 from vector<1x1xf32>
    %add3A_24 = vector.broadcast %get3A_23 : f32 to vector<2048x1xf32>
    %add3A_25 = arith.addf %dot_general3A_19, %add3A_24 : vector<2048x1xf32>
    %swap3A = arith.constant 0 : index
    %swap3A_26 = arith.constant 0 : index
    %swap3A_27 = vector.load %arg7[%swap3A, %swap3A_26] : memref<2048x1xf32, #tpu.memory_space<vmem>>, vector<2048x1xf32>
    tpu.vector_store %arg7[%swap3A, %swap3A_26], %add3A_25 {strides = array<i32>} : memref<2048x1xf32, #tpu.memory_space<vmem>>, vector<2048x1xf32>,
    return
  }
  func.func @transform_0(%arg0: i32) -> (i32, i32) {
    %c0_i32 = arith.constant 0 : i32
    %c0_i32_0 = arith.constant 0 : i32
    return %arg0, %c0_i32 : i32, i32
  }
  func.func @transform_1(%arg0: i32) -> (i32, i32) {
    %c0_i32 = arith.constant 0 : i32
    %c0_i32_0 = arith.constant 0 : i32
    return %arg0, %c0_i32 : i32, i32
  }
  func.func @transform_2(%arg0: i32) -> (i32, i32) {
    %c0_i32 = arith.constant 0 : i32
    %c0_i32_0 = arith.constant 0 : i32
    %c0_i32_1 = arith.constant 0 : i32
    return %c0_i32, %c0_i32_0 : i32, i32
  }
  func.func @transform_3(%arg0: i32) -> (i32, i32) {
    %c0_i32 = arith.constant 0 : i32
    %c0_i32_0 = arith.constant 0 : i32
    %c0_i32_1 = arith.constant 0 : i32
    return %c0_i32, %c0_i32_0 : i32, i32
  }
  func.func @transform_4(%arg0: i32) -> (i32, i32) {
    %c0_i32 = arith.constant 0 : i32
    %c0_i32_0 = arith.constant 0 : i32
    %c0_i32_1 = arith.constant 0 : i32
    return %c0_i32, %c0_i32_0 : i32, i32
  }
  func.func @transform_5(%arg0: i32) -> (i32, i32) {
    %c0_i32 = arith.constant 0 : i32
    %c0_i32_0 = arith.constant 0 : i32
    %c0_i32_1 = arith.constant 0 : i32
    return %c0_i32, %c0_i32_0 : i32, i32
  }
  func.func @transform_6(%arg0: i32) -> (i32, i32) {
    %c0_i32 = arith.constant 0 : i32
    %c0_i32_0 = arith.constant 0 : i32
    return %arg0, %c0_i32 : i32, i32
  }
}

</mosaic_0001>

<sc_bundles>
// kernel: kernel.5.cloned.1.call-start
scs
__scs_entry_jumppad:
0x0: {  	(pc) =	sbr.rel $0x88, $3  }
0x1: {  	(tag) =	ssettag $0x0;
	lr =	simm.s32 $0x1  }
0x2: {  	[smem:$0x3F9B] =	sst lr;
	_ =	strace $0xD0000000  }
0x3: {  	_ = 	snop  }
0x4: {  	_ = 	snop  }
0x5: {  	_ = 	snop  }
0x6: {  	_ = 	snop  }
0x7: {  	_ = 	snop  }
__scs_overlays_trampoline_lowered:
0x8: {  	[smem:$0x3FAA] =	sst s0  }
0x9: {  	[smem:$0x3FAB] =	sst s1  }
0xa: {  	[smem:$0x3FAC] =	sst s2  }
0xb: {  	[smem:$0x3FAD] =	sst s3  }
0xc: {  	[smem:$0x3FAE] =	sst s4  }
0xd: {  	[smem:$0x3FAF] =	sst s5  }
0xe: {  	[smem:$0x3FB0] =	sst s6  }
0xf: {  	[smem:$0x3FB1] =	sst s7  }
0x10: {  	[smem:$0x3FB2] =	sst s8  }
0x11: {  	[smem:$0x3FB3] =	sst s9;
	s0 =	simm.s32 @!p0 $0x0  }
0x12: {  	s1 =	sld [smem:$0x3F99];
	s0 =	simm.s32 @p0 $0x1  }
0x13: {  	[smem:$0x3FB4] =	sst s0;
	s0 =	simm.s32 @!p1 $0x0  }
0x14: {  	s2 =	sld [smem:$0x3F98];
	s0 =	simm.s32 @p1 $0x1  }
0x15: {  	[smem:$0x3FB5] =	sst s0;
	s0 =	simm.s32 @!p2 $0x0  }
0x16: {  	s3 =	sld [smem:$0x3FDB];
	s0 =	simm.s32 @p2 $0x1  }
0x17: {  	s4 =	simm.s32 $0x1BF5;
	[smem:$0x3FB7] =	sst s0  }
0x18: {  	s0 =	sld [smem:$0x3F9A];
	_ =	swait.ge [sflag:s4], $0x0  }
0x19: {  	s7 =	sld [smem:$0x3F9B]  }
0x1a: {  	s8 =	sadd.s32 $0xFFFFE003, lr  }
0x1b: {  	s9 =	sadd.s32 $0xFFFFFEF7, lr;
	s5 =	simm.s32 $0xFFFFFFFF;
	p2 =	slt.u32 s8, $0xFFFFF086  }
0x1c: {  	p1 =	slt.u32 s9, $0xF7A;
	s5 =	simm.s32 @!p2 $0x0  }
0x1d: {  	s5 =	simm.s32 @p1 $0x1;
	p0 =	seq.s32 s7, s2  }
0x1e: {  	s7 =	smul.u32 @!p0 $0xF7A, s2;
	p2 =	seq.s32 @!p0 s5, $0x0  }
0x1f: {  	s9 =	smul.u32 $0xF7A, s1;
	s8 =	simm.s32 @!p0 $0x1BF5;
	p2 =	por !p2, p0  }
0x20: {  	[sflag:s8] =	ssyncset.s32 @!p0 $0xFFFFF086;
	s6 =	sadd.s32 @!p0 s3, s7;
	s7 =	simm.s32 @!p0 $0x108  }
0x21: {  	s3 =	sadd.s32 s3, s9;
	s6 =	sadd.s32 @!p0 $0x88, s6;
	s7 =	simm.s32 @p2 $0x1082  }
0x22: {  	[simem:s7], [sflag:s8] =	dma.local @!p0 [hbm:s6], $0xF7A  }
0x23: {  	s9 =	sor.u32 $0xD0000000, s2;
	s6 =	simm.s32 $0x108;
	_ =	swait.ge @!p0 [sflag:s8], $0x0  }
0x24: {  	s3 =	sadd.s32 $0x88, s3;
	s6 =	simm.s32 @!p1 $0x1082;
	[sflag:s4] =	ssyncset.s32 $0xFFFFF086  }
0x25: {  	[simem:s6], [sflag:s4] =	dma.local [hbm:s3], $0xF7A  }
0x26: {  	[smem:$0x3F9B] =	sst s1;
	(tag) =	ssettag s2;
	_ =	strace s9  }
0x27: {  	s1 =	sld [smem:$0x3FAB]  }
0x28: {  	s2 =	sld [smem:$0x3FAC]  }
0x29: {  	s4 =	sld [smem:$0x3FAE]  }
0x2a: {  	p0 =	seq.s32 s5, $0x0;
	s5 =	sld [smem:$0x3FAF]  }
0x2b: {  	s6 =	sld [smem:$0x3FB0]  }
0x2c: {  	s7 =	sld [smem:$0x3FB1]  }
0x2d: {  	s3 =	simm.s32 $0x108;
	s8 =	sld [smem:$0x3FB2]  }
0x2e: {  	s3 =	simm.s32 @!p0 $0x1082;
	s9 =	sld [smem:$0x3FB3]  }
0x2f: {  	lr =	sadd.s32 s0, s3;
	s0 =	sld [smem:$0x3FAA]  }
0x30: {  	s3 =	sld [smem:$0x3FAD]  }
0x31: {  	[smem:$0x3FB6] =	sst s10  }
0x32: {  	s10 =	sld [smem:$0x3FB4];
	_ =	sdelay $0x3  }
0x33: {  	p0 =	seq.s32 s10, $0x1;
	s10 =	sld [smem:$0x3FB6];
	_ =	sdelay $0x3  }
0x34: {  	[smem:$0x3FB6] =	sst s10  }
0x35: {  	s10 =	sld [smem:$0x3FB5];
	_ =	sdelay $0x3  }
0x36: {  	p1 =	seq.s32 s10, $0x1;
	s10 =	sld [smem:$0x3FB6];
	_ =	sdelay $0x3  }
0x37: {  	[smem:$0x3FB6] =	sst s10  }
0x38: {  	s10 =	sld [smem:$0x3FB7]  }
0x39: {  	_ = 	snop;
	(pc) =	sbr.ind lr, $3  }
0x3a: {  	_ = 	snop  }
0x3b: {  	_ = 	snop  }
0x3c: {  	p2 =	seq.s32 s10, $0x1;
	s10 =	sld [smem:$0x3FB6]  }
0x3d: {  	_ =	shalt  }
0x3e: {  	_ =	shalt  }
0x3f: {  	_ =	shalt  }
0x40: {  	_ =	shalt  }
0x41: {  	_ =	shalt  }
0x42: {  	_ =	shalt  }
0x43: {  	_ =	shalt  }
0x44: {  	_ =	shalt  }
0x45: {  	_ =	shalt  }
0x46: {  	_ =	shalt  }
0x47: {  	_ =	shalt  }
0x48: {  	_ =	shalt  }
0x49: {  	_ =	shalt  }
0x4a: {  	_ =	shalt  }
0x4b: {  	_ =	shalt  }
0x4c: {  	_ =	shalt  }
0x4d: {  	_ =	shalt  }
0x4e: {  	_ =	shalt  }
0x4f: {  	_ =	shalt  }
0x50: {  	_ =	shalt  }
0x51: {  	_ =	shalt  }
0x52: {  	_ =	shalt  }
0x53: {  	_ =	shalt  }
0x54: {  	_ =	shalt  }
0x55: {  	_ =	shalt  }
0x56: {  	_ =	shalt  }
0x57: {  	_ =	shalt  }
0x58: {  	_ =	shalt  }
0x59: {  	_ =	shalt  }
0x5a: {  	_ =	shalt  }
0x5b: {  	_ =	shalt  }
0x5c: {  	_ =	shalt  }
0x5d: {  	_ =	shalt  }
0x5e: {  	_ =	shalt  }
0x5f: {  	_ =	shalt  }
0x60: {  	_ =	shalt  }
0x61: {  	_ =	shalt  }
0x62: {  	_ =	shalt  }
0x63: {  	_ =	shalt  }
0x64: {  	_ =	shalt  }
0x65: {  	_ =	shalt  }
0x66: {  	_ =	shalt  }
0x67: {  	_ =	shalt  }
0x68: {  	_ =	shalt  }
0x69: {  	_ =	shalt  }
0x6a: {  	_ =	shalt  }
0x6b: {  	_ =	shalt  }
0x6c: {  	_ =	shalt  }
0x6d: {  	_ =	shalt  }
0x6e: {  	_ =	shalt  }
0x6f: {  	_ =	shalt  }
0x70: {  	_ =	shalt  }
0x71: {  	_ =	shalt  }
0x72: {  	_ =	shalt  }
0x73: {  	_ =	shalt  }
0x74: {  	_ =	shalt  }
0x75: {  	_ =	shalt  }
0x76: {  	_ =	shalt  }
0x77: {  	_ =	shalt  }
0x78: {  	_ =	shalt  }
0x79: {  	_ =	shalt  }
0x7a: {  	_ =	shalt  }
0x7b: {  	_ =	shalt  }
0x7c: {  	_ =	shalt  }
0x7d: {  	_ =	shalt  }
0x7e: {  	_ =	shalt  }
0x7f: {  	_ =	shalt  }
0x80: {  	_ =	shalt  }
0x81: {  	_ =	shalt  }
0x82: {  	_ =	shalt  }
0x83: {  	_ =	shalt  }
0x84: {  	_ =	shalt  }
0x85: {  	_ =	shalt  }
0x86: {  	_ =	shalt  }
0x87: {  	_ =	shalt  }
.Lfunc_end0:
.L_simem_size_0:
called_computation_lowered:
.L_overlay_start_0:
0x88: {  	s2 =	sld [smem:$0x3FD9]  }
0x89: {  	s3 =	sld [smem:$0x3FFE];
	_ =	sdelay $0x1  }
0x8a: {  	s1 =	srdreg.scid  }
0x8b: {  	s0 =	sand.u32 $0x1, s1  }
0x8c: {  	s16 =	sshll.u32 s0, $0xA;
	s2 =	sadd.s32 s3, s2  }
0x8d: {  	s2 =	sadd.s32 s2, s16  }
0x8e: {  	[smem:$0x3FC2] =	sst s2  }
0x8f: {  	_ = 	snop  }
0x90: {  	(tm) =	ssettm $0x1  }
0x91: {  	s17 =	sld [smem:$0x3FFB];
	_ =	sdelay $0x3  }
0x92: {  	_ =	strace s17  }
0x93: {  	s2 =	sld [smem:$0x3FFC];
	_ =	sdelay $0x3  }
0x94: {  	_ =	strace s2  }
0x95: {  	s2 =	sld [smem:$0x3FFD];
	_ =	sdelay $0x3  }
0x96: {  	_ =	strace s2  }
0x97: {  	_ =	strace $0x8FFFFFFF  }
0x98: {  	s18 =	sld [smem:$0x3FDB];
	_ =	sdelay $0x1  }
0x99: {  	s19 =	simm.s32 $_scs_section_size  }
0x9a: {  	s4 =	simm.s32 $_size__tile_overlayer_lowered;
	s5 =	simm.s32 $_tile_overlayer_lowered  }
0x9b: {  	s22 =	simm.s32 $0x1BFF;
	s21 =	sshll.u32 s5, $0x1;
	s2 =	sadd.s32 s19, s18  }
0x9c: {  	s6 =	simm.s32 $0x0;
	s20 =	sshll.u32 s4, $0x1;
	s4 =	sadd.s32 s21, s2  }
0x9d: {  	[timem:s6], [sflag:s22] =	dma.local [hbm:s4], s20  }
0x9e: {  	_ =	swait.ge [sflag:s22], s20  }
0x9f: {  	s3 =	ssub.s32 $0x0, s20;
	[sflag:s22] =	ssyncset.done $0x0  }
0xa0: {  	[sflag:s22] =	ssyncadd.s32 s3;
	_ =	sdelay $0x1  }
0xa1: {  	s23 =	simm.s32 $0x1B8B  }
0xa2: {  	_ =	swait.ge [sflag:s23], $0x1  }
0xa3: {  	[sflag:s23] =	ssyncset.done $0x0  }
0xa4: {  	s25 =	simm.s32 $0x1B8E;
	s24 =	sld [smem:$0x3FFE];
	[sflag:s23] =	ssyncadd.s32 $0xFFFFFFFF  }
0xa5: {  	s26 =	simm.s32 $execute0_lowered;
	[smem:$0x3FD2] =	sst s25  }
0xa6: {  	s4 =	sshll.u32 s26, $0x1;
	_ =	strace $0x80000046;
	[dreg:$0x1] =	wrdreg $0xFFFFFFFF  }
0xa7: {  	s28 =	simm.s32 $_size_execute0_lowered;
	s2 =	sadd.s32 s2, s4;
	[dreg:$0x0] =	wrdreg $0x0  }
0xa8: {  	s4 =	sshll.u32 s28, $0x1;
	[dreg:$0x2] =	wrdreg s2  }
0xa9: {  	[dreg:$0x3] =	wrdreg s4  }
0xaa: {  	[dreg:$0x4] =	wrdreg $0xC0  }
0xab: {  	_ =	task [dreg:s6], $0x5FFFF  }
0xac: {  	[dreg:$0x1] =	wrdreg $0xFFFFFFFF  }
0xad: {  	[dreg:$0x0] =	wrdreg $0x60  }
0xae: {  	[dreg:$0x2] =	wrdreg s24  }
0xaf: {  	[dreg:$0x3] =	wrdreg $0x9  }
0xb0: {  	_ =	task.clear_ibuf [dreg:s6], $0x4FFFF;
	_ =	strace $0x90000046  }
0xb1: {  	s29 =	simm.s32 $0x9;
	_ =	strace $0x80000048  }
0xb2: {  	_ =	swait.ge [sflag:s29], $0x1  }
0xb3: {  	[sflag:s29] =	ssyncadd.s32 $0xFFFFFFFF  }
0xb4: {  	_ =	strace $0x90000048  }
0xb5: {  	_ =	sfence  }
0xb6: {  	s30 =	sld [smem:$0x0];
	_ =	sdelay $0x2  }
0xb7: {  	s31 =	sshll.u32 s1, $0xD;
	s1 =	sshrl.u32 s1, $0x2  }
0xb8: {  	s3 =	sand.u32 $0x4000, s31;
	s1 =	sadd.s32 s1, s30  }
0xb9: {  	s0 =	sor.u32 s3, s0;
	s1 =	sshll.u32 s1, $0x11  }
0xba: {  	s0 =	sor.u32 s1, s0  }
0xbb: {  	s0 =	sadd.s32 $0x8F2B, s0  }
0xbc: {  	[sflag:s0] =	ssyncadd.remote.s32 $0x1  }
0xbd: {  	_ =	sfence.sel $0xFFFF  }
0xbe: {  	[dreg:$0x0] =	wrdreg $0xFFFFFFFF;
	(pc) =	sbr.abs _section_cstart, $3  }
0xbf: {  	[dreg:$0x1] =	wrdreg $0xFFFFFFFF  }
0xc0: {  	_ =	task.clear_ibuf [dreg:s6], $0x2FFFF;
	_ =	strace $0x9FFFFFFF  }
0xc1: {  	(tm) =	ssettm $0x7FFFFFFF  }
tec
execute0_lowered:
.L_overlay_start_1:
0x0: {  	(tag) =	ssettag $0x1  }
0x1: {  	s0 =	srdreg.scid;
	v15 =	vlaneseq.u32  }
0x2: {  	s2 =	stileid.u32;
	s1 =	rddreg [dreg:$0x0];
	s7 =	simm.s32 $0x3;
	v0 =	vmul.u32 $0x15, v15  }
0x3: {  	s8 =	simm.s32 $0x40;
	s10 =	simm.s32 $0x4A00;
	s12 =	simm.s32 $0x6A00  }
0x4: {  	s13 =	simm.s32 $0x2B00;
	s14 =	simm.s32 $0x8A00;
	s15 =	simm.s32 $0x2B80;
	v15 =	vmul.u32 $0x80, v15;
	v1 =	vadd.s32 $0x1, v0;
	v5 =	vadd.s32 $0x5, v0  }
0x5: {  	s16 =	simm.s32 $0xAA00;
	s17 =	simm.s32 $0x2C00;
	s18 =	simm.s32 $0xCA00;
	v6 =	vadd.s32 $0x6, v0;
	v7 =	vadd.s32 $0x7, v0;
	v8 =	vadd.s32 $0x8, v0  }
0x6: {  	s19 =	simm.s32 $0x2E00;
	s20 =	simm.s32 $0xEA00;
	s21 =	simm.s32 $0x2E80;
	v9 =	vadd.s32 $0x9, v0;
	v10 =	vadd.s32 $0xA, v0;
	v11 =	vadd.s32 $0xB, v0  }
0x7: {  	s22 =	simm.s32 $0x10A00;
	s23 =	simm.s32 $0x2F00;
	s24 =	simm.s32 $0x12A00;
	v12 =	vadd.s32 $0xC, v0;
	v13 =	vadd.s32 $0xD, v0;
	v14 =	vadd.s32 $0xE, v0  }
0x8: {  	s25 =	simm.s32 $0x2F80;
	s28 =	simm.s32 $0x3000;
	s29 =	simm.s32 $0x16A00;
	v16 =	vadd.s32 $0xF, v0;
	v17 =	vadd.s32 $0x10, v0;
	v18 =	vadd.s32 $0x11, v0  }
0x9: {  	s30 =	simm.s32 $0x1;
	s0 =	sand.u32 $0x1, s0;
	s3 =	sshll.u32 s2, $0x1;
	v19 =	vadd.s32 $0x12, v0;
	v20 =	vadd.s32 $0x13, v0;
	v21 =	vor.u32 $0x800, v15  }
0xa: {  	s31 =	simm.s32 $0x18A00;
	s2 =	simm.s32 $0x0;
	s3 =	sor.u32 s0, s3;
	v22 =	vor.u32 $0x1000, v15;
	v23 =	vor.u32 $0x1800, v15;
	v24 =	vor.u32 $0x2000, v15  }
0xb: {  	[smem:$0x7FF] =	sst s2;
	s0 =	ssub.s32 $0x2, s0;
	s4 =	smul.u32 $0x540, s3;
	v25 =	vor.u32 $0x2800, v15;
	v26 =	vor.u32 $0x3000, v15;
	v27 =	vor.u32 $0x3800, v15  }
0xc: {  	_ =	strace $0x80000047;
	s5 =	sshll.u32 s3, $0xD;
	s26 =	sshrl.u32 s0, $0x1;
	v28 =	vor.u32 $0x4000, v15;
	v29 =	vor.u32 $0x4800, v15;
	v30 =	vor.u32 $0x5000, v15  }
0xd: {  	s3 =	sadd.s32 $0x4B600, s1;
	v31 =	vor.u32 $0x5800, v15;
	v32 =	vor.u32 $0x6000, v15;
	[tilespmem:$0x1FFC0] =	vst v1;
	v1 =	vadd.s32 $0x2, v0;
	s0 =	ssub.s32 s0, s26;
	s26 =	simm.s32 $0x14A00  }
0xe: {  	v33 =	vor.u32 $0x6800, v15;
	v34 =	vor.u32 $0x7000, v15;
	[tilespmem:$0x1FFD0] =	vst v1;
	v1 =	vadd.s32 $0x3, v0;
	s4 =	sadd.s32 s4, s1;
	s1 =	sadd.s32 s5, s1;
	s0 =	smax.u32 s0, $0x1  }
0xf: {  	v35 =	vor.u32 $0x7800, v15;
	v36 =	vor.u32 $0x8000, v15;
	[tilespmem:$0x1FFE0] =	vst v1;
	v1 =	vadd.s32 $0x4, v0;
	s4 =	sadd.s32 $0x40E00, s4;
	s5 =	sadd.s32 $0x42B600, s1;
	[dreg:$0x3] =	wrdreg s0  }
0x10: {  	v37 =	vor.u32 $0x8800, v15;
	v38 =	vor.u32 $0x9000, v15;
	v39 =	vor.u32 $0x9800, v15;
	s1 =	simm.s32 $0x2;
	[tilespmem:$0x1FFF0] =	vst v1;
	[dreg:$0x2] =	wrdreg s4;
	s4 =	simm.s32 $0x0  }
.LBB2_1:
0x11: {  	[dreg:$0x4] =	wrdreg s4  }
0x12: {  	s0 =	rddreg [dreg:$0x2]  }
0x13: {  	[tilespmem:s2], [sflag:$0x3] =	stream.linear.gather [hbm4b:s0+s2], $0x2A00, $0x38;
	[tilespmem:$0x19200] =	vst v63  }
0x14: {  	_ =	swait.ge [sflag:s7], $0x2A00  }
0x15: {  	[sflag:s7] =	ssyncset.done $0x0  }
0x16: {  	[sflag:s7] =	ssyncadd.s32 $0xFFFFD600  }
0x17: {  	v40 =	vld.idx.msk [tilespmem:v0+s2+$0x0], $0xffff  }
0x18: {  	v1 =	vld [tilespmem:$0x1FFC0];
	_ =	sdelay $0x3  }
0x19: {  	v41 =	vshrl.u32 v40, $0x2;
	v42 =	vand.u32 $0x1FFF, v40;
	v40 =	vshrl.u32 v40, $0x8  }
0x1a: {  	v41 =	vand.u32 $0x3FFFE000, v41;
	v40 =	vand.u32 $0x60, v40  }
0x1b: {  	v41 =	vor.u32 v42, v41;
	[tilespmem:$0x3200] =	vst v40  }
0x1c: {  	[tilespmem:$0x2A00] =	vst v41  }
0x1d: {  	v40 =	vld.idx.msk [tilespmem:v1+s2+$0x0], $0xffff  }
0x1e: {  	v1 =	vld [tilespmem:$0x1FFD0];
	_ =	sdelay $0x3  }
0x1f: {  	v46 =	vshrl.u32 v40, $0x2;
	v47 =	vand.u32 $0x1FFF, v40;
	v40 =	vshrl.u32 v40, $0x8  }
0x20: {  	v41 =	vand.u32 $0x3FFFE000, v46;
	v40 =	vand.u32 $0x60, v40  }
0x21: {  	v41 =	vor.u32 v47, v41;
	[tilespmem:$0x3280] =	vst v40  }
0x22: {  	[tilespmem:$0x2A10] =	vst v41  }
0x23: {  	v40 =	vld.idx.msk [tilespmem:v1+s2+$0x0], $0xffff  }
0x24: {  	v1 =	vld [tilespmem:$0x1FFE0];
	_ =	sdelay $0x3  }
0x25: {  	v48 =	vshrl.u32 v40, $0x2;
	v49 =	vand.u32 $0x1FFF, v40;
	v40 =	vshrl.u32 v40, $0x8  }
0x26: {  	v41 =	vand.u32 $0x3FFFE000, v48;
	v40 =	vand.u32 $0x60, v40  }
0x27: {  	v41 =	vor.u32 v49, v41;
	[tilespmem:$0x3300] =	vst v40  }
0x28: {  	[tilespmem:$0x2A20] =	vst v41  }
0x29: {  	v40 =	vld.idx.msk [tilespmem:v1+s2+$0x0], $0xffff  }
0x2a: {  	v1 =	vld [tilespmem:$0x1FFF0];
	_ =	sdelay $0x3  }
0x2b: {  	v50 =	vshrl.u32 v40, $0x2;
	v51 =	vand.u32 $0x1FFF, v40;
	v40 =	vshrl.u32 v40, $0x8  }
0x2c: {  	v41 =	vand.u32 $0x3FFFE000, v50;
	v40 =	vand.u32 $0x60, v40  }
0x2d: {  	v41 =	vor.u32 v51, v41;
	[tilespmem:$0x3380] =	vst v40  }
0x2e: {  	[tilespmem:$0x2A30] =	vst v41  }
0x2f: {  	v40 =	vld.idx.msk [tilespmem:v1+s2+$0x0], $0xffff;
	_ =	sdelay $0x4  }
0x30: {  	v52 =	vshrl.u32 v40, $0x2;
	v53 =	vand.u32 $0x1FFF, v40;
	v40 =	vshrl.u32 v40, $0x8  }
0x31: {  	v41 =	vand.u32 $0x3FFFE000, v52;
	v40 =	vand.u32 $0x60, v40  }
0x32: {  	v41 =	vor.u32 v53, v41;
	[tilespmem:$0x3400] =	vst v40  }
0x33: {  	[tilespmem:$0x2A80] =	vst v41  }
0x34: {  	v40 =	vld.idx.msk [tilespmem:v5+s2+$0x0], $0xffff;
	_ =	sdelay $0x4  }
0x35: {  	v54 =	vshrl.u32 v40, $0x2;
	v55 =	vand.u32 $0x1FFF, v40;
	v40 =	vshrl.u32 v40, $0x8  }
0x36: {  	v41 =	vand.u32 $0x3FFFE000, v54;
	v40 =	vand.u32 $0x60, v40  }
0x37: {  	v41 =	vor.u32 v55, v41;
	[tilespmem:$0x3480] =	vst v40  }
0x38: {  	[tilespmem:$0x2A90] =	vst v41  }
0x39: {  	v40 =	vld.idx.msk [tilespmem:v6+s2+$0x0], $0xffff;
	_ =	sdelay $0x4  }
0x3a: {  	v56 =	vshrl.u32 v40, $0x2;
	v57 =	vand.u32 $0x1FFF, v40;
	v40 =	vshrl.u32 v40, $0x8  }
0x3b: {  	v41 =	vand.u32 $0x3FFFE000, v56;
	v40 =	vand.u32 $0x60, v40  }
0x3c: {  	v41 =	vor.u32 v57, v41;
	[tilespmem:$0x3500] =	vst v40  }
0x3d: {  	[tilespmem:$0x2AA0] =	vst v41  }
0x3e: {  	v40 =	vld.idx.msk [tilespmem:v7+s2+$0x0], $0xffff;
	_ =	sdelay $0x4  }
0x3f: {  	v58 =	vshrl.u32 v40, $0x2;
	v59 =	vand.u32 $0x1FFF, v40;
	v40 =	vshrl.u32 v40, $0x8  }
0x40: {  	v41 =	vand.u32 $0x3FFFE000, v58;
	v40 =	vand.u32 $0x60, v40  }
0x41: {  	v41 =	vor.u32 v59, v41;
	[tilespmem:$0x3580] =	vst v40  }
0x42: {  	[tilespmem:$0x2AB0] =	vst v41  }
0x43: {  	v40 =	vld.idx.msk [tilespmem:v8+s2+$0x0], $0xffff;
	_ =	sdelay $0x4  }
0x44: {  	v60 =	vshrl.u32 v40, $0x2;
	v61 =	vand.u32 $0x1FFF, v40;
	v40 =	vshrl.u32 v40, $0x8  }
0x45: {  	v41 =	vand.u32 $0x3FFFE000, v60;
	v40 =	vand.u32 $0x60, v40  }
0x46: {  	v41 =	vor.u32 v61, v41;
	[tilespmem:$0x3600] =	vst v40  }
0x47: {  	[tilespmem:$0x2B00] =	vst v41  }
0x48: {  	v40 =	vld.idx.msk [tilespmem:v9+s2+$0x0], $0xffff;
	_ =	sdelay $0x4  }
0x49: {  	v62 =	vshrl.u32 v40, $0x2;
	v63 =	vand.u32 $0x1FFF, v40;
	v40 =	vshrl.u32 v40, $0x8  }
0x4a: {  	v41 =	vand.u32 $0x3FFFE000, v62;
	v40 =	vand.u32 $0x60, v40  }
0x4b: {  	v41 =	vor.u32 v63, v41;
	[tilespmem:$0x3680] =	vst v40  }
0x4c: {  	[tilespmem:$0x2B10] =	vst v41  }
0x4d: {  	v40 =	vld.idx.msk [tilespmem:v10+s2+$0x0], $0xffff;
	_ =	sdelay $0x4  }
0x4e: {  	v44 =	vshrl.u32 v40, $0x2;
	v45 =	vand.u32 $0x1FFF, v40;
	v40 =	vshrl.u32 v40, $0x8  }
0x4f: {  	v41 =	vand.u32 $0x3FFFE000, v44;
	v40 =	vand.u32 $0x60, v40  }
0x50: {  	v41 =	vor.u32 v45, v41;
	[tilespmem:$0x3700] =	vst v40  }
0x51: {  	[tilespmem:$0x2B20] =	vst v41  }
0x52: {  	v40 =	vld.idx.msk [tilespmem:v11+s2+$0x0], $0xffff;
	_ =	sdelay $0x4  }
0x53: {  	v46 =	vshrl.u32 v40, $0x2;
	v47 =	vand.u32 $0x1FFF, v40;
	v40 =	vshrl.u32 v40, $0x8  }
0x54: {  	v41 =	vand.u32 $0x3FFFE000, v46;
	v40 =	vand.u32 $0x60, v40  }
0x55: {  	v41 =	vor.u32 v47, v41;
	[tilespmem:$0x3780] =	vst v40  }
0x56: {  	[tilespmem:$0x2B30] =	vst v41  }
0x57: {  	v40 =	vld.idx.msk [tilespmem:v12+s2+$0x0], $0xffff;
	_ =	sdelay $0x4  }
0x58: {  	v48 =	vshrl.u32 v40, $0x2;
	v49 =	vand.u32 $0x1FFF, v40;
	v40 =	vshrl.u32 v40, $0x8  }
0x59: {  	v41 =	vand.u32 $0x3FFFE000, v48;
	v40 =	vand.u32 $0x60, v40  }
0x5a: {  	v41 =	vor.u32 v49, v41;
	[tilespmem:$0x3800] =	vst v40  }
0x5b: {  	[tilespmem:$0x2B80] =	vst v41  }
0x5c: {  	v40 =	vld.idx.msk [tilespmem:v13+s2+$0x0], $0xffff;
	_ =	sdelay $0x4  }
0x5d: {  	v50 =	vshrl.u32 v40, $0x2;
	v51 =	vand.u32 $0x1FFF, v40;
	v40 =	vshrl.u32 v40, $0x8  }
0x5e: {  	v41 =	vand.u32 $0x3FFFE000, v50;
	v40 =	vand.u32 $0x60, v40  }
0x5f: {  	v41 =	vor.u32 v51, v41;
	[tilespmem:$0x3880] =	vst v40  }
0x60: {  	[tilespmem:$0x2B90] =	vst v41  }
0x61: {  	v40 =	vld.idx.msk [tilespmem:v14+s2+$0x0], $0xffff;
	_ =	sdelay $0x4  }
0x62: {  	v52 =	vshrl.u32 v40, $0x2;
	v53 =	vand.u32 $0x1FFF, v40;
	v40 =	vshrl.u32 v40, $0x8  }
0x63: {  	v41 =	vand.u32 $0x3FFFE000, v52;
	v40 =	vand.u32 $0x60, v40  }
0x64: {  	v41 =	vor.u32 v53, v41;
	[tilespmem:$0x3900] =	vst v40  }
0x65: {  	[tilespmem:$0x2BA0] =	vst v41  }
0x66: {  	v40 =	vld.idx.msk [tilespmem:v16+s2+$0x0], $0xffff;
	_ =	sdelay $0x4  }
0x67: {  	v54 =	vshrl.u32 v40, $0x2;
	v55 =	vand.u32 $0x1FFF, v40;
	v40 =	vshrl.u32 v40, $0x8  }
0x68: {  	v41 =	vand.u32 $0x3FFFE000, v54;
	v40 =	vand.u32 $0x60, v40  }
0x69: {  	v41 =	vor.u32 v55, v41;
	[tilespmem:$0x3980] =	vst v40  }
0x6a: {  	[tilespmem:$0x2BB0] =	vst v41  }
0x6b: {  	v40 =	vld.idx.msk [tilespmem:v17+s2+$0x0], $0xffff;
	_ =	sdelay $0x4  }
0x6c: {  	v56 =	vshrl.u32 v40, $0x2;
	v57 =	vand.u32 $0x1FFF, v40;
	v40 =	vshrl.u32 v40, $0x8  }
0x6d: {  	v41 =	vand.u32 $0x3FFFE000, v56;
	v40 =	vand.u32 $0x60, v40  }
0x6e: {  	v41 =	vor.u32 v57, v41;
	[tilespmem:$0x3A00] =	vst v40  }
0x6f: {  	[tilespmem:$0x2C00] =	vst v41  }
0x70: {  	v40 =	vld.idx.msk [tilespmem:v18+s2+$0x0], $0xffff;
	_ =	sdelay $0x4  }
0x71: {  	v58 =	vshrl.u32 v40, $0x2;
	v59 =	vand.u32 $0x1FFF, v40;
	v40 =	vshrl.u32 v40, $0x8  }
0x72: {  	v41 =	vand.u32 $0x3FFFE000, v58;
	v40 =	vand.u32 $0x60, v40  }
0x73: {  	v41 =	vor.u32 v59, v41;
	[tilespmem:$0x3A80] =	vst v40  }
0x74: {  	[tilespmem:$0x2C10] =	vst v41  }
0x75: {  	v40 =	vld.idx.msk [tilespmem:v19+s2+$0x0], $0xffff;
	_ =	sdelay $0x4  }
0x76: {  	v60 =	vshrl.u32 v40, $0x2;
	v61 =	vand.u32 $0x1FFF, v40;
	v40 =	vshrl.u32 v40, $0x8  }
0x77: {  	v41 =	vand.u32 $0x3FFFE000, v60;
	v40 =	vand.u32 $0x60, v40  }
0x78: {  	v41 =	vor.u32 v61, v41;
	[tilespmem:$0x3B00] =	vst v40  }
0x79: {  	[tilespmem:$0x2C20] =	vst v41  }
0x7a: {  	v40 =	vld.idx.msk [tilespmem:v20+s2+$0x0], $0xffff;
	_ =	sdelay $0x4  }
0x7b: {  	v62 =	vshrl.u32 v40, $0x2;
	v63 =	vand.u32 $0x1FFF, v40;
	v40 =	vshrl.u32 v40, $0x8  }
0x7c: {  	v41 =	vand.u32 $0x3FFFE000, v62;
	v40 =	vand.u32 $0x60, v40  }
0x7d: {  	v41 =	vor.u32 v63, v41;
	[tilespmem:$0x3B80] =	vst v40  }
0x7e: {  	s9 =	simm.s32 $0x2A00;
	[tilespmem:$0x2C30] =	vst v41  }
0x7f: {  	[tilespmem:s10], [sflag:$0x1] =	stream.indirect.gather [hbm4b:s3+s8], $0x80, s9, s8, $0xb8;
	[tilespmem:$0x19200] =	vst v63  }
0x80: {  	s11 =	simm.s32 $0x2A80  }
0x81: {  	[tilespmem:s12], [sflag:$0x1] =	stream.indirect.gather [hbm4b:s3+s8], $0x80, s11, s8, $0xb8;
	[tilespmem:$0x19200] =	vst v63  }
0x82: {  	_ = 	snop  }
0x83: {  	[tilespmem:s14], [sflag:$0x1] =	stream.indirect.gather [hbm4b:s3+s8], $0x80, s13, s8, $0xb8;
	[tilespmem:$0x19200] =	vst v63  }
0x84: {  	_ = 	snop  }
0x85: {  	[tilespmem:s16], [sflag:$0x1] =	stream.indirect.gather [hbm4b:s3+s8], $0x80, s15, s8, $0xb8;
	[tilespmem:$0x19200] =	vst v63  }
0x86: {  	s4 =	simm.s32 $0x0  }
0x87: {  	[tilespmem:s18], [sflag:$0x1] =	stream.indirect.gather [hbm4b:s3+s8], $0x80, s17, s8, $0xb8;
	[tilespmem:$0x19200] =	vst v63  }
.LBB2_2:
0x88: {  	s6 =	sshllo.u32 s4, $0x1  }
0x89: {  	s9 =	smul.u32 $0x150, s6;
	_ =	sdelay $0x1  }
0x8a: {  	v40 =	vadd.s32 s9, v0;
	_ =	sdelay $0x3  }
0x8b: {  	s0 =	simm.s32 $0x0  }
0x8c: {  	v40 =	vld.idx.msk [tilespmem:v40+s0+$0x0], $0xffff;
	_ =	sdelay $0x2  }
0x8d: {  	s11 =	sor.u32 $0x1, s9  }
0x8e: {  	v42 =	vadd.s32 s11, v0  }
0x8f: {  	v41 =	vshrl.u32 v40, $0x2;
	v43 =	vand.u32 $0x1FFF, v40;
	v40 =	vshrl.u32 v40, $0x8  }
0x90: {  	v41 =	vand.u32 $0x3FFFE000, v41;
	v40 =	vand.u32 $0x60, v40  }
0x91: {  	v41 =	vor.u32 v43, v41;
	[tilespmem:$0x3E00] =	vst v40  }
0x92: {  	[tilespmem:$0x2E00] =	vst v41  }
0x93: {  	v40 =	vld.idx.msk [tilespmem:v42+s0+$0x0], $0xffff;
	_ =	sdelay $0x2  }
0x94: {  	s11 =	sor.u32 $0x2, s9  }
0x95: {  	v58 =	vadd.s32 s11, v0  }
0x96: {  	v57 =	vshrl.u32 v40, $0x2;
	v59 =	vand.u32 $0x1FFF, v40;
	v40 =	vshrl.u32 v40, $0x8  }
0x97: {  	v41 =	vand.u32 $0x3FFFE000, v57;
	v40 =	vand.u32 $0x60, v40  }
0x98: {  	v41 =	vor.u32 v59, v41;
	[tilespmem:$0x3E80] =	vst v40  }
0x99: {  	[tilespmem:$0x2E10] =	vst v41  }
0x9a: {  	v40 =	vld.idx.msk [tilespmem:v58+s0+$0x0], $0xffff;
	_ =	sdelay $0x2  }
0x9b: {  	s11 =	sor.u32 $0x3, s9  }
0x9c: {  	v61 =	vadd.s32 s11, v0  }
0x9d: {  	v60 =	vshrl.u32 v40, $0x2;
	v62 =	vand.u32 $0x1FFF, v40;
	v40 =	vshrl.u32 v40, $0x8  }
0x9e: {  	v41 =	vand.u32 $0x3FFFE000, v60;
	v40 =	vand.u32 $0x60, v40  }
0x9f: {  	v41 =	vor.u32 v62, v41;
	[tilespmem:$0x3F00] =	vst v40  }
0xa0: {  	[tilespmem:$0x2E20] =	vst v41  }
0xa1: {  	v40 =	vld.idx.msk [tilespmem:v61+s0+$0x0], $0xffff;
	_ =	sdelay $0x2  }
0xa2: {  	s11 =	sor.u32 $0x4, s9  }
0xa3: {  	v45 =	vadd.s32 s11, v0  }
0xa4: {  	v63 =	vshrl.u32 v40, $0x2;
	v46 =	vand.u32 $0x1FFF, v40;
	v40 =	vshrl.u32 v40, $0x8  }
0xa5: {  	v41 =	vand.u32 $0x3FFFE000, v63;
	v40 =	vand.u32 $0x60, v40  }
0xa6: {  	v41 =	vor.u32 v46, v41;
	[tilespmem:$0x3F80] =	vst v40  }
0xa7: {  	[tilespmem:$0x2E30] =	vst v41  }
0xa8: {  	v40 =	vld.idx.msk [tilespmem:v45+s0+$0x0], $0xffff;
	_ =	sdelay $0x2  }
0xa9: {  	s11 =	sor.u32 $0x5, s9  }
0xaa: {  	v48 =	vadd.s32 s11, v0  }
0xab: {  	v47 =	vshrl.u32 v40, $0x2;
	v49 =	vand.u32 $0x1FFF, v40;
	v40 =	vshrl.u32 v40, $0x8  }
0xac: {  	v41 =	vand.u32 $0x3FFFE000, v47;
	v40 =	vand.u32 $0x60, v40  }
0xad: {  	v41 =	vor.u32 v49, v41;
	[tilespmem:$0x4000] =	vst v40  }
0xae: {  	[tilespmem:$0x2E80] =	vst v41  }
0xaf: {  	v40 =	vld.idx.msk [tilespmem:v48+s0+$0x0], $0xffff;
	_ =	sdelay $0x2  }
0xb0: {  	s11 =	sor.u32 $0x6, s9  }
0xb1: {  	v51 =	vadd.s32 s11, v0  }
0xb2: {  	v50 =	vshrl.u32 v40, $0x2;
	v52 =	vand.u32 $0x1FFF, v40;
	v40 =	vshrl.u32 v40, $0x8  }
0xb3: {  	v41 =	vand.u32 $0x3FFFE000, v50;
	v40 =	vand.u32 $0x60, v40  }
0xb4: {  	v41 =	vor.u32 v52, v41;
	[tilespmem:$0x4080] =	vst v40  }
0xb5: {  	[tilespmem:$0x2E90] =	vst v41  }
0xb6: {  	v40 =	vld.idx.msk [tilespmem:v51+s0+$0x0], $0xffff;
	_ =	sdelay $0x2  }
0xb7: {  	s11 =	sor.u32 $0x7, s9  }
0xb8: {  	v54 =	vadd.s32 s11, v0  }
0xb9: {  	v53 =	vshrl.u32 v40, $0x2;
	v55 =	vand.u32 $0x1FFF, v40;
	v40 =	vshrl.u32 v40, $0x8  }
0xba: {  	v41 =	vand.u32 $0x3FFFE000, v53;
	v40 =	vand.u32 $0x60, v40  }
0xbb: {  	v41 =	vor.u32 v55, v41;
	[tilespmem:$0x4100] =	vst v40  }
0xbc: {  	[tilespmem:$0x2EA0] =	vst v41  }
0xbd: {  	v40 =	vld.idx.msk [tilespmem:v54+s0+$0x0], $0xffff;
	_ =	sdelay $0x2  }
0xbe: {  	s11 =	sor.u32 $0x8, s9  }
0xbf: {  	v57 =	vadd.s32 s11, v0  }
0xc0: {  	v56 =	vshrl.u32 v40, $0x2;
	v58 =	vand.u32 $0x1FFF, v40;
	v40 =	vshrl.u32 v40, $0x8  }
0xc1: {  	v41 =	vand.u32 $0x3FFFE000, v56;
	v40 =	vand.u32 $0x60, v40  }
0xc2: {  	v41 =	vor.u32 v58, v41;
	[tilespmem:$0x4180] =	vst v40  }
0xc3: {  	[tilespmem:$0x2EB0] =	vst v41  }
0xc4: {  	v40 =	vld.idx.msk [tilespmem:v57+s0+$0x0], $0xffff;
	_ =	sdelay $0x2  }
0xc5: {  	s11 =	sor.u32 $0x9, s9  }
0xc6: {  	v60 =	vadd.s32 s11, v0  }
0xc7: {  	v59 =	vshrl.u32 v40, $0x2;
	v61 =	vand.u32 $0x1FFF, v40;
	v40 =	vshrl.u32 v40, $0x8  }
0xc8: {  	v41 =	vand.u32 $0x3FFFE000, v59;
	v40 =	vand.u32 $0x60, v40  }
0xc9: {  	v41 =	vor.u32 v61, v41;
	[tilespmem:$0x4200] =	vst v40  }
0xca: {  	[tilespmem:$0x2F00] =	vst v41  }
0xcb: {  	v40 =	vld.idx.msk [tilespmem:v60+s0+$0x0], $0xffff;
	_ =	sdelay $0x2  }
0xcc: {  	s11 =	sor.u32 $0xA, s9  }
0xcd: {  	v63 =	vadd.s32 s11, v0  }
0xce: {  	v62 =	vshrl.u32 v40, $0x2;
	v45 =	vand.u32 $0x1FFF, v40;
	v40 =	vshrl.u32 v40, $0x8  }
0xcf: {  	v41 =	vand.u32 $0x3FFFE000, v62;
	v40 =	vand.u32 $0x60, v40  }
0xd0: {  	v41 =	vor.u32 v45, v41;
	[tilespmem:$0x4280] =	vst v40  }
0xd1: {  	[tilespmem:$0x2F10] =	vst v41  }
0xd2: {  	v40 =	vld.idx.msk [tilespmem:v63+s0+$0x0], $0xffff;
	_ =	sdelay $0x2  }
0xd3: {  	s11 =	sor.u32 $0xB, s9  }
0xd4: {  	v47 =	vadd.s32 s11, v0  }
0xd5: {  	v46 =	vshrl.u32 v40, $0x2;
	v48 =	vand.u32 $0x1FFF, v40;
	v40 =	vshrl.u32 v40, $0x8  }
0xd6: {  	v41 =	vand.u32 $0x3FFFE000, v46;
	v40 =	vand.u32 $0x60, v40  }
0xd7: {  	v41 =	vor.u32 v48, v41;
	[tilespmem:$0x4300] =	vst v40  }
0xd8: {  	[tilespmem:$0x2F20] =	vst v41  }
0xd9: {  	v40 =	vld.idx.msk [tilespmem:v47+s0+$0x0], $0xffff;
	_ =	sdelay $0x2  }
0xda: {  	s11 =	sor.u32 $0xC, s9  }
0xdb: {  	v50 =	vadd.s32 s11, v0  }
0xdc: {  	v49 =	vshrl.u32 v40, $0x2;
	v51 =	vand.u32 $0x1FFF, v40;
	v40 =	vshrl.u32 v40, $0x8  }
0xdd: {  	v41 =	vand.u32 $0x3FFFE000, v49;
	v40 =	vand.u32 $0x60, v40  }
0xde: {  	v41 =	vor.u32 v51, v41;
	[tilespmem:$0x4380] =	vst v40  }
0xdf: {  	[tilespmem:$0x2F30] =	vst v41  }
0xe0: {  	v40 =	vld.idx.msk [tilespmem:v50+s0+$0x0], $0xffff;
	_ =	sdelay $0x2  }
0xe1: {  	s11 =	sor.u32 $0xD, s9  }
0xe2: {  	v53 =	vadd.s32 s11, v0  }
0xe3: {  	v52 =	vshrl.u32 v40, $0x2;
	v54 =	vand.u32 $0x1FFF, v40;
	v40 =	vshrl.u32 v40, $0x8  }
0xe4: {  	v41 =	vand.u32 $0x3FFFE000, v52;
	v40 =	vand.u32 $0x60, v40  }
0xe5: {  	v41 =	vor.u32 v54, v41;
	[tilespmem:$0x4400] =	vst v40  }
0xe6: {  	[tilespmem:$0x2F80] =	vst v41  }
0xe7: {  	v40 =	vld.idx.msk [tilespmem:v53+s0+$0x0], $0xffff;
	_ =	sdelay $0x2  }
0xe8: {  	s11 =	sor.u32 $0xE, s9  }
0xe9: {  	v56 =	vadd.s32 s11, v0  }
0xea: {  	v55 =	vshrl.u32 v40, $0x2;
	v57 =	vand.u32 $0x1FFF, v40;
	v40 =	vshrl.u32 v40, $0x8  }
0xeb: {  	v41 =	vand.u32 $0x3FFFE000, v55;
	v40 =	vand.u32 $0x60, v40  }
0xec: {  	v41 =	vor.u32 v57, v41;
	[tilespmem:$0x4480] =	vst v40  }
0xed: {  	[tilespmem:$0x2F90] =	vst v41  }
0xee: {  	v40 =	vld.idx.msk [tilespmem:v56+s0+$0x0], $0xffff;
	_ =	sdelay $0x2  }
0xef: {  	s11 =	sor.u32 $0xF, s9  }
0xf0: {  	v59 =	vadd.s32 s11, v0  }
0xf1: {  	v58 =	vshrl.u32 v40, $0x2;
	v60 =	vand.u32 $0x1FFF, v40;
	v40 =	vshrl.u32 v40, $0x8  }
0xf2: {  	v41 =	vand.u32 $0x3FFFE000, v58;
	v40 =	vand.u32 $0x60, v40  }
0xf3: {  	v41 =	vor.u32 v60, v41;
	[tilespmem:$0x4500] =	vst v40  }
0xf4: {  	[tilespmem:$0x2FA0] =	vst v41  }
0xf5: {  	v40 =	vld.idx.msk [tilespmem:v59+s0+$0x0], $0xffff;
	_ =	sdelay $0x2  }
0xf6: {  	s11 =	sadd.s32 $0x10, s9  }
0xf7: {  	v62 =	vadd.s32 s11, v0  }
0xf8: {  	v61 =	vshrl.u32 v40, $0x2;
	v63 =	vand.u32 $0x1FFF, v40;
	v40 =	vshrl.u32 v40, $0x8  }
0xf9: {  	v41 =	vand.u32 $0x3FFFE000, v61;
	v40 =	vand.u32 $0x60, v40  }
0xfa: {  	v41 =	vor.u32 v63, v41;
	[tilespmem:$0x4580] =	vst v40  }
0xfb: {  	[tilespmem:$0x2FB0] =	vst v41  }
0xfc: {  	v40 =	vld.idx.msk [tilespmem:v62+s0+$0x0], $0xffff;
	_ =	sdelay $0x2  }
0xfd: {  	s11 =	sadd.s32 $0x11, s9  }
0xfe: {  	v46 =	vadd.s32 s11, v0  }
0xff: {  	v45 =	vshrl.u32 v40, $0x2;
	v47 =	vand.u32 $0x1FFF, v40;
	v40 =	vshrl.u32 v40, $0x8  }
0x100: {  	v41 =	vand.u32 $0x3FFFE000, v45;
	v40 =	vand.u32 $0x60, v40  }
0x101: {  	v41 =	vor.u32 v47, v41;
	[tilespmem:$0x4600] =	vst v40  }
0x102: {  	[tilespmem:$0x3000] =	vst v41  }
0x103: {  	v40 =	vld.idx.msk [tilespmem:v46+s0+$0x0], $0xffff;
	_ =	sdelay $0x2  }
0x104: {  	s11 =	sadd.s32 $0x12, s9  }
0x105: {  	v49 =	vadd.s32 s11, v0  }
0x106: {  	v48 =	vshrl.u32 v40, $0x2;
	v50 =	vand.u32 $0x1FFF, v40;
	v40 =	vshrl.u32 v40, $0x8  }
0x107: {  	v41 =	vand.u32 $0x3FFFE000, v48;
	v40 =	vand.u32 $0x60, v40  }
0x108: {  	v41 =	vor.u32 v50, v41;
	[tilespmem:$0x4680] =	vst v40  }
0x109: {  	[tilespmem:$0x3010] =	vst v41  }
0x10a: {  	v40 =	vld.idx.msk [tilespmem:v49+s0+$0x0], $0xffff;
	_ =	sdelay $0x2  }
0x10b: {  	s9 =	sadd.s32 $0x13, s9  }
0x10c: {  	v52 =	vadd.s32 s9, v0  }
0x10d: {  	v51 =	vshrl.u32 v40, $0x2;
	v53 =	vand.u32 $0x1FFF, v40;
	v40 =	vshrl.u32 v40, $0x8  }
0x10e: {  	v41 =	vand.u32 $0x3FFFE000, v51;
	v40 =	vand.u32 $0x60, v40  }
0x10f: {  	v41 =	vor.u32 v53, v41;
	[tilespmem:$0x4700] =	vst v40  }
0x110: {  	[tilespmem:$0x3020] =	vst v41  }
0x111: {  	v40 =	vld.idx.msk [tilespmem:v52+s0+$0x0], $0xffff;
	_ =	sdelay $0x4  }
0x112: {  	v54 =	vshrl.u32 v40, $0x2;
	v42 =	vand.u32 $0x1FFF, v40;
	v40 =	vshrl.u32 v40, $0x8  }
0x113: {  	v41 =	vand.u32 $0x3FFFE000, v54;
	v40 =	vand.u32 $0x60, v40  }
0x114: {  	v41 =	vor.u32 v42, v41;
	[tilespmem:$0x4780] =	vst v40  }
0x115: {  	[tilespmem:$0x3030] =	vst v41  }
0x116: {  	[tilespmem:s20], [sflag:$0x2] =	stream.indirect.gather [hbm4b:s3+s8], $0x80, s19, s8, $0xb8;
	[tilespmem:$0x19200] =	vst v63  }
0x117: {  	_ = 	snop  }
0x118: {  	[tilespmem:s22], [sflag:$0x2] =	stream.indirect.gather [hbm4b:s3+s8], $0x80, s21, s8, $0xb8;
	[tilespmem:$0x19200] =	vst v63  }
0x119: {  	_ = 	snop  }
0x11a: {  	[tilespmem:s24], [sflag:$0x2] =	stream.indirect.gather [hbm4b:s3+s8], $0x80, s23, s8, $0xb8;
	[tilespmem:$0x19200] =	vst v63  }
0x11b: {  	_ = 	snop  }
0x11c: {  	[tilespmem:s26], [sflag:$0x2] =	stream.indirect.gather [hbm4b:s3+s8], $0x80, s25, s8, $0xb8;
	[tilespmem:$0x19200] =	vst v63  }
0x11d: {  	_ = 	snop  }
0x11e: {  	[tilespmem:s29], [sflag:$0x2] =	stream.indirect.gather [hbm4b:s3+s8], $0x80, s28, s8, $0xb8;
	[tilespmem:$0x19200] =	vst v63  }
0x11f: {  	_ =	swait.ge [sflag:s30], $0xA000  }
0x120: {  	[sflag:s30] =	ssyncset.done $0x0  }
0x121: {  	[sflag:s30] =	ssyncadd.s32 $0xFFFF6000  }
0x122: {  	v55 =	vld [tilespmem:$0x3200];
	_ =	sdelay $0x1  }
0x123: {  	v56 =	vld [tilespmem:$0x3280];
	_ =	sdelay $0x1  }
0x124: {  	v57 =	vld [tilespmem:$0x3300]  }
0x125: {  	v40 =	vadd.s32 v15, v55  }
0x126: {  	v58 =	vld [tilespmem:$0x3380];
	v44 =	vadd.s32 s0, v40  }
0x127: {  	v45 =	vld [tilespmem:$0x3400];
	v41 =	vadd.s32 v21, v56  }
0x128: {  	v46 =	vadd.s32 s0, v41  }
0x129: {  	v47 =	vld [tilespmem:$0x3480];
	v42 =	vadd.s32 v22, v57  }
0x12a: {  	v50 =	vld [tilespmem:$0x3500];
	v48 =	vadd.s32 s0, v42  }
0x12b: {  	v43 =	vadd.s32 v23, v58;
	v49 =	vld.idx.msk [tilespmem:v44+s10+$0x0], $0xffff  }
0x12c: {  	v53 =	vld [tilespmem:$0x3580];
	v51 =	vadd.s32 s0, v43;
	v44 =	vadd.s32 v24, v45  }
0x12d: {  	v52 =	vld.idx.msk [tilespmem:v46+s10+$0x0], $0xffff;
	v54 =	vadd.s32 s0, v44  }
0x12e: {  	v55 =	vld [tilespmem:$0x3600];
	v45 =	vadd.s32 v25, v47  }
0x12f: {  	v48 =	vld.idx.msk [tilespmem:v48+s10+$0x0], $0xffff;
	v56 =	vadd.s32 s0, v45  }
0x130: {  	v61 =	vld [tilespmem:$0x3680];
	v46 =	vadd.s32 v26, v50;
	v59 =	vadd.f32 $0.0e+00, v49  }
0x131: {  	v60 =	vld.idx.msk [tilespmem:v51+s10+$0x0], $0xffff;
	v62 =	vadd.s32 s0, v46  }
0x132: {  	v47 =	vadd.s32 v27, v53;
	v53 =	vld.idx.msk [tilespmem:v54+s10+$0x0], $0xffff;
	v52 =	vadd.f32 v52, v59  }
0x133: {  	v54 =	vld [tilespmem:$0x3700]  }
0x134: {  	v57 =	vadd.s32 s0, v47;
	v52 =	vadd.f32 v48, v52;
	v48 =	vadd.s32 v28, v55;
	v55 =	vld.idx.msk [tilespmem:v56+s10+$0x0], $0xffff  }
0x135: {  	v56 =	vld [tilespmem:$0x3780]  }
0x136: {  	v59 =	vld.idx.msk [tilespmem:v62+s10+$0x0], $0xffff;
	v58 =	vadd.s32 s0, v48;
	v52 =	vadd.f32 v60, v52  }
0x137: {  	v49 =	vadd.s32 v29, v61;
	v60 =	vld [tilespmem:$0x3800]  }
0x138: {  	v61 =	vadd.s32 s0, v49;
	v50 =	vadd.s32 v30, v54;
	v54 =	vld [tilespmem:$0x3880];
	v63 =	vadd.f32 v53, v52  }
0x139: {  	v53 =	vld.idx.msk [tilespmem:v57+s10+$0x0], $0xffff  }
0x13a: {  	v57 =	vadd.s32 s0, v50;
	v51 =	vadd.s32 v31, v56;
	v56 =	vld [tilespmem:$0x3900];
	v52 =	vadd.f32 v55, v63  }
0x13b: {  	v55 =	vld.idx.msk [tilespmem:v58+s10+$0x0], $0xffff;
	v58 =	vadd.s32 s0, v51  }
0x13c: {  	v63 =	vld [tilespmem:$0x3A00];
	v59 =	vadd.f32 v59, v52  }
0x13d: {  	v52 =	vadd.s32 v32, v60;
	v60 =	vld.idx.msk [tilespmem:v61+s10+$0x0], $0xffff  }
0x13e: {  	v61 =	vld [tilespmem:$0x3980];
	v62 =	vadd.s32 s0, v52;
	v59 =	vadd.f32 v53, v59  }
0x13f: {  	v57 =	vld.idx.msk [tilespmem:v57+s10+$0x0], $0xffff;
	v53 =	vadd.s32 v33, v54  }
0x140: {  	v1 =	vadd.s32 s0, v53;
	v58 =	vld.idx.msk [tilespmem:v58+s10+$0x0], $0xffff;
	v55 =	vadd.f32 v55, v59  }
0x141: {  	v54 =	vadd.s32 v34, v56;
	v59 =	vld [tilespmem:$0x3A80]  }
0x142: {  	v2 =	vadd.s32 s0, v54;
	v56 =	vadd.f32 v60, v55  }
0x143: {  	v55 =	vadd.s32 v35, v61;
	v60 =	vld.idx.msk [tilespmem:v62+s10+$0x0], $0xffff  }
0x144: {  	v61 =	vld [tilespmem:$0x3B00];
	v62 =	vadd.s32 s0, v55;
	v57 =	vadd.f32 v57, v56  }
0x145: {  	v56 =	vadd.s32 v36, v63;
	v1 =	vld.idx.msk [tilespmem:v1+s10+$0x0], $0xffff  }
0x146: {  	v63 =	vadd.s32 s0, v56;
	v58 =	vadd.f32 v58, v57;
	v57 =	vadd.s32 v37, v59;
	v59 =	vld [tilespmem:$0x3B80]  }
0x147: {  	v2 =	vld.idx.msk [tilespmem:v2+s10+$0x0], $0xffff;
	v3 =	vadd.s32 s0, v57  }
0x148: {  	v60 =	vadd.f32 v60, v58  }
0x149: {  	v58 =	vadd.s32 v38, v61;
	v61 =	vld.idx.msk [tilespmem:v62+s10+$0x0], $0xffff  }
0x14a: {  	v62 =	vadd.s32 s0, v58;
	v1 =	vadd.f32 v1, v60  }
0x14b: {  	v60 =	vld.idx.msk [tilespmem:v63+s10+$0x0], $0xffff;
	v59 =	vadd.s32 v39, v59  }
0x14c: {  	v1 =	vadd.f32 v2, v1;
	v2 =	vld.idx.msk [tilespmem:v3+s10+$0x0], $0xffff;
	v3 =	vadd.s32 s0, v59;
	_ =	sdelay $0x1  }
0x14d: {  	v1 =	vadd.f32 v61, v1  }
0x14e: {  	v63 =	vld.idx.msk [tilespmem:v62+s10+$0x0], $0xffff  }
0x14f: {  	v1 =	vadd.f32 v60, v1  }
0x150: {  	v60 =	vld.idx.msk [tilespmem:v3+s10+$0x0], $0xffff  }
0x151: {  	v1 =	vadd.f32 v2, v1  }
0x152: {  	s9 =	simm.s32 $0x1;
	v61 =	vor.u32 s0, v15  }
0x153: {  	v62 =	vadd.s32 s9, v40;
	s0 =	simm.s32 $0x2;
	v63 =	vadd.f32 v63, v1  }
.LBB2_3:
0x154: {  	p0 =	sne.s32 s0, $0x1F  }
0x155: {  	v1 =	vadd.s32 s9, v41;
	v2 =	vadd.f32 v60, v63;
	_ =	sdelay $0x1  }
0x156: {  	v3 =	vadd.s32 s9, v42;
	[tilespmem:v61+s31+$0x0] =	vst.idx.msk $0xffff, v2  }
0x157: {  	v2 =	vld.idx.msk [tilespmem:v62+s10+$0x0], $0xffff  }
0x158: {  	v60 =	vadd.s32 s9, v43  }
0x159: {  	v1 =	vld.idx.msk [tilespmem:v1+s10+$0x0], $0xffff  }
0x15a: {  	v61 =	vadd.s32 s9, v44  }
0x15b: {  	v3 =	vld.idx.msk [tilespmem:v3+s10+$0x0], $0xffff  }
0x15c: {  	v62 =	vadd.s32 s9, v45  }
0x15d: {  	v2 =	vadd.f32 $0.0e+00, v2;
	v60 =	vld.idx.msk [tilespmem:v60+s10+$0x0], $0xffff  }
0x15e: {  	v63 =	vadd.s32 s9, v46  }
0x15f: {  	v1 =	vadd.f32 v1, v2;
	v2 =	vld.idx.msk [tilespmem:v61+s10+$0x0], $0xffff  }
0x160: {  	v61 =	vadd.s32 s9, v47  }
0x161: {  	v1 =	vadd.f32 v3, v1;
	v3 =	vld.idx.msk [tilespmem:v62+s10+$0x0], $0xffff  }
0x162: {  	v62 =	vadd.s32 s9, v48  }
0x163: {  	v1 =	vadd.f32 v60, v1;
	v60 =	vld.idx.msk [tilespmem:v63+s10+$0x0], $0xffff  }
0x164: {  	v63 =	vadd.s32 s9, v49  }
0x165: {  	v1 =	vadd.f32 v2, v1;
	v2 =	vld.idx.msk [tilespmem:v61+s10+$0x0], $0xffff  }
0x166: {  	v61 =	vadd.s32 s9, v50  }
0x167: {  	v1 =	vadd.f32 v3, v1;
	v3 =	vld.idx.msk [tilespmem:v62+s10+$0x0], $0xffff  }
0x168: {  	v62 =	vadd.s32 s9, v51  }
0x169: {  	v1 =	vadd.f32 v60, v1;
	v60 =	vld.idx.msk [tilespmem:v63+s10+$0x0], $0xffff  }
0x16a: {  	v63 =	vadd.s32 s9, v52  }
0x16b: {  	v1 =	vadd.f32 v2, v1;
	v2 =	vld.idx.msk [tilespmem:v61+s10+$0x0], $0xffff  }
0x16c: {  	v61 =	vadd.s32 s9, v53  }
0x16d: {  	v1 =	vadd.f32 v3, v1;
	v3 =	vld.idx.msk [tilespmem:v62+s10+$0x0], $0xffff  }
0x16e: {  	v62 =	vadd.s32 s9, v54  }
0x16f: {  	v1 =	vadd.f32 v60, v1;
	v60 =	vld.idx.msk [tilespmem:v63+s10+$0x0], $0xffff  }
0x170: {  	v63 =	vadd.s32 s9, v55  }
0x171: {  	v1 =	vadd.f32 v2, v1;
	v2 =	vld.idx.msk [tilespmem:v61+s10+$0x0], $0xffff  }
0x172: {  	v61 =	vadd.s32 s9, v56  }
0x173: {  	v1 =	vadd.f32 v3, v1;
	v3 =	vld.idx.msk [tilespmem:v62+s10+$0x0], $0xffff  }
0x174: {  	v62 =	vadd.s32 s9, v57  }
0x175: {  	v1 =	vadd.f32 v60, v1;
	v60 =	vld.idx.msk [tilespmem:v63+s10+$0x0], $0xffff  }
0x176: {  	v63 =	vadd.s32 s9, v58  }
0x177: {  	v1 =	vadd.f32 v2, v1;
	v2 =	vld.idx.msk [tilespmem:v61+s10+$0x0], $0xffff  }
0x178: {  	v61 =	vadd.s32 s9, v59  }
0x179: {  	v1 =	vadd.f32 v3, v1;
	v3 =	vld.idx.msk [tilespmem:v62+s10+$0x0], $0xffff;
	_ =	sdelay $0x1  }
0x17a: {  	v1 =	vadd.f32 v60, v1;
	v63 =	vld.idx.msk [tilespmem:v63+s10+$0x0], $0xffff;
	_ =	sdelay $0x1  }
.Ltmp0:
0x17b: {  	v1 =	vadd.f32 v2, v1;
	v60 =	vld.idx.msk [tilespmem:v61+s10+$0x0], $0xffff;
	(pc) =	sbr.rel @p0 .LBB2_3-.Ltmp0, $4  }
0x17c: {  	_ = 	snop  }
0x17d: {  	v1 =	vadd.f32 v3, v1  }
0x17e: {  	v61 =	vor.u32 s9, v15;
	s9 =	smov.u32 s0  }
0x17f: {  	s0 =	sadd.s32 $0x1, s0;
	v62 =	vadd.s32 s9, v40;
	v63 =	vadd.f32 v63, v1  }
0x180: {  	_ =	sdelay $0x1  }
0x181: {  	v1 =	vadd.s32 s9, v41;
	v2 =	vadd.f32 v60, v63;
	_ =	sdelay $0x1  }
0x182: {  	v3 =	vadd.s32 s9, v42;
	[tilespmem:v61+s31+$0x0] =	vst.idx.msk $0xffff, v2  }
0x183: {  	v2 =	vld.idx.msk [tilespmem:v62+s10+$0x0], $0xffff  }
0x184: {  	v40 =	vadd.s32 s9, v43  }
0x185: {  	v1 =	vld.idx.msk [tilespmem:v1+s10+$0x0], $0xffff  }
0x186: {  	v60 =	vadd.s32 s9, v44  }
0x187: {  	v3 =	vld.idx.msk [tilespmem:v3+s10+$0x0], $0xffff  }
0x188: {  	v61 =	vadd.s32 s9, v45;
	v2 =	vadd.f32 $0.0e+00, v2  }
0x189: {  	v40 =	vld.idx.msk [tilespmem:v40+s10+$0x0], $0xffff  }
0x18a: {  	v62 =	vadd.s32 s9, v46;
	v1 =	vadd.f32 v1, v2  }
0x18b: {  	v2 =	vld.idx.msk [tilespmem:v60+s10+$0x0], $0xffff  }
0x18c: {  	v63 =	vadd.s32 s9, v47;
	v1 =	vadd.f32 v3, v1  }
0x18d: {  	v3 =	vld.idx.msk [tilespmem:v61+s10+$0x0], $0xffff  }
0x18e: {  	v45 =	vadd.s32 s9, v48;
	v1 =	vadd.f32 v40, v1  }
0x18f: {  	v46 =	vld.idx.msk [tilespmem:v62+s10+$0x0], $0xffff  }
0x190: {  	v47 =	vadd.s32 s9, v49;
	v1 =	vadd.f32 v2, v1  }
0x191: {  	v2 =	vld.idx.msk [tilespmem:v63+s10+$0x0], $0xffff  }
0x192: {  	v48 =	vadd.s32 s9, v50;
	v1 =	vadd.f32 v3, v1  }
0x193: {  	v3 =	vld.idx.msk [tilespmem:v45+s10+$0x0], $0xffff  }
0x194: {  	v49 =	vadd.s32 s9, v51;
	v1 =	vadd.f32 v46, v1  }
0x195: {  	v50 =	vld.idx.msk [tilespmem:v47+s10+$0x0], $0xffff  }
0x196: {  	v51 =	vadd.s32 s9, v52;
	v1 =	vadd.f32 v2, v1  }
0x197: {  	v2 =	vld.idx.msk [tilespmem:v48+s10+$0x0], $0xffff  }
0x198: {  	v52 =	vadd.s32 s9, v53;
	v1 =	vadd.f32 v3, v1  }
0x199: {  	v3 =	vld.idx.msk [tilespmem:v49+s10+$0x0], $0xffff  }
0x19a: {  	v53 =	vadd.s32 s9, v54;
	v1 =	vadd.f32 v50, v1  }
0x19b: {  	v54 =	vld.idx.msk [tilespmem:v51+s10+$0x0], $0xffff  }
0x19c: {  	v55 =	vadd.s32 s9, v55;
	v1 =	vadd.f32 v2, v1  }
0x19d: {  	v2 =	vld.idx.msk [tilespmem:v52+s10+$0x0], $0xffff  }
0x19e: {  	v56 =	vadd.s32 s9, v56;
	v1 =	vadd.f32 v3, v1  }
0x19f: {  	v3 =	vld.idx.msk [tilespmem:v53+s10+$0x0], $0xffff  }
0x1a0: {  	v57 =	vadd.s32 s9, v57;
	v1 =	vadd.f32 v54, v1  }
0x1a1: {  	v60 =	vld.idx.msk [tilespmem:v55+s10+$0x0], $0xffff  }
0x1a2: {  	v61 =	vadd.s32 s9, v58;
	v1 =	vadd.f32 v2, v1  }
0x1a3: {  	v2 =	vld.idx.msk [tilespmem:v56+s10+$0x0], $0xffff  }
0x1a4: {  	v62 =	vadd.s32 s9, v59;
	v1 =	vadd.f32 v3, v1  }
0x1a5: {  	v3 =	vld.idx.msk [tilespmem:v57+s10+$0x0], $0xffff  }
0x1a6: {  	v1 =	vadd.f32 v60, v1  }
0x1a7: {  	v63 =	vld.idx.msk [tilespmem:v61+s10+$0x0], $0xffff  }
0x1a8: {  	v1 =	vadd.f32 v2, v1  }
0x1a9: {  	v2 =	vld.idx.msk [tilespmem:v62+s10+$0x0], $0xffff  }
0x1aa: {  	v1 =	vadd.f32 v3, v1  }
0x1ab: {  	v3 =	vor.u32 s9, v15  }
0x1ac: {  	v1 =	vadd.f32 v63, v1;
	_ =	sdelay $0x1  }
0x1ad: {  	v1 =	vadd.f32 v2, v1  }
0x1ae: {  	s0 =	sshll.u32 s4, $0x9;
	p0 =	seq.s32 s4, $0xF  }
.Ltmp1:
0x1af: {  	s0 =	sadd.s32 s0, s5;
	[tilespmem:v3+s31+$0x0] =	vst.idx.msk $0xffff, v1;
	(pc) =	sbr.rel @p0 .LBB2_6-.Ltmp1, $4  }
0x1b0: {  	[hbm4b:s0+s2] =	stream.linear.scatter [tilespmem:s31], [sflag:$0x3], $0x800, $0x38;
	[tilespmem:$0x19200] =	vst v63  }
0x1b1: {  	_ =	swait.ge [sflag:s7], $0x800  }
0x1b2: {  	[sflag:s7] =	ssyncset.done $0x0  }
0x1b3: {  	[sflag:s7] =	ssyncadd.s32 $0xFFFFF800  }
0x1b4: {  	s0 =	smul.u32 $0x2A0, s4;
	_ =	sdelay $0x1  }
0x1b5: {  	s9 =	sadd.s32 $0x2A0, s0  }
0x1b6: {  	v1 =	vadd.s32 s9, v0;
	_ =	sdelay $0x4  }
0x1b7: {  	v1 =	vld.idx.msk [tilespmem:v1+s2+$0x0], $0xffff;
	_ =	sdelay $0x2  }
0x1b8: {  	s11 =	sadd.s32 $0x2A1, s0  }
0x1b9: {  	v3 =	vadd.s32 s11, v0  }
0x1ba: {  	v2 =	vshrl.u32 v1, $0x2;
	v40 =	vand.u32 $0x1FFF, v1;
	v1 =	vshrl.u32 v1, $0x8  }
0x1bb: {  	v2 =	vand.u32 $0x3FFFE000, v2;
	v1 =	vand.u32 $0x60, v1  }
0x1bc: {  	v2 =	vor.u32 v40, v2;
	[tilespmem:$0x3200] =	vst v1  }
0x1bd: {  	[tilespmem:$0x2A00] =	vst v2  }
0x1be: {  	v1 =	vld.idx.msk [tilespmem:v3+s2+$0x0], $0xffff;
	_ =	sdelay $0x2  }
0x1bf: {  	s11 =	sadd.s32 $0x2A2, s0  }
0x1c0: {  	v3 =	vadd.s32 s11, v0  }
0x1c1: {  	v2 =	vshrl.u32 v1, $0x2;
	v46 =	vand.u32 $0x1FFF, v1;
	v1 =	vshrl.u32 v1, $0x8  }
0x1c2: {  	v2 =	vand.u32 $0x3FFFE000, v2;
	v1 =	vand.u32 $0x60, v1  }
0x1c3: {  	v2 =	vor.u32 v46, v2;
	[tilespmem:$0x3280] =	vst v1  }
0x1c4: {  	[tilespmem:$0x2A10] =	vst v2  }
0x1c5: {  	v1 =	vld.idx.msk [tilespmem:v3+s2+$0x0], $0xffff;
	_ =	sdelay $0x2  }
0x1c6: {  	s11 =	sadd.s32 $0x2A3, s0  }
0x1c7: {  	v3 =	vadd.s32 s11, v0  }
0x1c8: {  	v2 =	vshrl.u32 v1, $0x2;
	v47 =	vand.u32 $0x1FFF, v1;
	v1 =	vshrl.u32 v1, $0x8  }
0x1c9: {  	v2 =	vand.u32 $0x3FFFE000, v2;
	v1 =	vand.u32 $0x60, v1  }
0x1ca: {  	v2 =	vor.u32 v47, v2;
	[tilespmem:$0x3300] =	vst v1  }
0x1cb: {  	[tilespmem:$0x2A20] =	vst v2  }
0x1cc: {  	v1 =	vld.idx.msk [tilespmem:v3+s2+$0x0], $0xffff;
	_ =	sdelay $0x2  }
0x1cd: {  	s11 =	sadd.s32 $0x2A4, s0  }
0x1ce: {  	v3 =	vadd.s32 s11, v0  }
0x1cf: {  	v2 =	vshrl.u32 v1, $0x2;
	v48 =	vand.u32 $0x1FFF, v1;
	v1 =	vshrl.u32 v1, $0x8  }
0x1d0: {  	v2 =	vand.u32 $0x3FFFE000, v2;
	v1 =	vand.u32 $0x60, v1  }
0x1d1: {  	v2 =	vor.u32 v48, v2;
	[tilespmem:$0x3380] =	vst v1  }
0x1d2: {  	[tilespmem:$0x2A30] =	vst v2  }
0x1d3: {  	v1 =	vld.idx.msk [tilespmem:v3+s2+$0x0], $0xffff;
	_ =	sdelay $0x2  }
0x1d4: {  	s11 =	sadd.s32 $0x2A5, s0  }
0x1d5: {  	v3 =	vadd.s32 s11, v0  }
0x1d6: {  	v2 =	vshrl.u32 v1, $0x2;
	v49 =	vand.u32 $0x1FFF, v1;
	v1 =	vshrl.u32 v1, $0x8  }
0x1d7: {  	v2 =	vand.u32 $0x3FFFE000, v2;
	v1 =	vand.u32 $0x60, v1  }
0x1d8: {  	v2 =	vor.u32 v49, v2;
	[tilespmem:$0x3400] =	vst v1  }
0x1d9: {  	[tilespmem:$0x2A80] =	vst v2  }
0x1da: {  	v1 =	vld.idx.msk [tilespmem:v3+s2+$0x0], $0xffff;
	_ =	sdelay $0x2  }
0x1db: {  	s11 =	sadd.s32 $0x2A6, s0  }
0x1dc: {  	v3 =	vadd.s32 s11, v0  }
0x1dd: {  	v2 =	vshrl.u32 v1, $0x2;
	v50 =	vand.u32 $0x1FFF, v1;
	v1 =	vshrl.u32 v1, $0x8  }
0x1de: {  	v2 =	vand.u32 $0x3FFFE000, v2;
	v1 =	vand.u32 $0x60, v1  }
0x1df: {  	v2 =	vor.u32 v50, v2;
	[tilespmem:$0x3480] =	vst v1  }
0x1e0: {  	[tilespmem:$0x2A90] =	vst v2  }
0x1e1: {  	v1 =	vld.idx.msk [tilespmem:v3+s2+$0x0], $0xffff;
	_ =	sdelay $0x2  }
0x1e2: {  	s11 =	sadd.s32 $0x2A7, s0  }
0x1e3: {  	v3 =	vadd.s32 s11, v0  }
0x1e4: {  	v2 =	vshrl.u32 v1, $0x2;
	v51 =	vand.u32 $0x1FFF, v1;
	v1 =	vshrl.u32 v1, $0x8  }
0x1e5: {  	v2 =	vand.u32 $0x3FFFE000, v2;
	v1 =	vand.u32 $0x60, v1  }
0x1e6: {  	v2 =	vor.u32 v51, v2;
	[tilespmem:$0x3500] =	vst v1  }
0x1e7: {  	[tilespmem:$0x2AA0] =	vst v2  }
0x1e8: {  	v1 =	vld.idx.msk [tilespmem:v3+s2+$0x0], $0xffff;
	_ =	sdelay $0x2  }
0x1e9: {  	s11 =	sadd.s32 $0x2A8, s0  }
0x1ea: {  	v3 =	vadd.s32 s11, v0  }
0x1eb: {  	v2 =	vshrl.u32 v1, $0x2;
	v52 =	vand.u32 $0x1FFF, v1;
	v1 =	vshrl.u32 v1, $0x8  }
0x1ec: {  	v2 =	vand.u32 $0x3FFFE000, v2;
	v1 =	vand.u32 $0x60, v1  }
0x1ed: {  	v2 =	vor.u32 v52, v2;
	[tilespmem:$0x3580] =	vst v1  }
0x1ee: {  	[tilespmem:$0x2AB0] =	vst v2  }
0x1ef: {  	v1 =	vld.idx.msk [tilespmem:v3+s2+$0x0], $0xffff;
	_ =	sdelay $0x2  }
0x1f0: {  	s11 =	sadd.s32 $0x2A9, s0  }
0x1f1: {  	v3 =	vadd.s32 s11, v0  }
0x1f2: {  	v2 =	vshrl.u32 v1, $0x2;
	v53 =	vand.u32 $0x1FFF, v1;
	v1 =	vshrl.u32 v1, $0x8  }
0x1f3: {  	v2 =	vand.u32 $0x3FFFE000, v2;
	v1 =	vand.u32 $0x60, v1  }
0x1f4: {  	v2 =	vor.u32 v53, v2;
	[tilespmem:$0x3600] =	vst v1  }
0x1f5: {  	[tilespmem:$0x2B00] =	vst v2  }
0x1f6: {  	v1 =	vld.idx.msk [tilespmem:v3+s2+$0x0], $0xffff;
	_ =	sdelay $0x2  }
0x1f7: {  	s11 =	sadd.s32 $0x2AA, s0  }
0x1f8: {  	v3 =	vadd.s32 s11, v0  }
0x1f9: {  	v2 =	vshrl.u32 v1, $0x2;
	v54 =	vand.u32 $0x1FFF, v1;
	v1 =	vshrl.u32 v1, $0x8  }
0x1fa: {  	v2 =	vand.u32 $0x3FFFE000, v2;
	v1 =	vand.u32 $0x60, v1  }
0x1fb: {  	v2 =	vor.u32 v54, v2;
	[tilespmem:$0x3680] =	vst v1  }
0x1fc: {  	[tilespmem:$0x2B10] =	vst v2  }
0x1fd: {  	v1 =	vld.idx.msk [tilespmem:v3+s2+$0x0], $0xffff;
	_ =	sdelay $0x2  }
0x1fe: {  	s11 =	sadd.s32 $0x2AB, s0  }
0x1ff: {  	v3 =	vadd.s32 s11, v0  }
0x200: {  	v2 =	vshrl.u32 v1, $0x2;
	v55 =	vand.u32 $0x1FFF, v1;
	v1 =	vshrl.u32 v1, $0x8  }
0x201: {  	v2 =	vand.u32 $0x3FFFE000, v2;
	v1 =	vand.u32 $0x60, v1  }
0x202: {  	v2 =	vor.u32 v55, v2;
	[tilespmem:$0x3700] =	vst v1  }
0x203: {  	[tilespmem:$0x2B20] =	vst v2  }
0x204: {  	v1 =	vld.idx.msk [tilespmem:v3+s2+$0x0], $0xffff;
	_ =	sdelay $0x2  }
0x205: {  	s11 =	sadd.s32 $0x2AC, s0  }
0x206: {  	v3 =	vadd.s32 s11, v0  }
0x207: {  	v2 =	vshrl.u32 v1, $0x2;
	v56 =	vand.u32 $0x1FFF, v1;
	v1 =	vshrl.u32 v1, $0x8  }
0x208: {  	v2 =	vand.u32 $0x3FFFE000, v2;
	v1 =	vand.u32 $0x60, v1  }
0x209: {  	v2 =	vor.u32 v56, v2;
	[tilespmem:$0x3780] =	vst v1  }
0x20a: {  	[tilespmem:$0x2B30] =	vst v2  }
0x20b: {  	v1 =	vld.idx.msk [tilespmem:v3+s2+$0x0], $0xffff;
	_ =	sdelay $0x2  }
0x20c: {  	s11 =	sadd.s32 $0x2AD, s0  }
0x20d: {  	v3 =	vadd.s32 s11, v0  }
0x20e: {  	v2 =	vshrl.u32 v1, $0x2;
	v57 =	vand.u32 $0x1FFF, v1;
	v1 =	vshrl.u32 v1, $0x8  }
0x20f: {  	v2 =	vand.u32 $0x3FFFE000, v2;
	v1 =	vand.u32 $0x60, v1  }
0x210: {  	v2 =	vor.u32 v57, v2;
	[tilespmem:$0x3800] =	vst v1  }
0x211: {  	[tilespmem:$0x2B80] =	vst v2  }
0x212: {  	v1 =	vld.idx.msk [tilespmem:v3+s2+$0x0], $0xffff;
	_ =	sdelay $0x2  }
0x213: {  	s11 =	sadd.s32 $0x2AE, s0  }
0x214: {  	v3 =	vadd.s32 s11, v0  }
0x215: {  	v2 =	vshrl.u32 v1, $0x2;
	v58 =	vand.u32 $0x1FFF, v1;
	v1 =	vshrl.u32 v1, $0x8  }
0x216: {  	v2 =	vand.u32 $0x3FFFE000, v2;
	v1 =	vand.u32 $0x60, v1  }
0x217: {  	v2 =	vor.u32 v58, v2;
	[tilespmem:$0x3880] =	vst v1  }
0x218: {  	[tilespmem:$0x2B90] =	vst v2  }
0x219: {  	v1 =	vld.idx.msk [tilespmem:v3+s2+$0x0], $0xffff;
	_ =	sdelay $0x2  }
0x21a: {  	s11 =	sadd.s32 $0x2AF, s0  }
0x21b: {  	v3 =	vadd.s32 s11, v0  }
0x21c: {  	v2 =	vshrl.u32 v1, $0x2;
	v59 =	vand.u32 $0x1FFF, v1;
	v1 =	vshrl.u32 v1, $0x8  }
0x21d: {  	v2 =	vand.u32 $0x3FFFE000, v2;
	v1 =	vand.u32 $0x60, v1  }
0x21e: {  	v2 =	vor.u32 v59, v2;
	[tilespmem:$0x3900] =	vst v1  }
0x21f: {  	[tilespmem:$0x2BA0] =	vst v2  }
0x220: {  	v1 =	vld.idx.msk [tilespmem:v3+s2+$0x0], $0xffff;
	_ =	sdelay $0x2  }
0x221: {  	s11 =	sadd.s32 $0x2B0, s0  }
0x222: {  	v3 =	vadd.s32 s11, v0  }
0x223: {  	v2 =	vshrl.u32 v1, $0x2;
	v60 =	vand.u32 $0x1FFF, v1;
	v1 =	vshrl.u32 v1, $0x8  }
0x224: {  	v2 =	vand.u32 $0x3FFFE000, v2;
	v1 =	vand.u32 $0x60, v1  }
0x225: {  	v2 =	vor.u32 v60, v2;
	[tilespmem:$0x3980] =	vst v1  }
0x226: {  	[tilespmem:$0x2BB0] =	vst v2  }
0x227: {  	v1 =	vld.idx.msk [tilespmem:v3+s2+$0x0], $0xffff;
	_ =	sdelay $0x2  }
0x228: {  	s11 =	sadd.s32 $0x2B1, s0  }
0x229: {  	v3 =	vadd.s32 s11, v0  }
0x22a: {  	v2 =	vshrl.u32 v1, $0x2;
	v61 =	vand.u32 $0x1FFF, v1;
	v1 =	vshrl.u32 v1, $0x8  }
0x22b: {  	v2 =	vand.u32 $0x3FFFE000, v2;
	v1 =	vand.u32 $0x60, v1  }
0x22c: {  	v2 =	vor.u32 v61, v2;
	[tilespmem:$0x3A00] =	vst v1  }
0x22d: {  	[tilespmem:$0x2C00] =	vst v2  }
0x22e: {  	v1 =	vld.idx.msk [tilespmem:v3+s2+$0x0], $0xffff;
	_ =	sdelay $0x2  }
0x22f: {  	s11 =	sadd.s32 $0x2B2, s0  }
0x230: {  	v3 =	vadd.s32 s11, v0  }
0x231: {  	v2 =	vshrl.u32 v1, $0x2;
	v62 =	vand.u32 $0x1FFF, v1;
	v1 =	vshrl.u32 v1, $0x8  }
0x232: {  	v2 =	vand.u32 $0x3FFFE000, v2;
	v1 =	vand.u32 $0x60, v1  }
0x233: {  	v2 =	vor.u32 v62, v2;
	[tilespmem:$0x3A80] =	vst v1  }
0x234: {  	[tilespmem:$0x2C10] =	vst v2  }
0x235: {  	v1 =	vld.idx.msk [tilespmem:v3+s2+$0x0], $0xffff;
	_ =	sdelay $0x2  }
0x236: {  	s0 =	sadd.s32 $0x2B3, s0  }
0x237: {  	v3 =	vadd.s32 s0, v0  }
0x238: {  	v2 =	vshrl.u32 v1, $0x2;
	v63 =	vand.u32 $0x1FFF, v1;
	v1 =	vshrl.u32 v1, $0x8  }
0x239: {  	v2 =	vand.u32 $0x3FFFE000, v2;
	v1 =	vand.u32 $0x60, v1  }
0x23a: {  	v2 =	vor.u32 v63, v2;
	[tilespmem:$0x3B00] =	vst v1  }
0x23b: {  	[tilespmem:$0x2C20] =	vst v2  }
0x23c: {  	v1 =	vld.idx.msk [tilespmem:v3+s2+$0x0], $0xffff;
	_ =	sdelay $0x4  }
0x23d: {  	v2 =	vshrl.u32 v1, $0x2;
	v3 =	vand.u32 $0x1FFF, v1;
	v1 =	vshrl.u32 v1, $0x8  }
0x23e: {  	v2 =	vand.u32 $0x3FFFE000, v2;
	v1 =	vand.u32 $0x60, v1  }
0x23f: {  	v2 =	vor.u32 v3, v2;
	[tilespmem:$0x3B80] =	vst v1  }
0x240: {  	s9 =	simm.s32 $0x2A00;
	[tilespmem:$0x2C30] =	vst v2  }
0x241: {  	[tilespmem:s10], [sflag:$0x1] =	stream.indirect.gather [hbm4b:s3+s8], $0x80, s9, s8, $0xb8;
	[tilespmem:$0x19200] =	vst v63  }
0x242: {  	s11 =	simm.s32 $0x2A80  }
0x243: {  	[tilespmem:s12], [sflag:$0x1] =	stream.indirect.gather [hbm4b:s3+s8], $0x80, s11, s8, $0xb8;
	[tilespmem:$0x19200] =	vst v63  }
0x244: {  	_ = 	snop  }
0x245: {  	[tilespmem:s14], [sflag:$0x1] =	stream.indirect.gather [hbm4b:s3+s8], $0x80, s13, s8, $0xb8;
	[tilespmem:$0x19200] =	vst v63  }
0x246: {  	_ = 	snop  }
0x247: {  	[tilespmem:s16], [sflag:$0x1] =	stream.indirect.gather [hbm4b:s3+s8], $0x80, s15, s8, $0xb8;
	[tilespmem:$0x19200] =	vst v63  }
0x248: {  	_ = 	snop  }
0x249: {  	[tilespmem:s18], [sflag:$0x1] =	stream.indirect.gather [hbm4b:s3+s8], $0x80, s17, s8, $0xb8;
	[tilespmem:$0x19200] =	vst v63  }
.LBB2_6:
0x24a: {  	_ =	swait.ge [sflag:s1], $0xA000  }
0x24b: {  	[sflag:s1] =	ssyncset.done $0x0  }
0x24c: {  	[sflag:s1] =	ssyncadd.s32 $0xFFFF6000  }
0x24d: {  	v1 =	vld [tilespmem:$0x3E00];
	_ =	sdelay $0x1  }
0x24e: {  	v2 =	vld [tilespmem:$0x3E80];
	_ =	sdelay $0x1  }
0x24f: {  	v3 =	vld [tilespmem:$0x3F00]  }
0x250: {  	s9 =	simm.s32 $0x0;
	v40 =	vadd.s32 v15, v1  }
0x251: {  	v1 =	vld [tilespmem:$0x3F80];
	v44 =	vadd.s32 s9, v40  }
0x252: {  	v41 =	vadd.s32 v21, v2  }
0x253: {  	v2 =	vld [tilespmem:$0x4000];
	v45 =	vadd.s32 s9, v41  }
0x254: {  	v47 =	vld [tilespmem:$0x4100];
	v42 =	vadd.s32 v22, v3  }
0x255: {  	v3 =	vld [tilespmem:$0x4080];
	v46 =	vadd.s32 s9, v42  }
0x256: {  	v43 =	vadd.s32 v23, v1;
	v1 =	vld.idx.msk [tilespmem:v44+s20+$0x0], $0xffff  }
0x257: {  	v49 =	vld [tilespmem:$0x4180];
	v48 =	vadd.s32 s9, v43  }
0x258: {  	v44 =	vadd.s32 v24, v2;
	v2 =	vld.idx.msk [tilespmem:v45+s20+$0x0], $0xffff  }
0x259: {  	v51 =	vld [tilespmem:$0x4200];
	v50 =	vadd.s32 s9, v44  }
0x25a: {  	v45 =	vadd.s32 v25, v3;
	v3 =	vld.idx.msk [tilespmem:v46+s20+$0x0], $0xffff  }
0x25b: {  	v54 =	vld [tilespmem:$0x4280];
	v52 =	vadd.s32 s9, v45;
	v1 =	vadd.f32 $0.0e+00, v1  }
0x25c: {  	v46 =	vadd.s32 v26, v47;
	v53 =	vld.idx.msk [tilespmem:v48+s20+$0x0], $0xffff  }
0x25d: {  	v62 =	vld [tilespmem:$0x4400];
	v55 =	vadd.s32 s9, v46;
	v1 =	vadd.f32 v2, v1  }
0x25e: {  	v47 =	vadd.s32 v27, v49;
	v2 =	vld.idx.msk [tilespmem:v50+s20+$0x0], $0xffff  }
0x25f: {  	v56 =	vadd.s32 s9, v47;
	v50 =	vld [tilespmem:$0x4300];
	v1 =	vadd.f32 v3, v1  }
0x260: {  	v48 =	vadd.s32 v28, v51;
	v3 =	vld.idx.msk [tilespmem:v52+s20+$0x0], $0xffff  }
0x261: {  	v51 =	vld [tilespmem:$0x4380];
	v60 =	vadd.s32 s9, v48;
	v1 =	vadd.f32 v53, v1  }
0x262: {  	v49 =	vadd.s32 v29, v54;
	v61 =	vld.idx.msk [tilespmem:v55+s20+$0x0], $0xffff  }
0x263: {  	v58 =	vld [tilespmem:$0x4500];
	v63 =	vadd.s32 s9, v49;
	v1 =	vadd.f32 v2, v1  }
0x264: {  	v50 =	vadd.s32 v30, v50;
	v2 =	vld.idx.msk [tilespmem:v56+s20+$0x0], $0xffff  }
0x265: {  	v56 =	vld [tilespmem:$0x4480];
	v57 =	vadd.s32 s9, v50;
	v1 =	vadd.f32 v3, v1  }
0x266: {  	v51 =	vadd.s32 v31, v51;
	v3 =	vld.idx.msk [tilespmem:v60+s20+$0x0], $0xffff  }
0x267: {  	v59 =	vadd.s32 s9, v51;
	v1 =	vadd.f32 v61, v1  }
0x268: {  	v55 =	vld.idx.msk [tilespmem:v63+s20+$0x0], $0xffff;
	v52 =	vadd.s32 v32, v62  }
0x269: {  	v60 =	vld [tilespmem:$0x4580];
	v61 =	vadd.s32 s9, v52;
	v1 =	vadd.f32 v2, v1  }
0x26a: {  	v53 =	vadd.s32 v33, v56;
	v2 =	vld.idx.msk [tilespmem:v57+s20+$0x0], $0xffff  }
0x26b: {  	v54 =	vadd.s32 v34, v58;
	v56 =	vld [tilespmem:$0x4600];
	v57 =	vadd.s32 s9, v53;
	v1 =	vadd.f32 v3, v1  }
0x26c: {  	v3 =	vld.idx.msk [tilespmem:v59+s20+$0x0], $0xffff;
	v59 =	vadd.s32 s9, v54  }
0x26d: {  	v58 =	vld [tilespmem:$0x4680];
	v1 =	vadd.f32 v55, v1  }
0x26e: {  	v55 =	vadd.s32 v35, v60;
	v60 =	vld.idx.msk [tilespmem:v61+s20+$0x0], $0xffff  }
0x26f: {  	v61 =	vld [tilespmem:$0x4700];
	v1 =	vadd.f32 v2, v1  }
0x270: {  	v62 =	vadd.s32 s9, v55;
	v2 =	vld.idx.msk [tilespmem:v57+s20+$0x0], $0xffff  }
0x271: {  	v56 =	vadd.s32 v36, v56;
	v1 =	vadd.f32 v3, v1;
	v3 =	vld.idx.msk [tilespmem:v59+s20+$0x0], $0xffff  }
0x272: {  	v63 =	vadd.s32 s9, v56;
	v57 =	vadd.s32 v37, v58;
	v59 =	vld [tilespmem:$0x4780]  }
0x273: {  	v4 =	vadd.s32 s9, v57  }
0x274: {  	v1 =	vadd.f32 v60, v1  }
0x275: {  	v58 =	vadd.s32 v38, v61;
	v60 =	vld.idx.msk [tilespmem:v62+s20+$0x0], $0xffff  }
0x276: {  	v61 =	vadd.s32 s9, v58;
	v1 =	vadd.f32 v2, v1  }
0x277: {  	v2 =	vld.idx.msk [tilespmem:v63+s20+$0x0], $0xffff;
	v59 =	vadd.s32 v39, v59  }
0x278: {  	v1 =	vadd.f32 v3, v1;
	v3 =	vld.idx.msk [tilespmem:v4+s20+$0x0], $0xffff;
	v4 =	vadd.s32 s9, v59;
	_ =	sdelay $0x1  }
0x279: {  	v1 =	vadd.f32 v60, v1  }
0x27a: {  	v63 =	vld.idx.msk [tilespmem:v61+s20+$0x0], $0xffff  }
0x27b: {  	v1 =	vadd.f32 v2, v1  }
0x27c: {  	v60 =	vld.idx.msk [tilespmem:v4+s20+$0x0], $0xffff  }
0x27d: {  	v1 =	vadd.f32 v3, v1  }
0x27e: {  	s0 =	simm.s32 $0x1;
	v61 =	vor.u32 s9, v15  }
0x27f: {  	v62 =	vadd.s32 s0, v40;
	s9 =	simm.s32 $0x2;
	v63 =	vadd.f32 v63, v1  }
.LBB2_7:
0x280: {  	p0 =	sne.s32 s9, $0x1F  }
0x281: {  	v1 =	vadd.s32 s0, v41;
	v2 =	vadd.f32 v60, v63;
	_ =	sdelay $0x1  }
0x282: {  	v3 =	vadd.s32 s0, v42;
	[tilespmem:v61+s31+$0x0] =	vst.idx.msk $0xffff, v2  }
0x283: {  	v2 =	vld.idx.msk [tilespmem:v62+s20+$0x0], $0xffff  }
0x284: {  	v4 =	vadd.s32 s0, v43  }
0x285: {  	v1 =	vld.idx.msk [tilespmem:v1+s20+$0x0], $0xffff  }
0x286: {  	v60 =	vadd.s32 s0, v44  }
0x287: {  	v3 =	vld.idx.msk [tilespmem:v3+s20+$0x0], $0xffff  }
0x288: {  	v61 =	vadd.s32 s0, v45  }
0x289: {  	v2 =	vadd.f32 $0.0e+00, v2;
	v4 =	vld.idx.msk [tilespmem:v4+s20+$0x0], $0xffff  }
0x28a: {  	v62 =	vadd.s32 s0, v46  }
0x28b: {  	v1 =	vadd.f32 v1, v2;
	v2 =	vld.idx.msk [tilespmem:v60+s20+$0x0], $0xffff  }
0x28c: {  	v60 =	vadd.s32 s0, v47  }
0x28d: {  	v1 =	vadd.f32 v3, v1;
	v3 =	vld.idx.msk [tilespmem:v61+s20+$0x0], $0xffff  }
0x28e: {  	v61 =	vadd.s32 s0, v48  }
0x28f: {  	v1 =	vadd.f32 v4, v1;
	v4 =	vld.idx.msk [tilespmem:v62+s20+$0x0], $0xffff  }
0x290: {  	v62 =	vadd.s32 s0, v49  }
0x291: {  	v1 =	vadd.f32 v2, v1;
	v2 =	vld.idx.msk [tilespmem:v60+s20+$0x0], $0xffff  }
0x292: {  	v60 =	vadd.s32 s0, v50  }
0x293: {  	v1 =	vadd.f32 v3, v1;
	v3 =	vld.idx.msk [tilespmem:v61+s20+$0x0], $0xffff  }
0x294: {  	v61 =	vadd.s32 s0, v51  }
0x295: {  	v1 =	vadd.f32 v4, v1;
	v4 =	vld.idx.msk [tilespmem:v62+s20+$0x0], $0xffff  }
0x296: {  	v62 =	vadd.s32 s0, v52  }
0x297: {  	v1 =	vadd.f32 v2, v1;
	v2 =	vld.idx.msk [tilespmem:v60+s20+$0x0], $0xffff  }
0x298: {  	v60 =	vadd.s32 s0, v53  }
0x299: {  	v1 =	vadd.f32 v3, v1;
	v3 =	vld.idx.msk [tilespmem:v61+s20+$0x0], $0xffff  }
0x29a: {  	v61 =	vadd.s32 s0, v54  }
0x29b: {  	v1 =	vadd.f32 v4, v1;
	v4 =	vld.idx.msk [tilespmem:v62+s20+$0x0], $0xffff  }
0x29c: {  	v62 =	vadd.s32 s0, v55  }
0x29d: {  	v1 =	vadd.f32 v2, v1;
	v2 =	vld.idx.msk [tilespmem:v60+s20+$0x0], $0xffff  }
0x29e: {  	v60 =	vadd.s32 s0, v56  }
0x29f: {  	v1 =	vadd.f32 v3, v1;
	v3 =	vld.idx.msk [tilespmem:v61+s20+$0x0], $0xffff  }
0x2a0: {  	v61 =	vadd.s32 s0, v57  }
0x2a1: {  	v1 =	vadd.f32 v4, v1;
	v4 =	vld.idx.msk [tilespmem:v62+s20+$0x0], $0xffff  }
0x2a2: {  	v62 =	vadd.s32 s0, v58  }
0x2a3: {  	v1 =	vadd.f32 v2, v1;
	v2 =	vld.idx.msk [tilespmem:v60+s20+$0x0], $0xffff  }
0x2a4: {  	v60 =	vadd.s32 s0, v59  }
0x2a5: {  	v1 =	vadd.f32 v3, v1;
	v3 =	vld.idx.msk [tilespmem:v61+s20+$0x0], $0xffff;
	_ =	sdelay $0x1  }
0x2a6: {  	v1 =	vadd.f32 v4, v1;
	v4 =	vld.idx.msk [tilespmem:v62+s20+$0x0], $0xffff;
	_ =	sdelay $0x1  }
.Ltmp2:
0x2a7: {  	v1 =	vadd.f32 v2, v1;
	v60 =	vld.idx.msk [tilespmem:v60+s20+$0x0], $0xffff;
	(pc) =	sbr.rel @p0 .LBB2_7-.Ltmp2, $4  }
0x2a8: {  	_ = 	snop  }
0x2a9: {  	v1 =	vadd.f32 v3, v1  }
0x2aa: {  	v61 =	vor.u32 s0, v15;
	s0 =	smov.u32 s9  }
0x2ab: {  	s9 =	sadd.s32 $0x1, s9;
	v62 =	vadd.s32 s0, v40;
	v63 =	vadd.f32 v4, v1  }
0x2ac: {  	_ =	sdelay $0x1  }
0x2ad: {  	v1 =	vadd.s32 s0, v41;
	v2 =	vadd.f32 v60, v63;
	_ =	sdelay $0x1  }
0x2ae: {  	v3 =	vadd.s32 s0, v42;
	[tilespmem:v61+s31+$0x0] =	vst.idx.msk $0xffff, v2  }
0x2af: {  	v2 =	vld.idx.msk [tilespmem:v62+s20+$0x0], $0xffff  }
0x2b0: {  	v4 =	vadd.s32 s0, v43  }
0x2b1: {  	v1 =	vld.idx.msk [tilespmem:v1+s20+$0x0], $0xffff  }
0x2b2: {  	v40 =	vadd.s32 s0, v44  }
0x2b3: {  	v3 =	vld.idx.msk [tilespmem:v3+s20+$0x0], $0xffff  }
0x2b4: {  	v45 =	vadd.s32 s0, v45;
	v2 =	vadd.f32 $0.0e+00, v2  }
0x2b5: {  	v4 =	vld.idx.msk [tilespmem:v4+s20+$0x0], $0xffff  }
0x2b6: {  	v46 =	vadd.s32 s0, v46;
	v1 =	vadd.f32 v1, v2  }
0x2b7: {  	v2 =	vld.idx.msk [tilespmem:v40+s20+$0x0], $0xffff  }
0x2b8: {  	v47 =	vadd.s32 s0, v47;
	v1 =	vadd.f32 v3, v1  }
0x2b9: {  	v3 =	vld.idx.msk [tilespmem:v45+s20+$0x0], $0xffff  }
0x2ba: {  	v48 =	vadd.s32 s0, v48;
	v1 =	vadd.f32 v4, v1  }
0x2bb: {  	v4 =	vld.idx.msk [tilespmem:v46+s20+$0x0], $0xffff  }
0x2bc: {  	v49 =	vadd.s32 s0, v49;
	v1 =	vadd.f32 v2, v1  }
0x2bd: {  	v2 =	vld.idx.msk [tilespmem:v47+s20+$0x0], $0xffff  }
0x2be: {  	v50 =	vadd.s32 s0, v50;
	v1 =	vadd.f32 v3, v1  }
0x2bf: {  	v3 =	vld.idx.msk [tilespmem:v48+s20+$0x0], $0xffff  }
0x2c0: {  	v51 =	vadd.s32 s0, v51;
	v1 =	vadd.f32 v4, v1  }
0x2c1: {  	v4 =	vld.idx.msk [tilespmem:v49+s20+$0x0], $0xffff  }
0x2c2: {  	v52 =	vadd.s32 s0, v52;
	v1 =	vadd.f32 v2, v1  }
0x2c3: {  	v2 =	vld.idx.msk [tilespmem:v50+s20+$0x0], $0xffff  }
0x2c4: {  	v53 =	vadd.s32 s0, v53;
	v1 =	vadd.f32 v3, v1  }
0x2c5: {  	v3 =	vld.idx.msk [tilespmem:v51+s20+$0x0], $0xffff  }
0x2c6: {  	v54 =	vadd.s32 s0, v54;
	v1 =	vadd.f32 v4, v1  }
0x2c7: {  	v4 =	vld.idx.msk [tilespmem:v52+s20+$0x0], $0xffff  }
0x2c8: {  	v55 =	vadd.s32 s0, v55;
	v1 =	vadd.f32 v2, v1  }
0x2c9: {  	v2 =	vld.idx.msk [tilespmem:v53+s20+$0x0], $0xffff  }
0x2ca: {  	v60 =	vadd.s32 s0, v56;
	v1 =	vadd.f32 v3, v1  }
0x2cb: {  	v3 =	vld.idx.msk [tilespmem:v54+s20+$0x0], $0xffff  }
0x2cc: {  	v61 =	vadd.s32 s0, v57;
	v1 =	vadd.f32 v4, v1  }
0x2cd: {  	v4 =	vld.idx.msk [tilespmem:v55+s20+$0x0], $0xffff  }
0x2ce: {  	v62 =	vadd.s32 s0, v58;
	v1 =	vadd.f32 v2, v1  }
0x2cf: {  	v2 =	vld.idx.msk [tilespmem:v60+s20+$0x0], $0xffff  }
0x2d0: {  	v63 =	vadd.s32 s0, v59;
	v1 =	vadd.f32 v3, v1  }
0x2d1: {  	v3 =	vld.idx.msk [tilespmem:v61+s20+$0x0], $0xffff  }
0x2d2: {  	v1 =	vadd.f32 v4, v1  }
0x2d3: {  	v4 =	vld.idx.msk [tilespmem:v62+s20+$0x0], $0xffff  }
0x2d4: {  	v1 =	vadd.f32 v2, v1  }
0x2d5: {  	v2 =	vld.idx.msk [tilespmem:v63+s20+$0x0], $0xffff  }
0x2d6: {  	v1 =	vadd.f32 v3, v1  }
0x2d7: {  	v3 =	vor.u32 s0, v15  }
0x2d8: {  	v1 =	vadd.f32 v4, v1;
	_ =	sdelay $0x1  }
0x2d9: {  	s4 =	sadd.s32 $0x1, s4;
	v1 =	vadd.f32 v2, v1  }
0x2da: {  	s11 =	sshll.u32 s6, $0x8;
	p0 =	sne.s32 s4, $0x10  }
.Ltmp3:
0x2db: {  	s0 =	sadd.s32 s11, s5;
	[tilespmem:v3+s31+$0x0] =	vst.idx.msk $0xffff, v1;
	(pc) =	sbr.rel @p0 .LBB2_2-.Ltmp3, $4  }
0x2dc: {  	[hbm4b:s0+s2] =	stream.linear.scatter [tilespmem:s31], [sflag:$0x3], $0x800, $0x38;
	[tilespmem:$0x19200] =	vst v63  }
0x2dd: {  	_ =	swait.ge [sflag:s7], $0x800  }
0x2de: {  	[sflag:s7] =	ssyncset.done $0x0  }
0x2df: {  	[sflag:s7] =	ssyncadd.s32 $0xFFFFF800  }
0x2e0: {  	s4 =	rddreg [dreg:$0x4]  }
0x2e1: {  	s0 =	rddreg [dreg:$0x3];
	s4 =	sadd.s32 $0x1, s4  }
0x2e2: {  	p0 =	sne.s32 s4, s0  }
.Ltmp4:
0x2e3: {  	_ = 	snop;
	(pc) =	sbr.rel @p0 .LBB2_1-.Ltmp4, $1  }
0x2e4: {  	_ =	sdelay $0x3  }
0x2e5: {  	_ =	sfence.sel $0x180000  }
0x2e6: {  	[bflag:$0x0] =	sbarrier.arrive $0xFFFF  }
0x2e7: {  	_ =	strace $0x90000047  }
0x2e8: {  	s0 =	stileid.u32;
	[bflag:$0x2] =	sbarrier.arrive $0xFFFF  }
0x2e9: {  	p0 =	sne.s32 s0, $0x0;
	s0 =	rddreg [dreg:$0x1]  }
0x2ea: {  	s0 =	sadd.s32 @!p0 $0x100000, s0  }
0x2eb: {  	[sflag:s0] =	ssyncadd.tile.s32 @!p0 $0x1;
	_ =	shalt  }
.Lfunc_end2:
_tile_overlayer_lowered:
.L_overlay_start_2:
0x2ec: {  	(tag) =	ssettag $0x2  }
0x2ed: {  	s0 =	rddreg [dreg:$0x0];
	s2 =	stileid.u32  }
0x2ee: {  	s1 =	rddreg [dreg:$0x1];
	p0 =	sne.s32 s2, $0x0  }
0x2ef: {  	s3 =	rddreg [dreg:$0x2];
	[bflag:$0x3] =	sbarrier.arrive $0xFFFF;
	s2 =	simm.s32 @!p0 $0x1C03  }
0x2f0: {  	[timem:s3], [sflag:s2] =	dma.local @!p0 [hbm:s0], s1  }
0x2f1: {  	s0 =	simm.s32 @!p0 $0x3  }
0x2f2: {  	_ =	swait.ge @!p0 [sflag:s0], s1  }
0x2f3: {  	s1 =	ssub.s32 @!p0 $0x0, s1;
	[sflag:s0] =	ssyncset.done @!p0 $0x0  }
0x2f4: {  	[sflag:s0] =	ssyncadd.s32 @!p0 s1  }
0x2f5: {  	[bflag:$0x3] =	sbarrier.arrive $0xFFFF  }
0x2f6: {  	_ =	shalt  }

</sc_bundles>
